<compile_context>
chip_gen: v7x
topology: tpu7x:2x2x1
jax: 0.10.2.dev20260603
libtpu: 0.0.44.dev20260713+nightly
codegen_flags: <defaults>
</compile_context>

<pallas_src>
import functools

import jax
import jax.numpy as jnp
from jax import lax
from jax.experimental import pallas as pl
from jax.experimental.pallas import tpu as pltpu
from jax.experimental.pallas import tpu_sc as plsc

_VOCAB = 1000000
_HIDDEN = 32
_BATCH = 16384
_HIST = 50

_NC = 2
_NS = 16
_NW = _NC * _NS

_BG = _BATCH // 128
_BG_PER_W = _BG // _NW
_UNITS = _BG_PER_W * _HIST
_NBUF = 4
_NGRP = _UNITS // _NBUF


@functools.partial(
    pl.kernel,
    out_type=jax.ShapeDtypeStruct((_HIST, 4, _BG, 8, 128), jnp.float32),
    mesh=plsc.VectorSubcoreMesh(
        core_axis_name="c", subcore_axis_name="s",
        num_cores=_NC, num_subcores=_NS,
    ),
    scratch_types=[
        pltpu.VMEM((_BG_PER_W, _HIST, 128), jnp.int32),
        [pltpu.VMEM((128, _HIDDEN), jnp.float32) for _ in range(_NBUF)],
        [pltpu.VMEM((_HIDDEN, 128), jnp.float32) for _ in range(_NBUF)],
        [pltpu.SemaphoreType.DMA for _ in range(_NBUF)],
        [pltpu.SemaphoreType.DMA for _ in range(_NBUF)],
    ],
    compiler_params=pltpu.CompilerParams(
        use_tc_tiling_on_sc=False, needs_layout_passes=False
    ),
)
def _gather(table, idx3, out5, idxv, rows, tps, gs, os):
    wid = lax.axis_index("s") * _NC + lax.axis_index("c")
    pltpu.sync_copy(idx3.at[pl.ds(wid * _BG_PER_W, _BG_PER_W)], idxv)

    iota = lax.iota(jnp.int32, 16)
    bsvecs = [iota + 16 * j for j in range(8)]

    def fire(u, row, sem):
        bgl = u // _HIST
        t = u % _HIST
        pltpu.async_copy(table.at[idxv.at[bgl, t]], row, sem)

    def drain_gather(row, sem):
        pltpu.make_async_copy(table.at[pl.ds(0, 128)], row, sem).wait()

    def transpose(row, tbuf):
        def dbody(d, carry):
            dvec = jnp.full((16,), d, jnp.int32)
            for j in range(8):
                v = plsc.load_gather(row, [bsvecs[j], dvec])
                tbuf[d, pl.ds(16 * j, 16)] = v
            return carry

        lax.fori_loop(0, _HIDDEN, dbody, 0)

    def write_out(u, tbuf, sem):
        bg = wid * _BG_PER_W + u // _HIST
        t = u % _HIST
        for dg in range(4):
            pltpu.async_copy(
                tbuf.at[pl.ds(dg * 8, 8)], out5.at[t, dg, bg], sem
            )

    def drain_out(tbuf, sem):
        for dg in range(4):
            pltpu.make_async_copy(
                out5.at[0, 0, 0], tbuf.at[pl.ds(dg * 8, 8)], sem
            ).wait()

    for b in range(_NBUF):
        fire(b, rows[b], gs[b])

    def body(i, carry):
        for b in range(_NBUF):
            u = _NBUF * i + b
            drain_gather(rows[b], gs[b])

            @pl.when(i > 0)
            def _():
                drain_out(tps[b], os[b])

            transpose(rows[b], tps[b])
            write_out(u, tps[b], os[b])
            fire(u + _NBUF, rows[b], gs[b])
        return carry

    lax.fori_loop(0, _NGRP - 1, body, 0)

    for b in range(_NBUF):
        u = _NBUF * (_NGRP - 1) + b
        drain_gather(rows[b], gs[b])
        drain_out(tps[b], os[b])
        transpose(rows[b], tps[b])
        write_out(u, tps[b], os[b])
    for b in range(_NBUF):
        drain_out(tps[b], os[b])


def kernel(x, weight):
    xi = x.astype(jnp.int32)
    idx3 = xi.T.reshape(_HIST, _BG, 128).transpose(1, 0, 2)
    out5 = _gather(weight, idx3)
    return out5.transpose(2, 4, 0, 1, 3).reshape(_BATCH, _HIST, _HIDDEN)

# --- scband reference (transcript-rebuilt; emitter-appended) ---
"""Pipeline reference for scband-embedding-33097017983518 (READ-ONLY COPY).

The authoritative reference and input builder live on the scoring server;
editing this copy changes nothing except your own understanding.
"""

import jax, jax.numpy as jnp
import numpy as np

VOCAB = 1000000
HIDDEN = 32
BATCH = 16384
HIST = 50

def setup_inputs(seed: int = 0) -> dict:
    key = jax.random.key(seed)
    k_idx, k_w = jax.random.split(key)
    x = jax.random.randint(k_idx, (BATCH, HIST), 0, VOCAB, dtype=jnp.int64 if jax.config.jax_enable_x64 else jnp.int32)
    weight = jax.random.normal(k_w, (VOCAB, HIDDEN), dtype=jnp.float32)
    return {"x": x, "weight": weight}

def reference(x, weight):
    # Faithful translation of Embedding.__call__: self.weight[x]
    return weight[x]

if __name__ == "__main__":
    import jax
    _d = setup_inputs()
    print(jax.jit(kernel)(*tuple(_d.values())))

</pallas_src>

<mosaic_0001>
#map = affine_map<(d0, d1) -> (0, 0)>
#map1 = affine_map<(d0, d1) -> (0, 0, 0)>
#map2 = affine_map<(d0, d1) -> (0, 0, 0, 0, 0)>
module attributes {stable_mosaic.version = 14 : i64} {
  func.func @_gather(%arg0: i32, %arg1: i32, %arg2: memref<1000000x32xf32, #tpu.memory_space<hbm>>, %arg3: memref<128x50x128xi32, #tpu.memory_space<hbm>>, %arg4: memref<50x4x128x8x128xf32, #tpu.memory_space<hbm>>, %arg5: memref<4x50x128xi32, #tpu.memory_space<vmem>>, %arg6: memref<128x32xf32, #tpu.memory_space<vmem>>, %arg7: memref<128x32xf32, #tpu.memory_space<vmem>>, %arg8: memref<128x32xf32, #tpu.memory_space<vmem>>, %arg9: memref<128x32xf32, #tpu.memory_space<vmem>>, %arg10: memref<32x128xf32, #tpu.memory_space<vmem>>, %arg11: memref<32x128xf32, #tpu.memory_space<vmem>>, %arg12: memref<32x128xf32, #tpu.memory_space<vmem>>, %arg13: memref<32x128xf32, #tpu.memory_space<vmem>>, %arg14: memref<!tpu.dma_semaphore, #tpu.memory_space<semaphore_mem>>, %arg15: memref<!tpu.dma_semaphore, #tpu.memory_space<semaphore_mem>>, %arg16: memref<!tpu.dma_semaphore, #tpu.memory_space<semaphore_mem>>, %arg17: memref<!tpu.dma_semaphore, #tpu.memory_space<semaphore_mem>>, %arg18: memref<!tpu.dma_semaphore, #tpu.memory_space<semaphore_mem>>, %arg19: memref<!tpu.dma_semaphore, #tpu.memory_space<semaphore_mem>>, %arg20: memref<!tpu.dma_semaphore, #tpu.memory_space<semaphore_mem>>, %arg21: memref<!tpu.dma_semaphore, #tpu.memory_space<semaphore_mem>>) attributes {dimension_semantics = [#tpu.dimension_semantics<core_parallel>, #tpu.dimension_semantics<subcore_parallel>], iteration_bounds = array<i64: 2, 16>, scalar_prefetch = 0 : i64, scratch_operands = 17 : i64, tpu.core_type = #tpu.core_type<sc_vector_subcore>, window_params = [{transform_indices = #map}, {transform_indices = #map1}, {transform_indices = #map2}]} {
    %mul3A = arith.constant 2 : i32
    %mul3A_0 = arith.muli %arg1, %mul3A : i32
    %add3A = arith.addi %mul3A_0, %arg0 : i32
    %mul3A_1 = arith.constant 4 : i32
    %mul3A_2 = arith.muli %add3A, %mul3A_1 : i32
    "tpu.region"() ({
      %run_scoped3A = tpu.sem_alloc : memref<!tpu.dma_semaphore, #tpu.memory_space<semaphore_mem>>
      %dma_start3A_926 = arith.constant 0 : i32
      %dma_start3A_927 = arith.constant 0 : i32
      %dma_start3A_928 = tpu.memref_slice %arg3[%mul3A_2, %dma_start3A_926, %dma_start3A_927] : memref<128x50x128xi32, #tpu.memory_space<hbm>> -> memref<4x50x128xi32, #tpu.memory_space<hbm>>
      %dma_start3A_929 = arith.constant 0 : i32
      %dma_start3A_930 = arith.constant 0 : i32
      %dma_start3A_931 = tpu.memref_slice %arg3[%mul3A_2, %dma_start3A_929, %dma_start3A_930] : memref<128x50x128xi32, #tpu.memory_space<hbm>> -> memref<4x50x128xi32, #tpu.memory_space<hbm>>
      tpu.enqueue_dma source(%dma_start3A_931 : memref<4x50x128xi32, #tpu.memory_space<hbm>>) target(%arg5 : memref<4x50x128xi32, #tpu.memory_space<vmem>>) target_semaphore(%run_scoped3A : memref<!tpu.dma_semaphore, #tpu.memory_space<semaphore_mem>>)
      %dma_wait3A_932 = arith.constant 0 : i32
      %dma_wait3A_933 = arith.constant 0 : i32
      %dma_wait3A_934 = tpu.memref_slice %arg3[%mul3A_2, %dma_wait3A_932, %dma_wait3A_933] : memref<128x50x128xi32, #tpu.memory_space<hbm>> -> memref<4x50x128xi32, #tpu.memory_space<hbm>>
      %dma_wait3A_935 = arith.constant 0 : i32
      %dma_wait3A_936 = arith.constant 0 : i32
      %dma_wait3A_937 = tpu.memref_slice %arg3[%mul3A_2, %dma_wait3A_935, %dma_wait3A_936] : memref<128x50x128xi32, #tpu.memory_space<hbm>> -> memref<4x50x128xi32, #tpu.memory_space<hbm>>
      tpu.wait_dma2 semaphore(%run_scoped3A : memref<!tpu.dma_semaphore, #tpu.memory_space<semaphore_mem>>) src(%dma_wait3A_937 : memref<4x50x128xi32, #tpu.memory_space<hbm>>) dst(%arg5 : memref<4x50x128xi32, #tpu.memory_space<vmem>>)
      tpu.yield
    }) : () -> ()
    %iota3A = tpu.iota {dimensions = array<i32: 0>} : vector<16xi32>
    %add3A_3 = arith.constant 0 : i32
    %add3A_4 = vector.broadcast %add3A_3 : i32 to vector<16xi32>
    %add3A_5 = arith.addi %iota3A, %add3A_4 : vector<16xi32>
    %add3A_6 = arith.constant 16 : i32
    %add3A_7 = vector.broadcast %add3A_6 : i32 to vector<16xi32>
    %add3A_8 = arith.addi %iota3A, %add3A_7 : vector<16xi32>
    %add3A_9 = arith.constant 32 : i32
    %add3A_10 = vector.broadcast %add3A_9 : i32 to vector<16xi32>
    %add3A_11 = arith.addi %iota3A, %add3A_10 : vector<16xi32>
    %add3A_12 = arith.constant 48 : i32
    %add3A_13 = vector.broadcast %add3A_12 : i32 to vector<16xi32>
    %add3A_14 = arith.addi %iota3A, %add3A_13 : vector<16xi32>
    %add3A_15 = arith.constant 64 : i32
    %add3A_16 = vector.broadcast %add3A_15 : i32 to vector<16xi32>
    %add3A_17 = arith.addi %iota3A, %add3A_16 : vector<16xi32>
    %add3A_18 = arith.constant 80 : i32
    %add3A_19 = vector.broadcast %add3A_18 : i32 to vector<16xi32>
    %add3A_20 = arith.addi %iota3A, %add3A_19 : vector<16xi32>
    %add3A_21 = arith.constant 96 : i32
    %add3A_22 = vector.broadcast %add3A_21 : i32 to vector<16xi32>
    %add3A_23 = arith.addi %iota3A, %add3A_22 : vector<16xi32>
    %add3A_24 = arith.constant 112 : i32
    %add3A_25 = vector.broadcast %add3A_24 : i32 to vector<16xi32>
    %add3A_26 = arith.addi %iota3A, %add3A_25 : vector<16xi32>
    %dma_start3A = arith.constant 0 : i32
    %dma_start3A_27 = arith.constant 0 : i32
    %dma_start3A_28 = arith.constant 0 : i32
    %dma_start3A_29 = tpu.memref_slice %arg5[%dma_start3A, %dma_start3A_27, %dma_start3A_28] : memref<4x50x128xi32, #tpu.memory_space<vmem>> -> memref<1x1x128xi32, #tpu.memory_space<vmem>>
    %dma_start3A_30 = tpu.memref_squeeze %dma_start3A_29 : memref<1x1x128xi32, #tpu.memory_space<vmem>> -> memref<128xi32, #tpu.memory_space<vmem>>
    %dma_start3A_31 = arith.constant 0 : i32
    %dma_start3A_32 = arith.constant 0 : i32
    %dma_start3A_33 = tpu.memref_slice %arg2[%dma_start3A_31, %dma_start3A_32] : memref<1000000x32xf32, #tpu.memory_space<hbm>> -> memref<1000000x32xf32, #tpu.memory_space<hbm>>
    tpu.enqueue_indirect_dma source(%dma_start3A_33 : memref<1000000x32xf32, #tpu.memory_space<hbm>>) target(%arg6 : memref<128x32xf32, #tpu.memory_space<vmem>>) offsets(%dma_start3A_30 : memref<128xi32, #tpu.memory_space<vmem>>) semaphore(%arg14 : memref<!tpu.dma_semaphore, #tpu.memory_space<semaphore_mem>>)
    %dma_start3A_34 = arith.constant 0 : i32
    %dma_start3A_35 = arith.constant 1 : i32
    %dma_start3A_36 = arith.constant 0 : i32
    %dma_start3A_37 = tpu.memref_slice %arg5[%dma_start3A_34, %dma_start3A_35, %dma_start3A_36] : memref<4x50x128xi32, #tpu.memory_space<vmem>> -> memref<1x1x128xi32, #tpu.memory_space<vmem>>
    %dma_start3A_38 = tpu.memref_squeeze %dma_start3A_37 : memref<1x1x128xi32, #tpu.memory_space<vmem>> -> memref<128xi32, #tpu.memory_space<vmem>>
    %dma_start3A_39 = arith.constant 0 : i32
    %dma_start3A_40 = arith.constant 0 : i32
    %dma_start3A_41 = tpu.memref_slice %arg2[%dma_start3A_39, %dma_start3A_40] : memref<1000000x32xf32, #tpu.memory_space<hbm>> -> memref<1000000x32xf32, #tpu.memory_space<hbm>>
    tpu.enqueue_indirect_dma source(%dma_start3A_41 : memref<1000000x32xf32, #tpu.memory_space<hbm>>) target(%arg7 : memref<128x32xf32, #tpu.memory_space<vmem>>) offsets(%dma_start3A_38 : memref<128xi32, #tpu.memory_space<vmem>>) semaphore(%arg15 : memref<!tpu.dma_semaphore, #tpu.memory_space<semaphore_mem>>)
    %dma_start3A_42 = arith.constant 0 : i32
    %dma_start3A_43 = arith.constant 2 : i32
    %dma_start3A_44 = arith.constant 0 : i32
    %dma_start3A_45 = tpu.memref_slice %arg5[%dma_start3A_42, %dma_start3A_43, %dma_start3A_44] : memref<4x50x128xi32, #tpu.memory_space<vmem>> -> memref<1x1x128xi32, #tpu.memory_space<vmem>>
    %dma_start3A_46 = tpu.memref_squeeze %dma_start3A_45 : memref<1x1x128xi32, #tpu.memory_space<vmem>> -> memref<128xi32, #tpu.memory_space<vmem>>
    %dma_start3A_47 = arith.constant 0 : i32
    %dma_start3A_48 = arith.constant 0 : i32
    %dma_start3A_49 = tpu.memref_slice %arg2[%dma_start3A_47, %dma_start3A_48] : memref<1000000x32xf32, #tpu.memory_space<hbm>> -> memref<1000000x32xf32, #tpu.memory_space<hbm>>
    tpu.enqueue_indirect_dma source(%dma_start3A_49 : memref<1000000x32xf32, #tpu.memory_space<hbm>>) target(%arg8 : memref<128x32xf32, #tpu.memory_space<vmem>>) offsets(%dma_start3A_46 : memref<128xi32, #tpu.memory_space<vmem>>) semaphore(%arg16 : memref<!tpu.dma_semaphore, #tpu.memory_space<semaphore_mem>>)
    %dma_start3A_50 = arith.constant 0 : i32
    %dma_start3A_51 = arith.constant 3 : i32
    %dma_start3A_52 = arith.constant 0 : i32
    %dma_start3A_53 = tpu.memref_slice %arg5[%dma_start3A_50, %dma_start3A_51, %dma_start3A_52] : memref<4x50x128xi32, #tpu.memory_space<vmem>> -> memref<1x1x128xi32, #tpu.memory_space<vmem>>
    %dma_start3A_54 = tpu.memref_squeeze %dma_start3A_53 : memref<1x1x128xi32, #tpu.memory_space<vmem>> -> memref<128xi32, #tpu.memory_space<vmem>>
    %dma_start3A_55 = arith.constant 0 : i32
    %dma_start3A_56 = arith.constant 0 : i32
    %dma_start3A_57 = tpu.memref_slice %arg2[%dma_start3A_55, %dma_start3A_56] : memref<1000000x32xf32, #tpu.memory_space<hbm>> -> memref<1000000x32xf32, #tpu.memory_space<hbm>>
    tpu.enqueue_indirect_dma source(%dma_start3A_57 : memref<1000000x32xf32, #tpu.memory_space<hbm>>) target(%arg9 : memref<128x32xf32, #tpu.memory_space<vmem>>) offsets(%dma_start3A_54 : memref<128xi32, #tpu.memory_space<vmem>>) semaphore(%arg17 : memref<!tpu.dma_semaphore, #tpu.memory_space<semaphore_mem>>)
    %scan3A = arith.constant 0 : i32
    %scan3A_58 = arith.constant 0 : i32
    %scan3A_59 = arith.constant 49 : i32
    %scan3A_60 = arith.addi %scan3A_58, %scan3A_59 : i32
    %scan3A_61 = arith.constant 1 : i32
    scf.for %scan3A_926 = %scan3A_58 to %scan3A_60 step %scan3A_61  : i32 {
      %mul3A_927 = arith.constant 4 : i32
      %mul3A_928 = arith.muli %mul3A_927, %scan3A_926 : i32
      %add3A_929 = arith.constant 0 : i32
      %add3A_930 = arith.addi %mul3A_928, %add3A_929 : i32
      %dma_wait3A_931 = arith.constant 0 : i32
      %dma_wait3A_932 = arith.constant 0 : i32
      %dma_wait3A_933 = tpu.memref_slice %arg2[%dma_wait3A_931, %dma_wait3A_932] : memref<1000000x32xf32, #tpu.memory_space<hbm>> -> memref<128x32xf32, #tpu.memory_space<hbm>>
      %dma_wait3A_934 = arith.constant 0 : i32
      %dma_wait3A_935 = arith.constant 0 : i32
      %dma_wait3A_936 = tpu.memref_slice %arg2[%dma_wait3A_934, %dma_wait3A_935] : memref<1000000x32xf32, #tpu.memory_space<hbm>> -> memref<128x32xf32, #tpu.memory_space<hbm>>
      tpu.wait_dma2 semaphore(%arg14 : memref<!tpu.dma_semaphore, #tpu.memory_space<semaphore_mem>>) src(%dma_wait3A_936 : memref<128x32xf32, #tpu.memory_space<hbm>>) dst(%arg6 : memref<128x32xf32, #tpu.memory_space<vmem>>)
      %gt3A = arith.constant 0 : i32
      %gt3A_937 = arith.cmpi sgt, %scan3A_926, %gt3A : i32
      %convert_element_type3A = arith.extui %gt3A_937 : i1 to i32
      %cond3A = arith.constant 0 : i32
      %cond3A_938 = arith.cmpi ne, %convert_element_type3A, %cond3A : i32
      scf.if %cond3A_938 {
        %dma_wait3A_1602 = arith.constant 0 : i32
        %dma_wait3A_1603 = arith.constant 0 : i32
        %dma_wait3A_1604 = arith.constant 0 : i32
        %dma_wait3A_1605 = arith.constant 0 : i32
        %dma_wait3A_1606 = arith.constant 0 : i32
        %dma_wait3A_1607 = tpu.memref_slice %arg10[%dma_wait3A_1605, %dma_wait3A_1606] : memref<32x128xf32, #tpu.memory_space<vmem>> -> memref<8x128xf32, #tpu.memory_space<vmem>>
        %dma_wait3A_1608 = arith.constant 0 : i32
        %dma_wait3A_1609 = arith.constant 0 : i32
        %dma_wait3A_1610 = tpu.memref_slice %arg4[%dma_wait3A_1602, %dma_wait3A_1603, %dma_wait3A_1604, %dma_wait3A_1608, %dma_wait3A_1609] : memref<50x4x128x8x128xf32, #tpu.memory_space<hbm>> -> memref<1x1x1x8x128xf32, #tpu.memory_space<hbm>>
        %dma_wait3A_1611 = tpu.memref_squeeze %dma_wait3A_1610 : memref<1x1x1x8x128xf32, #tpu.memory_space<hbm>> -> memref<8x128xf32, #tpu.memory_space<hbm>>
        %dma_wait3A_1612 = arith.constant 0 : i32
        %dma_wait3A_1613 = arith.constant 0 : i32
        %dma_wait3A_1614 = tpu.memref_slice %arg10[%dma_wait3A_1612, %dma_wait3A_1613] : memref<32x128xf32, #tpu.memory_space<vmem>> -> memref<8x128xf32, #tpu.memory_space<vmem>>
        %dma_wait3A_1615 = arith.constant 0 : i32
        %dma_wait3A_1616 = arith.constant 0 : i32
        %dma_wait3A_1617 = tpu.memref_slice %arg4[%dma_wait3A_1602, %dma_wait3A_1603, %dma_wait3A_1604, %dma_wait3A_1615, %dma_wait3A_1616] : memref<50x4x128x8x128xf32, #tpu.memory_space<hbm>> -> memref<1x1x1x8x128xf32, #tpu.memory_space<hbm>>
        %dma_wait3A_1618 = tpu.memref_squeeze %dma_wait3A_1617 : memref<1x1x1x8x128xf32, #tpu.memory_space<hbm>> -> memref<8x128xf32, #tpu.memory_space<hbm>>
        tpu.wait_dma2 semaphore(%arg18 : memref<!tpu.dma_semaphore, #tpu.memory_space<semaphore_mem>>) src(%dma_wait3A_1618 : memref<8x128xf32, #tpu.memory_space<hbm>>) dst(%dma_wait3A_1614 : memref<8x128xf32, #tpu.memory_space<vmem>>)
        %dma_wait3A_1619 = arith.constant 0 : i32
        %dma_wait3A_1620 = arith.constant 0 : i32
        %dma_wait3A_1621 = arith.constant 0 : i32
        %dma_wait3A_1622 = arith.constant 8 : i32
        %dma_wait3A_1623 = arith.constant 0 : i32
        %dma_wait3A_1624 = tpu.memref_slice %arg10[%dma_wait3A_1622, %dma_wait3A_1623] : memref<32x128xf32, #tpu.memory_space<vmem>> -> memref<8x128xf32, #tpu.memory_space<vmem>>
        %dma_wait3A_1625 = arith.constant 0 : i32
        %dma_wait3A_1626 = arith.constant 0 : i32
        %dma_wait3A_1627 = tpu.memref_slice %arg4[%dma_wait3A_1619, %dma_wait3A_1620, %dma_wait3A_1621, %dma_wait3A_1625, %dma_wait3A_1626] : memref<50x4x128x8x128xf32, #tpu.memory_space<hbm>> -> memref<1x1x1x8x128xf32, #tpu.memory_space<hbm>>
        %dma_wait3A_1628 = tpu.memref_squeeze %dma_wait3A_1627 : memref<1x1x1x8x128xf32, #tpu.memory_space<hbm>> -> memref<8x128xf32, #tpu.memory_space<hbm>>
        %dma_wait3A_1629 = arith.constant 8 : i32
        %dma_wait3A_1630 = arith.constant 0 : i32
        %dma_wait3A_1631 = tpu.memref_slice %arg10[%dma_wait3A_1629, %dma_wait3A_1630] : memref<32x128xf32, #tpu.memory_space<vmem>> -> memref<8x128xf32, #tpu.memory_space<vmem>>
        %dma_wait3A_1632 = arith.constant 0 : i32
        %dma_wait3A_1633 = arith.constant 0 : i32
        %dma_wait3A_1634 = tpu.memref_slice %arg4[%dma_wait3A_1619, %dma_wait3A_1620, %dma_wait3A_1621, %dma_wait3A_1632, %dma_wait3A_1633] : memref<50x4x128x8x128xf32, #tpu.memory_space<hbm>> -> memref<1x1x1x8x128xf32, #tpu.memory_space<hbm>>
        %dma_wait3A_1635 = tpu.memref_squeeze %dma_wait3A_1634 : memref<1x1x1x8x128xf32, #tpu.memory_space<hbm>> -> memref<8x128xf32, #tpu.memory_space<hbm>>
        tpu.wait_dma2 semaphore(%arg18 : memref<!tpu.dma_semaphore, #tpu.memory_space<semaphore_mem>>) src(%dma_wait3A_1635 : memref<8x128xf32, #tpu.memory_space<hbm>>) dst(%dma_wait3A_1631 : memref<8x128xf32, #tpu.memory_space<vmem>>)
        %dma_wait3A_1636 = arith.constant 0 : i32
        %dma_wait3A_1637 = arith.constant 0 : i32
        %dma_wait3A_1638 = arith.constant 0 : i32
        %dma_wait3A_1639 = arith.constant 16 : i32
        %dma_wait3A_1640 = arith.constant 0 : i32
        %dma_wait3A_1641 = tpu.memref_slice %arg10[%dma_wait3A_1639, %dma_wait3A_1640] : memref<32x128xf32, #tpu.memory_space<vmem>> -> memref<8x128xf32, #tpu.memory_space<vmem>>
        %dma_wait3A_1642 = arith.constant 0 : i32
        %dma_wait3A_1643 = arith.constant 0 : i32
        %dma_wait3A_1644 = tpu.memref_slice %arg4[%dma_wait3A_1636, %dma_wait3A_1637, %dma_wait3A_1638, %dma_wait3A_1642, %dma_wait3A_1643] : memref<50x4x128x8x128xf32, #tpu.memory_space<hbm>> -> memref<1x1x1x8x128xf32, #tpu.memory_space<hbm>>
        %dma_wait3A_1645 = tpu.memref_squeeze %dma_wait3A_1644 : memref<1x1x1x8x128xf32, #tpu.memory_space<hbm>> -> memref<8x128xf32, #tpu.memory_space<hbm>>
        %dma_wait3A_1646 = arith.constant 16 : i32
        %dma_wait3A_1647 = arith.constant 0 : i32
        %dma_wait3A_1648 = tpu.memref_slice %arg10[%dma_wait3A_1646, %dma_wait3A_1647] : memref<32x128xf32, #tpu.memory_space<vmem>> -> memref<8x128xf32, #tpu.memory_space<vmem>>
        %dma_wait3A_1649 = arith.constant 0 : i32
        %dma_wait3A_1650 = arith.constant 0 : i32
        %dma_wait3A_1651 = tpu.memref_slice %arg4[%dma_wait3A_1636, %dma_wait3A_1637, %dma_wait3A_1638, %dma_wait3A_1649, %dma_wait3A_1650] : memref<50x4x128x8x128xf32, #tpu.memory_space<hbm>> -> memref<1x1x1x8x128xf32, #tpu.memory_space<hbm>>
        %dma_wait3A_1652 = tpu.memref_squeeze %dma_wait3A_1651 : memref<1x1x1x8x128xf32, #tpu.memory_space<hbm>> -> memref<8x128xf32, #tpu.memory_space<hbm>>
        tpu.wait_dma2 semaphore(%arg18 : memref<!tpu.dma_semaphore, #tpu.memory_space<semaphore_mem>>) src(%dma_wait3A_1652 : memref<8x128xf32, #tpu.memory_space<hbm>>) dst(%dma_wait3A_1648 : memref<8x128xf32, #tpu.memory_space<vmem>>)
        %dma_wait3A_1653 = arith.constant 0 : i32
        %dma_wait3A_1654 = arith.constant 0 : i32
        %dma_wait3A_1655 = arith.constant 0 : i32
        %dma_wait3A_1656 = arith.constant 24 : i32
        %dma_wait3A_1657 = arith.constant 0 : i32
        %dma_wait3A_1658 = tpu.memref_slice %arg10[%dma_wait3A_1656, %dma_wait3A_1657] : memref<32x128xf32, #tpu.memory_space<vmem>> -> memref<8x128xf32, #tpu.memory_space<vmem>>
        %dma_wait3A_1659 = arith.constant 0 : i32
        %dma_wait3A_1660 = arith.constant 0 : i32
        %dma_wait3A_1661 = tpu.memref_slice %arg4[%dma_wait3A_1653, %dma_wait3A_1654, %dma_wait3A_1655, %dma_wait3A_1659, %dma_wait3A_1660] : memref<50x4x128x8x128xf32, #tpu.memory_space<hbm>> -> memref<1x1x1x8x128xf32, #tpu.memory_space<hbm>>
        %dma_wait3A_1662 = tpu.memref_squeeze %dma_wait3A_1661 : memref<1x1x1x8x128xf32, #tpu.memory_space<hbm>> -> memref<8x128xf32, #tpu.memory_space<hbm>>
        %dma_wait3A_1663 = arith.constant 24 : i32
        %dma_wait3A_1664 = arith.constant 0 : i32
        %dma_wait3A_1665 = tpu.memref_slice %arg10[%dma_wait3A_1663, %dma_wait3A_1664] : memref<32x128xf32, #tpu.memory_space<vmem>> -> memref<8x128xf32, #tpu.memory_space<vmem>>
        %dma_wait3A_1666 = arith.constant 0 : i32
        %dma_wait3A_1667 = arith.constant 0 : i32
        %dma_wait3A_1668 = tpu.memref_slice %arg4[%dma_wait3A_1653, %dma_wait3A_1654, %dma_wait3A_1655, %dma_wait3A_1666, %dma_wait3A_1667] : memref<50x4x128x8x128xf32, #tpu.memory_space<hbm>> -> memref<1x1x1x8x128xf32, #tpu.memory_space<hbm>>
        %dma_wait3A_1669 = tpu.memref_squeeze %dma_wait3A_1668 : memref<1x1x1x8x128xf32, #tpu.memory_space<hbm>> -> memref<8x128xf32, #tpu.memory_space<hbm>>
        tpu.wait_dma2 semaphore(%arg18 : memref<!tpu.dma_semaphore, #tpu.memory_space<semaphore_mem>>) src(%dma_wait3A_1669 : memref<8x128xf32, #tpu.memory_space<hbm>>) dst(%dma_wait3A_1665 : memref<8x128xf32, #tpu.memory_space<vmem>>)
      } else {
      }
      %scan3A_939 = arith.constant 0 : i32
      %scan3A_940 = arith.constant 0 : i32
      %scan3A_941 = arith.constant 32 : i32
      %scan3A_942 = arith.addi %scan3A_940, %scan3A_941 : i32
      %scan3A_943 = arith.constant 1 : i32
      scf.for %scan3A_1602 = %scan3A_940 to %scan3A_942 step %scan3A_943  : i32 {
        %broadcast_in_dim3A = vector.broadcast %scan3A_1602 : i32 to vector<16xi32>
        %gather3A = tpu.vector_load_idx %arg6[%add3A_5, %broadcast_in_dim3A] : memref<128x32xf32, #tpu.memory_space<vmem>>[vector<16xi32>, vector<16xi32>], vector<16xf32>,
        %swap3A = arith.index_cast %scan3A_1602 : i32 to index
        %swap3A_1603 = arith.constant 0 : index
        %swap3A_1604 = tpu.vector_load %arg10[%swap3A, %swap3A_1603] {strides = array<i32>} : memref<32x128xf32, #tpu.memory_space<vmem>>, vector<16xf32>,
        tpu.vector_store %arg10[%swap3A, %swap3A_1603], %gather3A {strides = array<i32>} : memref<32x128xf32, #tpu.memory_space<vmem>>, vector<16xf32>,
        %gather3A_1605 = tpu.vector_load_idx %arg6[%add3A_8, %broadcast_in_dim3A] : memref<128x32xf32, #tpu.memory_space<vmem>>[vector<16xi32>, vector<16xi32>], vector<16xf32>,
        %swap3A_1606 = arith.index_cast %scan3A_1602 : i32 to index
        %swap3A_1607 = arith.constant 16 : index
        %swap3A_1608 = tpu.vector_load %arg10[%swap3A_1606, %swap3A_1607] {strides = array<i32>} : memref<32x128xf32, #tpu.memory_space<vmem>>, vector<16xf32>,
        tpu.vector_store %arg10[%swap3A_1606, %swap3A_1607], %gather3A_1605 {strides = array<i32>} : memref<32x128xf32, #tpu.memory_space<vmem>>, vector<16xf32>,
        %gather3A_1609 = tpu.vector_load_idx %arg6[%add3A_11, %broadcast_in_dim3A] : memref<128x32xf32, #tpu.memory_space<vmem>>[vector<16xi32>, vector<16xi32>], vector<16xf32>,
        %swap3A_1610 = arith.index_cast %scan3A_1602 : i32 to index
        %swap3A_1611 = arith.constant 32 : index
        %swap3A_1612 = tpu.vector_load %arg10[%swap3A_1610, %swap3A_1611] {strides = array<i32>} : memref<32x128xf32, #tpu.memory_space<vmem>>, vector<16xf32>,
        tpu.vector_store %arg10[%swap3A_1610, %swap3A_1611], %gather3A_1609 {strides = array<i32>} : memref<32x128xf32, #tpu.memory_space<vmem>>, vector<16xf32>,
        %gather3A_1613 = tpu.vector_load_idx %arg6[%add3A_14, %broadcast_in_dim3A] : memref<128x32xf32, #tpu.memory_space<vmem>>[vector<16xi32>, vector<16xi32>], vector<16xf32>,
        %swap3A_1614 = arith.index_cast %scan3A_1602 : i32 to index
        %swap3A_1615 = arith.constant 48 : index
        %swap3A_1616 = tpu.vector_load %arg10[%swap3A_1614, %swap3A_1615] {strides = array<i32>} : memref<32x128xf32, #tpu.memory_space<vmem>>, vector<16xf32>,
        tpu.vector_store %arg10[%swap3A_1614, %swap3A_1615], %gather3A_1613 {strides = array<i32>} : memref<32x128xf32, #tpu.memory_space<vmem>>, vector<16xf32>,
        %gather3A_1617 = tpu.vector_load_idx %arg6[%add3A_17, %broadcast_in_dim3A] : memref<128x32xf32, #tpu.memory_space<vmem>>[vector<16xi32>, vector<16xi32>], vector<16xf32>,
        %swap3A_1618 = arith.index_cast %scan3A_1602 : i32 to index
        %swap3A_1619 = arith.constant 64 : index
        %swap3A_1620 = tpu.vector_load %arg10[%swap3A_1618, %swap3A_1619] {strides = array<i32>} : memref<32x128xf32, #tpu.memory_space<vmem>>, vector<16xf32>,
        tpu.vector_store %arg10[%swap3A_1618, %swap3A_1619], %gather3A_1617 {strides = array<i32>} : memref<32x128xf32, #tpu.memory_space<vmem>>, vector<16xf32>,
        %gather3A_1621 = tpu.vector_load_idx %arg6[%add3A_20, %broadcast_in_dim3A] : memref<128x32xf32, #tpu.memory_space<vmem>>[vector<16xi32>, vector<16xi32>], vector<16xf32>,
        %swap3A_1622 = arith.index_cast %scan3A_1602 : i32 to index
        %swap3A_1623 = arith.constant 80 : index
        %swap3A_1624 = tpu.vector_load %arg10[%swap3A_1622, %swap3A_1623] {strides = array<i32>} : memref<32x128xf32, #tpu.memory_space<vmem>>, vector<16xf32>,
        tpu.vector_store %arg10[%swap3A_1622, %swap3A_1623], %gather3A_1621 {strides = array<i32>} : memref<32x128xf32, #tpu.memory_space<vmem>>, vector<16xf32>,
        %gather3A_1625 = tpu.vector_load_idx %arg6[%add3A_23, %broadcast_in_dim3A] : memref<128x32xf32, #tpu.memory_space<vmem>>[vector<16xi32>, vector<16xi32>], vector<16xf32>,
        %swap3A_1626 = arith.index_cast %scan3A_1602 : i32 to index
        %swap3A_1627 = arith.constant 96 : index
        %swap3A_1628 = tpu.vector_load %arg10[%swap3A_1626, %swap3A_1627] {strides = array<i32>} : memref<32x128xf32, #tpu.memory_space<vmem>>, vector<16xf32>,
        tpu.vector_store %arg10[%swap3A_1626, %swap3A_1627], %gather3A_1625 {strides = array<i32>} : memref<32x128xf32, #tpu.memory_space<vmem>>, vector<16xf32>,
        %gather3A_1629 = tpu.vector_load_idx %arg6[%add3A_26, %broadcast_in_dim3A] : memref<128x32xf32, #tpu.memory_space<vmem>>[vector<16xi32>, vector<16xi32>], vector<16xf32>,
        %swap3A_1630 = arith.index_cast %scan3A_1602 : i32 to index
        %swap3A_1631 = arith.constant 112 : index
        %swap3A_1632 = tpu.vector_load %arg10[%swap3A_1630, %swap3A_1631] {strides = array<i32>} : memref<32x128xf32, #tpu.memory_space<vmem>>, vector<16xf32>,
        tpu.vector_store %arg10[%swap3A_1630, %swap3A_1631], %gather3A_1629 {strides = array<i32>} : memref<32x128xf32, #tpu.memory_space<vmem>>, vector<16xf32>,
      }
      %scan3A_944 = arith.constant 32 : i32
      %mul3A_945 = arith.constant 4 : i32
      %mul3A_946 = arith.muli %add3A, %mul3A_945 : i32
      %jit3A = arith.constant 50 : i32
      %div3A = arith.divsi %add3A_930, %jit3A : i32
      %sign3A = arith.constant 0 : i32
      %sign3A_947 = arith.cmpi sgt, %add3A_930, %sign3A : i32
      %sign3A_948 = arith.extui %sign3A_947 : i1 to i32
      %sign3A_949 = arith.constant 0 : i32
      %sign3A_950 = arith.cmpi slt, %add3A_930, %sign3A_949 : i32
      %sign3A_951 = arith.extui %sign3A_950 : i1 to i32
      %sign3A_952 = arith.subi %sign3A_948, %sign3A_951 : i32
      %sign3A_953 = arith.constant 0 : i32
      %sign3A_954 = arith.cmpi sgt, %jit3A, %sign3A_953 : i32
      %sign3A_955 = arith.extui %sign3A_954 : i1 to i32
      %sign3A_956 = arith.constant 0 : i32
      %sign3A_957 = arith.cmpi slt, %jit3A, %sign3A_956 : i32
      %sign3A_958 = arith.extui %sign3A_957 : i1 to i32
      %sign3A_959 = arith.subi %sign3A_955, %sign3A_958 : i32
      %ne3A = arith.cmpi ne, %sign3A_952, %sign3A_959 : i32
      %rem3A = arith.remsi %add3A_930, %jit3A : i32
      %ne3A_960 = arith.constant 0 : i32
      %ne3A_961 = arith.cmpi ne, %rem3A, %ne3A_960 : i32
      %and3A = arith.andi %ne3A, %ne3A_961 : i1
      %sub3A = arith.constant 1 : i32
      %sub3A_962 = arith.subi %div3A, %sub3A : i32
      %select_n3A = arith.select %and3A, %sub3A_962, %div3A : i32
      %add3A_963 = arith.addi %mul3A_946, %select_n3A : i32
      %jit3A_964 = arith.constant 50 : i32
      %eq3A = arith.constant 0 : i32
      %eq3A_965 = arith.cmpi eq, %jit3A_964, %eq3A : i32
      %jit3A_966 = arith.constant 1 : i32
      %select_n3A_967 = arith.select %eq3A_965, %jit3A_966, %jit3A_964 : i32
      %rem3A_968 = arith.remsi %add3A_930, %select_n3A_967 : i32
      %ne3A_969 = arith.constant 0 : i32
      %ne3A_970 = arith.cmpi ne, %rem3A_968, %ne3A_969 : i32
      %lt3A = arith.constant 0 : i32
      %lt3A_971 = arith.cmpi slt, %rem3A_968, %lt3A : i32
      %lt3A_972 = arith.constant 0 : i32
      %lt3A_973 = arith.cmpi slt, %select_n3A_967, %lt3A_972 : i32
      %ne3A_974 = arith.xori %lt3A_971, %lt3A_973 : i1
      %and3A_975 = arith.andi %ne3A_974, %ne3A_970 : i1
      %add3A_976 = arith.addi %rem3A_968, %select_n3A_967 : i32
      %select_n3A_977 = arith.select %and3A_975, %add3A_976, %rem3A_968 : i32
      %dma_start3A_978 = arith.constant 0 : i32
      %dma_start3A_979 = arith.constant 0 : i32
      %dma_start3A_980 = arith.constant 0 : i32
      %dma_start3A_981 = tpu.memref_slice %arg10[%dma_start3A_979, %dma_start3A_980] : memref<32x128xf32, #tpu.memory_space<vmem>> -> memref<8x128xf32, #tpu.memory_space<vmem>>
      %dma_start3A_982 = arith.constant 0 : i32
      %dma_start3A_983 = arith.constant 0 : i32
      %dma_start3A_984 = tpu.memref_slice %arg4[%select_n3A_977, %dma_start3A_978, %add3A_963, %dma_start3A_982, %dma_start3A_983] : memref<50x4x128x8x128xf32, #tpu.memory_space<hbm>> -> memref<1x1x1x8x128xf32, #tpu.memory_space<hbm>>
      %dma_start3A_985 = tpu.memref_squeeze %dma_start3A_984 : memref<1x1x1x8x128xf32, #tpu.memory_space<hbm>> -> memref<8x128xf32, #tpu.memory_space<hbm>>
      %dma_start3A_986 = arith.constant 0 : i32
      %dma_start3A_987 = arith.constant 0 : i32
      %dma_start3A_988 = tpu.memref_slice %arg4[%select_n3A_977, %dma_start3A_978, %add3A_963, %dma_start3A_986, %dma_start3A_987] : memref<50x4x128x8x128xf32, #tpu.memory_space<hbm>> -> memref<1x1x1x8x128xf32, #tpu.memory_space<hbm>>
      %dma_start3A_989 = tpu.memref_squeeze %dma_start3A_988 : memref<1x1x1x8x128xf32, #tpu.memory_space<hbm>> -> memref<8x128xf32, #tpu.memory_space<hbm>>
      %dma_start3A_990 = arith.constant 0 : i32
      %dma_start3A_991 = arith.constant 0 : i32
      %dma_start3A_992 = tpu.memref_slice %arg10[%dma_start3A_990, %dma_start3A_991] : memref<32x128xf32, #tpu.memory_space<vmem>> -> memref<8x128xf32, #tpu.memory_space<vmem>>
      tpu.enqueue_dma source(%dma_start3A_992 : memref<8x128xf32, #tpu.memory_space<vmem>>) target(%dma_start3A_989 : memref<8x128xf32, #tpu.memory_space<hbm>>) target_semaphore(%arg18 : memref<!tpu.dma_semaphore, #tpu.memory_space<semaphore_mem>>)
      %dma_start3A_993 = arith.constant 1 : i32
      %dma_start3A_994 = arith.constant 8 : i32
      %dma_start3A_995 = arith.constant 0 : i32
      %dma_start3A_996 = tpu.memref_slice %arg10[%dma_start3A_994, %dma_start3A_995] : memref<32x128xf32, #tpu.memory_space<vmem>> -> memref<8x128xf32, #tpu.memory_space<vmem>>
      %dma_start3A_997 = arith.constant 0 : i32
      %dma_start3A_998 = arith.constant 0 : i32
      %dma_start3A_999 = tpu.memref_slice %arg4[%select_n3A_977, %dma_start3A_993, %add3A_963, %dma_start3A_997, %dma_start3A_998] : memref<50x4x128x8x128xf32, #tpu.memory_space<hbm>> -> memref<1x1x1x8x128xf32, #tpu.memory_space<hbm>>
      %dma_start3A_1000 = tpu.memref_squeeze %dma_start3A_999 : memref<1x1x1x8x128xf32, #tpu.memory_space<hbm>> -> memref<8x128xf32, #tpu.memory_space<hbm>>
      %dma_start3A_1001 = arith.constant 0 : i32
      %dma_start3A_1002 = arith.constant 0 : i32
      %dma_start3A_1003 = tpu.memref_slice %arg4[%select_n3A_977, %dma_start3A_993, %add3A_963, %dma_start3A_1001, %dma_start3A_1002] : memref<50x4x128x8x128xf32, #tpu.memory_space<hbm>> -> memref<1x1x1x8x128xf32, #tpu.memory_space<hbm>>
      %dma_start3A_1004 = tpu.memref_squeeze %dma_start3A_1003 : memref<1x1x1x8x128xf32, #tpu.memory_space<hbm>> -> memref<8x128xf32, #tpu.memory_space<hbm>>
      %dma_start3A_1005 = arith.constant 8 : i32
      %dma_start3A_1006 = arith.constant 0 : i32
      %dma_start3A_1007 = tpu.memref_slice %arg10[%dma_start3A_1005, %dma_start3A_1006] : memref<32x128xf32, #tpu.memory_space<vmem>> -> memref<8x128xf32, #tpu.memory_space<vmem>>
      tpu.enqueue_dma source(%dma_start3A_1007 : memref<8x128xf32, #tpu.memory_space<vmem>>) target(%dma_start3A_1004 : memref<8x128xf32, #tpu.memory_space<hbm>>) target_semaphore(%arg18 : memref<!tpu.dma_semaphore, #tpu.memory_space<semaphore_mem>>)
      %dma_start3A_1008 = arith.constant 2 : i32
      %dma_start3A_1009 = arith.constant 16 : i32
      %dma_start3A_1010 = arith.constant 0 : i32
      %dma_start3A_1011 = tpu.memref_slice %arg10[%dma_start3A_1009, %dma_start3A_1010] : memref<32x128xf32, #tpu.memory_space<vmem>> -> memref<8x128xf32, #tpu.memory_space<vmem>>
      %dma_start3A_1012 = arith.constant 0 : i32
      %dma_start3A_1013 = arith.constant 0 : i32
      %dma_start3A_1014 = tpu.memref_slice %arg4[%select_n3A_977, %dma_start3A_1008, %add3A_963, %dma_start3A_1012, %dma_start3A_1013] : memref<50x4x128x8x128xf32, #tpu.memory_space<hbm>> -> memref<1x1x1x8x128xf32, #tpu.memory_space<hbm>>
      %dma_start3A_1015 = tpu.memref_squeeze %dma_start3A_1014 : memref<1x1x1x8x128xf32, #tpu.memory_space<hbm>> -> memref<8x128xf32, #tpu.memory_space<hbm>>
      %dma_start3A_1016 = arith.constant 0 : i32
      %dma_start3A_1017 = arith.constant 0 : i32
      %dma_start3A_1018 = tpu.memref_slice %arg4[%select_n3A_977, %dma_start3A_1008, %add3A_963, %dma_start3A_1016, %dma_start3A_1017] : memref<50x4x128x8x128xf32, #tpu.memory_space<hbm>> -> memref<1x1x1x8x128xf32, #tpu.memory_space<hbm>>
      %dma_start3A_1019 = tpu.memref_squeeze %dma_start3A_1018 : memref<1x1x1x8x128xf32, #tpu.memory_space<hbm>> -> memref<8x128xf32, #tpu.memory_space<hbm>>
      %dma_start3A_1020 = arith.constant 16 : i32
      %dma_start3A_1021 = arith.constant 0 : i32
      %dma_start3A_1022 = tpu.memref_slice %arg10[%dma_start3A_1020, %dma_start3A_1021] : memref<32x128xf32, #tpu.memory_space<vmem>> -> memref<8x128xf32, #tpu.memory_space<vmem>>
      tpu.enqueue_dma source(%dma_start3A_1022 : memref<8x128xf32, #tpu.memory_space<vmem>>) target(%dma_start3A_1019 : memref<8x128xf32, #tpu.memory_space<hbm>>) target_semaphore(%arg18 : memref<!tpu.dma_semaphore, #tpu.memory_space<semaphore_mem>>)
      %dma_start3A_1023 = arith.constant 3 : i32
      %dma_start3A_1024 = arith.constant 24 : i32
      %dma_start3A_1025 = arith.constant 0 : i32
      %dma_start3A_1026 = tpu.memref_slice %arg10[%dma_start3A_1024, %dma_start3A_1025] : memref<32x128xf32, #tpu.memory_space<vmem>> -> memref<8x128xf32, #tpu.memory_space<vmem>>
      %dma_start3A_1027 = arith.constant 0 : i32
      %dma_start3A_1028 = arith.constant 0 : i32
      %dma_start3A_1029 = tpu.memref_slice %arg4[%select_n3A_977, %dma_start3A_1023, %add3A_963, %dma_start3A_1027, %dma_start3A_1028] : memref<50x4x128x8x128xf32, #tpu.memory_space<hbm>> -> memref<1x1x1x8x128xf32, #tpu.memory_space<hbm>>
      %dma_start3A_1030 = tpu.memref_squeeze %dma_start3A_1029 : memref<1x1x1x8x128xf32, #tpu.memory_space<hbm>> -> memref<8x128xf32, #tpu.memory_space<hbm>>
      %dma_start3A_1031 = arith.constant 0 : i32
      %dma_start3A_1032 = arith.constant 0 : i32
      %dma_start3A_1033 = tpu.memref_slice %arg4[%select_n3A_977, %dma_start3A_1023, %add3A_963, %dma_start3A_1031, %dma_start3A_1032] : memref<50x4x128x8x128xf32, #tpu.memory_space<hbm>> -> memref<1x1x1x8x128xf32, #tpu.memory_space<hbm>>
      %dma_start3A_1034 = tpu.memref_squeeze %dma_start3A_1033 : memref<1x1x1x8x128xf32, #tpu.memory_space<hbm>> -> memref<8x128xf32, #tpu.memory_space<hbm>>
      %dma_start3A_1035 = arith.constant 24 : i32
      %dma_start3A_1036 = arith.constant 0 : i32
      %dma_start3A_1037 = tpu.memref_slice %arg10[%dma_start3A_1035, %dma_start3A_1036] : memref<32x128xf32, #tpu.memory_space<vmem>> -> memref<8x128xf32, #tpu.memory_space<vmem>>
      tpu.enqueue_dma source(%dma_start3A_1037 : memref<8x128xf32, #tpu.memory_space<vmem>>) target(%dma_start3A_1034 : memref<8x128xf32, #tpu.memory_space<hbm>>) target_semaphore(%arg18 : memref<!tpu.dma_semaphore, #tpu.memory_space<semaphore_mem>>)
      %add3A_1038 = arith.constant 4 : i32
      %add3A_1039 = arith.addi %add3A_930, %add3A_1038 : i32
      %jit3A_1040 = arith.constant 50 : i32
      %div3A_1041 = arith.divsi %add3A_1039, %jit3A_1040 : i32
      %sign3A_1042 = arith.constant 0 : i32
      %sign3A_1043 = arith.cmpi sgt, %add3A_1039, %sign3A_1042 : i32
      %sign3A_1044 = arith.extui %sign3A_1043 : i1 to i32
      %sign3A_1045 = arith.constant 0 : i32
      %sign3A_1046 = arith.cmpi slt, %add3A_1039, %sign3A_1045 : i32
      %sign3A_1047 = arith.extui %sign3A_1046 : i1 to i32
      %sign3A_1048 = arith.subi %sign3A_1044, %sign3A_1047 : i32
      %sign3A_1049 = arith.constant 0 : i32
      %sign3A_1050 = arith.cmpi sgt, %jit3A_1040, %sign3A_1049 : i32
      %sign3A_1051 = arith.extui %sign3A_1050 : i1 to i32
      %sign3A_1052 = arith.constant 0 : i32
      %sign3A_1053 = arith.cmpi slt, %jit3A_1040, %sign3A_1052 : i32
      %sign3A_1054 = arith.extui %sign3A_1053 : i1 to i32
      %sign3A_1055 = arith.subi %sign3A_1051, %sign3A_1054 : i32
      %ne3A_1056 = arith.cmpi ne, %sign3A_1048, %sign3A_1055 : i32
      %rem3A_1057 = arith.remsi %add3A_1039, %jit3A_1040 : i32
      %ne3A_1058 = arith.constant 0 : i32
      %ne3A_1059 = arith.cmpi ne, %rem3A_1057, %ne3A_1058 : i32
      %and3A_1060 = arith.andi %ne3A_1056, %ne3A_1059 : i1
      %sub3A_1061 = arith.constant 1 : i32
      %sub3A_1062 = arith.subi %div3A_1041, %sub3A_1061 : i32
      %select_n3A_1063 = arith.select %and3A_1060, %sub3A_1062, %div3A_1041 : i32
      %jit3A_1064 = arith.constant 50 : i32
      %eq3A_1065 = arith.constant 0 : i32
      %eq3A_1066 = arith.cmpi eq, %jit3A_1064, %eq3A_1065 : i32
      %jit3A_1067 = arith.constant 1 : i32
      %select_n3A_1068 = arith.select %eq3A_1066, %jit3A_1067, %jit3A_1064 : i32
      %rem3A_1069 = arith.remsi %add3A_1039, %select_n3A_1068 : i32
      %ne3A_1070 = arith.constant 0 : i32
      %ne3A_1071 = arith.cmpi ne, %rem3A_1069, %ne3A_1070 : i32
      %lt3A_1072 = arith.constant 0 : i32
      %lt3A_1073 = arith.cmpi slt, %rem3A_1069, %lt3A_1072 : i32
      %lt3A_1074 = arith.constant 0 : i32
      %lt3A_1075 = arith.cmpi slt, %select_n3A_1068, %lt3A_1074 : i32
      %ne3A_1076 = arith.xori %lt3A_1073, %lt3A_1075 : i1
      %and3A_1077 = arith.andi %ne3A_1076, %ne3A_1071 : i1
      %add3A_1078 = arith.addi %rem3A_1069, %select_n3A_1068 : i32
      %select_n3A_1079 = arith.select %and3A_1077, %add3A_1078, %rem3A_1069 : i32
      %dma_start3A_1080 = arith.constant 0 : i32
      %dma_start3A_1081 = tpu.memref_slice %arg5[%select_n3A_1063, %select_n3A_1079, %dma_start3A_1080] : memref<4x50x128xi32, #tpu.memory_space<vmem>> -> memref<1x1x128xi32, #tpu.memory_space<vmem>>
      %dma_start3A_1082 = tpu.memref_squeeze %dma_start3A_1081 : memref<1x1x128xi32, #tpu.memory_space<vmem>> -> memref<128xi32, #tpu.memory_space<vmem>>
      %dma_start3A_1083 = arith.constant 0 : i32
      %dma_start3A_1084 = arith.constant 0 : i32
      %dma_start3A_1085 = tpu.memref_slice %arg2[%dma_start3A_1083, %dma_start3A_1084] : memref<1000000x32xf32, #tpu.memory_space<hbm>> -> memref<1000000x32xf32, #tpu.memory_space<hbm>>
      tpu.enqueue_indirect_dma source(%dma_start3A_1085 : memref<1000000x32xf32, #tpu.memory_space<hbm>>) target(%arg6 : memref<128x32xf32, #tpu.memory_space<vmem>>) offsets(%dma_start3A_1082 : memref<128xi32, #tpu.memory_space<vmem>>) semaphore(%arg14 : memref<!tpu.dma_semaphore, #tpu.memory_space<semaphore_mem>>)
      %mul3A_1086 = arith.constant 4 : i32
      %mul3A_1087 = arith.muli %mul3A_1086, %scan3A_926 : i32
      %add3A_1088 = arith.constant 1 : i32
      %add3A_1089 = arith.addi %mul3A_1087, %add3A_1088 : i32
      %dma_wait3A_1090 = arith.constant 0 : i32
      %dma_wait3A_1091 = arith.constant 0 : i32
      %dma_wait3A_1092 = tpu.memref_slice %arg2[%dma_wait3A_1090, %dma_wait3A_1091] : memref<1000000x32xf32, #tpu.memory_space<hbm>> -> memref<128x32xf32, #tpu.memory_space<hbm>>
      %dma_wait3A_1093 = arith.constant 0 : i32
      %dma_wait3A_1094 = arith.constant 0 : i32
      %dma_wait3A_1095 = tpu.memref_slice %arg2[%dma_wait3A_1093, %dma_wait3A_1094] : memref<1000000x32xf32, #tpu.memory_space<hbm>> -> memref<128x32xf32, #tpu.memory_space<hbm>>
      tpu.wait_dma2 semaphore(%arg15 : memref<!tpu.dma_semaphore, #tpu.memory_space<semaphore_mem>>) src(%dma_wait3A_1095 : memref<128x32xf32, #tpu.memory_space<hbm>>) dst(%arg7 : memref<128x32xf32, #tpu.memory_space<vmem>>)
      %gt3A_1096 = arith.constant 0 : i32
      %gt3A_1097 = arith.cmpi sgt, %scan3A_926, %gt3A_1096 : i32
      %convert_element_type3A_1098 = arith.extui %gt3A_1097 : i1 to i32
      %cond3A_1099 = arith.constant 0 : i32
      %cond3A_1100 = arith.cmpi ne, %convert_element_type3A_1098, %cond3A_1099 : i32
      scf.if %cond3A_1100 {
        %dma_wait3A_1602 = arith.constant 0 : i32
        %dma_wait3A_1603 = arith.constant 0 : i32
        %dma_wait3A_1604 = arith.constant 0 : i32
        %dma_wait3A_1605 = arith.constant 0 : i32
        %dma_wait3A_1606 = arith.constant 0 : i32
        %dma_wait3A_1607 = tpu.memref_slice %arg11[%dma_wait3A_1605, %dma_wait3A_1606] : memref<32x128xf32, #tpu.memory_space<vmem>> -> memref<8x128xf32, #tpu.memory_space<vmem>>
        %dma_wait3A_1608 = arith.constant 0 : i32
        %dma_wait3A_1609 = arith.constant 0 : i32
        %dma_wait3A_1610 = tpu.memref_slice %arg4[%dma_wait3A_1602, %dma_wait3A_1603, %dma_wait3A_1604, %dma_wait3A_1608, %dma_wait3A_1609] : memref<50x4x128x8x128xf32, #tpu.memory_space<hbm>> -> memref<1x1x1x8x128xf32, #tpu.memory_space<hbm>>
        %dma_wait3A_1611 = tpu.memref_squeeze %dma_wait3A_1610 : memref<1x1x1x8x128xf32, #tpu.memory_space<hbm>> -> memref<8x128xf32, #tpu.memory_space<hbm>>
        %dma_wait3A_1612 = arith.constant 0 : i32
        %dma_wait3A_1613 = arith.constant 0 : i32
        %dma_wait3A_1614 = tpu.memref_slice %arg11[%dma_wait3A_1612, %dma_wait3A_1613] : memref<32x128xf32, #tpu.memory_space<vmem>> -> memref<8x128xf32, #tpu.memory_space<vmem>>
        %dma_wait3A_1615 = arith.constant 0 : i32
        %dma_wait3A_1616 = arith.constant 0 : i32
        %dma_wait3A_1617 = tpu.memref_slice %arg4[%dma_wait3A_1602, %dma_wait3A_1603, %dma_wait3A_1604, %dma_wait3A_1615, %dma_wait3A_1616] : memref<50x4x128x8x128xf32, #tpu.memory_space<hbm>> -> memref<1x1x1x8x128xf32, #tpu.memory_space<hbm>>
        %dma_wait3A_1618 = tpu.memref_squeeze %dma_wait3A_1617 : memref<1x1x1x8x128xf32, #tpu.memory_space<hbm>> -> memref<8x128xf32, #tpu.memory_space<hbm>>
        tpu.wait_dma2 semaphore(%arg19 : memref<!tpu.dma_semaphore, #tpu.memory_space<semaphore_mem>>) src(%dma_wait3A_1618 : memref<8x128xf32, #tpu.memory_space<hbm>>) dst(%dma_wait3A_1614 : memref<8x128xf32, #tpu.memory_space<vmem>>)
        %dma_wait3A_1619 = arith.constant 0 : i32
        %dma_wait3A_1620 = arith.constant 0 : i32
        %dma_wait3A_1621 = arith.constant 0 : i32
        %dma_wait3A_1622 = arith.constant 8 : i32
        %dma_wait3A_1623 = arith.constant 0 : i32
        %dma_wait3A_1624 = tpu.memref_slice %arg11[%dma_wait3A_1622, %dma_wait3A_1623] : memref<32x128xf32, #tpu.memory_space<vmem>> -> memref<8x128xf32, #tpu.memory_space<vmem>>
        %dma_wait3A_1625 = arith.constant 0 : i32
        %dma_wait3A_1626 = arith.constant 0 : i32
        %dma_wait3A_1627 = tpu.memref_slice %arg4[%dma_wait3A_1619, %dma_wait3A_1620, %dma_wait3A_1621, %dma_wait3A_1625, %dma_wait3A_1626] : memref<50x4x128x8x128xf32, #tpu.memory_space<hbm>> -> memref<1x1x1x8x128xf32, #tpu.memory_space<hbm>>
        %dma_wait3A_1628 = tpu.memref_squeeze %dma_wait3A_1627 : memref<1x1x1x8x128xf32, #tpu.memory_space<hbm>> -> memref<8x128xf32, #tpu.memory_space<hbm>>
        %dma_wait3A_1629 = arith.constant 8 : i32
        %dma_wait3A_1630 = arith.constant 0 : i32
        %dma_wait3A_1631 = tpu.memref_slice %arg11[%dma_wait3A_1629, %dma_wait3A_1630] : memref<32x128xf32, #tpu.memory_space<vmem>> -> memref<8x128xf32, #tpu.memory_space<vmem>>
        %dma_wait3A_1632 = arith.constant 0 : i32
        %dma_wait3A_1633 = arith.constant 0 : i32
        %dma_wait3A_1634 = tpu.memref_slice %arg4[%dma_wait3A_1619, %dma_wait3A_1620, %dma_wait3A_1621, %dma_wait3A_1632, %dma_wait3A_1633] : memref<50x4x128x8x128xf32, #tpu.memory_space<hbm>> -> memref<1x1x1x8x128xf32, #tpu.memory_space<hbm>>
        %dma_wait3A_1635 = tpu.memref_squeeze %dma_wait3A_1634 : memref<1x1x1x8x128xf32, #tpu.memory_space<hbm>> -> memref<8x128xf32, #tpu.memory_space<hbm>>
        tpu.wait_dma2 semaphore(%arg19 : memref<!tpu.dma_semaphore, #tpu.memory_space<semaphore_mem>>) src(%dma_wait3A_1635 : memref<8x128xf32, #tpu.memory_space<hbm>>) dst(%dma_wait3A_1631 : memref<8x128xf32, #tpu.memory_space<vmem>>)
        %dma_wait3A_1636 = arith.constant 0 : i32
        %dma_wait3A_1637 = arith.constant 0 : i32
        %dma_wait3A_1638 = arith.constant 0 : i32
        %dma_wait3A_1639 = arith.constant 16 : i32
        %dma_wait3A_1640 = arith.constant 0 : i32
        %dma_wait3A_1641 = tpu.memref_slice %arg11[%dma_wait3A_1639, %dma_wait3A_1640] : memref<32x128xf32, #tpu.memory_space<vmem>> -> memref<8x128xf32, #tpu.memory_space<vmem>>
        %dma_wait3A_1642 = arith.constant 0 : i32
        %dma_wait3A_1643 = arith.constant 0 : i32
        %dma_wait3A_1644 = tpu.memref_slice %arg4[%dma_wait3A_1636, %dma_wait3A_1637, %dma_wait3A_1638, %dma_wait3A_1642, %dma_wait3A_1643] : memref<50x4x128x8x128xf32, #tpu.memory_space<hbm>> -> memref<1x1x1x8x128xf32, #tpu.memory_space<hbm>>
        %dma_wait3A_1645 = tpu.memref_squeeze %dma_wait3A_1644 : memref<1x1x1x8x128xf32, #tpu.memory_space<hbm>> -> memref<8x128xf32, #tpu.memory_space<hbm>>
        %dma_wait3A_1646 = arith.constant 16 : i32
        %dma_wait3A_1647 = arith.constant 0 : i32
        %dma_wait3A_1648 = tpu.memref_slice %arg11[%dma_wait3A_1646, %dma_wait3A_1647] : memref<32x128xf32, #tpu.memory_space<vmem>> -> memref<8x128xf32, #tpu.memory_space<vmem>>
        %dma_wait3A_1649 = arith.constant 0 : i32
        %dma_wait3A_1650 = arith.constant 0 : i32
        %dma_wait3A_1651 = tpu.memref_slice %arg4[%dma_wait3A_1636, %dma_wait3A_1637, %dma_wait3A_1638, %dma_wait3A_1649, %dma_wait3A_1650] : memref<50x4x128x8x128xf32, #tpu.memory_space<hbm>> -> memref<1x1x1x8x128xf32, #tpu.memory_space<hbm>>
        %dma_wait3A_1652 = tpu.memref_squeeze %dma_wait3A_1651 : memref<1x1x1x8x128xf32, #tpu.memory_space<hbm>> -> memref<8x128xf32, #tpu.memory_space<hbm>>
        tpu.wait_dma2 semaphore(%arg19 : memref<!tpu.dma_semaphore, #tpu.memory_space<semaphore_mem>>) src(%dma_wait3A_1652 : memref<8x128xf32, #tpu.memory_space<hbm>>) dst(%dma_wait3A_1648 : memref<8x128xf32, #tpu.memory_space<vmem>>)
        %dma_wait3A_1653 = arith.constant 0 : i32
        %dma_wait3A_1654 = arith.constant 0 : i32
        %dma_wait3A_1655 = arith.constant 0 : i32
        %dma_wait3A_1656 = arith.constant 24 : i32
        %dma_wait3A_1657 = arith.constant 0 : i32
        %dma_wait3A_1658 = tpu.memref_slice %arg11[%dma_wait3A_1656, %dma_wait3A_1657] : memref<32x128xf32, #tpu.memory_space<vmem>> -> memref<8x128xf32, #tpu.memory_space<vmem>>
        %dma_wait3A_1659 = arith.constant 0 : i32
        %dma_wait3A_1660 = arith.constant 0 : i32
        %dma_wait3A_1661 = tpu.memref_slice %arg4[%dma_wait3A_1653, %dma_wait3A_1654, %dma_wait3A_1655, %dma_wait3A_1659, %dma_wait3A_1660] : memref<50x4x128x8x128xf32, #tpu.memory_space<hbm>> -> memref<1x1x1x8x128xf32, #tpu.memory_space<hbm>>
        %dma_wait3A_1662 = tpu.memref_squeeze %dma_wait3A_1661 : memref<1x1x1x8x128xf32, #tpu.memory_space<hbm>> -> memref<8x128xf32, #tpu.memory_space<hbm>>
        %dma_wait3A_1663 = arith.constant 24 : i32
        %dma_wait3A_1664 = arith.constant 0 : i32
        %dma_wait3A_1665 = tpu.memref_slice %arg11[%dma_wait3A_1663, %dma_wait3A_1664] : memref<32x128xf32, #tpu.memory_space<vmem>> -> memref<8x128xf32, #tpu.memory_space<vmem>>
        %dma_wait3A_1666 = arith.constant 0 : i32
        %dma_wait3A_1667 = arith.constant 0 : i32
        %dma_wait3A_1668 = tpu.memref_slice %arg4[%dma_wait3A_1653, %dma_wait3A_1654, %dma_wait3A_1655, %dma_wait3A_1666, %dma_wait3A_1667] : memref<50x4x128x8x128xf32, #tpu.memory_space<hbm>> -> memref<1x1x1x8x128xf32, #tpu.memory_space<hbm>>
        %dma_wait3A_1669 = tpu.memref_squeeze %dma_wait3A_1668 : memref<1x1x1x8x128xf32, #tpu.memory_space<hbm>> -> memref<8x128xf32, #tpu.memory_space<hbm>>
        tpu.wait_dma2 semaphore(%arg19 : memref<!tpu.dma_semaphore, #tpu.memory_space<semaphore_mem>>) src(%dma_wait3A_1669 : memref<8x128xf32, #tpu.memory_space<hbm>>) dst(%dma_wait3A_1665 : memref<8x128xf32, #tpu.memory_space<vmem>>)
      } else {
      }
      %scan3A_1101 = arith.constant 0 : i32
      %scan3A_1102 = arith.constant 0 : i32
      %scan3A_1103 = arith.constant 32 : i32
      %scan3A_1104 = arith.addi %scan3A_1102, %scan3A_1103 : i32
      %scan3A_1105 = arith.constant 1 : i32
      scf.for %scan3A_1602 = %scan3A_1102 to %scan3A_1104 step %scan3A_1105  : i32 {
        %broadcast_in_dim3A = vector.broadcast %scan3A_1602 : i32 to vector<16xi32>
        %gather3A = tpu.vector_load_idx %arg7[%add3A_5, %broadcast_in_dim3A] : memref<128x32xf32, #tpu.memory_space<vmem>>[vector<16xi32>, vector<16xi32>], vector<16xf32>,
        %swap3A = arith.index_cast %scan3A_1602 : i32 to index
        %swap3A_1603 = arith.constant 0 : index
        %swap3A_1604 = tpu.vector_load %arg11[%swap3A, %swap3A_1603] {strides = array<i32>} : memref<32x128xf32, #tpu.memory_space<vmem>>, vector<16xf32>,
        tpu.vector_store %arg11[%swap3A, %swap3A_1603], %gather3A {strides = array<i32>} : memref<32x128xf32, #tpu.memory_space<vmem>>, vector<16xf32>,
        %gather3A_1605 = tpu.vector_load_idx %arg7[%add3A_8, %broadcast_in_dim3A] : memref<128x32xf32, #tpu.memory_space<vmem>>[vector<16xi32>, vector<16xi32>], vector<16xf32>,
        %swap3A_1606 = arith.index_cast %scan3A_1602 : i32 to index
        %swap3A_1607 = arith.constant 16 : index
        %swap3A_1608 = tpu.vector_load %arg11[%swap3A_1606, %swap3A_1607] {strides = array<i32>} : memref<32x128xf32, #tpu.memory_space<vmem>>, vector<16xf32>,
        tpu.vector_store %arg11[%swap3A_1606, %swap3A_1607], %gather3A_1605 {strides = array<i32>} : memref<32x128xf32, #tpu.memory_space<vmem>>, vector<16xf32>,
        %gather3A_1609 = tpu.vector_load_idx %arg7[%add3A_11, %broadcast_in_dim3A] : memref<128x32xf32, #tpu.memory_space<vmem>>[vector<16xi32>, vector<16xi32>], vector<16xf32>,
        %swap3A_1610 = arith.index_cast %scan3A_1602 : i32 to index
        %swap3A_1611 = arith.constant 32 : index
        %swap3A_1612 = tpu.vector_load %arg11[%swap3A_1610, %swap3A_1611] {strides = array<i32>} : memref<32x128xf32, #tpu.memory_space<vmem>>, vector<16xf32>,
        tpu.vector_store %arg11[%swap3A_1610, %swap3A_1611], %gather3A_1609 {strides = array<i32>} : memref<32x128xf32, #tpu.memory_space<vmem>>, vector<16xf32>,
        %gather3A_1613 = tpu.vector_load_idx %arg7[%add3A_14, %broadcast_in_dim3A] : memref<128x32xf32, #tpu.memory_space<vmem>>[vector<16xi32>, vector<16xi32>], vector<16xf32>,
        %swap3A_1614 = arith.index_cast %scan3A_1602 : i32 to index
        %swap3A_1615 = arith.constant 48 : index
        %swap3A_1616 = tpu.vector_load %arg11[%swap3A_1614, %swap3A_1615] {strides = array<i32>} : memref<32x128xf32, #tpu.memory_space<vmem>>, vector<16xf32>,
        tpu.vector_store %arg11[%swap3A_1614, %swap3A_1615], %gather3A_1613 {strides = array<i32>} : memref<32x128xf32, #tpu.memory_space<vmem>>, vector<16xf32>,
        %gather3A_1617 = tpu.vector_load_idx %arg7[%add3A_17, %broadcast_in_dim3A] : memref<128x32xf32, #tpu.memory_space<vmem>>[vector<16xi32>, vector<16xi32>], vector<16xf32>,
        %swap3A_1618 = arith.index_cast %scan3A_1602 : i32 to index
        %swap3A_1619 = arith.constant 64 : index
        %swap3A_1620 = tpu.vector_load %arg11[%swap3A_1618, %swap3A_1619] {strides = array<i32>} : memref<32x128xf32, #tpu.memory_space<vmem>>, vector<16xf32>,
        tpu.vector_store %arg11[%swap3A_1618, %swap3A_1619], %gather3A_1617 {strides = array<i32>} : memref<32x128xf32, #tpu.memory_space<vmem>>, vector<16xf32>,
        %gather3A_1621 = tpu.vector_load_idx %arg7[%add3A_20, %broadcast_in_dim3A] : memref<128x32xf32, #tpu.memory_space<vmem>>[vector<16xi32>, vector<16xi32>], vector<16xf32>,
        %swap3A_1622 = arith.index_cast %scan3A_1602 : i32 to index
        %swap3A_1623 = arith.constant 80 : index
        %swap3A_1624 = tpu.vector_load %arg11[%swap3A_1622, %swap3A_1623] {strides = array<i32>} : memref<32x128xf32, #tpu.memory_space<vmem>>, vector<16xf32>,
        tpu.vector_store %arg11[%swap3A_1622, %swap3A_1623], %gather3A_1621 {strides = array<i32>} : memref<32x128xf32, #tpu.memory_space<vmem>>, vector<16xf32>,
        %gather3A_1625 = tpu.vector_load_idx %arg7[%add3A_23, %broadcast_in_dim3A] : memref<128x32xf32, #tpu.memory_space<vmem>>[vector<16xi32>, vector<16xi32>], vector<16xf32>,
        %swap3A_1626 = arith.index_cast %scan3A_1602 : i32 to index
        %swap3A_1627 = arith.constant 96 : index
        %swap3A_1628 = tpu.vector_load %arg11[%swap3A_1626, %swap3A_1627] {strides = array<i32>} : memref<32x128xf32, #tpu.memory_space<vmem>>, vector<16xf32>,
        tpu.vector_store %arg11[%swap3A_1626, %swap3A_1627], %gather3A_1625 {strides = array<i32>} : memref<32x128xf32, #tpu.memory_space<vmem>>, vector<16xf32>,
        %gather3A_1629 = tpu.vector_load_idx %arg7[%add3A_26, %broadcast_in_dim3A] : memref<128x32xf32, #tpu.memory_space<vmem>>[vector<16xi32>, vector<16xi32>], vector<16xf32>,
        %swap3A_1630 = arith.index_cast %scan3A_1602 : i32 to index
        %swap3A_1631 = arith.constant 112 : index
        %swap3A_1632 = tpu.vector_load %arg11[%swap3A_1630, %swap3A_1631] {strides = array<i32>} : memref<32x128xf32, #tpu.memory_space<vmem>>, vector<16xf32>,
        tpu.vector_store %arg11[%swap3A_1630, %swap3A_1631], %gather3A_1629 {strides = array<i32>} : memref<32x128xf32, #tpu.memory_space<vmem>>, vector<16xf32>,
      }
      %scan3A_1106 = arith.constant 32 : i32
      %mul3A_1107 = arith.constant 4 : i32
      %mul3A_1108 = arith.muli %add3A, %mul3A_1107 : i32
      %jit3A_1109 = arith.constant 50 : i32
      %div3A_1110 = arith.divsi %add3A_1089, %jit3A_1109 : i32
      %sign3A_1111 = arith.constant 0 : i32
      %sign3A_1112 = arith.cmpi sgt, %add3A_1089, %sign3A_1111 : i32
      %sign3A_1113 = arith.extui %sign3A_1112 : i1 to i32
      %sign3A_1114 = arith.constant 0 : i32
      %sign3A_1115 = arith.cmpi slt, %add3A_1089, %sign3A_1114 : i32
      %sign3A_1116 = arith.extui %sign3A_1115 : i1 to i32
      %sign3A_1117 = arith.subi %sign3A_1113, %sign3A_1116 : i32
      %sign3A_1118 = arith.constant 0 : i32
      %sign3A_1119 = arith.cmpi sgt, %jit3A_1109, %sign3A_1118 : i32
      %sign3A_1120 = arith.extui %sign3A_1119 : i1 to i32
      %sign3A_1121 = arith.constant 0 : i32
      %sign3A_1122 = arith.cmpi slt, %jit3A_1109, %sign3A_1121 : i32
      %sign3A_1123 = arith.extui %sign3A_1122 : i1 to i32
      %sign3A_1124 = arith.subi %sign3A_1120, %sign3A_1123 : i32
      %ne3A_1125 = arith.cmpi ne, %sign3A_1117, %sign3A_1124 : i32
      %rem3A_1126 = arith.remsi %add3A_1089, %jit3A_1109 : i32
      %ne3A_1127 = arith.constant 0 : i32
      %ne3A_1128 = arith.cmpi ne, %rem3A_1126, %ne3A_1127 : i32
      %and3A_1129 = arith.andi %ne3A_1125, %ne3A_1128 : i1
      %sub3A_1130 = arith.constant 1 : i32
      %sub3A_1131 = arith.subi %div3A_1110, %sub3A_1130 : i32
      %select_n3A_1132 = arith.select %and3A_1129, %sub3A_1131, %div3A_1110 : i32
      %add3A_1133 = arith.addi %mul3A_1108, %select_n3A_1132 : i32
      %jit3A_1134 = arith.constant 50 : i32
      %eq3A_1135 = arith.constant 0 : i32
      %eq3A_1136 = arith.cmpi eq, %jit3A_1134, %eq3A_1135 : i32
      %jit3A_1137 = arith.constant 1 : i32
      %select_n3A_1138 = arith.select %eq3A_1136, %jit3A_1137, %jit3A_1134 : i32
      %rem3A_1139 = arith.remsi %add3A_1089, %select_n3A_1138 : i32
      %ne3A_1140 = arith.constant 0 : i32
      %ne3A_1141 = arith.cmpi ne, %rem3A_1139, %ne3A_1140 : i32
      %lt3A_1142 = arith.constant 0 : i32
      %lt3A_1143 = arith.cmpi slt, %rem3A_1139, %lt3A_1142 : i32
      %lt3A_1144 = arith.constant 0 : i32
      %lt3A_1145 = arith.cmpi slt, %select_n3A_1138, %lt3A_1144 : i32
      %ne3A_1146 = arith.xori %lt3A_1143, %lt3A_1145 : i1
      %and3A_1147 = arith.andi %ne3A_1146, %ne3A_1141 : i1
      %add3A_1148 = arith.addi %rem3A_1139, %select_n3A_1138 : i32
      %select_n3A_1149 = arith.select %and3A_1147, %add3A_1148, %rem3A_1139 : i32
      %dma_start3A_1150 = arith.constant 0 : i32
      %dma_start3A_1151 = arith.constant 0 : i32
      %dma_start3A_1152 = arith.constant 0 : i32
      %dma_start3A_1153 = tpu.memref_slice %arg11[%dma_start3A_1151, %dma_start3A_1152] : memref<32x128xf32, #tpu.memory_space<vmem>> -> memref<8x128xf32, #tpu.memory_space<vmem>>
      %dma_start3A_1154 = arith.constant 0 : i32
      %dma_start3A_1155 = arith.constant 0 : i32
      %dma_start3A_1156 = tpu.memref_slice %arg4[%select_n3A_1149, %dma_start3A_1150, %add3A_1133, %dma_start3A_1154, %dma_start3A_1155] : memref<50x4x128x8x128xf32, #tpu.memory_space<hbm>> -> memref<1x1x1x8x128xf32, #tpu.memory_space<hbm>>
      %dma_start3A_1157 = tpu.memref_squeeze %dma_start3A_1156 : memref<1x1x1x8x128xf32, #tpu.memory_space<hbm>> -> memref<8x128xf32, #tpu.memory_space<hbm>>
      %dma_start3A_1158 = arith.constant 0 : i32
      %dma_start3A_1159 = arith.constant 0 : i32
      %dma_start3A_1160 = tpu.memref_slice %arg4[%select_n3A_1149, %dma_start3A_1150, %add3A_1133, %dma_start3A_1158, %dma_start3A_1159] : memref<50x4x128x8x128xf32, #tpu.memory_space<hbm>> -> memref<1x1x1x8x128xf32, #tpu.memory_space<hbm>>
      %dma_start3A_1161 = tpu.memref_squeeze %dma_start3A_1160 : memref<1x1x1x8x128xf32, #tpu.memory_space<hbm>> -> memref<8x128xf32, #tpu.memory_space<hbm>>
      %dma_start3A_1162 = arith.constant 0 : i32
      %dma_start3A_1163 = arith.constant 0 : i32
      %dma_start3A_1164 = tpu.memref_slice %arg11[%dma_start3A_1162, %dma_start3A_1163] : memref<32x128xf32, #tpu.memory_space<vmem>> -> memref<8x128xf32, #tpu.memory_space<vmem>>
      tpu.enqueue_dma source(%dma_start3A_1164 : memref<8x128xf32, #tpu.memory_space<vmem>>) target(%dma_start3A_1161 : memref<8x128xf32, #tpu.memory_space<hbm>>) target_semaphore(%arg19 : memref<!tpu.dma_semaphore, #tpu.memory_space<semaphore_mem>>)
      %dma_start3A_1165 = arith.constant 1 : i32
      %dma_start3A_1166 = arith.constant 8 : i32
      %dma_start3A_1167 = arith.constant 0 : i32
      %dma_start3A_1168 = tpu.memref_slice %arg11[%dma_start3A_1166, %dma_start3A_1167] : memref<32x128xf32, #tpu.memory_space<vmem>> -> memref<8x128xf32, #tpu.memory_space<vmem>>
      %dma_start3A_1169 = arith.constant 0 : i32
      %dma_start3A_1170 = arith.constant 0 : i32
      %dma_start3A_1171 = tpu.memref_slice %arg4[%select_n3A_1149, %dma_start3A_1165, %add3A_1133, %dma_start3A_1169, %dma_start3A_1170] : memref<50x4x128x8x128xf32, #tpu.memory_space<hbm>> -> memref<1x1x1x8x128xf32, #tpu.memory_space<hbm>>
      %dma_start3A_1172 = tpu.memref_squeeze %dma_start3A_1171 : memref<1x1x1x8x128xf32, #tpu.memory_space<hbm>> -> memref<8x128xf32, #tpu.memory_space<hbm>>
      %dma_start3A_1173 = arith.constant 0 : i32
      %dma_start3A_1174 = arith.constant 0 : i32
      %dma_start3A_1175 = tpu.memref_slice %arg4[%select_n3A_1149, %dma_start3A_1165, %add3A_1133, %dma_start3A_1173, %dma_start3A_1174] : memref<50x4x128x8x128xf32, #tpu.memory_space<hbm>> -> memref<1x1x1x8x128xf32, #tpu.memory_space<hbm>>
      %dma_start3A_1176 = tpu.memref_squeeze %dma_start3A_1175 : memref<1x1x1x8x128xf32, #tpu.memory_space<hbm>> -> memref<8x128xf32, #tpu.memory_space<hbm>>
      %dma_start3A_1177 = arith.constant 8 : i32
      %dma_start3A_1178 = arith.constant 0 : i32
      %dma_start3A_1179 = tpu.memref_slice %arg11[%dma_start3A_1177, %dma_start3A_1178] : memref<32x128xf32, #tpu.memory_space<vmem>> -> memref<8x128xf32, #tpu.memory_space<vmem>>
      tpu.enqueue_dma source(%dma_start3A_1179 : memref<8x128xf32, #tpu.memory_space<vmem>>) target(%dma_start3A_1176 : memref<8x128xf32, #tpu.memory_space<hbm>>) target_semaphore(%arg19 : memref<!tpu.dma_semaphore, #tpu.memory_space<semaphore_mem>>)
      %dma_start3A_1180 = arith.constant 2 : i32
      %dma_start3A_1181 = arith.constant 16 : i32
      %dma_start3A_1182 = arith.constant 0 : i32
      %dma_start3A_1183 = tpu.memref_slice %arg11[%dma_start3A_1181, %dma_start3A_1182] : memref<32x128xf32, #tpu.memory_space<vmem>> -> memref<8x128xf32, #tpu.memory_space<vmem>>
      %dma_start3A_1184 = arith.constant 0 : i32
      %dma_start3A_1185 = arith.constant 0 : i32
      %dma_start3A_1186 = tpu.memref_slice %arg4[%select_n3A_1149, %dma_start3A_1180, %add3A_1133, %dma_start3A_1184, %dma_start3A_1185] : memref<50x4x128x8x128xf32, #tpu.memory_space<hbm>> -> memref<1x1x1x8x128xf32, #tpu.memory_space<hbm>>
      %dma_start3A_1187 = tpu.memref_squeeze %dma_start3A_1186 : memref<1x1x1x8x128xf32, #tpu.memory_space<hbm>> -> memref<8x128xf32, #tpu.memory_space<hbm>>
      %dma_start3A_1188 = arith.constant 0 : i32
      %dma_start3A_1189 = arith.constant 0 : i32
      %dma_start3A_1190 = tpu.memref_slice %arg4[%select_n3A_1149, %dma_start3A_1180, %add3A_1133, %dma_start3A_1188, %dma_start3A_1189] : memref<50x4x128x8x128xf32, #tpu.memory_space<hbm>> -> memref<1x1x1x8x128xf32, #tpu.memory_space<hbm>>
      %dma_start3A_1191 = tpu.memref_squeeze %dma_start3A_1190 : memref<1x1x1x8x128xf32, #tpu.memory_space<hbm>> -> memref<8x128xf32, #tpu.memory_space<hbm>>
      %dma_start3A_1192 = arith.constant 16 : i32
      %dma_start3A_1193 = arith.constant 0 : i32
      %dma_start3A_1194 = tpu.memref_slice %arg11[%dma_start3A_1192, %dma_start3A_1193] : memref<32x128xf32, #tpu.memory_space<vmem>> -> memref<8x128xf32, #tpu.memory_space<vmem>>
      tpu.enqueue_dma source(%dma_start3A_1194 : memref<8x128xf32, #tpu.memory_space<vmem>>) target(%dma_start3A_1191 : memref<8x128xf32, #tpu.memory_space<hbm>>) target_semaphore(%arg19 : memref<!tpu.dma_semaphore, #tpu.memory_space<semaphore_mem>>)
      %dma_start3A_1195 = arith.constant 3 : i32
      %dma_start3A_1196 = arith.constant 24 : i32
      %dma_start3A_1197 = arith.constant 0 : i32
      %dma_start3A_1198 = tpu.memref_slice %arg11[%dma_start3A_1196, %dma_start3A_1197] : memref<32x128xf32, #tpu.memory_space<vmem>> -> memref<8x128xf32, #tpu.memory_space<vmem>>
      %dma_start3A_1199 = arith.constant 0 : i32
      %dma_start3A_1200 = arith.constant 0 : i32
      %dma_start3A_1201 = tpu.memref_slice %arg4[%select_n3A_1149, %dma_start3A_1195, %add3A_1133, %dma_start3A_1199, %dma_start3A_1200] : memref<50x4x128x8x128xf32, #tpu.memory_space<hbm>> -> memref<1x1x1x8x128xf32, #tpu.memory_space<hbm>>
      %dma_start3A_1202 = tpu.memref_squeeze %dma_start3A_1201 : memref<1x1x1x8x128xf32, #tpu.memory_space<hbm>> -> memref<8x128xf32, #tpu.memory_space<hbm>>
      %dma_start3A_1203 = arith.constant 0 : i32
      %dma_start3A_1204 = arith.constant 0 : i32
      %dma_start3A_1205 = tpu.memref_slice %arg4[%select_n3A_1149, %dma_start3A_1195, %add3A_1133, %dma_start3A_1203, %dma_start3A_1204] : memref<50x4x128x8x128xf32, #tpu.memory_space<hbm>> -> memref<1x1x1x8x128xf32, #tpu.memory_space<hbm>>
      %dma_start3A_1206 = tpu.memref_squeeze %dma_start3A_1205 : memref<1x1x1x8x128xf32, #tpu.memory_space<hbm>> -> memref<8x128xf32, #tpu.memory_space<hbm>>
      %dma_start3A_1207 = arith.constant 24 : i32
      %dma_start3A_1208 = arith.constant 0 : i32
      %dma_start3A_1209 = tpu.memref_slice %arg11[%dma_start3A_1207, %dma_start3A_1208] : memref<32x128xf32, #tpu.memory_space<vmem>> -> memref<8x128xf32, #tpu.memory_space<vmem>>
      tpu.enqueue_dma source(%dma_start3A_1209 : memref<8x128xf32, #tpu.memory_space<vmem>>) target(%dma_start3A_1206 : memref<8x128xf32, #tpu.memory_space<hbm>>) target_semaphore(%arg19 : memref<!tpu.dma_semaphore, #tpu.memory_space<semaphore_mem>>)
      %add3A_1210 = arith.constant 4 : i32
      %add3A_1211 = arith.addi %add3A_1089, %add3A_1210 : i32
      %jit3A_1212 = arith.constant 50 : i32
      %div3A_1213 = arith.divsi %add3A_1211, %jit3A_1212 : i32
      %sign3A_1214 = arith.constant 0 : i32
      %sign3A_1215 = arith.cmpi sgt, %add3A_1211, %sign3A_1214 : i32
      %sign3A_1216 = arith.extui %sign3A_1215 : i1 to i32
      %sign3A_1217 = arith.constant 0 : i32
      %sign3A_1218 = arith.cmpi slt, %add3A_1211, %sign3A_1217 : i32
      %sign3A_1219 = arith.extui %sign3A_1218 : i1 to i32
      %sign3A_1220 = arith.subi %sign3A_1216, %sign3A_1219 : i32
      %sign3A_1221 = arith.constant 0 : i32
      %sign3A_1222 = arith.cmpi sgt, %jit3A_1212, %sign3A_1221 : i32
      %sign3A_1223 = arith.extui %sign3A_1222 : i1 to i32
      %sign3A_1224 = arith.constant 0 : i32
      %sign3A_1225 = arith.cmpi slt, %jit3A_1212, %sign3A_1224 : i32
      %sign3A_1226 = arith.extui %sign3A_1225 : i1 to i32
      %sign3A_1227 = arith.subi %sign3A_1223, %sign3A_1226 : i32
      %ne3A_1228 = arith.cmpi ne, %sign3A_1220, %sign3A_1227 : i32
      %rem3A_1229 = arith.remsi %add3A_1211, %jit3A_1212 : i32
      %ne3A_1230 = arith.constant 0 : i32
      %ne3A_1231 = arith.cmpi ne, %rem3A_1229, %ne3A_1230 : i32
      %and3A_1232 = arith.andi %ne3A_1228, %ne3A_1231 : i1
      %sub3A_1233 = arith.constant 1 : i32
      %sub3A_1234 = arith.subi %div3A_1213, %sub3A_1233 : i32
      %select_n3A_1235 = arith.select %and3A_1232, %sub3A_1234, %div3A_1213 : i32
      %jit3A_1236 = arith.constant 50 : i32
      %eq3A_1237 = arith.constant 0 : i32
      %eq3A_1238 = arith.cmpi eq, %jit3A_1236, %eq3A_1237 : i32
      %jit3A_1239 = arith.constant 1 : i32
      %select_n3A_1240 = arith.select %eq3A_1238, %jit3A_1239, %jit3A_1236 : i32
      %rem3A_1241 = arith.remsi %add3A_1211, %select_n3A_1240 : i32
      %ne3A_1242 = arith.constant 0 : i32
      %ne3A_1243 = arith.cmpi ne, %rem3A_1241, %ne3A_1242 : i32
      %lt3A_1244 = arith.constant 0 : i32
      %lt3A_1245 = arith.cmpi slt, %rem3A_1241, %lt3A_1244 : i32
      %lt3A_1246 = arith.constant 0 : i32
      %lt3A_1247 = arith.cmpi slt, %select_n3A_1240, %lt3A_1246 : i32
      %ne3A_1248 = arith.xori %lt3A_1245, %lt3A_1247 : i1
      %and3A_1249 = arith.andi %ne3A_1248, %ne3A_1243 : i1
      %add3A_1250 = arith.addi %rem3A_1241, %select_n3A_1240 : i32
      %select_n3A_1251 = arith.select %and3A_1249, %add3A_1250, %rem3A_1241 : i32
      %dma_start3A_1252 = arith.constant 0 : i32
      %dma_start3A_1253 = tpu.memref_slice %arg5[%select_n3A_1235, %select_n3A_1251, %dma_start3A_1252] : memref<4x50x128xi32, #tpu.memory_space<vmem>> -> memref<1x1x128xi32, #tpu.memory_space<vmem>>
      %dma_start3A_1254 = tpu.memref_squeeze %dma_start3A_1253 : memref<1x1x128xi32, #tpu.memory_space<vmem>> -> memref<128xi32, #tpu.memory_space<vmem>>
      %dma_start3A_1255 = arith.constant 0 : i32
      %dma_start3A_1256 = arith.constant 0 : i32
      %dma_start3A_1257 = tpu.memref_slice %arg2[%dma_start3A_1255, %dma_start3A_1256] : memref<1000000x32xf32, #tpu.memory_space<hbm>> -> memref<1000000x32xf32, #tpu.memory_space<hbm>>
      tpu.enqueue_indirect_dma source(%dma_start3A_1257 : memref<1000000x32xf32, #tpu.memory_space<hbm>>) target(%arg7 : memref<128x32xf32, #tpu.memory_space<vmem>>) offsets(%dma_start3A_1254 : memref<128xi32, #tpu.memory_space<vmem>>) semaphore(%arg15 : memref<!tpu.dma_semaphore, #tpu.memory_space<semaphore_mem>>)
      %mul3A_1258 = arith.constant 4 : i32
      %mul3A_1259 = arith.muli %mul3A_1258, %scan3A_926 : i32
      %add3A_1260 = arith.constant 2 : i32
      %add3A_1261 = arith.addi %mul3A_1259, %add3A_1260 : i32
      %dma_wait3A_1262 = arith.constant 0 : i32
      %dma_wait3A_1263 = arith.constant 0 : i32
      %dma_wait3A_1264 = tpu.memref_slice %arg2[%dma_wait3A_1262, %dma_wait3A_1263] : memref<1000000x32xf32, #tpu.memory_space<hbm>> -> memref<128x32xf32, #tpu.memory_space<hbm>>
      %dma_wait3A_1265 = arith.constant 0 : i32
      %dma_wait3A_1266 = arith.constant 0 : i32
      %dma_wait3A_1267 = tpu.memref_slice %arg2[%dma_wait3A_1265, %dma_wait3A_1266] : memref<1000000x32xf32, #tpu.memory_space<hbm>> -> memref<128x32xf32, #tpu.memory_space<hbm>>
      tpu.wait_dma2 semaphore(%arg16 : memref<!tpu.dma_semaphore, #tpu.memory_space<semaphore_mem>>) src(%dma_wait3A_1267 : memref<128x32xf32, #tpu.memory_space<hbm>>) dst(%arg8 : memref<128x32xf32, #tpu.memory_space<vmem>>)
      %gt3A_1268 = arith.constant 0 : i32
      %gt3A_1269 = arith.cmpi sgt, %scan3A_926, %gt3A_1268 : i32
      %convert_element_type3A_1270 = arith.extui %gt3A_1269 : i1 to i32
      %cond3A_1271 = arith.constant 0 : i32
      %cond3A_1272 = arith.cmpi ne, %convert_element_type3A_1270, %cond3A_1271 : i32
      scf.if %cond3A_1272 {
        %dma_wait3A_1602 = arith.constant 0 : i32
        %dma_wait3A_1603 = arith.constant 0 : i32
        %dma_wait3A_1604 = arith.constant 0 : i32
        %dma_wait3A_1605 = arith.constant 0 : i32
        %dma_wait3A_1606 = arith.constant 0 : i32
        %dma_wait3A_1607 = tpu.memref_slice %arg12[%dma_wait3A_1605, %dma_wait3A_1606] : memref<32x128xf32, #tpu.memory_space<vmem>> -> memref<8x128xf32, #tpu.memory_space<vmem>>
        %dma_wait3A_1608 = arith.constant 0 : i32
        %dma_wait3A_1609 = arith.constant 0 : i32
        %dma_wait3A_1610 = tpu.memref_slice %arg4[%dma_wait3A_1602, %dma_wait3A_1603, %dma_wait3A_1604, %dma_wait3A_1608, %dma_wait3A_1609] : memref<50x4x128x8x128xf32, #tpu.memory_space<hbm>> -> memref<1x1x1x8x128xf32, #tpu.memory_space<hbm>>
        %dma_wait3A_1611 = tpu.memref_squeeze %dma_wait3A_1610 : memref<1x1x1x8x128xf32, #tpu.memory_space<hbm>> -> memref<8x128xf32, #tpu.memory_space<hbm>>
        %dma_wait3A_1612 = arith.constant 0 : i32
        %dma_wait3A_1613 = arith.constant 0 : i32
        %dma_wait3A_1614 = tpu.memref_slice %arg12[%dma_wait3A_1612, %dma_wait3A_1613] : memref<32x128xf32, #tpu.memory_space<vmem>> -> memref<8x128xf32, #tpu.memory_space<vmem>>
        %dma_wait3A_1615 = arith.constant 0 : i32
        %dma_wait3A_1616 = arith.constant 0 : i32
        %dma_wait3A_1617 = tpu.memref_slice %arg4[%dma_wait3A_1602, %dma_wait3A_1603, %dma_wait3A_1604, %dma_wait3A_1615, %dma_wait3A_1616] : memref<50x4x128x8x128xf32, #tpu.memory_space<hbm>> -> memref<1x1x1x8x128xf32, #tpu.memory_space<hbm>>
        %dma_wait3A_1618 = tpu.memref_squeeze %dma_wait3A_1617 : memref<1x1x1x8x128xf32, #tpu.memory_space<hbm>> -> memref<8x128xf32, #tpu.memory_space<hbm>>
        tpu.wait_dma2 semaphore(%arg20 : memref<!tpu.dma_semaphore, #tpu.memory_space<semaphore_mem>>) src(%dma_wait3A_1618 : memref<8x128xf32, #tpu.memory_space<hbm>>) dst(%dma_wait3A_1614 : memref<8x128xf32, #tpu.memory_space<vmem>>)
        %dma_wait3A_1619 = arith.constant 0 : i32
        %dma_wait3A_1620 = arith.constant 0 : i32
        %dma_wait3A_1621 = arith.constant 0 : i32
        %dma_wait3A_1622 = arith.constant 8 : i32
        %dma_wait3A_1623 = arith.constant 0 : i32
        %dma_wait3A_1624 = tpu.memref_slice %arg12[%dma_wait3A_1622, %dma_wait3A_1623] : memref<32x128xf32, #tpu.memory_space<vmem>> -> memref<8x128xf32, #tpu.memory_space<vmem>>
        %dma_wait3A_1625 = arith.constant 0 : i32
        %dma_wait3A_1626 = arith.constant 0 : i32
        %dma_wait3A_1627 = tpu.memref_slice %arg4[%dma_wait3A_1619, %dma_wait3A_1620, %dma_wait3A_1621, %dma_wait3A_1625, %dma_wait3A_1626] : memref<50x4x128x8x128xf32, #tpu.memory_space<hbm>> -> memref<1x1x1x8x128xf32, #tpu.memory_space<hbm>>
        %dma_wait3A_1628 = tpu.memref_squeeze %dma_wait3A_1627 : memref<1x1x1x8x128xf32, #tpu.memory_space<hbm>> -> memref<8x128xf32, #tpu.memory_space<hbm>>
        %dma_wait3A_1629 = arith.constant 8 : i32
        %dma_wait3A_1630 = arith.constant 0 : i32
        %dma_wait3A_1631 = tpu.memref_slice %arg12[%dma_wait3A_1629, %dma_wait3A_1630] : memref<32x128xf32, #tpu.memory_space<vmem>> -> memref<8x128xf32, #tpu.memory_space<vmem>>
        %dma_wait3A_1632 = arith.constant 0 : i32
        %dma_wait3A_1633 = arith.constant 0 : i32
        %dma_wait3A_1634 = tpu.memref_slice %arg4[%dma_wait3A_1619, %dma_wait3A_1620, %dma_wait3A_1621, %dma_wait3A_1632, %dma_wait3A_1633] : memref<50x4x128x8x128xf32, #tpu.memory_space<hbm>> -> memref<1x1x1x8x128xf32, #tpu.memory_space<hbm>>
        %dma_wait3A_1635 = tpu.memref_squeeze %dma_wait3A_1634 : memref<1x1x1x8x128xf32, #tpu.memory_space<hbm>> -> memref<8x128xf32, #tpu.memory_space<hbm>>
        tpu.wait_dma2 semaphore(%arg20 : memref<!tpu.dma_semaphore, #tpu.memory_space<semaphore_mem>>) src(%dma_wait3A_1635 : memref<8x128xf32, #tpu.memory_space<hbm>>) dst(%dma_wait3A_1631 : memref<8x128xf32, #tpu.memory_space<vmem>>)
        %dma_wait3A_1636 = arith.constant 0 : i32
        %dma_wait3A_1637 = arith.constant 0 : i32
        %dma_wait3A_1638 = arith.constant 0 : i32
        %dma_wait3A_1639 = arith.constant 16 : i32
        %dma_wait3A_1640 = arith.constant 0 : i32
        %dma_wait3A_1641 = tpu.memref_slice %arg12[%dma_wait3A_1639, %dma_wait3A_1640] : memref<32x128xf32, #tpu.memory_space<vmem>> -> memref<8x128xf32, #tpu.memory_space<vmem>>
        %dma_wait3A_1642 = arith.constant 0 : i32
        %dma_wait3A_1643 = arith.constant 0 : i32
        %dma_wait3A_1644 = tpu.memref_slice %arg4[%dma_wait3A_1636, %dma_wait3A_1637, %dma_wait3A_1638, %dma_wait3A_1642, %dma_wait3A_1643] : memref<50x4x128x8x128xf32, #tpu.memory_space<hbm>> -> memref<1x1x1x8x128xf32, #tpu.memory_space<hbm>>
        %dma_wait3A_1645 = tpu.memref_squeeze %dma_wait3A_1644 : memref<1x1x1x8x128xf32, #tpu.memory_space<hbm>> -> memref<8x128xf32, #tpu.memory_space<hbm>>
        %dma_wait3A_1646 = arith.constant 16 : i32
        %dma_wait3A_1647 = arith.constant 0 : i32
        %dma_wait3A_1648 = tpu.memref_slice %arg12[%dma_wait3A_1646, %dma_wait3A_1647] : memref<32x128xf32, #tpu.memory_space<vmem>> -> memref<8x128xf32, #tpu.memory_space<vmem>>
        %dma_wait3A_1649 = arith.constant 0 : i32
        %dma_wait3A_1650 = arith.constant 0 : i32
        %dma_wait3A_1651 = tpu.memref_slice %arg4[%dma_wait3A_1636, %dma_wait3A_1637, %dma_wait3A_1638, %dma_wait3A_1649, %dma_wait3A_1650] : memref<50x4x128x8x128xf32, #tpu.memory_space<hbm>> -> memref<1x1x1x8x128xf32, #tpu.memory_space<hbm>>
        %dma_wait3A_1652 = tpu.memref_squeeze %dma_wait3A_1651 : memref<1x1x1x8x128xf32, #tpu.memory_space<hbm>> -> memref<8x128xf32, #tpu.memory_space<hbm>>
        tpu.wait_dma2 semaphore(%arg20 : memref<!tpu.dma_semaphore, #tpu.memory_space<semaphore_mem>>) src(%dma_wait3A_1652 : memref<8x128xf32, #tpu.memory_space<hbm>>) dst(%dma_wait3A_1648 : memref<8x128xf32, #tpu.memory_space<vmem>>)
        %dma_wait3A_1653 = arith.constant 0 : i32
        %dma_wait3A_1654 = arith.constant 0 : i32
        %dma_wait3A_1655 = arith.constant 0 : i32
        %dma_wait3A_1656 = arith.constant 24 : i32
        %dma_wait3A_1657 = arith.constant 0 : i32
        %dma_wait3A_1658 = tpu.memref_slice %arg12[%dma_wait3A_1656, %dma_wait3A_1657] : memref<32x128xf32, #tpu.memory_space<vmem>> -> memref<8x128xf32, #tpu.memory_space<vmem>>
        %dma_wait3A_1659 = arith.constant 0 : i32
        %dma_wait3A_1660 = arith.constant 0 : i32
        %dma_wait3A_1661 = tpu.memref_slice %arg4[%dma_wait3A_1653, %dma_wait3A_1654, %dma_wait3A_1655, %dma_wait3A_1659, %dma_wait3A_1660] : memref<50x4x128x8x128xf32, #tpu.memory_space<hbm>> -> memref<1x1x1x8x128xf32, #tpu.memory_space<hbm>>
        %dma_wait3A_1662 = tpu.memref_squeeze %dma_wait3A_1661 : memref<1x1x1x8x128xf32, #tpu.memory_space<hbm>> -> memref<8x128xf32, #tpu.memory_space<hbm>>
        %dma_wait3A_1663 = arith.constant 24 : i32
        %dma_wait3A_1664 = arith.constant 0 : i32
        %dma_wait3A_1665 = tpu.memref_slice %arg12[%dma_wait3A_1663, %dma_wait3A_1664] : memref<32x128xf32, #tpu.memory_space<vmem>> -> memref<8x128xf32, #tpu.memory_space<vmem>>
        %dma_wait3A_1666 = arith.constant 0 : i32
        %dma_wait3A_1667 = arith.constant 0 : i32
        %dma_wait3A_1668 = tpu.memref_slice %arg4[%dma_wait3A_1653, %dma_wait3A_1654, %dma_wait3A_1655, %dma_wait3A_1666, %dma_wait3A_1667] : memref<50x4x128x8x128xf32, #tpu.memory_space<hbm>> -> memref<1x1x1x8x128xf32, #tpu.memory_space<hbm>>
        %dma_wait3A_1669 = tpu.memref_squeeze %dma_wait3A_1668 : memref<1x1x1x8x128xf32, #tpu.memory_space<hbm>> -> memref<8x128xf32, #tpu.memory_space<hbm>>
        tpu.wait_dma2 semaphore(%arg20 : memref<!tpu.dma_semaphore, #tpu.memory_space<semaphore_mem>>) src(%dma_wait3A_1669 : memref<8x128xf32, #tpu.memory_space<hbm>>) dst(%dma_wait3A_1665 : memref<8x128xf32, #tpu.memory_space<vmem>>)
      } else {
      }
      %scan3A_1273 = arith.constant 0 : i32
      %scan3A_1274 = arith.constant 0 : i32
      %scan3A_1275 = arith.constant 32 : i32
      %scan3A_1276 = arith.addi %scan3A_1274, %scan3A_1275 : i32
      %scan3A_1277 = arith.constant 1 : i32
      scf.for %scan3A_1602 = %scan3A_1274 to %scan3A_1276 step %scan3A_1277  : i32 {
        %broadcast_in_dim3A = vector.broadcast %scan3A_1602 : i32 to vector<16xi32>
        %gather3A = tpu.vector_load_idx %arg8[%add3A_5, %broadcast_in_dim3A] : memref<128x32xf32, #tpu.memory_space<vmem>>[vector<16xi32>, vector<16xi32>], vector<16xf32>,
        %swap3A = arith.index_cast %scan3A_1602 : i32 to index
        %swap3A_1603 = arith.constant 0 : index
        %swap3A_1604 = tpu.vector_load %arg12[%swap3A, %swap3A_1603] {strides = array<i32>} : memref<32x128xf32, #tpu.memory_space<vmem>>, vector<16xf32>,
        tpu.vector_store %arg12[%swap3A, %swap3A_1603], %gather3A {strides = array<i32>} : memref<32x128xf32, #tpu.memory_space<vmem>>, vector<16xf32>,
        %gather3A_1605 = tpu.vector_load_idx %arg8[%add3A_8, %broadcast_in_dim3A] : memref<128x32xf32, #tpu.memory_space<vmem>>[vector<16xi32>, vector<16xi32>], vector<16xf32>,
        %swap3A_1606 = arith.index_cast %scan3A_1602 : i32 to index
        %swap3A_1607 = arith.constant 16 : index
        %swap3A_1608 = tpu.vector_load %arg12[%swap3A_1606, %swap3A_1607] {strides = array<i32>} : memref<32x128xf32, #tpu.memory_space<vmem>>, vector<16xf32>,
        tpu.vector_store %arg12[%swap3A_1606, %swap3A_1607], %gather3A_1605 {strides = array<i32>} : memref<32x128xf32, #tpu.memory_space<vmem>>, vector<16xf32>,
        %gather3A_1609 = tpu.vector_load_idx %arg8[%add3A_11, %broadcast_in_dim3A] : memref<128x32xf32, #tpu.memory_space<vmem>>[vector<16xi32>, vector<16xi32>], vector<16xf32>,
        %swap3A_1610 = arith.index_cast %scan3A_1602 : i32 to index
        %swap3A_1611 = arith.constant 32 : index
        %swap3A_1612 = tpu.vector_load %arg12[%swap3A_1610, %swap3A_1611] {strides = array<i32>} : memref<32x128xf32, #tpu.memory_space<vmem>>, vector<16xf32>,
        tpu.vector_store %arg12[%swap3A_1610, %swap3A_1611], %gather3A_1609 {strides = array<i32>} : memref<32x128xf32, #tpu.memory_space<vmem>>, vector<16xf32>,
        %gather3A_1613 = tpu.vector_load_idx %arg8[%add3A_14, %broadcast_in_dim3A] : memref<128x32xf32, #tpu.memory_space<vmem>>[vector<16xi32>, vector<16xi32>], vector<16xf32>,
        %swap3A_1614 = arith.index_cast %scan3A_1602 : i32 to index
        %swap3A_1615 = arith.constant 48 : index
        %swap3A_1616 = tpu.vector_load %arg12[%swap3A_1614, %swap3A_1615] {strides = array<i32>} : memref<32x128xf32, #tpu.memory_space<vmem>>, vector<16xf32>,
        tpu.vector_store %arg12[%swap3A_1614, %swap3A_1615], %gather3A_1613 {strides = array<i32>} : memref<32x128xf32, #tpu.memory_space<vmem>>, vector<16xf32>,
        %gather3A_1617 = tpu.vector_load_idx %arg8[%add3A_17, %broadcast_in_dim3A] : memref<128x32xf32, #tpu.memory_space<vmem>>[vector<16xi32>, vector<16xi32>], vector<16xf32>,
        %swap3A_1618 = arith.index_cast %scan3A_1602 : i32 to index
        %swap3A_1619 = arith.constant 64 : index
        %swap3A_1620 = tpu.vector_load %arg12[%swap3A_1618, %swap3A_1619] {strides = array<i32>} : memref<32x128xf32, #tpu.memory_space<vmem>>, vector<16xf32>,
        tpu.vector_store %arg12[%swap3A_1618, %swap3A_1619], %gather3A_1617 {strides = array<i32>} : memref<32x128xf32, #tpu.memory_space<vmem>>, vector<16xf32>,
        %gather3A_1621 = tpu.vector_load_idx %arg8[%add3A_20, %broadcast_in_dim3A] : memref<128x32xf32, #tpu.memory_space<vmem>>[vector<16xi32>, vector<16xi32>], vector<16xf32>,
        %swap3A_1622 = arith.index_cast %scan3A_1602 : i32 to index
        %swap3A_1623 = arith.constant 80 : index
        %swap3A_1624 = tpu.vector_load %arg12[%swap3A_1622, %swap3A_1623] {strides = array<i32>} : memref<32x128xf32, #tpu.memory_space<vmem>>, vector<16xf32>,
        tpu.vector_store %arg12[%swap3A_1622, %swap3A_1623], %gather3A_1621 {strides = array<i32>} : memref<32x128xf32, #tpu.memory_space<vmem>>, vector<16xf32>,
        %gather3A_1625 = tpu.vector_load_idx %arg8[%add3A_23, %broadcast_in_dim3A] : memref<128x32xf32, #tpu.memory_space<vmem>>[vector<16xi32>, vector<16xi32>], vector<16xf32>,
        %swap3A_1626 = arith.index_cast %scan3A_1602 : i32 to index
        %swap3A_1627 = arith.constant 96 : index
        %swap3A_1628 = tpu.vector_load %arg12[%swap3A_1626, %swap3A_1627] {strides = array<i32>} : memref<32x128xf32, #tpu.memory_space<vmem>>, vector<16xf32>,
        tpu.vector_store %arg12[%swap3A_1626, %swap3A_1627], %gather3A_1625 {strides = array<i32>} : memref<32x128xf32, #tpu.memory_space<vmem>>, vector<16xf32>,
        %gather3A_1629 = tpu.vector_load_idx %arg8[%add3A_26, %broadcast_in_dim3A] : memref<128x32xf32, #tpu.memory_space<vmem>>[vector<16xi32>, vector<16xi32>], vector<16xf32>,
        %swap3A_1630 = arith.index_cast %scan3A_1602 : i32 to index
        %swap3A_1631 = arith.constant 112 : index
        %swap3A_1632 = tpu.vector_load %arg12[%swap3A_1630, %swap3A_1631] {strides = array<i32>} : memref<32x128xf32, #tpu.memory_space<vmem>>, vector<16xf32>,
        tpu.vector_store %arg12[%swap3A_1630, %swap3A_1631], %gather3A_1629 {strides = array<i32>} : memref<32x128xf32, #tpu.memory_space<vmem>>, vector<16xf32>,
      }
      %scan3A_1278 = arith.constant 32 : i32
      %mul3A_1279 = arith.constant 4 : i32
      %mul3A_1280 = arith.muli %add3A, %mul3A_1279 : i32
      %jit3A_1281 = arith.constant 50 : i32
      %div3A_1282 = arith.divsi %add3A_1261, %jit3A_1281 : i32
      %sign3A_1283 = arith.constant 0 : i32
      %sign3A_1284 = arith.cmpi sgt, %add3A_1261, %sign3A_1283 : i32
      %sign3A_1285 = arith.extui %sign3A_1284 : i1 to i32
      %sign3A_1286 = arith.constant 0 : i32
      %sign3A_1287 = arith.cmpi slt, %add3A_1261, %sign3A_1286 : i32
      %sign3A_1288 = arith.extui %sign3A_1287 : i1 to i32
      %sign3A_1289 = arith.subi %sign3A_1285, %sign3A_1288 : i32
      %sign3A_1290 = arith.constant 0 : i32
      %sign3A_1291 = arith.cmpi sgt, %jit3A_1281, %sign3A_1290 : i32
      %sign3A_1292 = arith.extui %sign3A_1291 : i1 to i32
      %sign3A_1293 = arith.constant 0 : i32
      %sign3A_1294 = arith.cmpi slt, %jit3A_1281, %sign3A_1293 : i32
      %sign3A_1295 = arith.extui %sign3A_1294 : i1 to i32
      %sign3A_1296 = arith.subi %sign3A_1292, %sign3A_1295 : i32
      %ne3A_1297 = arith.cmpi ne, %sign3A_1289, %sign3A_1296 : i32
      %rem3A_1298 = arith.remsi %add3A_1261, %jit3A_1281 : i32
      %ne3A_1299 = arith.constant 0 : i32
      %ne3A_1300 = arith.cmpi ne, %rem3A_1298, %ne3A_1299 : i32
      %and3A_1301 = arith.andi %ne3A_1297, %ne3A_1300 : i1
      %sub3A_1302 = arith.constant 1 : i32
      %sub3A_1303 = arith.subi %div3A_1282, %sub3A_1302 : i32
      %select_n3A_1304 = arith.select %and3A_1301, %sub3A_1303, %div3A_1282 : i32
      %add3A_1305 = arith.addi %mul3A_1280, %select_n3A_1304 : i32
      %jit3A_1306 = arith.constant 50 : i32
      %eq3A_1307 = arith.constant 0 : i32
      %eq3A_1308 = arith.cmpi eq, %jit3A_1306, %eq3A_1307 : i32
      %jit3A_1309 = arith.constant 1 : i32
      %select_n3A_1310 = arith.select %eq3A_1308, %jit3A_1309, %jit3A_1306 : i32
      %rem3A_1311 = arith.remsi %add3A_1261, %select_n3A_1310 : i32
      %ne3A_1312 = arith.constant 0 : i32
      %ne3A_1313 = arith.cmpi ne, %rem3A_1311, %ne3A_1312 : i32
      %lt3A_1314 = arith.constant 0 : i32
      %lt3A_1315 = arith.cmpi slt, %rem3A_1311, %lt3A_1314 : i32
      %lt3A_1316 = arith.constant 0 : i32
      %lt3A_1317 = arith.cmpi slt, %select_n3A_1310, %lt3A_1316 : i32
      %ne3A_1318 = arith.xori %lt3A_1315, %lt3A_1317 : i1
      %and3A_1319 = arith.andi %ne3A_1318, %ne3A_1313 : i1
      %add3A_1320 = arith.addi %rem3A_1311, %select_n3A_1310 : i32
      %select_n3A_1321 = arith.select %and3A_1319, %add3A_1320, %rem3A_1311 : i32
      %dma_start3A_1322 = arith.constant 0 : i32
      %dma_start3A_1323 = arith.constant 0 : i32
      %dma_start3A_1324 = arith.constant 0 : i32
      %dma_start3A_1325 = tpu.memref_slice %arg12[%dma_start3A_1323, %dma_start3A_1324] : memref<32x128xf32, #tpu.memory_space<vmem>> -> memref<8x128xf32, #tpu.memory_space<vmem>>
      %dma_start3A_1326 = arith.constant 0 : i32
      %dma_start3A_1327 = arith.constant 0 : i32
      %dma_start3A_1328 = tpu.memref_slice %arg4[%select_n3A_1321, %dma_start3A_1322, %add3A_1305, %dma_start3A_1326, %dma_start3A_1327] : memref<50x4x128x8x128xf32, #tpu.memory_space<hbm>> -> memref<1x1x1x8x128xf32, #tpu.memory_space<hbm>>
      %dma_start3A_1329 = tpu.memref_squeeze %dma_start3A_1328 : memref<1x1x1x8x128xf32, #tpu.memory_space<hbm>> -> memref<8x128xf32, #tpu.memory_space<hbm>>
      %dma_start3A_1330 = arith.constant 0 : i32
      %dma_start3A_1331 = arith.constant 0 : i32
      %dma_start3A_1332 = tpu.memref_slice %arg4[%select_n3A_1321, %dma_start3A_1322, %add3A_1305, %dma_start3A_1330, %dma_start3A_1331] : memref<50x4x128x8x128xf32, #tpu.memory_space<hbm>> -> memref<1x1x1x8x128xf32, #tpu.memory_space<hbm>>
      %dma_start3A_1333 = tpu.memref_squeeze %dma_start3A_1332 : memref<1x1x1x8x128xf32, #tpu.memory_space<hbm>> -> memref<8x128xf32, #tpu.memory_space<hbm>>
      %dma_start3A_1334 = arith.constant 0 : i32
      %dma_start3A_1335 = arith.constant 0 : i32
      %dma_start3A_1336 = tpu.memref_slice %arg12[%dma_start3A_1334, %dma_start3A_1335] : memref<32x128xf32, #tpu.memory_space<vmem>> -> memref<8x128xf32, #tpu.memory_space<vmem>>
      tpu.enqueue_dma source(%dma_start3A_1336 : memref<8x128xf32, #tpu.memory_space<vmem>>) target(%dma_start3A_1333 : memref<8x128xf32, #tpu.memory_space<hbm>>) target_semaphore(%arg20 : memref<!tpu.dma_semaphore, #tpu.memory_space<semaphore_mem>>)
      %dma_start3A_1337 = arith.constant 1 : i32
      %dma_start3A_1338 = arith.constant 8 : i32
      %dma_start3A_1339 = arith.constant 0 : i32
      %dma_start3A_1340 = tpu.memref_slice %arg12[%dma_start3A_1338, %dma_start3A_1339] : memref<32x128xf32, #tpu.memory_space<vmem>> -> memref<8x128xf32, #tpu.memory_space<vmem>>
      %dma_start3A_1341 = arith.constant 0 : i32
      %dma_start3A_1342 = arith.constant 0 : i32
      %dma_start3A_1343 = tpu.memref_slice %arg4[%select_n3A_1321, %dma_start3A_1337, %add3A_1305, %dma_start3A_1341, %dma_start3A_1342] : memref<50x4x128x8x128xf32, #tpu.memory_space<hbm>> -> memref<1x1x1x8x128xf32, #tpu.memory_space<hbm>>
      %dma_start3A_1344 = tpu.memref_squeeze %dma_start3A_1343 : memref<1x1x1x8x128xf32, #tpu.memory_space<hbm>> -> memref<8x128xf32, #tpu.memory_space<hbm>>
      %dma_start3A_1345 = arith.constant 0 : i32
      %dma_start3A_1346 = arith.constant 0 : i32
      %dma_start3A_1347 = tpu.memref_slice %arg4[%select_n3A_1321, %dma_start3A_1337, %add3A_1305, %dma_start3A_1345, %dma_start3A_1346] : memref<50x4x128x8x128xf32, #tpu.memory_space<hbm>> -> memref<1x1x1x8x128xf32, #tpu.memory_space<hbm>>
      %dma_start3A_1348 = tpu.memref_squeeze %dma_start3A_1347 : memref<1x1x1x8x128xf32, #tpu.memory_space<hbm>> -> memref<8x128xf32, #tpu.memory_space<hbm>>
      %dma_start3A_1349 = arith.constant 8 : i32
      %dma_start3A_1350 = arith.constant 0 : i32
      %dma_start3A_1351 = tpu.memref_slice %arg12[%dma_start3A_1349, %dma_start3A_1350] : memref<32x128xf32, #tpu.memory_space<vmem>> -> memref<8x128xf32, #tpu.memory_space<vmem>>
      tpu.enqueue_dma source(%dma_start3A_1351 : memref<8x128xf32, #tpu.memory_space<vmem>>) target(%dma_start3A_1348 : memref<8x128xf32, #tpu.memory_space<hbm>>) target_semaphore(%arg20 : memref<!tpu.dma_semaphore, #tpu.memory_space<semaphore_mem>>)
      %dma_start3A_1352 = arith.constant 2 : i32
      %dma_start3A_1353 = arith.constant 16 : i32
      %dma_start3A_1354 = arith.constant 0 : i32
      %dma_start3A_1355 = tpu.memref_slice %arg12[%dma_start3A_1353, %dma_start3A_1354] : memref<32x128xf32, #tpu.memory_space<vmem>> -> memref<8x128xf32, #tpu.memory_space<vmem>>
      %dma_start3A_1356 = arith.constant 0 : i32
      %dma_start3A_1357 = arith.constant 0 : i32
      %dma_start3A_1358 = tpu.memref_slice %arg4[%select_n3A_1321, %dma_start3A_1352, %add3A_1305, %dma_start3A_1356, %dma_start3A_1357] : memref<50x4x128x8x128xf32, #tpu.memory_space<hbm>> -> memref<1x1x1x8x128xf32, #tpu.memory_space<hbm>>
      %dma_start3A_1359 = tpu.memref_squeeze %dma_start3A_1358 : memref<1x1x1x8x128xf32, #tpu.memory_space<hbm>> -> memref<8x128xf32, #tpu.memory_space<hbm>>
      %dma_start3A_1360 = arith.constant 0 : i32
      %dma_start3A_1361 = arith.constant 0 : i32
      %dma_start3A_1362 = tpu.memref_slice %arg4[%select_n3A_1321, %dma_start3A_1352, %add3A_1305, %dma_start3A_1360, %dma_start3A_1361] : memref<50x4x128x8x128xf32, #tpu.memory_space<hbm>> -> memref<1x1x1x8x128xf32, #tpu.memory_space<hbm>>
      %dma_start3A_1363 = tpu.memref_squeeze %dma_start3A_1362 : memref<1x1x1x8x128xf32, #tpu.memory_space<hbm>> -> memref<8x128xf32, #tpu.memory_space<hbm>>
      %dma_start3A_1364 = arith.constant 16 : i32
      %dma_start3A_1365 = arith.constant 0 : i32
      %dma_start3A_1366 = tpu.memref_slice %arg12[%dma_start3A_1364, %dma_start3A_1365] : memref<32x128xf32, #tpu.memory_space<vmem>> -> memref<8x128xf32, #tpu.memory_space<vmem>>
      tpu.enqueue_dma source(%dma_start3A_1366 : memref<8x128xf32, #tpu.memory_space<vmem>>) target(%dma_start3A_1363 : memref<8x128xf32, #tpu.memory_space<hbm>>) target_semaphore(%arg20 : memref<!tpu.dma_semaphore, #tpu.memory_space<semaphore_mem>>)
      %dma_start3A_1367 = arith.constant 3 : i32
      %dma_start3A_1368 = arith.constant 24 : i32
      %dma_start3A_1369 = arith.constant 0 : i32
      %dma_start3A_1370 = tpu.memref_slice %arg12[%dma_start3A_1368, %dma_start3A_1369] : memref<32x128xf32, #tpu.memory_space<vmem>> -> memref<8x128xf32, #tpu.memory_space<vmem>>
      %dma_start3A_1371 = arith.constant 0 : i32
      %dma_start3A_1372 = arith.constant 0 : i32
      %dma_start3A_1373 = tpu.memref_slice %arg4[%select_n3A_1321, %dma_start3A_1367, %add3A_1305, %dma_start3A_1371, %dma_start3A_1372] : memref<50x4x128x8x128xf32, #tpu.memory_space<hbm>> -> memref<1x1x1x8x128xf32, #tpu.memory_space<hbm>>
      %dma_start3A_1374 = tpu.memref_squeeze %dma_start3A_1373 : memref<1x1x1x8x128xf32, #tpu.memory_space<hbm>> -> memref<8x128xf32, #tpu.memory_space<hbm>>
      %dma_start3A_1375 = arith.constant 0 : i32
      %dma_start3A_1376 = arith.constant 0 : i32
      %dma_start3A_1377 = tpu.memref_slice %arg4[%select_n3A_1321, %dma_start3A_1367, %add3A_1305, %dma_start3A_1375, %dma_start3A_1376] : memref<50x4x128x8x128xf32, #tpu.memory_space<hbm>> -> memref<1x1x1x8x128xf32, #tpu.memory_space<hbm>>
      %dma_start3A_1378 = tpu.memref_squeeze %dma_start3A_1377 : memref<1x1x1x8x128xf32, #tpu.memory_space<hbm>> -> memref<8x128xf32, #tpu.memory_space<hbm>>
      %dma_start3A_1379 = arith.constant 24 : i32
      %dma_start3A_1380 = arith.constant 0 : i32
      %dma_start3A_1381 = tpu.memref_slice %arg12[%dma_start3A_1379, %dma_start3A_1380] : memref<32x128xf32, #tpu.memory_space<vmem>> -> memref<8x128xf32, #tpu.memory_space<vmem>>
      tpu.enqueue_dma source(%dma_start3A_1381 : memref<8x128xf32, #tpu.memory_space<vmem>>) target(%dma_start3A_1378 : memref<8x128xf32, #tpu.memory_space<hbm>>) target_semaphore(%arg20 : memref<!tpu.dma_semaphore, #tpu.memory_space<semaphore_mem>>)
      %add3A_1382 = arith.constant 4 : i32
      %add3A_1383 = arith.addi %add3A_1261, %add3A_1382 : i32
      %jit3A_1384 = arith.constant 50 : i32
      %div3A_1385 = arith.divsi %add3A_1383, %jit3A_1384 : i32
      %sign3A_1386 = arith.constant 0 : i32
      %sign3A_1387 = arith.cmpi sgt, %add3A_1383, %sign3A_1386 : i32
      %sign3A_1388 = arith.extui %sign3A_1387 : i1 to i32
      %sign3A_1389 = arith.constant 0 : i32
      %sign3A_1390 = arith.cmpi slt, %add3A_1383, %sign3A_1389 : i32
      %sign3A_1391 = arith.extui %sign3A_1390 : i1 to i32
      %sign3A_1392 = arith.subi %sign3A_1388, %sign3A_1391 : i32
      %sign3A_1393 = arith.constant 0 : i32
      %sign3A_1394 = arith.cmpi sgt, %jit3A_1384, %sign3A_1393 : i32
      %sign3A_1395 = arith.extui %sign3A_1394 : i1 to i32
      %sign3A_1396 = arith.constant 0 : i32
      %sign3A_1397 = arith.cmpi slt, %jit3A_1384, %sign3A_1396 : i32
      %sign3A_1398 = arith.extui %sign3A_1397 : i1 to i32
      %sign3A_1399 = arith.subi %sign3A_1395, %sign3A_1398 : i32
      %ne3A_1400 = arith.cmpi ne, %sign3A_1392, %sign3A_1399 : i32
      %rem3A_1401 = arith.remsi %add3A_1383, %jit3A_1384 : i32
      %ne3A_1402 = arith.constant 0 : i32
      %ne3A_1403 = arith.cmpi ne, %rem3A_1401, %ne3A_1402 : i32
      %and3A_1404 = arith.andi %ne3A_1400, %ne3A_1403 : i1
      %sub3A_1405 = arith.constant 1 : i32
      %sub3A_1406 = arith.subi %div3A_1385, %sub3A_1405 : i32
      %select_n3A_1407 = arith.select %and3A_1404, %sub3A_1406, %div3A_1385 : i32
      %jit3A_1408 = arith.constant 50 : i32
      %eq3A_1409 = arith.constant 0 : i32
      %eq3A_1410 = arith.cmpi eq, %jit3A_1408, %eq3A_1409 : i32
      %jit3A_1411 = arith.constant 1 : i32
      %select_n3A_1412 = arith.select %eq3A_1410, %jit3A_1411, %jit3A_1408 : i32
      %rem3A_1413 = arith.remsi %add3A_1383, %select_n3A_1412 : i32
      %ne3A_1414 = arith.constant 0 : i32
      %ne3A_1415 = arith.cmpi ne, %rem3A_1413, %ne3A_1414 : i32
      %lt3A_1416 = arith.constant 0 : i32
      %lt3A_1417 = arith.cmpi slt, %rem3A_1413, %lt3A_1416 : i32
      %lt3A_1418 = arith.constant 0 : i32
      %lt3A_1419 = arith.cmpi slt, %select_n3A_1412, %lt3A_1418 : i32
      %ne3A_1420 = arith.xori %lt3A_1417, %lt3A_1419 : i1
      %and3A_1421 = arith.andi %ne3A_1420, %ne3A_1415 : i1
      %add3A_1422 = arith.addi %rem3A_1413, %select_n3A_1412 : i32
      %select_n3A_1423 = arith.select %and3A_1421, %add3A_1422, %rem3A_1413 : i32
      %dma_start3A_1424 = arith.constant 0 : i32
      %dma_start3A_1425 = tpu.memref_slice %arg5[%select_n3A_1407, %select_n3A_1423, %dma_start3A_1424] : memref<4x50x128xi32, #tpu.memory_space<vmem>> -> memref<1x1x128xi32, #tpu.memory_space<vmem>>
      %dma_start3A_1426 = tpu.memref_squeeze %dma_start3A_1425 : memref<1x1x128xi32, #tpu.memory_space<vmem>> -> memref<128xi32, #tpu.memory_space<vmem>>
      %dma_start3A_1427 = arith.constant 0 : i32
      %dma_start3A_1428 = arith.constant 0 : i32
      %dma_start3A_1429 = tpu.memref_slice %arg2[%dma_start3A_1427, %dma_start3A_1428] : memref<1000000x32xf32, #tpu.memory_space<hbm>> -> memref<1000000x32xf32, #tpu.memory_space<hbm>>
      tpu.enqueue_indirect_dma source(%dma_start3A_1429 : memref<1000000x32xf32, #tpu.memory_space<hbm>>) target(%arg8 : memref<128x32xf32, #tpu.memory_space<vmem>>) offsets(%dma_start3A_1426 : memref<128xi32, #tpu.memory_space<vmem>>) semaphore(%arg16 : memref<!tpu.dma_semaphore, #tpu.memory_space<semaphore_mem>>)
      %mul3A_1430 = arith.constant 4 : i32
      %mul3A_1431 = arith.muli %mul3A_1430, %scan3A_926 : i32
      %add3A_1432 = arith.constant 3 : i32
      %add3A_1433 = arith.addi %mul3A_1431, %add3A_1432 : i32
      %dma_wait3A_1434 = arith.constant 0 : i32
      %dma_wait3A_1435 = arith.constant 0 : i32
      %dma_wait3A_1436 = tpu.memref_slice %arg2[%dma_wait3A_1434, %dma_wait3A_1435] : memref<1000000x32xf32, #tpu.memory_space<hbm>> -> memref<128x32xf32, #tpu.memory_space<hbm>>
      %dma_wait3A_1437 = arith.constant 0 : i32
      %dma_wait3A_1438 = arith.constant 0 : i32
      %dma_wait3A_1439 = tpu.memref_slice %arg2[%dma_wait3A_1437, %dma_wait3A_1438] : memref<1000000x32xf32, #tpu.memory_space<hbm>> -> memref<128x32xf32, #tpu.memory_space<hbm>>
      tpu.wait_dma2 semaphore(%arg17 : memref<!tpu.dma_semaphore, #tpu.memory_space<semaphore_mem>>) src(%dma_wait3A_1439 : memref<128x32xf32, #tpu.memory_space<hbm>>) dst(%arg9 : memref<128x32xf32, #tpu.memory_space<vmem>>)
      %gt3A_1440 = arith.constant 0 : i32
      %gt3A_1441 = arith.cmpi sgt, %scan3A_926, %gt3A_1440 : i32
      %convert_element_type3A_1442 = arith.extui %gt3A_1441 : i1 to i32
      %cond3A_1443 = arith.constant 0 : i32
      %cond3A_1444 = arith.cmpi ne, %convert_element_type3A_1442, %cond3A_1443 : i32
      scf.if %cond3A_1444 {
        %dma_wait3A_1602 = arith.constant 0 : i32
        %dma_wait3A_1603 = arith.constant 0 : i32
        %dma_wait3A_1604 = arith.constant 0 : i32
        %dma_wait3A_1605 = arith.constant 0 : i32
        %dma_wait3A_1606 = arith.constant 0 : i32
        %dma_wait3A_1607 = tpu.memref_slice %arg13[%dma_wait3A_1605, %dma_wait3A_1606] : memref<32x128xf32, #tpu.memory_space<vmem>> -> memref<8x128xf32, #tpu.memory_space<vmem>>
        %dma_wait3A_1608 = arith.constant 0 : i32
        %dma_wait3A_1609 = arith.constant 0 : i32
        %dma_wait3A_1610 = tpu.memref_slice %arg4[%dma_wait3A_1602, %dma_wait3A_1603, %dma_wait3A_1604, %dma_wait3A_1608, %dma_wait3A_1609] : memref<50x4x128x8x128xf32, #tpu.memory_space<hbm>> -> memref<1x1x1x8x128xf32, #tpu.memory_space<hbm>>
        %dma_wait3A_1611 = tpu.memref_squeeze %dma_wait3A_1610 : memref<1x1x1x8x128xf32, #tpu.memory_space<hbm>> -> memref<8x128xf32, #tpu.memory_space<hbm>>
        %dma_wait3A_1612 = arith.constant 0 : i32
        %dma_wait3A_1613 = arith.constant 0 : i32
        %dma_wait3A_1614 = tpu.memref_slice %arg13[%dma_wait3A_1612, %dma_wait3A_1613] : memref<32x128xf32, #tpu.memory_space<vmem>> -> memref<8x128xf32, #tpu.memory_space<vmem>>
        %dma_wait3A_1615 = arith.constant 0 : i32
        %dma_wait3A_1616 = arith.constant 0 : i32
        %dma_wait3A_1617 = tpu.memref_slice %arg4[%dma_wait3A_1602, %dma_wait3A_1603, %dma_wait3A_1604, %dma_wait3A_1615, %dma_wait3A_1616] : memref<50x4x128x8x128xf32, #tpu.memory_space<hbm>> -> memref<1x1x1x8x128xf32, #tpu.memory_space<hbm>>
        %dma_wait3A_1618 = tpu.memref_squeeze %dma_wait3A_1617 : memref<1x1x1x8x128xf32, #tpu.memory_space<hbm>> -> memref<8x128xf32, #tpu.memory_space<hbm>>
        tpu.wait_dma2 semaphore(%arg21 : memref<!tpu.dma_semaphore, #tpu.memory_space<semaphore_mem>>) src(%dma_wait3A_1618 : memref<8x128xf32, #tpu.memory_space<hbm>>) dst(%dma_wait3A_1614 : memref<8x128xf32, #tpu.memory_space<vmem>>)
        %dma_wait3A_1619 = arith.constant 0 : i32
        %dma_wait3A_1620 = arith.constant 0 : i32
        %dma_wait3A_1621 = arith.constant 0 : i32
        %dma_wait3A_1622 = arith.constant 8 : i32
        %dma_wait3A_1623 = arith.constant 0 : i32
        %dma_wait3A_1624 = tpu.memref_slice %arg13[%dma_wait3A_1622, %dma_wait3A_1623] : memref<32x128xf32, #tpu.memory_space<vmem>> -> memref<8x128xf32, #tpu.memory_space<vmem>>
        %dma_wait3A_1625 = arith.constant 0 : i32
        %dma_wait3A_1626 = arith.constant 0 : i32
        %dma_wait3A_1627 = tpu.memref_slice %arg4[%dma_wait3A_1619, %dma_wait3A_1620, %dma_wait3A_1621, %dma_wait3A_1625, %dma_wait3A_1626] : memref<50x4x128x8x128xf32, #tpu.memory_space<hbm>> -> memref<1x1x1x8x128xf32, #tpu.memory_space<hbm>>
        %dma_wait3A_1628 = tpu.memref_squeeze %dma_wait3A_1627 : memref<1x1x1x8x128xf32, #tpu.memory_space<hbm>> -> memref<8x128xf32, #tpu.memory_space<hbm>>
        %dma_wait3A_1629 = arith.constant 8 : i32
        %dma_wait3A_1630 = arith.constant 0 : i32
        %dma_wait3A_1631 = tpu.memref_slice %arg13[%dma_wait3A_1629, %dma_wait3A_1630] : memref<32x128xf32, #tpu.memory_space<vmem>> -> memref<8x128xf32, #tpu.memory_space<vmem>>
        %dma_wait3A_1632 = arith.constant 0 : i32
        %dma_wait3A_1633 = arith.constant 0 : i32
        %dma_wait3A_1634 = tpu.memref_slice %arg4[%dma_wait3A_1619, %dma_wait3A_1620, %dma_wait3A_1621, %dma_wait3A_1632, %dma_wait3A_1633] : memref<50x4x128x8x128xf32, #tpu.memory_space<hbm>> -> memref<1x1x1x8x128xf32, #tpu.memory_space<hbm>>
        %dma_wait3A_1635 = tpu.memref_squeeze %dma_wait3A_1634 : memref<1x1x1x8x128xf32, #tpu.memory_space<hbm>> -> memref<8x128xf32, #tpu.memory_space<hbm>>
        tpu.wait_dma2 semaphore(%arg21 : memref<!tpu.dma_semaphore, #tpu.memory_space<semaphore_mem>>) src(%dma_wait3A_1635 : memref<8x128xf32, #tpu.memory_space<hbm>>) dst(%dma_wait3A_1631 : memref<8x128xf32, #tpu.memory_space<vmem>>)
        %dma_wait3A_1636 = arith.constant 0 : i32
        %dma_wait3A_1637 = arith.constant 0 : i32
        %dma_wait3A_1638 = arith.constant 0 : i32
        %dma_wait3A_1639 = arith.constant 16 : i32
        %dma_wait3A_1640 = arith.constant 0 : i32
        %dma_wait3A_1641 = tpu.memref_slice %arg13[%dma_wait3A_1639, %dma_wait3A_1640] : memref<32x128xf32, #tpu.memory_space<vmem>> -> memref<8x128xf32, #tpu.memory_space<vmem>>
        %dma_wait3A_1642 = arith.constant 0 : i32
        %dma_wait3A_1643 = arith.constant 0 : i32
        %dma_wait3A_1644 = tpu.memref_slice %arg4[%dma_wait3A_1636, %dma_wait3A_1637, %dma_wait3A_1638, %dma_wait3A_1642, %dma_wait3A_1643] : memref<50x4x128x8x128xf32, #tpu.memory_space<hbm>> -> memref<1x1x1x8x128xf32, #tpu.memory_space<hbm>>
        %dma_wait3A_1645 = tpu.memref_squeeze %dma_wait3A_1644 : memref<1x1x1x8x128xf32, #tpu.memory_space<hbm>> -> memref<8x128xf32, #tpu.memory_space<hbm>>
        %dma_wait3A_1646 = arith.constant 16 : i32
        %dma_wait3A_1647 = arith.constant 0 : i32
        %dma_wait3A_1648 = tpu.memref_slice %arg13[%dma_wait3A_1646, %dma_wait3A_1647] : memref<32x128xf32, #tpu.memory_space<vmem>> -> memref<8x128xf32, #tpu.memory_space<vmem>>
        %dma_wait3A_1649 = arith.constant 0 : i32
        %dma_wait3A_1650 = arith.constant 0 : i32
        %dma_wait3A_1651 = tpu.memref_slice %arg4[%dma_wait3A_1636, %dma_wait3A_1637, %dma_wait3A_1638, %dma_wait3A_1649, %dma_wait3A_1650] : memref<50x4x128x8x128xf32, #tpu.memory_space<hbm>> -> memref<1x1x1x8x128xf32, #tpu.memory_space<hbm>>
        %dma_wait3A_1652 = tpu.memref_squeeze %dma_wait3A_1651 : memref<1x1x1x8x128xf32, #tpu.memory_space<hbm>> -> memref<8x128xf32, #tpu.memory_space<hbm>>
        tpu.wait_dma2 semaphore(%arg21 : memref<!tpu.dma_semaphore, #tpu.memory_space<semaphore_mem>>) src(%dma_wait3A_1652 : memref<8x128xf32, #tpu.memory_space<hbm>>) dst(%dma_wait3A_1648 : memref<8x128xf32, #tpu.memory_space<vmem>>)
        %dma_wait3A_1653 = arith.constant 0 : i32
        %dma_wait3A_1654 = arith.constant 0 : i32
        %dma_wait3A_1655 = arith.constant 0 : i32
        %dma_wait3A_1656 = arith.constant 24 : i32
        %dma_wait3A_1657 = arith.constant 0 : i32
        %dma_wait3A_1658 = tpu.memref_slice %arg13[%dma_wait3A_1656, %dma_wait3A_1657] : memref<32x128xf32, #tpu.memory_space<vmem>> -> memref<8x128xf32, #tpu.memory_space<vmem>>
        %dma_wait3A_1659 = arith.constant 0 : i32
        %dma_wait3A_1660 = arith.constant 0 : i32
        %dma_wait3A_1661 = tpu.memref_slice %arg4[%dma_wait3A_1653, %dma_wait3A_1654, %dma_wait3A_1655, %dma_wait3A_1659, %dma_wait3A_1660] : memref<50x4x128x8x128xf32, #tpu.memory_space<hbm>> -> memref<1x1x1x8x128xf32, #tpu.memory_space<hbm>>
        %dma_wait3A_1662 = tpu.memref_squeeze %dma_wait3A_1661 : memref<1x1x1x8x128xf32, #tpu.memory_space<hbm>> -> memref<8x128xf32, #tpu.memory_space<hbm>>
        %dma_wait3A_1663 = arith.constant 24 : i32
        %dma_wait3A_1664 = arith.constant 0 : i32
        %dma_wait3A_1665 = tpu.memref_slice %arg13[%dma_wait3A_1663, %dma_wait3A_1664] : memref<32x128xf32, #tpu.memory_space<vmem>> -> memref<8x128xf32, #tpu.memory_space<vmem>>
        %dma_wait3A_1666 = arith.constant 0 : i32
        %dma_wait3A_1667 = arith.constant 0 : i32
        %dma_wait3A_1668 = tpu.memref_slice %arg4[%dma_wait3A_1653, %dma_wait3A_1654, %dma_wait3A_1655, %dma_wait3A_1666, %dma_wait3A_1667] : memref<50x4x128x8x128xf32, #tpu.memory_space<hbm>> -> memref<1x1x1x8x128xf32, #tpu.memory_space<hbm>>
        %dma_wait3A_1669 = tpu.memref_squeeze %dma_wait3A_1668 : memref<1x1x1x8x128xf32, #tpu.memory_space<hbm>> -> memref<8x128xf32, #tpu.memory_space<hbm>>
        tpu.wait_dma2 semaphore(%arg21 : memref<!tpu.dma_semaphore, #tpu.memory_space<semaphore_mem>>) src(%dma_wait3A_1669 : memref<8x128xf32, #tpu.memory_space<hbm>>) dst(%dma_wait3A_1665 : memref<8x128xf32, #tpu.memory_space<vmem>>)
      } else {
      }
      %scan3A_1445 = arith.constant 0 : i32
      %scan3A_1446 = arith.constant 0 : i32
      %scan3A_1447 = arith.constant 32 : i32
      %scan3A_1448 = arith.addi %scan3A_1446, %scan3A_1447 : i32
      %scan3A_1449 = arith.constant 1 : i32
      scf.for %scan3A_1602 = %scan3A_1446 to %scan3A_1448 step %scan3A_1449  : i32 {
        %broadcast_in_dim3A = vector.broadcast %scan3A_1602 : i32 to vector<16xi32>
        %gather3A = tpu.vector_load_idx %arg9[%add3A_5, %broadcast_in_dim3A] : memref<128x32xf32, #tpu.memory_space<vmem>>[vector<16xi32>, vector<16xi32>], vector<16xf32>,
        %swap3A = arith.index_cast %scan3A_1602 : i32 to index
        %swap3A_1603 = arith.constant 0 : index
        %swap3A_1604 = tpu.vector_load %arg13[%swap3A, %swap3A_1603] {strides = array<i32>} : memref<32x128xf32, #tpu.memory_space<vmem>>, vector<16xf32>,
        tpu.vector_store %arg13[%swap3A, %swap3A_1603], %gather3A {strides = array<i32>} : memref<32x128xf32, #tpu.memory_space<vmem>>, vector<16xf32>,
        %gather3A_1605 = tpu.vector_load_idx %arg9[%add3A_8, %broadcast_in_dim3A] : memref<128x32xf32, #tpu.memory_space<vmem>>[vector<16xi32>, vector<16xi32>], vector<16xf32>,
        %swap3A_1606 = arith.index_cast %scan3A_1602 : i32 to index
        %swap3A_1607 = arith.constant 16 : index
        %swap3A_1608 = tpu.vector_load %arg13[%swap3A_1606, %swap3A_1607] {strides = array<i32>} : memref<32x128xf32, #tpu.memory_space<vmem>>, vector<16xf32>,
        tpu.vector_store %arg13[%swap3A_1606, %swap3A_1607], %gather3A_1605 {strides = array<i32>} : memref<32x128xf32, #tpu.memory_space<vmem>>, vector<16xf32>,
        %gather3A_1609 = tpu.vector_load_idx %arg9[%add3A_11, %broadcast_in_dim3A] : memref<128x32xf32, #tpu.memory_space<vmem>>[vector<16xi32>, vector<16xi32>], vector<16xf32>,
        %swap3A_1610 = arith.index_cast %scan3A_1602 : i32 to index
        %swap3A_1611 = arith.constant 32 : index
        %swap3A_1612 = tpu.vector_load %arg13[%swap3A_1610, %swap3A_1611] {strides = array<i32>} : memref<32x128xf32, #tpu.memory_space<vmem>>, vector<16xf32>,
        tpu.vector_store %arg13[%swap3A_1610, %swap3A_1611], %gather3A_1609 {strides = array<i32>} : memref<32x128xf32, #tpu.memory_space<vmem>>, vector<16xf32>,
        %gather3A_1613 = tpu.vector_load_idx %arg9[%add3A_14, %broadcast_in_dim3A] : memref<128x32xf32, #tpu.memory_space<vmem>>[vector<16xi32>, vector<16xi32>], vector<16xf32>,
        %swap3A_1614 = arith.index_cast %scan3A_1602 : i32 to index
        %swap3A_1615 = arith.constant 48 : index
        %swap3A_1616 = tpu.vector_load %arg13[%swap3A_1614, %swap3A_1615] {strides = array<i32>} : memref<32x128xf32, #tpu.memory_space<vmem>>, vector<16xf32>,
        tpu.vector_store %arg13[%swap3A_1614, %swap3A_1615], %gather3A_1613 {strides = array<i32>} : memref<32x128xf32, #tpu.memory_space<vmem>>, vector<16xf32>,
        %gather3A_1617 = tpu.vector_load_idx %arg9[%add3A_17, %broadcast_in_dim3A] : memref<128x32xf32, #tpu.memory_space<vmem>>[vector<16xi32>, vector<16xi32>], vector<16xf32>,
        %swap3A_1618 = arith.index_cast %scan3A_1602 : i32 to index
        %swap3A_1619 = arith.constant 64 : index
        %swap3A_1620 = tpu.vector_load %arg13[%swap3A_1618, %swap3A_1619] {strides = array<i32>} : memref<32x128xf32, #tpu.memory_space<vmem>>, vector<16xf32>,
        tpu.vector_store %arg13[%swap3A_1618, %swap3A_1619], %gather3A_1617 {strides = array<i32>} : memref<32x128xf32, #tpu.memory_space<vmem>>, vector<16xf32>,
        %gather3A_1621 = tpu.vector_load_idx %arg9[%add3A_20, %broadcast_in_dim3A] : memref<128x32xf32, #tpu.memory_space<vmem>>[vector<16xi32>, vector<16xi32>], vector<16xf32>,
        %swap3A_1622 = arith.index_cast %scan3A_1602 : i32 to index
        %swap3A_1623 = arith.constant 80 : index
        %swap3A_1624 = tpu.vector_load %arg13[%swap3A_1622, %swap3A_1623] {strides = array<i32>} : memref<32x128xf32, #tpu.memory_space<vmem>>, vector<16xf32>,
        tpu.vector_store %arg13[%swap3A_1622, %swap3A_1623], %gather3A_1621 {strides = array<i32>} : memref<32x128xf32, #tpu.memory_space<vmem>>, vector<16xf32>,
        %gather3A_1625 = tpu.vector_load_idx %arg9[%add3A_23, %broadcast_in_dim3A] : memref<128x32xf32, #tpu.memory_space<vmem>>[vector<16xi32>, vector<16xi32>], vector<16xf32>,
        %swap3A_1626 = arith.index_cast %scan3A_1602 : i32 to index
        %swap3A_1627 = arith.constant 96 : index
        %swap3A_1628 = tpu.vector_load %arg13[%swap3A_1626, %swap3A_1627] {strides = array<i32>} : memref<32x128xf32, #tpu.memory_space<vmem>>, vector<16xf32>,
        tpu.vector_store %arg13[%swap3A_1626, %swap3A_1627], %gather3A_1625 {strides = array<i32>} : memref<32x128xf32, #tpu.memory_space<vmem>>, vector<16xf32>,
        %gather3A_1629 = tpu.vector_load_idx %arg9[%add3A_26, %broadcast_in_dim3A] : memref<128x32xf32, #tpu.memory_space<vmem>>[vector<16xi32>, vector<16xi32>], vector<16xf32>,
        %swap3A_1630 = arith.index_cast %scan3A_1602 : i32 to index
        %swap3A_1631 = arith.constant 112 : index
        %swap3A_1632 = tpu.vector_load %arg13[%swap3A_1630, %swap3A_1631] {strides = array<i32>} : memref<32x128xf32, #tpu.memory_space<vmem>>, vector<16xf32>,
        tpu.vector_store %arg13[%swap3A_1630, %swap3A_1631], %gather3A_1629 {strides = array<i32>} : memref<32x128xf32, #tpu.memory_space<vmem>>, vector<16xf32>,
      }
      %scan3A_1450 = arith.constant 32 : i32
      %mul3A_1451 = arith.constant 4 : i32
      %mul3A_1452 = arith.muli %add3A, %mul3A_1451 : i32
      %jit3A_1453 = arith.constant 50 : i32
      %div3A_1454 = arith.divsi %add3A_1433, %jit3A_1453 : i32
      %sign3A_1455 = arith.constant 0 : i32
      %sign3A_1456 = arith.cmpi sgt, %add3A_1433, %sign3A_1455 : i32
      %sign3A_1457 = arith.extui %sign3A_1456 : i1 to i32
      %sign3A_1458 = arith.constant 0 : i32
      %sign3A_1459 = arith.cmpi slt, %add3A_1433, %sign3A_1458 : i32
      %sign3A_1460 = arith.extui %sign3A_1459 : i1 to i32
      %sign3A_1461 = arith.subi %sign3A_1457, %sign3A_1460 : i32
      %sign3A_1462 = arith.constant 0 : i32
      %sign3A_1463 = arith.cmpi sgt, %jit3A_1453, %sign3A_1462 : i32
      %sign3A_1464 = arith.extui %sign3A_1463 : i1 to i32
      %sign3A_1465 = arith.constant 0 : i32
      %sign3A_1466 = arith.cmpi slt, %jit3A_1453, %sign3A_1465 : i32
      %sign3A_1467 = arith.extui %sign3A_1466 : i1 to i32
      %sign3A_1468 = arith.subi %sign3A_1464, %sign3A_1467 : i32
      %ne3A_1469 = arith.cmpi ne, %sign3A_1461, %sign3A_1468 : i32
      %rem3A_1470 = arith.remsi %add3A_1433, %jit3A_1453 : i32
      %ne3A_1471 = arith.constant 0 : i32
      %ne3A_1472 = arith.cmpi ne, %rem3A_1470, %ne3A_1471 : i32
      %and3A_1473 = arith.andi %ne3A_1469, %ne3A_1472 : i1
      %sub3A_1474 = arith.constant 1 : i32
      %sub3A_1475 = arith.subi %div3A_1454, %sub3A_1474 : i32
      %select_n3A_1476 = arith.select %and3A_1473, %sub3A_1475, %div3A_1454 : i32
      %add3A_1477 = arith.addi %mul3A_1452, %select_n3A_1476 : i32
      %jit3A_1478 = arith.constant 50 : i32
      %eq3A_1479 = arith.constant 0 : i32
      %eq3A_1480 = arith.cmpi eq, %jit3A_1478, %eq3A_1479 : i32
      %jit3A_1481 = arith.constant 1 : i32
      %select_n3A_1482 = arith.select %eq3A_1480, %jit3A_1481, %jit3A_1478 : i32
      %rem3A_1483 = arith.remsi %add3A_1433, %select_n3A_1482 : i32
      %ne3A_1484 = arith.constant 0 : i32
      %ne3A_1485 = arith.cmpi ne, %rem3A_1483, %ne3A_1484 : i32
      %lt3A_1486 = arith.constant 0 : i32
      %lt3A_1487 = arith.cmpi slt, %rem3A_1483, %lt3A_1486 : i32
      %lt3A_1488 = arith.constant 0 : i32
      %lt3A_1489 = arith.cmpi slt, %select_n3A_1482, %lt3A_1488 : i32
      %ne3A_1490 = arith.xori %lt3A_1487, %lt3A_1489 : i1
      %and3A_1491 = arith.andi %ne3A_1490, %ne3A_1485 : i1
      %add3A_1492 = arith.addi %rem3A_1483, %select_n3A_1482 : i32
      %select_n3A_1493 = arith.select %and3A_1491, %add3A_1492, %rem3A_1483 : i32
      %dma_start3A_1494 = arith.constant 0 : i32
      %dma_start3A_1495 = arith.constant 0 : i32
      %dma_start3A_1496 = arith.constant 0 : i32
      %dma_start3A_1497 = tpu.memref_slice %arg13[%dma_start3A_1495, %dma_start3A_1496] : memref<32x128xf32, #tpu.memory_space<vmem>> -> memref<8x128xf32, #tpu.memory_space<vmem>>
      %dma_start3A_1498 = arith.constant 0 : i32
      %dma_start3A_1499 = arith.constant 0 : i32
      %dma_start3A_1500 = tpu.memref_slice %arg4[%select_n3A_1493, %dma_start3A_1494, %add3A_1477, %dma_start3A_1498, %dma_start3A_1499] : memref<50x4x128x8x128xf32, #tpu.memory_space<hbm>> -> memref<1x1x1x8x128xf32, #tpu.memory_space<hbm>>
      %dma_start3A_1501 = tpu.memref_squeeze %dma_start3A_1500 : memref<1x1x1x8x128xf32, #tpu.memory_space<hbm>> -> memref<8x128xf32, #tpu.memory_space<hbm>>
      %dma_start3A_1502 = arith.constant 0 : i32
      %dma_start3A_1503 = arith.constant 0 : i32
      %dma_start3A_1504 = tpu.memref_slice %arg4[%select_n3A_1493, %dma_start3A_1494, %add3A_1477, %dma_start3A_1502, %dma_start3A_1503] : memref<50x4x128x8x128xf32, #tpu.memory_space<hbm>> -> memref<1x1x1x8x128xf32, #tpu.memory_space<hbm>>
      %dma_start3A_1505 = tpu.memref_squeeze %dma_start3A_1504 : memref<1x1x1x8x128xf32, #tpu.memory_space<hbm>> -> memref<8x128xf32, #tpu.memory_space<hbm>>
      %dma_start3A_1506 = arith.constant 0 : i32
      %dma_start3A_1507 = arith.constant 0 : i32
      %dma_start3A_1508 = tpu.memref_slice %arg13[%dma_start3A_1506, %dma_start3A_1507] : memref<32x128xf32, #tpu.memory_space<vmem>> -> memref<8x128xf32, #tpu.memory_space<vmem>>
      tpu.enqueue_dma source(%dma_start3A_1508 : memref<8x128xf32, #tpu.memory_space<vmem>>) target(%dma_start3A_1505 : memref<8x128xf32, #tpu.memory_space<hbm>>) target_semaphore(%arg21 : memref<!tpu.dma_semaphore, #tpu.memory_space<semaphore_mem>>)
      %dma_start3A_1509 = arith.constant 1 : i32
      %dma_start3A_1510 = arith.constant 8 : i32
      %dma_start3A_1511 = arith.constant 0 : i32
      %dma_start3A_1512 = tpu.memref_slice %arg13[%dma_start3A_1510, %dma_start3A_1511] : memref<32x128xf32, #tpu.memory_space<vmem>> -> memref<8x128xf32, #tpu.memory_space<vmem>>
      %dma_start3A_1513 = arith.constant 0 : i32
      %dma_start3A_1514 = arith.constant 0 : i32
      %dma_start3A_1515 = tpu.memref_slice %arg4[%select_n3A_1493, %dma_start3A_1509, %add3A_1477, %dma_start3A_1513, %dma_start3A_1514] : memref<50x4x128x8x128xf32, #tpu.memory_space<hbm>> -> memref<1x1x1x8x128xf32, #tpu.memory_space<hbm>>
      %dma_start3A_1516 = tpu.memref_squeeze %dma_start3A_1515 : memref<1x1x1x8x128xf32, #tpu.memory_space<hbm>> -> memref<8x128xf32, #tpu.memory_space<hbm>>
      %dma_start3A_1517 = arith.constant 0 : i32
      %dma_start3A_1518 = arith.constant 0 : i32
      %dma_start3A_1519 = tpu.memref_slice %arg4[%select_n3A_1493, %dma_start3A_1509, %add3A_1477, %dma_start3A_1517, %dma_start3A_1518] : memref<50x4x128x8x128xf32, #tpu.memory_space<hbm>> -> memref<1x1x1x8x128xf32, #tpu.memory_space<hbm>>
      %dma_start3A_1520 = tpu.memref_squeeze %dma_start3A_1519 : memref<1x1x1x8x128xf32, #tpu.memory_space<hbm>> -> memref<8x128xf32, #tpu.memory_space<hbm>>
      %dma_start3A_1521 = arith.constant 8 : i32
      %dma_start3A_1522 = arith.constant 0 : i32
      %dma_start3A_1523 = tpu.memref_slice %arg13[%dma_start3A_1521, %dma_start3A_1522] : memref<32x128xf32, #tpu.memory_space<vmem>> -> memref<8x128xf32, #tpu.memory_space<vmem>>
      tpu.enqueue_dma source(%dma_start3A_1523 : memref<8x128xf32, #tpu.memory_space<vmem>>) target(%dma_start3A_1520 : memref<8x128xf32, #tpu.memory_space<hbm>>) target_semaphore(%arg21 : memref<!tpu.dma_semaphore, #tpu.memory_space<semaphore_mem>>)
      %dma_start3A_1524 = arith.constant 2 : i32
      %dma_start3A_1525 = arith.constant 16 : i32
      %dma_start3A_1526 = arith.constant 0 : i32
      %dma_start3A_1527 = tpu.memref_slice %arg13[%dma_start3A_1525, %dma_start3A_1526] : memref<32x128xf32, #tpu.memory_space<vmem>> -> memref<8x128xf32, #tpu.memory_space<vmem>>
      %dma_start3A_1528 = arith.constant 0 : i32
      %dma_start3A_1529 = arith.constant 0 : i32
      %dma_start3A_1530 = tpu.memref_slice %arg4[%select_n3A_1493, %dma_start3A_1524, %add3A_1477, %dma_start3A_1528, %dma_start3A_1529] : memref<50x4x128x8x128xf32, #tpu.memory_space<hbm>> -> memref<1x1x1x8x128xf32, #tpu.memory_space<hbm>>
      %dma_start3A_1531 = tpu.memref_squeeze %dma_start3A_1530 : memref<1x1x1x8x128xf32, #tpu.memory_space<hbm>> -> memref<8x128xf32, #tpu.memory_space<hbm>>
      %dma_start3A_1532 = arith.constant 0 : i32
      %dma_start3A_1533 = arith.constant 0 : i32
      %dma_start3A_1534 = tpu.memref_slice %arg4[%select_n3A_1493, %dma_start3A_1524, %add3A_1477, %dma_start3A_1532, %dma_start3A_1533] : memref<50x4x128x8x128xf32, #tpu.memory_space<hbm>> -> memref<1x1x1x8x128xf32, #tpu.memory_space<hbm>>
      %dma_start3A_1535 = tpu.memref_squeeze %dma_start3A_1534 : memref<1x1x1x8x128xf32, #tpu.memory_space<hbm>> -> memref<8x128xf32, #tpu.memory_space<hbm>>
      %dma_start3A_1536 = arith.constant 16 : i32
      %dma_start3A_1537 = arith.constant 0 : i32
      %dma_start3A_1538 = tpu.memref_slice %arg13[%dma_start3A_1536, %dma_start3A_1537] : memref<32x128xf32, #tpu.memory_space<vmem>> -> memref<8x128xf32, #tpu.memory_space<vmem>>
      tpu.enqueue_dma source(%dma_start3A_1538 : memref<8x128xf32, #tpu.memory_space<vmem>>) target(%dma_start3A_1535 : memref<8x128xf32, #tpu.memory_space<hbm>>) target_semaphore(%arg21 : memref<!tpu.dma_semaphore, #tpu.memory_space<semaphore_mem>>)
      %dma_start3A_1539 = arith.constant 3 : i32
      %dma_start3A_1540 = arith.constant 24 : i32
      %dma_start3A_1541 = arith.constant 0 : i32
      %dma_start3A_1542 = tpu.memref_slice %arg13[%dma_start3A_1540, %dma_start3A_1541] : memref<32x128xf32, #tpu.memory_space<vmem>> -> memref<8x128xf32, #tpu.memory_space<vmem>>
      %dma_start3A_1543 = arith.constant 0 : i32
      %dma_start3A_1544 = arith.constant 0 : i32
      %dma_start3A_1545 = tpu.memref_slice %arg4[%select_n3A_1493, %dma_start3A_1539, %add3A_1477, %dma_start3A_1543, %dma_start3A_1544] : memref<50x4x128x8x128xf32, #tpu.memory_space<hbm>> -> memref<1x1x1x8x128xf32, #tpu.memory_space<hbm>>
      %dma_start3A_1546 = tpu.memref_squeeze %dma_start3A_1545 : memref<1x1x1x8x128xf32, #tpu.memory_space<hbm>> -> memref<8x128xf32, #tpu.memory_space<hbm>>
      %dma_start3A_1547 = arith.constant 0 : i32
      %dma_start3A_1548 = arith.constant 0 : i32
      %dma_start3A_1549 = tpu.memref_slice %arg4[%select_n3A_1493, %dma_start3A_1539, %add3A_1477, %dma_start3A_1547, %dma_start3A_1548] : memref<50x4x128x8x128xf32, #tpu.memory_space<hbm>> -> memref<1x1x1x8x128xf32, #tpu.memory_space<hbm>>
      %dma_start3A_1550 = tpu.memref_squeeze %dma_start3A_1549 : memref<1x1x1x8x128xf32, #tpu.memory_space<hbm>> -> memref<8x128xf32, #tpu.memory_space<hbm>>
      %dma_start3A_1551 = arith.constant 24 : i32
      %dma_start3A_1552 = arith.constant 0 : i32
      %dma_start3A_1553 = tpu.memref_slice %arg13[%dma_start3A_1551, %dma_start3A_1552] : memref<32x128xf32, #tpu.memory_space<vmem>> -> memref<8x128xf32, #tpu.memory_space<vmem>>
      tpu.enqueue_dma source(%dma_start3A_1553 : memref<8x128xf32, #tpu.memory_space<vmem>>) target(%dma_start3A_1550 : memref<8x128xf32, #tpu.memory_space<hbm>>) target_semaphore(%arg21 : memref<!tpu.dma_semaphore, #tpu.memory_space<semaphore_mem>>)
      %add3A_1554 = arith.constant 4 : i32
      %add3A_1555 = arith.addi %add3A_1433, %add3A_1554 : i32
      %jit3A_1556 = arith.constant 50 : i32
      %div3A_1557 = arith.divsi %add3A_1555, %jit3A_1556 : i32
      %sign3A_1558 = arith.constant 0 : i32
      %sign3A_1559 = arith.cmpi sgt, %add3A_1555, %sign3A_1558 : i32
      %sign3A_1560 = arith.extui %sign3A_1559 : i1 to i32
      %sign3A_1561 = arith.constant 0 : i32
      %sign3A_1562 = arith.cmpi slt, %add3A_1555, %sign3A_1561 : i32
      %sign3A_1563 = arith.extui %sign3A_1562 : i1 to i32
      %sign3A_1564 = arith.subi %sign3A_1560, %sign3A_1563 : i32
      %sign3A_1565 = arith.constant 0 : i32
      %sign3A_1566 = arith.cmpi sgt, %jit3A_1556, %sign3A_1565 : i32
      %sign3A_1567 = arith.extui %sign3A_1566 : i1 to i32
      %sign3A_1568 = arith.constant 0 : i32
      %sign3A_1569 = arith.cmpi slt, %jit3A_1556, %sign3A_1568 : i32
      %sign3A_1570 = arith.extui %sign3A_1569 : i1 to i32
      %sign3A_1571 = arith.subi %sign3A_1567, %sign3A_1570 : i32
      %ne3A_1572 = arith.cmpi ne, %sign3A_1564, %sign3A_1571 : i32
      %rem3A_1573 = arith.remsi %add3A_1555, %jit3A_1556 : i32
      %ne3A_1574 = arith.constant 0 : i32
      %ne3A_1575 = arith.cmpi ne, %rem3A_1573, %ne3A_1574 : i32
      %and3A_1576 = arith.andi %ne3A_1572, %ne3A_1575 : i1
      %sub3A_1577 = arith.constant 1 : i32
      %sub3A_1578 = arith.subi %div3A_1557, %sub3A_1577 : i32
      %select_n3A_1579 = arith.select %and3A_1576, %sub3A_1578, %div3A_1557 : i32
      %jit3A_1580 = arith.constant 50 : i32
      %eq3A_1581 = arith.constant 0 : i32
      %eq3A_1582 = arith.cmpi eq, %jit3A_1580, %eq3A_1581 : i32
      %jit3A_1583 = arith.constant 1 : i32
      %select_n3A_1584 = arith.select %eq3A_1582, %jit3A_1583, %jit3A_1580 : i32
      %rem3A_1585 = arith.remsi %add3A_1555, %select_n3A_1584 : i32
      %ne3A_1586 = arith.constant 0 : i32
      %ne3A_1587 = arith.cmpi ne, %rem3A_1585, %ne3A_1586 : i32
      %lt3A_1588 = arith.constant 0 : i32
      %lt3A_1589 = arith.cmpi slt, %rem3A_1585, %lt3A_1588 : i32
      %lt3A_1590 = arith.constant 0 : i32
      %lt3A_1591 = arith.cmpi slt, %select_n3A_1584, %lt3A_1590 : i32
      %ne3A_1592 = arith.xori %lt3A_1589, %lt3A_1591 : i1
      %and3A_1593 = arith.andi %ne3A_1592, %ne3A_1587 : i1
      %add3A_1594 = arith.addi %rem3A_1585, %select_n3A_1584 : i32
      %select_n3A_1595 = arith.select %and3A_1593, %add3A_1594, %rem3A_1585 : i32
      %dma_start3A_1596 = arith.constant 0 : i32
      %dma_start3A_1597 = tpu.memref_slice %arg5[%select_n3A_1579, %select_n3A_1595, %dma_start3A_1596] : memref<4x50x128xi32, #tpu.memory_space<vmem>> -> memref<1x1x128xi32, #tpu.memory_space<vmem>>
      %dma_start3A_1598 = tpu.memref_squeeze %dma_start3A_1597 : memref<1x1x128xi32, #tpu.memory_space<vmem>> -> memref<128xi32, #tpu.memory_space<vmem>>
      %dma_start3A_1599 = arith.constant 0 : i32
      %dma_start3A_1600 = arith.constant 0 : i32
      %dma_start3A_1601 = tpu.memref_slice %arg2[%dma_start3A_1599, %dma_start3A_1600] : memref<1000000x32xf32, #tpu.memory_space<hbm>> -> memref<1000000x32xf32, #tpu.memory_space<hbm>>
      tpu.enqueue_indirect_dma source(%dma_start3A_1601 : memref<1000000x32xf32, #tpu.memory_space<hbm>>) target(%arg9 : memref<128x32xf32, #tpu.memory_space<vmem>>) offsets(%dma_start3A_1598 : memref<128xi32, #tpu.memory_space<vmem>>) semaphore(%arg17 : memref<!tpu.dma_semaphore, #tpu.memory_space<semaphore_mem>>)
    }
    %scan3A_62 = arith.constant 49 : i32
    %dma_wait3A = arith.constant 0 : i32
    %dma_wait3A_63 = arith.constant 0 : i32
    %dma_wait3A_64 = tpu.memref_slice %arg2[%dma_wait3A, %dma_wait3A_63] : memref<1000000x32xf32, #tpu.memory_space<hbm>> -> memref<128x32xf32, #tpu.memory_space<hbm>>
    %dma_wait3A_65 = arith.constant 0 : i32
    %dma_wait3A_66 = arith.constant 0 : i32
    %dma_wait3A_67 = tpu.memref_slice %arg2[%dma_wait3A_65, %dma_wait3A_66] : memref<1000000x32xf32, #tpu.memory_space<hbm>> -> memref<128x32xf32, #tpu.memory_space<hbm>>
    tpu.wait_dma2 semaphore(%arg14 : memref<!tpu.dma_semaphore, #tpu.memory_space<semaphore_mem>>) src(%dma_wait3A_67 : memref<128x32xf32, #tpu.memory_space<hbm>>) dst(%arg6 : memref<128x32xf32, #tpu.memory_space<vmem>>)
    %dma_wait3A_68 = arith.constant 0 : i32
    %dma_wait3A_69 = arith.constant 0 : i32
    %dma_wait3A_70 = arith.constant 0 : i32
    %dma_wait3A_71 = arith.constant 0 : i32
    %dma_wait3A_72 = arith.constant 0 : i32
    %dma_wait3A_73 = tpu.memref_slice %arg10[%dma_wait3A_71, %dma_wait3A_72] : memref<32x128xf32, #tpu.memory_space<vmem>> -> memref<8x128xf32, #tpu.memory_space<vmem>>
    %dma_wait3A_74 = arith.constant 0 : i32
    %dma_wait3A_75 = arith.constant 0 : i32
    %dma_wait3A_76 = tpu.memref_slice %arg4[%dma_wait3A_68, %dma_wait3A_69, %dma_wait3A_70, %dma_wait3A_74, %dma_wait3A_75] : memref<50x4x128x8x128xf32, #tpu.memory_space<hbm>> -> memref<1x1x1x8x128xf32, #tpu.memory_space<hbm>>
    %dma_wait3A_77 = tpu.memref_squeeze %dma_wait3A_76 : memref<1x1x1x8x128xf32, #tpu.memory_space<hbm>> -> memref<8x128xf32, #tpu.memory_space<hbm>>
    %dma_wait3A_78 = arith.constant 0 : i32
    %dma_wait3A_79 = arith.constant 0 : i32
    %dma_wait3A_80 = tpu.memref_slice %arg10[%dma_wait3A_78, %dma_wait3A_79] : memref<32x128xf32, #tpu.memory_space<vmem>> -> memref<8x128xf32, #tpu.memory_space<vmem>>
    %dma_wait3A_81 = arith.constant 0 : i32
    %dma_wait3A_82 = arith.constant 0 : i32
    %dma_wait3A_83 = tpu.memref_slice %arg4[%dma_wait3A_68, %dma_wait3A_69, %dma_wait3A_70, %dma_wait3A_81, %dma_wait3A_82] : memref<50x4x128x8x128xf32, #tpu.memory_space<hbm>> -> memref<1x1x1x8x128xf32, #tpu.memory_space<hbm>>
    %dma_wait3A_84 = tpu.memref_squeeze %dma_wait3A_83 : memref<1x1x1x8x128xf32, #tpu.memory_space<hbm>> -> memref<8x128xf32, #tpu.memory_space<hbm>>
    tpu.wait_dma2 semaphore(%arg18 : memref<!tpu.dma_semaphore, #tpu.memory_space<semaphore_mem>>) src(%dma_wait3A_84 : memref<8x128xf32, #tpu.memory_space<hbm>>) dst(%dma_wait3A_80 : memref<8x128xf32, #tpu.memory_space<vmem>>)
    %dma_wait3A_85 = arith.constant 0 : i32
    %dma_wait3A_86 = arith.constant 0 : i32
    %dma_wait3A_87 = arith.constant 0 : i32
    %dma_wait3A_88 = arith.constant 8 : i32
    %dma_wait3A_89 = arith.constant 0 : i32
    %dma_wait3A_90 = tpu.memref_slice %arg10[%dma_wait3A_88, %dma_wait3A_89] : memref<32x128xf32, #tpu.memory_space<vmem>> -> memref<8x128xf32, #tpu.memory_space<vmem>>
    %dma_wait3A_91 = arith.constant 0 : i32
    %dma_wait3A_92 = arith.constant 0 : i32
    %dma_wait3A_93 = tpu.memref_slice %arg4[%dma_wait3A_85, %dma_wait3A_86, %dma_wait3A_87, %dma_wait3A_91, %dma_wait3A_92] : memref<50x4x128x8x128xf32, #tpu.memory_space<hbm>> -> memref<1x1x1x8x128xf32, #tpu.memory_space<hbm>>
    %dma_wait3A_94 = tpu.memref_squeeze %dma_wait3A_93 : memref<1x1x1x8x128xf32, #tpu.memory_space<hbm>> -> memref<8x128xf32, #tpu.memory_space<hbm>>
    %dma_wait3A_95 = arith.constant 8 : i32
    %dma_wait3A_96 = arith.constant 0 : i32
    %dma_wait3A_97 = tpu.memref_slice %arg10[%dma_wait3A_95, %dma_wait3A_96] : memref<32x128xf32, #tpu.memory_space<vmem>> -> memref<8x128xf32, #tpu.memory_space<vmem>>
    %dma_wait3A_98 = arith.constant 0 : i32
    %dma_wait3A_99 = arith.constant 0 : i32
    %dma_wait3A_100 = tpu.memref_slice %arg4[%dma_wait3A_85, %dma_wait3A_86, %dma_wait3A_87, %dma_wait3A_98, %dma_wait3A_99] : memref<50x4x128x8x128xf32, #tpu.memory_space<hbm>> -> memref<1x1x1x8x128xf32, #tpu.memory_space<hbm>>
    %dma_wait3A_101 = tpu.memref_squeeze %dma_wait3A_100 : memref<1x1x1x8x128xf32, #tpu.memory_space<hbm>> -> memref<8x128xf32, #tpu.memory_space<hbm>>
    tpu.wait_dma2 semaphore(%arg18 : memref<!tpu.dma_semaphore, #tpu.memory_space<semaphore_mem>>) src(%dma_wait3A_101 : memref<8x128xf32, #tpu.memory_space<hbm>>) dst(%dma_wait3A_97 : memref<8x128xf32, #tpu.memory_space<vmem>>)
    %dma_wait3A_102 = arith.constant 0 : i32
    %dma_wait3A_103 = arith.constant 0 : i32
    %dma_wait3A_104 = arith.constant 0 : i32
    %dma_wait3A_105 = arith.constant 16 : i32
    %dma_wait3A_106 = arith.constant 0 : i32
    %dma_wait3A_107 = tpu.memref_slice %arg10[%dma_wait3A_105, %dma_wait3A_106] : memref<32x128xf32, #tpu.memory_space<vmem>> -> memref<8x128xf32, #tpu.memory_space<vmem>>
    %dma_wait3A_108 = arith.constant 0 : i32
    %dma_wait3A_109 = arith.constant 0 : i32
    %dma_wait3A_110 = tpu.memref_slice %arg4[%dma_wait3A_102, %dma_wait3A_103, %dma_wait3A_104, %dma_wait3A_108, %dma_wait3A_109] : memref<50x4x128x8x128xf32, #tpu.memory_space<hbm>> -> memref<1x1x1x8x128xf32, #tpu.memory_space<hbm>>
    %dma_wait3A_111 = tpu.memref_squeeze %dma_wait3A_110 : memref<1x1x1x8x128xf32, #tpu.memory_space<hbm>> -> memref<8x128xf32, #tpu.memory_space<hbm>>
    %dma_wait3A_112 = arith.constant 16 : i32
    %dma_wait3A_113 = arith.constant 0 : i32
    %dma_wait3A_114 = tpu.memref_slice %arg10[%dma_wait3A_112, %dma_wait3A_113] : memref<32x128xf32, #tpu.memory_space<vmem>> -> memref<8x128xf32, #tpu.memory_space<vmem>>
    %dma_wait3A_115 = arith.constant 0 : i32
    %dma_wait3A_116 = arith.constant 0 : i32
    %dma_wait3A_117 = tpu.memref_slice %arg4[%dma_wait3A_102, %dma_wait3A_103, %dma_wait3A_104, %dma_wait3A_115, %dma_wait3A_116] : memref<50x4x128x8x128xf32, #tpu.memory_space<hbm>> -> memref<1x1x1x8x128xf32, #tpu.memory_space<hbm>>
    %dma_wait3A_118 = tpu.memref_squeeze %dma_wait3A_117 : memref<1x1x1x8x128xf32, #tpu.memory_space<hbm>> -> memref<8x128xf32, #tpu.memory_space<hbm>>
    tpu.wait_dma2 semaphore(%arg18 : memref<!tpu.dma_semaphore, #tpu.memory_space<semaphore_mem>>) src(%dma_wait3A_118 : memref<8x128xf32, #tpu.memory_space<hbm>>) dst(%dma_wait3A_114 : memref<8x128xf32, #tpu.memory_space<vmem>>)
    %dma_wait3A_119 = arith.constant 0 : i32
    %dma_wait3A_120 = arith.constant 0 : i32
    %dma_wait3A_121 = arith.constant 0 : i32
    %dma_wait3A_122 = arith.constant 24 : i32
    %dma_wait3A_123 = arith.constant 0 : i32
    %dma_wait3A_124 = tpu.memref_slice %arg10[%dma_wait3A_122, %dma_wait3A_123] : memref<32x128xf32, #tpu.memory_space<vmem>> -> memref<8x128xf32, #tpu.memory_space<vmem>>
    %dma_wait3A_125 = arith.constant 0 : i32
    %dma_wait3A_126 = arith.constant 0 : i32
    %dma_wait3A_127 = tpu.memref_slice %arg4[%dma_wait3A_119, %dma_wait3A_120, %dma_wait3A_121, %dma_wait3A_125, %dma_wait3A_126] : memref<50x4x128x8x128xf32, #tpu.memory_space<hbm>> -> memref<1x1x1x8x128xf32, #tpu.memory_space<hbm>>
    %dma_wait3A_128 = tpu.memref_squeeze %dma_wait3A_127 : memref<1x1x1x8x128xf32, #tpu.memory_space<hbm>> -> memref<8x128xf32, #tpu.memory_space<hbm>>
    %dma_wait3A_129 = arith.constant 24 : i32
    %dma_wait3A_130 = arith.constant 0 : i32
    %dma_wait3A_131 = tpu.memref_slice %arg10[%dma_wait3A_129, %dma_wait3A_130] : memref<32x128xf32, #tpu.memory_space<vmem>> -> memref<8x128xf32, #tpu.memory_space<vmem>>
    %dma_wait3A_132 = arith.constant 0 : i32
    %dma_wait3A_133 = arith.constant 0 : i32
    %dma_wait3A_134 = tpu.memref_slice %arg4[%dma_wait3A_119, %dma_wait3A_120, %dma_wait3A_121, %dma_wait3A_132, %dma_wait3A_133] : memref<50x4x128x8x128xf32, #tpu.memory_space<hbm>> -> memref<1x1x1x8x128xf32, #tpu.memory_space<hbm>>
    %dma_wait3A_135 = tpu.memref_squeeze %dma_wait3A_134 : memref<1x1x1x8x128xf32, #tpu.memory_space<hbm>> -> memref<8x128xf32, #tpu.memory_space<hbm>>
    tpu.wait_dma2 semaphore(%arg18 : memref<!tpu.dma_semaphore, #tpu.memory_space<semaphore_mem>>) src(%dma_wait3A_135 : memref<8x128xf32, #tpu.memory_space<hbm>>) dst(%dma_wait3A_131 : memref<8x128xf32, #tpu.memory_space<vmem>>)
    %scan3A_136 = arith.constant 0 : i32
    %scan3A_137 = arith.constant 0 : i32
    %scan3A_138 = arith.constant 32 : i32
    %scan3A_139 = arith.addi %scan3A_137, %scan3A_138 : i32
    %scan3A_140 = arith.constant 1 : i32
    scf.for %scan3A_926 = %scan3A_137 to %scan3A_139 step %scan3A_140  : i32 {
      %broadcast_in_dim3A = vector.broadcast %scan3A_926 : i32 to vector<16xi32>
      %gather3A = tpu.vector_load_idx %arg6[%add3A_5, %broadcast_in_dim3A] : memref<128x32xf32, #tpu.memory_space<vmem>>[vector<16xi32>, vector<16xi32>], vector<16xf32>,
      %swap3A = arith.index_cast %scan3A_926 : i32 to index
      %swap3A_927 = arith.constant 0 : index
      %swap3A_928 = tpu.vector_load %arg10[%swap3A, %swap3A_927] {strides = array<i32>} : memref<32x128xf32, #tpu.memory_space<vmem>>, vector<16xf32>,
      tpu.vector_store %arg10[%swap3A, %swap3A_927], %gather3A {strides = array<i32>} : memref<32x128xf32, #tpu.memory_space<vmem>>, vector<16xf32>,
      %gather3A_929 = tpu.vector_load_idx %arg6[%add3A_8, %broadcast_in_dim3A] : memref<128x32xf32, #tpu.memory_space<vmem>>[vector<16xi32>, vector<16xi32>], vector<16xf32>,
      %swap3A_930 = arith.index_cast %scan3A_926 : i32 to index
      %swap3A_931 = arith.constant 16 : index
      %swap3A_932 = tpu.vector_load %arg10[%swap3A_930, %swap3A_931] {strides = array<i32>} : memref<32x128xf32, #tpu.memory_space<vmem>>, vector<16xf32>,
      tpu.vector_store %arg10[%swap3A_930, %swap3A_931], %gather3A_929 {strides = array<i32>} : memref<32x128xf32, #tpu.memory_space<vmem>>, vector<16xf32>,
      %gather3A_933 = tpu.vector_load_idx %arg6[%add3A_11, %broadcast_in_dim3A] : memref<128x32xf32, #tpu.memory_space<vmem>>[vector<16xi32>, vector<16xi32>], vector<16xf32>,
      %swap3A_934 = arith.index_cast %scan3A_926 : i32 to index
      %swap3A_935 = arith.constant 32 : index
      %swap3A_936 = tpu.vector_load %arg10[%swap3A_934, %swap3A_935] {strides = array<i32>} : memref<32x128xf32, #tpu.memory_space<vmem>>, vector<16xf32>,
      tpu.vector_store %arg10[%swap3A_934, %swap3A_935], %gather3A_933 {strides = array<i32>} : memref<32x128xf32, #tpu.memory_space<vmem>>, vector<16xf32>,
      %gather3A_937 = tpu.vector_load_idx %arg6[%add3A_14, %broadcast_in_dim3A] : memref<128x32xf32, #tpu.memory_space<vmem>>[vector<16xi32>, vector<16xi32>], vector<16xf32>,
      %swap3A_938 = arith.index_cast %scan3A_926 : i32 to index
      %swap3A_939 = arith.constant 48 : index
      %swap3A_940 = tpu.vector_load %arg10[%swap3A_938, %swap3A_939] {strides = array<i32>} : memref<32x128xf32, #tpu.memory_space<vmem>>, vector<16xf32>,
      tpu.vector_store %arg10[%swap3A_938, %swap3A_939], %gather3A_937 {strides = array<i32>} : memref<32x128xf32, #tpu.memory_space<vmem>>, vector<16xf32>,
      %gather3A_941 = tpu.vector_load_idx %arg6[%add3A_17, %broadcast_in_dim3A] : memref<128x32xf32, #tpu.memory_space<vmem>>[vector<16xi32>, vector<16xi32>], vector<16xf32>,
      %swap3A_942 = arith.index_cast %scan3A_926 : i32 to index
      %swap3A_943 = arith.constant 64 : index
      %swap3A_944 = tpu.vector_load %arg10[%swap3A_942, %swap3A_943] {strides = array<i32>} : memref<32x128xf32, #tpu.memory_space<vmem>>, vector<16xf32>,
      tpu.vector_store %arg10[%swap3A_942, %swap3A_943], %gather3A_941 {strides = array<i32>} : memref<32x128xf32, #tpu.memory_space<vmem>>, vector<16xf32>,
      %gather3A_945 = tpu.vector_load_idx %arg6[%add3A_20, %broadcast_in_dim3A] : memref<128x32xf32, #tpu.memory_space<vmem>>[vector<16xi32>, vector<16xi32>], vector<16xf32>,
      %swap3A_946 = arith.index_cast %scan3A_926 : i32 to index
      %swap3A_947 = arith.constant 80 : index
      %swap3A_948 = tpu.vector_load %arg10[%swap3A_946, %swap3A_947] {strides = array<i32>} : memref<32x128xf32, #tpu.memory_space<vmem>>, vector<16xf32>,
      tpu.vector_store %arg10[%swap3A_946, %swap3A_947], %gather3A_945 {strides = array<i32>} : memref<32x128xf32, #tpu.memory_space<vmem>>, vector<16xf32>,
      %gather3A_949 = tpu.vector_load_idx %arg6[%add3A_23, %broadcast_in_dim3A] : memref<128x32xf32, #tpu.memory_space<vmem>>[vector<16xi32>, vector<16xi32>], vector<16xf32>,
      %swap3A_950 = arith.index_cast %scan3A_926 : i32 to index
      %swap3A_951 = arith.constant 96 : index
      %swap3A_952 = tpu.vector_load %arg10[%swap3A_950, %swap3A_951] {strides = array<i32>} : memref<32x128xf32, #tpu.memory_space<vmem>>, vector<16xf32>,
      tpu.vector_store %arg10[%swap3A_950, %swap3A_951], %gather3A_949 {strides = array<i32>} : memref<32x128xf32, #tpu.memory_space<vmem>>, vector<16xf32>,
      %gather3A_953 = tpu.vector_load_idx %arg6[%add3A_26, %broadcast_in_dim3A] : memref<128x32xf32, #tpu.memory_space<vmem>>[vector<16xi32>, vector<16xi32>], vector<16xf32>,
      %swap3A_954 = arith.index_cast %scan3A_926 : i32 to index
      %swap3A_955 = arith.constant 112 : index
      %swap3A_956 = tpu.vector_load %arg10[%swap3A_954, %swap3A_955] {strides = array<i32>} : memref<32x128xf32, #tpu.memory_space<vmem>>, vector<16xf32>,
      tpu.vector_store %arg10[%swap3A_954, %swap3A_955], %gather3A_953 {strides = array<i32>} : memref<32x128xf32, #tpu.memory_space<vmem>>, vector<16xf32>,
    }
    %scan3A_141 = arith.constant 32 : i32
    %mul3A_142 = arith.constant 4 : i32
    %mul3A_143 = arith.muli %add3A, %mul3A_142 : i32
    %add3A_144 = arith.constant 3 : i32
    %add3A_145 = arith.addi %mul3A_143, %add3A_144 : i32
    %dma_start3A_146 = arith.constant 46 : i32
    %dma_start3A_147 = arith.constant 0 : i32
    %dma_start3A_148 = arith.constant 0 : i32
    %dma_start3A_149 = arith.constant 0 : i32
    %dma_start3A_150 = tpu.memref_slice %arg10[%dma_start3A_148, %dma_start3A_149] : memref<32x128xf32, #tpu.memory_space<vmem>> -> memref<8x128xf32, #tpu.memory_space<vmem>>
    %dma_start3A_151 = arith.constant 0 : i32
    %dma_start3A_152 = arith.constant 0 : i32
    %dma_start3A_153 = tpu.memref_slice %arg4[%dma_start3A_146, %dma_start3A_147, %add3A_145, %dma_start3A_151, %dma_start3A_152] : memref<50x4x128x8x128xf32, #tpu.memory_space<hbm>> -> memref<1x1x1x8x128xf32, #tpu.memory_space<hbm>>
    %dma_start3A_154 = tpu.memref_squeeze %dma_start3A_153 : memref<1x1x1x8x128xf32, #tpu.memory_space<hbm>> -> memref<8x128xf32, #tpu.memory_space<hbm>>
    %dma_start3A_155 = arith.constant 0 : i32
    %dma_start3A_156 = arith.constant 0 : i32
    %dma_start3A_157 = tpu.memref_slice %arg4[%dma_start3A_146, %dma_start3A_147, %add3A_145, %dma_start3A_155, %dma_start3A_156] : memref<50x4x128x8x128xf32, #tpu.memory_space<hbm>> -> memref<1x1x1x8x128xf32, #tpu.memory_space<hbm>>
    %dma_start3A_158 = tpu.memref_squeeze %dma_start3A_157 : memref<1x1x1x8x128xf32, #tpu.memory_space<hbm>> -> memref<8x128xf32, #tpu.memory_space<hbm>>
    %dma_start3A_159 = arith.constant 0 : i32
    %dma_start3A_160 = arith.constant 0 : i32
    %dma_start3A_161 = tpu.memref_slice %arg10[%dma_start3A_159, %dma_start3A_160] : memref<32x128xf32, #tpu.memory_space<vmem>> -> memref<8x128xf32, #tpu.memory_space<vmem>>
    tpu.enqueue_dma source(%dma_start3A_161 : memref<8x128xf32, #tpu.memory_space<vmem>>) target(%dma_start3A_158 : memref<8x128xf32, #tpu.memory_space<hbm>>) target_semaphore(%arg18 : memref<!tpu.dma_semaphore, #tpu.memory_space<semaphore_mem>>)
    %dma_start3A_162 = arith.constant 46 : i32
    %dma_start3A_163 = arith.constant 1 : i32
    %dma_start3A_164 = arith.constant 8 : i32
    %dma_start3A_165 = arith.constant 0 : i32
    %dma_start3A_166 = tpu.memref_slice %arg10[%dma_start3A_164, %dma_start3A_165] : memref<32x128xf32, #tpu.memory_space<vmem>> -> memref<8x128xf32, #tpu.memory_space<vmem>>
    %dma_start3A_167 = arith.constant 0 : i32
    %dma_start3A_168 = arith.constant 0 : i32
    %dma_start3A_169 = tpu.memref_slice %arg4[%dma_start3A_162, %dma_start3A_163, %add3A_145, %dma_start3A_167, %dma_start3A_168] : memref<50x4x128x8x128xf32, #tpu.memory_space<hbm>> -> memref<1x1x1x8x128xf32, #tpu.memory_space<hbm>>
    %dma_start3A_170 = tpu.memref_squeeze %dma_start3A_169 : memref<1x1x1x8x128xf32, #tpu.memory_space<hbm>> -> memref<8x128xf32, #tpu.memory_space<hbm>>
    %dma_start3A_171 = arith.constant 0 : i32
    %dma_start3A_172 = arith.constant 0 : i32
    %dma_start3A_173 = tpu.memref_slice %arg4[%dma_start3A_162, %dma_start3A_163, %add3A_145, %dma_start3A_171, %dma_start3A_172] : memref<50x4x128x8x128xf32, #tpu.memory_space<hbm>> -> memref<1x1x1x8x128xf32, #tpu.memory_space<hbm>>
    %dma_start3A_174 = tpu.memref_squeeze %dma_start3A_173 : memref<1x1x1x8x128xf32, #tpu.memory_space<hbm>> -> memref<8x128xf32, #tpu.memory_space<hbm>>
    %dma_start3A_175 = arith.constant 8 : i32
    %dma_start3A_176 = arith.constant 0 : i32
    %dma_start3A_177 = tpu.memref_slice %arg10[%dma_start3A_175, %dma_start3A_176] : memref<32x128xf32, #tpu.memory_space<vmem>> -> memref<8x128xf32, #tpu.memory_space<vmem>>
    tpu.enqueue_dma source(%dma_start3A_177 : memref<8x128xf32, #tpu.memory_space<vmem>>) target(%dma_start3A_174 : memref<8x128xf32, #tpu.memory_space<hbm>>) target_semaphore(%arg18 : memref<!tpu.dma_semaphore, #tpu.memory_space<semaphore_mem>>)
    %dma_start3A_178 = arith.constant 46 : i32
    %dma_start3A_179 = arith.constant 2 : i32
    %dma_start3A_180 = arith.constant 16 : i32
    %dma_start3A_181 = arith.constant 0 : i32
    %dma_start3A_182 = tpu.memref_slice %arg10[%dma_start3A_180, %dma_start3A_181] : memref<32x128xf32, #tpu.memory_space<vmem>> -> memref<8x128xf32, #tpu.memory_space<vmem>>
    %dma_start3A_183 = arith.constant 0 : i32
    %dma_start3A_184 = arith.constant 0 : i32
    %dma_start3A_185 = tpu.memref_slice %arg4[%dma_start3A_178, %dma_start3A_179, %add3A_145, %dma_start3A_183, %dma_start3A_184] : memref<50x4x128x8x128xf32, #tpu.memory_space<hbm>> -> memref<1x1x1x8x128xf32, #tpu.memory_space<hbm>>
    %dma_start3A_186 = tpu.memref_squeeze %dma_start3A_185 : memref<1x1x1x8x128xf32, #tpu.memory_space<hbm>> -> memref<8x128xf32, #tpu.memory_space<hbm>>
    %dma_start3A_187 = arith.constant 0 : i32
    %dma_start3A_188 = arith.constant 0 : i32
    %dma_start3A_189 = tpu.memref_slice %arg4[%dma_start3A_178, %dma_start3A_179, %add3A_145, %dma_start3A_187, %dma_start3A_188] : memref<50x4x128x8x128xf32, #tpu.memory_space<hbm>> -> memref<1x1x1x8x128xf32, #tpu.memory_space<hbm>>
    %dma_start3A_190 = tpu.memref_squeeze %dma_start3A_189 : memref<1x1x1x8x128xf32, #tpu.memory_space<hbm>> -> memref<8x128xf32, #tpu.memory_space<hbm>>
    %dma_start3A_191 = arith.constant 16 : i32
    %dma_start3A_192 = arith.constant 0 : i32
    %dma_start3A_193 = tpu.memref_slice %arg10[%dma_start3A_191, %dma_start3A_192] : memref<32x128xf32, #tpu.memory_space<vmem>> -> memref<8x128xf32, #tpu.memory_space<vmem>>
    tpu.enqueue_dma source(%dma_start3A_193 : memref<8x128xf32, #tpu.memory_space<vmem>>) target(%dma_start3A_190 : memref<8x128xf32, #tpu.memory_space<hbm>>) target_semaphore(%arg18 : memref<!tpu.dma_semaphore, #tpu.memory_space<semaphore_mem>>)
    %dma_start3A_194 = arith.constant 46 : i32
    %dma_start3A_195 = arith.constant 3 : i32
    %dma_start3A_196 = arith.constant 24 : i32
    %dma_start3A_197 = arith.constant 0 : i32
    %dma_start3A_198 = tpu.memref_slice %arg10[%dma_start3A_196, %dma_start3A_197] : memref<32x128xf32, #tpu.memory_space<vmem>> -> memref<8x128xf32, #tpu.memory_space<vmem>>
    %dma_start3A_199 = arith.constant 0 : i32
    %dma_start3A_200 = arith.constant 0 : i32
    %dma_start3A_201 = tpu.memref_slice %arg4[%dma_start3A_194, %dma_start3A_195, %add3A_145, %dma_start3A_199, %dma_start3A_200] : memref<50x4x128x8x128xf32, #tpu.memory_space<hbm>> -> memref<1x1x1x8x128xf32, #tpu.memory_space<hbm>>
    %dma_start3A_202 = tpu.memref_squeeze %dma_start3A_201 : memref<1x1x1x8x128xf32, #tpu.memory_space<hbm>> -> memref<8x128xf32, #tpu.memory_space<hbm>>
    %dma_start3A_203 = arith.constant 0 : i32
    %dma_start3A_204 = arith.constant 0 : i32
    %dma_start3A_205 = tpu.memref_slice %arg4[%dma_start3A_194, %dma_start3A_195, %add3A_145, %dma_start3A_203, %dma_start3A_204] : memref<50x4x128x8x128xf32, #tpu.memory_space<hbm>> -> memref<1x1x1x8x128xf32, #tpu.memory_space<hbm>>
    %dma_start3A_206 = tpu.memref_squeeze %dma_start3A_205 : memref<1x1x1x8x128xf32, #tpu.memory_space<hbm>> -> memref<8x128xf32, #tpu.memory_space<hbm>>
    %dma_start3A_207 = arith.constant 24 : i32
    %dma_start3A_208 = arith.constant 0 : i32
    %dma_start3A_209 = tpu.memref_slice %arg10[%dma_start3A_207, %dma_start3A_208] : memref<32x128xf32, #tpu.memory_space<vmem>> -> memref<8x128xf32, #tpu.memory_space<vmem>>
    tpu.enqueue_dma source(%dma_start3A_209 : memref<8x128xf32, #tpu.memory_space<vmem>>) target(%dma_start3A_206 : memref<8x128xf32, #tpu.memory_space<hbm>>) target_semaphore(%arg18 : memref<!tpu.dma_semaphore, #tpu.memory_space<semaphore_mem>>)
    %dma_wait3A_210 = arith.constant 0 : i32
    %dma_wait3A_211 = arith.constant 0 : i32
    %dma_wait3A_212 = tpu.memref_slice %arg2[%dma_wait3A_210, %dma_wait3A_211] : memref<1000000x32xf32, #tpu.memory_space<hbm>> -> memref<128x32xf32, #tpu.memory_space<hbm>>
    %dma_wait3A_213 = arith.constant 0 : i32
    %dma_wait3A_214 = arith.constant 0 : i32
    %dma_wait3A_215 = tpu.memref_slice %arg2[%dma_wait3A_213, %dma_wait3A_214] : memref<1000000x32xf32, #tpu.memory_space<hbm>> -> memref<128x32xf32, #tpu.memory_space<hbm>>
    tpu.wait_dma2 semaphore(%arg15 : memref<!tpu.dma_semaphore, #tpu.memory_space<semaphore_mem>>) src(%dma_wait3A_215 : memref<128x32xf32, #tpu.memory_space<hbm>>) dst(%arg7 : memref<128x32xf32, #tpu.memory_space<vmem>>)
    %dma_wait3A_216 = arith.constant 0 : i32
    %dma_wait3A_217 = arith.constant 0 : i32
    %dma_wait3A_218 = arith.constant 0 : i32
    %dma_wait3A_219 = arith.constant 0 : i32
    %dma_wait3A_220 = arith.constant 0 : i32
    %dma_wait3A_221 = tpu.memref_slice %arg11[%dma_wait3A_219, %dma_wait3A_220] : memref<32x128xf32, #tpu.memory_space<vmem>> -> memref<8x128xf32, #tpu.memory_space<vmem>>
    %dma_wait3A_222 = arith.constant 0 : i32
    %dma_wait3A_223 = arith.constant 0 : i32
    %dma_wait3A_224 = tpu.memref_slice %arg4[%dma_wait3A_216, %dma_wait3A_217, %dma_wait3A_218, %dma_wait3A_222, %dma_wait3A_223] : memref<50x4x128x8x128xf32, #tpu.memory_space<hbm>> -> memref<1x1x1x8x128xf32, #tpu.memory_space<hbm>>
    %dma_wait3A_225 = tpu.memref_squeeze %dma_wait3A_224 : memref<1x1x1x8x128xf32, #tpu.memory_space<hbm>> -> memref<8x128xf32, #tpu.memory_space<hbm>>
    %dma_wait3A_226 = arith.constant 0 : i32
    %dma_wait3A_227 = arith.constant 0 : i32
    %dma_wait3A_228 = tpu.memref_slice %arg11[%dma_wait3A_226, %dma_wait3A_227] : memref<32x128xf32, #tpu.memory_space<vmem>> -> memref<8x128xf32, #tpu.memory_space<vmem>>
    %dma_wait3A_229 = arith.constant 0 : i32
    %dma_wait3A_230 = arith.constant 0 : i32
    %dma_wait3A_231 = tpu.memref_slice %arg4[%dma_wait3A_216, %dma_wait3A_217, %dma_wait3A_218, %dma_wait3A_229, %dma_wait3A_230] : memref<50x4x128x8x128xf32, #tpu.memory_space<hbm>> -> memref<1x1x1x8x128xf32, #tpu.memory_space<hbm>>
    %dma_wait3A_232 = tpu.memref_squeeze %dma_wait3A_231 : memref<1x1x1x8x128xf32, #tpu.memory_space<hbm>> -> memref<8x128xf32, #tpu.memory_space<hbm>>
    tpu.wait_dma2 semaphore(%arg19 : memref<!tpu.dma_semaphore, #tpu.memory_space<semaphore_mem>>) src(%dma_wait3A_232 : memref<8x128xf32, #tpu.memory_space<hbm>>) dst(%dma_wait3A_228 : memref<8x128xf32, #tpu.memory_space<vmem>>)
    %dma_wait3A_233 = arith.constant 0 : i32
    %dma_wait3A_234 = arith.constant 0 : i32
    %dma_wait3A_235 = arith.constant 0 : i32
    %dma_wait3A_236 = arith.constant 8 : i32
    %dma_wait3A_237 = arith.constant 0 : i32
    %dma_wait3A_238 = tpu.memref_slice %arg11[%dma_wait3A_236, %dma_wait3A_237] : memref<32x128xf32, #tpu.memory_space<vmem>> -> memref<8x128xf32, #tpu.memory_space<vmem>>
    %dma_wait3A_239 = arith.constant 0 : i32
    %dma_wait3A_240 = arith.constant 0 : i32
    %dma_wait3A_241 = tpu.memref_slice %arg4[%dma_wait3A_233, %dma_wait3A_234, %dma_wait3A_235, %dma_wait3A_239, %dma_wait3A_240] : memref<50x4x128x8x128xf32, #tpu.memory_space<hbm>> -> memref<1x1x1x8x128xf32, #tpu.memory_space<hbm>>
    %dma_wait3A_242 = tpu.memref_squeeze %dma_wait3A_241 : memref<1x1x1x8x128xf32, #tpu.memory_space<hbm>> -> memref<8x128xf32, #tpu.memory_space<hbm>>
    %dma_wait3A_243 = arith.constant 8 : i32
    %dma_wait3A_244 = arith.constant 0 : i32
    %dma_wait3A_245 = tpu.memref_slice %arg11[%dma_wait3A_243, %dma_wait3A_244] : memref<32x128xf32, #tpu.memory_space<vmem>> -> memref<8x128xf32, #tpu.memory_space<vmem>>
    %dma_wait3A_246 = arith.constant 0 : i32
    %dma_wait3A_247 = arith.constant 0 : i32
    %dma_wait3A_248 = tpu.memref_slice %arg4[%dma_wait3A_233, %dma_wait3A_234, %dma_wait3A_235, %dma_wait3A_246, %dma_wait3A_247] : memref<50x4x128x8x128xf32, #tpu.memory_space<hbm>> -> memref<1x1x1x8x128xf32, #tpu.memory_space<hbm>>
    %dma_wait3A_249 = tpu.memref_squeeze %dma_wait3A_248 : memref<1x1x1x8x128xf32, #tpu.memory_space<hbm>> -> memref<8x128xf32, #tpu.memory_space<hbm>>
    tpu.wait_dma2 semaphore(%arg19 : memref<!tpu.dma_semaphore, #tpu.memory_space<semaphore_mem>>) src(%dma_wait3A_249 : memref<8x128xf32, #tpu.memory_space<hbm>>) dst(%dma_wait3A_245 : memref<8x128xf32, #tpu.memory_space<vmem>>)
    %dma_wait3A_250 = arith.constant 0 : i32
    %dma_wait3A_251 = arith.constant 0 : i32
    %dma_wait3A_252 = arith.constant 0 : i32
    %dma_wait3A_253 = arith.constant 16 : i32
    %dma_wait3A_254 = arith.constant 0 : i32
    %dma_wait3A_255 = tpu.memref_slice %arg11[%dma_wait3A_253, %dma_wait3A_254] : memref<32x128xf32, #tpu.memory_space<vmem>> -> memref<8x128xf32, #tpu.memory_space<vmem>>
    %dma_wait3A_256 = arith.constant 0 : i32
    %dma_wait3A_257 = arith.constant 0 : i32
    %dma_wait3A_258 = tpu.memref_slice %arg4[%dma_wait3A_250, %dma_wait3A_251, %dma_wait3A_252, %dma_wait3A_256, %dma_wait3A_257] : memref<50x4x128x8x128xf32, #tpu.memory_space<hbm>> -> memref<1x1x1x8x128xf32, #tpu.memory_space<hbm>>
    %dma_wait3A_259 = tpu.memref_squeeze %dma_wait3A_258 : memref<1x1x1x8x128xf32, #tpu.memory_space<hbm>> -> memref<8x128xf32, #tpu.memory_space<hbm>>
    %dma_wait3A_260 = arith.constant 16 : i32
    %dma_wait3A_261 = arith.constant 0 : i32
    %dma_wait3A_262 = tpu.memref_slice %arg11[%dma_wait3A_260, %dma_wait3A_261] : memref<32x128xf32, #tpu.memory_space<vmem>> -> memref<8x128xf32, #tpu.memory_space<vmem>>
    %dma_wait3A_263 = arith.constant 0 : i32
    %dma_wait3A_264 = arith.constant 0 : i32
    %dma_wait3A_265 = tpu.memref_slice %arg4[%dma_wait3A_250, %dma_wait3A_251, %dma_wait3A_252, %dma_wait3A_263, %dma_wait3A_264] : memref<50x4x128x8x128xf32, #tpu.memory_space<hbm>> -> memref<1x1x1x8x128xf32, #tpu.memory_space<hbm>>
    %dma_wait3A_266 = tpu.memref_squeeze %dma_wait3A_265 : memref<1x1x1x8x128xf32, #tpu.memory_space<hbm>> -> memref<8x128xf32, #tpu.memory_space<hbm>>
    tpu.wait_dma2 semaphore(%arg19 : memref<!tpu.dma_semaphore, #tpu.memory_space<semaphore_mem>>) src(%dma_wait3A_266 : memref<8x128xf32, #tpu.memory_space<hbm>>) dst(%dma_wait3A_262 : memref<8x128xf32, #tpu.memory_space<vmem>>)
    %dma_wait3A_267 = arith.constant 0 : i32
    %dma_wait3A_268 = arith.constant 0 : i32
    %dma_wait3A_269 = arith.constant 0 : i32
    %dma_wait3A_270 = arith.constant 24 : i32
    %dma_wait3A_271 = arith.constant 0 : i32
    %dma_wait3A_272 = tpu.memref_slice %arg11[%dma_wait3A_270, %dma_wait3A_271] : memref<32x128xf32, #tpu.memory_space<vmem>> -> memref<8x128xf32, #tpu.memory_space<vmem>>
    %dma_wait3A_273 = arith.constant 0 : i32
    %dma_wait3A_274 = arith.constant 0 : i32
    %dma_wait3A_275 = tpu.memref_slice %arg4[%dma_wait3A_267, %dma_wait3A_268, %dma_wait3A_269, %dma_wait3A_273, %dma_wait3A_274] : memref<50x4x128x8x128xf32, #tpu.memory_space<hbm>> -> memref<1x1x1x8x128xf32, #tpu.memory_space<hbm>>
    %dma_wait3A_276 = tpu.memref_squeeze %dma_wait3A_275 : memref<1x1x1x8x128xf32, #tpu.memory_space<hbm>> -> memref<8x128xf32, #tpu.memory_space<hbm>>
    %dma_wait3A_277 = arith.constant 24 : i32
    %dma_wait3A_278 = arith.constant 0 : i32
    %dma_wait3A_279 = tpu.memref_slice %arg11[%dma_wait3A_277, %dma_wait3A_278] : memref<32x128xf32, #tpu.memory_space<vmem>> -> memref<8x128xf32, #tpu.memory_space<vmem>>
    %dma_wait3A_280 = arith.constant 0 : i32
    %dma_wait3A_281 = arith.constant 0 : i32
    %dma_wait3A_282 = tpu.memref_slice %arg4[%dma_wait3A_267, %dma_wait3A_268, %dma_wait3A_269, %dma_wait3A_280, %dma_wait3A_281] : memref<50x4x128x8x128xf32, #tpu.memory_space<hbm>> -> memref<1x1x1x8x128xf32, #tpu.memory_space<hbm>>
    %dma_wait3A_283 = tpu.memref_squeeze %dma_wait3A_282 : memref<1x1x1x8x128xf32, #tpu.memory_space<hbm>> -> memref<8x128xf32, #tpu.memory_space<hbm>>
    tpu.wait_dma2 semaphore(%arg19 : memref<!tpu.dma_semaphore, #tpu.memory_space<semaphore_mem>>) src(%dma_wait3A_283 : memref<8x128xf32, #tpu.memory_space<hbm>>) dst(%dma_wait3A_279 : memref<8x128xf32, #tpu.memory_space<vmem>>)
    %scan3A_284 = arith.constant 0 : i32
    %scan3A_285 = arith.constant 0 : i32
    %scan3A_286 = arith.constant 32 : i32
    %scan3A_287 = arith.addi %scan3A_285, %scan3A_286 : i32
    %scan3A_288 = arith.constant 1 : i32
    scf.for %scan3A_926 = %scan3A_285 to %scan3A_287 step %scan3A_288  : i32 {
      %broadcast_in_dim3A = vector.broadcast %scan3A_926 : i32 to vector<16xi32>
      %gather3A = tpu.vector_load_idx %arg7[%add3A_5, %broadcast_in_dim3A] : memref<128x32xf32, #tpu.memory_space<vmem>>[vector<16xi32>, vector<16xi32>], vector<16xf32>,
      %swap3A = arith.index_cast %scan3A_926 : i32 to index
      %swap3A_927 = arith.constant 0 : index
      %swap3A_928 = tpu.vector_load %arg11[%swap3A, %swap3A_927] {strides = array<i32>} : memref<32x128xf32, #tpu.memory_space<vmem>>, vector<16xf32>,
      tpu.vector_store %arg11[%swap3A, %swap3A_927], %gather3A {strides = array<i32>} : memref<32x128xf32, #tpu.memory_space<vmem>>, vector<16xf32>,
      %gather3A_929 = tpu.vector_load_idx %arg7[%add3A_8, %broadcast_in_dim3A] : memref<128x32xf32, #tpu.memory_space<vmem>>[vector<16xi32>, vector<16xi32>], vector<16xf32>,
      %swap3A_930 = arith.index_cast %scan3A_926 : i32 to index
      %swap3A_931 = arith.constant 16 : index
      %swap3A_932 = tpu.vector_load %arg11[%swap3A_930, %swap3A_931] {strides = array<i32>} : memref<32x128xf32, #tpu.memory_space<vmem>>, vector<16xf32>,
      tpu.vector_store %arg11[%swap3A_930, %swap3A_931], %gather3A_929 {strides = array<i32>} : memref<32x128xf32, #tpu.memory_space<vmem>>, vector<16xf32>,
      %gather3A_933 = tpu.vector_load_idx %arg7[%add3A_11, %broadcast_in_dim3A] : memref<128x32xf32, #tpu.memory_space<vmem>>[vector<16xi32>, vector<16xi32>], vector<16xf32>,
      %swap3A_934 = arith.index_cast %scan3A_926 : i32 to index
      %swap3A_935 = arith.constant 32 : index
      %swap3A_936 = tpu.vector_load %arg11[%swap3A_934, %swap3A_935] {strides = array<i32>} : memref<32x128xf32, #tpu.memory_space<vmem>>, vector<16xf32>,
      tpu.vector_store %arg11[%swap3A_934, %swap3A_935], %gather3A_933 {strides = array<i32>} : memref<32x128xf32, #tpu.memory_space<vmem>>, vector<16xf32>,
      %gather3A_937 = tpu.vector_load_idx %arg7[%add3A_14, %broadcast_in_dim3A] : memref<128x32xf32, #tpu.memory_space<vmem>>[vector<16xi32>, vector<16xi32>], vector<16xf32>,
      %swap3A_938 = arith.index_cast %scan3A_926 : i32 to index
      %swap3A_939 = arith.constant 48 : index
      %swap3A_940 = tpu.vector_load %arg11[%swap3A_938, %swap3A_939] {strides = array<i32>} : memref<32x128xf32, #tpu.memory_space<vmem>>, vector<16xf32>,
      tpu.vector_store %arg11[%swap3A_938, %swap3A_939], %gather3A_937 {strides = array<i32>} : memref<32x128xf32, #tpu.memory_space<vmem>>, vector<16xf32>,
      %gather3A_941 = tpu.vector_load_idx %arg7[%add3A_17, %broadcast_in_dim3A] : memref<128x32xf32, #tpu.memory_space<vmem>>[vector<16xi32>, vector<16xi32>], vector<16xf32>,
      %swap3A_942 = arith.index_cast %scan3A_926 : i32 to index
      %swap3A_943 = arith.constant 64 : index
      %swap3A_944 = tpu.vector_load %arg11[%swap3A_942, %swap3A_943] {strides = array<i32>} : memref<32x128xf32, #tpu.memory_space<vmem>>, vector<16xf32>,
      tpu.vector_store %arg11[%swap3A_942, %swap3A_943], %gather3A_941 {strides = array<i32>} : memref<32x128xf32, #tpu.memory_space<vmem>>, vector<16xf32>,
      %gather3A_945 = tpu.vector_load_idx %arg7[%add3A_20, %broadcast_in_dim3A] : memref<128x32xf32, #tpu.memory_space<vmem>>[vector<16xi32>, vector<16xi32>], vector<16xf32>,
      %swap3A_946 = arith.index_cast %scan3A_926 : i32 to index
      %swap3A_947 = arith.constant 80 : index
      %swap3A_948 = tpu.vector_load %arg11[%swap3A_946, %swap3A_947] {strides = array<i32>} : memref<32x128xf32, #tpu.memory_space<vmem>>, vector<16xf32>,
      tpu.vector_store %arg11[%swap3A_946, %swap3A_947], %gather3A_945 {strides = array<i32>} : memref<32x128xf32, #tpu.memory_space<vmem>>, vector<16xf32>,
      %gather3A_949 = tpu.vector_load_idx %arg7[%add3A_23, %broadcast_in_dim3A] : memref<128x32xf32, #tpu.memory_space<vmem>>[vector<16xi32>, vector<16xi32>], vector<16xf32>,
      %swap3A_950 = arith.index_cast %scan3A_926 : i32 to index
      %swap3A_951 = arith.constant 96 : index
      %swap3A_952 = tpu.vector_load %arg11[%swap3A_950, %swap3A_951] {strides = array<i32>} : memref<32x128xf32, #tpu.memory_space<vmem>>, vector<16xf32>,
      tpu.vector_store %arg11[%swap3A_950, %swap3A_951], %gather3A_949 {strides = array<i32>} : memref<32x128xf32, #tpu.memory_space<vmem>>, vector<16xf32>,
      %gather3A_953 = tpu.vector_load_idx %arg7[%add3A_26, %broadcast_in_dim3A] : memref<128x32xf32, #tpu.memory_space<vmem>>[vector<16xi32>, vector<16xi32>], vector<16xf32>,
      %swap3A_954 = arith.index_cast %scan3A_926 : i32 to index
      %swap3A_955 = arith.constant 112 : index
      %swap3A_956 = tpu.vector_load %arg11[%swap3A_954, %swap3A_955] {strides = array<i32>} : memref<32x128xf32, #tpu.memory_space<vmem>>, vector<16xf32>,
      tpu.vector_store %arg11[%swap3A_954, %swap3A_955], %gather3A_953 {strides = array<i32>} : memref<32x128xf32, #tpu.memory_space<vmem>>, vector<16xf32>,
    }
    %scan3A_289 = arith.constant 32 : i32
    %mul3A_290 = arith.constant 4 : i32
    %mul3A_291 = arith.muli %add3A, %mul3A_290 : i32
    %add3A_292 = arith.constant 3 : i32
    %add3A_293 = arith.addi %mul3A_291, %add3A_292 : i32
    %dma_start3A_294 = arith.constant 47 : i32
    %dma_start3A_295 = arith.constant 0 : i32
    %dma_start3A_296 = arith.constant 0 : i32
    %dma_start3A_297 = arith.constant 0 : i32
    %dma_start3A_298 = tpu.memref_slice %arg11[%dma_start3A_296, %dma_start3A_297] : memref<32x128xf32, #tpu.memory_space<vmem>> -> memref<8x128xf32, #tpu.memory_space<vmem>>
    %dma_start3A_299 = arith.constant 0 : i32
    %dma_start3A_300 = arith.constant 0 : i32
    %dma_start3A_301 = tpu.memref_slice %arg4[%dma_start3A_294, %dma_start3A_295, %add3A_293, %dma_start3A_299, %dma_start3A_300] : memref<50x4x128x8x128xf32, #tpu.memory_space<hbm>> -> memref<1x1x1x8x128xf32, #tpu.memory_space<hbm>>
    %dma_start3A_302 = tpu.memref_squeeze %dma_start3A_301 : memref<1x1x1x8x128xf32, #tpu.memory_space<hbm>> -> memref<8x128xf32, #tpu.memory_space<hbm>>
    %dma_start3A_303 = arith.constant 0 : i32
    %dma_start3A_304 = arith.constant 0 : i32
    %dma_start3A_305 = tpu.memref_slice %arg4[%dma_start3A_294, %dma_start3A_295, %add3A_293, %dma_start3A_303, %dma_start3A_304] : memref<50x4x128x8x128xf32, #tpu.memory_space<hbm>> -> memref<1x1x1x8x128xf32, #tpu.memory_space<hbm>>
    %dma_start3A_306 = tpu.memref_squeeze %dma_start3A_305 : memref<1x1x1x8x128xf32, #tpu.memory_space<hbm>> -> memref<8x128xf32, #tpu.memory_space<hbm>>
    %dma_start3A_307 = arith.constant 0 : i32
    %dma_start3A_308 = arith.constant 0 : i32
    %dma_start3A_309 = tpu.memref_slice %arg11[%dma_start3A_307, %dma_start3A_308] : memref<32x128xf32, #tpu.memory_space<vmem>> -> memref<8x128xf32, #tpu.memory_space<vmem>>
    tpu.enqueue_dma source(%dma_start3A_309 : memref<8x128xf32, #tpu.memory_space<vmem>>) target(%dma_start3A_306 : memref<8x128xf32, #tpu.memory_space<hbm>>) target_semaphore(%arg19 : memref<!tpu.dma_semaphore, #tpu.memory_space<semaphore_mem>>)
    %dma_start3A_310 = arith.constant 47 : i32
    %dma_start3A_311 = arith.constant 1 : i32
    %dma_start3A_312 = arith.constant 8 : i32
    %dma_start3A_313 = arith.constant 0 : i32
    %dma_start3A_314 = tpu.memref_slice %arg11[%dma_start3A_312, %dma_start3A_313] : memref<32x128xf32, #tpu.memory_space<vmem>> -> memref<8x128xf32, #tpu.memory_space<vmem>>
    %dma_start3A_315 = arith.constant 0 : i32
    %dma_start3A_316 = arith.constant 0 : i32
    %dma_start3A_317 = tpu.memref_slice %arg4[%dma_start3A_310, %dma_start3A_311, %add3A_293, %dma_start3A_315, %dma_start3A_316] : memref<50x4x128x8x128xf32, #tpu.memory_space<hbm>> -> memref<1x1x1x8x128xf32, #tpu.memory_space<hbm>>
    %dma_start3A_318 = tpu.memref_squeeze %dma_start3A_317 : memref<1x1x1x8x128xf32, #tpu.memory_space<hbm>> -> memref<8x128xf32, #tpu.memory_space<hbm>>
    %dma_start3A_319 = arith.constant 0 : i32
    %dma_start3A_320 = arith.constant 0 : i32
    %dma_start3A_321 = tpu.memref_slice %arg4[%dma_start3A_310, %dma_start3A_311, %add3A_293, %dma_start3A_319, %dma_start3A_320] : memref<50x4x128x8x128xf32, #tpu.memory_space<hbm>> -> memref<1x1x1x8x128xf32, #tpu.memory_space<hbm>>
    %dma_start3A_322 = tpu.memref_squeeze %dma_start3A_321 : memref<1x1x1x8x128xf32, #tpu.memory_space<hbm>> -> memref<8x128xf32, #tpu.memory_space<hbm>>
    %dma_start3A_323 = arith.constant 8 : i32
    %dma_start3A_324 = arith.constant 0 : i32
    %dma_start3A_325 = tpu.memref_slice %arg11[%dma_start3A_323, %dma_start3A_324] : memref<32x128xf32, #tpu.memory_space<vmem>> -> memref<8x128xf32, #tpu.memory_space<vmem>>
    tpu.enqueue_dma source(%dma_start3A_325 : memref<8x128xf32, #tpu.memory_space<vmem>>) target(%dma_start3A_322 : memref<8x128xf32, #tpu.memory_space<hbm>>) target_semaphore(%arg19 : memref<!tpu.dma_semaphore, #tpu.memory_space<semaphore_mem>>)
    %dma_start3A_326 = arith.constant 47 : i32
    %dma_start3A_327 = arith.constant 2 : i32
    %dma_start3A_328 = arith.constant 16 : i32
    %dma_start3A_329 = arith.constant 0 : i32
    %dma_start3A_330 = tpu.memref_slice %arg11[%dma_start3A_328, %dma_start3A_329] : memref<32x128xf32, #tpu.memory_space<vmem>> -> memref<8x128xf32, #tpu.memory_space<vmem>>
    %dma_start3A_331 = arith.constant 0 : i32
    %dma_start3A_332 = arith.constant 0 : i32
    %dma_start3A_333 = tpu.memref_slice %arg4[%dma_start3A_326, %dma_start3A_327, %add3A_293, %dma_start3A_331, %dma_start3A_332] : memref<50x4x128x8x128xf32, #tpu.memory_space<hbm>> -> memref<1x1x1x8x128xf32, #tpu.memory_space<hbm>>
    %dma_start3A_334 = tpu.memref_squeeze %dma_start3A_333 : memref<1x1x1x8x128xf32, #tpu.memory_space<hbm>> -> memref<8x128xf32, #tpu.memory_space<hbm>>
    %dma_start3A_335 = arith.constant 0 : i32
    %dma_start3A_336 = arith.constant 0 : i32
    %dma_start3A_337 = tpu.memref_slice %arg4[%dma_start3A_326, %dma_start3A_327, %add3A_293, %dma_start3A_335, %dma_start3A_336] : memref<50x4x128x8x128xf32, #tpu.memory_space<hbm>> -> memref<1x1x1x8x128xf32, #tpu.memory_space<hbm>>
    %dma_start3A_338 = tpu.memref_squeeze %dma_start3A_337 : memref<1x1x1x8x128xf32, #tpu.memory_space<hbm>> -> memref<8x128xf32, #tpu.memory_space<hbm>>
    %dma_start3A_339 = arith.constant 16 : i32
    %dma_start3A_340 = arith.constant 0 : i32
    %dma_start3A_341 = tpu.memref_slice %arg11[%dma_start3A_339, %dma_start3A_340] : memref<32x128xf32, #tpu.memory_space<vmem>> -> memref<8x128xf32, #tpu.memory_space<vmem>>
    tpu.enqueue_dma source(%dma_start3A_341 : memref<8x128xf32, #tpu.memory_space<vmem>>) target(%dma_start3A_338 : memref<8x128xf32, #tpu.memory_space<hbm>>) target_semaphore(%arg19 : memref<!tpu.dma_semaphore, #tpu.memory_space<semaphore_mem>>)
    %dma_start3A_342 = arith.constant 47 : i32
    %dma_start3A_343 = arith.constant 3 : i32
    %dma_start3A_344 = arith.constant 24 : i32
    %dma_start3A_345 = arith.constant 0 : i32
    %dma_start3A_346 = tpu.memref_slice %arg11[%dma_start3A_344, %dma_start3A_345] : memref<32x128xf32, #tpu.memory_space<vmem>> -> memref<8x128xf32, #tpu.memory_space<vmem>>
    %dma_start3A_347 = arith.constant 0 : i32
    %dma_start3A_348 = arith.constant 0 : i32
    %dma_start3A_349 = tpu.memref_slice %arg4[%dma_start3A_342, %dma_start3A_343, %add3A_293, %dma_start3A_347, %dma_start3A_348] : memref<50x4x128x8x128xf32, #tpu.memory_space<hbm>> -> memref<1x1x1x8x128xf32, #tpu.memory_space<hbm>>
    %dma_start3A_350 = tpu.memref_squeeze %dma_start3A_349 : memref<1x1x1x8x128xf32, #tpu.memory_space<hbm>> -> memref<8x128xf32, #tpu.memory_space<hbm>>
    %dma_start3A_351 = arith.constant 0 : i32
    %dma_start3A_352 = arith.constant 0 : i32
    %dma_start3A_353 = tpu.memref_slice %arg4[%dma_start3A_342, %dma_start3A_343, %add3A_293, %dma_start3A_351, %dma_start3A_352] : memref<50x4x128x8x128xf32, #tpu.memory_space<hbm>> -> memref<1x1x1x8x128xf32, #tpu.memory_space<hbm>>
    %dma_start3A_354 = tpu.memref_squeeze %dma_start3A_353 : memref<1x1x1x8x128xf32, #tpu.memory_space<hbm>> -> memref<8x128xf32, #tpu.memory_space<hbm>>
    %dma_start3A_355 = arith.constant 24 : i32
    %dma_start3A_356 = arith.constant 0 : i32
    %dma_start3A_357 = tpu.memref_slice %arg11[%dma_start3A_355, %dma_start3A_356] : memref<32x128xf32, #tpu.memory_space<vmem>> -> memref<8x128xf32, #tpu.memory_space<vmem>>
    tpu.enqueue_dma source(%dma_start3A_357 : memref<8x128xf32, #tpu.memory_space<vmem>>) target(%dma_start3A_354 : memref<8x128xf32, #tpu.memory_space<hbm>>) target_semaphore(%arg19 : memref<!tpu.dma_semaphore, #tpu.memory_space<semaphore_mem>>)
    %dma_wait3A_358 = arith.constant 0 : i32
    %dma_wait3A_359 = arith.constant 0 : i32
    %dma_wait3A_360 = tpu.memref_slice %arg2[%dma_wait3A_358, %dma_wait3A_359] : memref<1000000x32xf32, #tpu.memory_space<hbm>> -> memref<128x32xf32, #tpu.memory_space<hbm>>
    %dma_wait3A_361 = arith.constant 0 : i32
    %dma_wait3A_362 = arith.constant 0 : i32
    %dma_wait3A_363 = tpu.memref_slice %arg2[%dma_wait3A_361, %dma_wait3A_362] : memref<1000000x32xf32, #tpu.memory_space<hbm>> -> memref<128x32xf32, #tpu.memory_space<hbm>>
    tpu.wait_dma2 semaphore(%arg16 : memref<!tpu.dma_semaphore, #tpu.memory_space<semaphore_mem>>) src(%dma_wait3A_363 : memref<128x32xf32, #tpu.memory_space<hbm>>) dst(%arg8 : memref<128x32xf32, #tpu.memory_space<vmem>>)
    %dma_wait3A_364 = arith.constant 0 : i32
    %dma_wait3A_365 = arith.constant 0 : i32
    %dma_wait3A_366 = arith.constant 0 : i32
    %dma_wait3A_367 = arith.constant 0 : i32
    %dma_wait3A_368 = arith.constant 0 : i32
    %dma_wait3A_369 = tpu.memref_slice %arg12[%dma_wait3A_367, %dma_wait3A_368] : memref<32x128xf32, #tpu.memory_space<vmem>> -> memref<8x128xf32, #tpu.memory_space<vmem>>
    %dma_wait3A_370 = arith.constant 0 : i32
    %dma_wait3A_371 = arith.constant 0 : i32
    %dma_wait3A_372 = tpu.memref_slice %arg4[%dma_wait3A_364, %dma_wait3A_365, %dma_wait3A_366, %dma_wait3A_370, %dma_wait3A_371] : memref<50x4x128x8x128xf32, #tpu.memory_space<hbm>> -> memref<1x1x1x8x128xf32, #tpu.memory_space<hbm>>
    %dma_wait3A_373 = tpu.memref_squeeze %dma_wait3A_372 : memref<1x1x1x8x128xf32, #tpu.memory_space<hbm>> -> memref<8x128xf32, #tpu.memory_space<hbm>>
    %dma_wait3A_374 = arith.constant 0 : i32
    %dma_wait3A_375 = arith.constant 0 : i32
    %dma_wait3A_376 = tpu.memref_slice %arg12[%dma_wait3A_374, %dma_wait3A_375] : memref<32x128xf32, #tpu.memory_space<vmem>> -> memref<8x128xf32, #tpu.memory_space<vmem>>
    %dma_wait3A_377 = arith.constant 0 : i32
    %dma_wait3A_378 = arith.constant 0 : i32
    %dma_wait3A_379 = tpu.memref_slice %arg4[%dma_wait3A_364, %dma_wait3A_365, %dma_wait3A_366, %dma_wait3A_377, %dma_wait3A_378] : memref<50x4x128x8x128xf32, #tpu.memory_space<hbm>> -> memref<1x1x1x8x128xf32, #tpu.memory_space<hbm>>
    %dma_wait3A_380 = tpu.memref_squeeze %dma_wait3A_379 : memref<1x1x1x8x128xf32, #tpu.memory_space<hbm>> -> memref<8x128xf32, #tpu.memory_space<hbm>>
    tpu.wait_dma2 semaphore(%arg20 : memref<!tpu.dma_semaphore, #tpu.memory_space<semaphore_mem>>) src(%dma_wait3A_380 : memref<8x128xf32, #tpu.memory_space<hbm>>) dst(%dma_wait3A_376 : memref<8x128xf32, #tpu.memory_space<vmem>>)
    %dma_wait3A_381 = arith.constant 0 : i32
    %dma_wait3A_382 = arith.constant 0 : i32
    %dma_wait3A_383 = arith.constant 0 : i32
    %dma_wait3A_384 = arith.constant 8 : i32
    %dma_wait3A_385 = arith.constant 0 : i32
    %dma_wait3A_386 = tpu.memref_slice %arg12[%dma_wait3A_384, %dma_wait3A_385] : memref<32x128xf32, #tpu.memory_space<vmem>> -> memref<8x128xf32, #tpu.memory_space<vmem>>
    %dma_wait3A_387 = arith.constant 0 : i32
    %dma_wait3A_388 = arith.constant 0 : i32
    %dma_wait3A_389 = tpu.memref_slice %arg4[%dma_wait3A_381, %dma_wait3A_382, %dma_wait3A_383, %dma_wait3A_387, %dma_wait3A_388] : memref<50x4x128x8x128xf32, #tpu.memory_space<hbm>> -> memref<1x1x1x8x128xf32, #tpu.memory_space<hbm>>
    %dma_wait3A_390 = tpu.memref_squeeze %dma_wait3A_389 : memref<1x1x1x8x128xf32, #tpu.memory_space<hbm>> -> memref<8x128xf32, #tpu.memory_space<hbm>>
    %dma_wait3A_391 = arith.constant 8 : i32
    %dma_wait3A_392 = arith.constant 0 : i32
    %dma_wait3A_393 = tpu.memref_slice %arg12[%dma_wait3A_391, %dma_wait3A_392] : memref<32x128xf32, #tpu.memory_space<vmem>> -> memref<8x128xf32, #tpu.memory_space<vmem>>
    %dma_wait3A_394 = arith.constant 0 : i32
    %dma_wait3A_395 = arith.constant 0 : i32
    %dma_wait3A_396 = tpu.memref_slice %arg4[%dma_wait3A_381, %dma_wait3A_382, %dma_wait3A_383, %dma_wait3A_394, %dma_wait3A_395] : memref<50x4x128x8x128xf32, #tpu.memory_space<hbm>> -> memref<1x1x1x8x128xf32, #tpu.memory_space<hbm>>
    %dma_wait3A_397 = tpu.memref_squeeze %dma_wait3A_396 : memref<1x1x1x8x128xf32, #tpu.memory_space<hbm>> -> memref<8x128xf32, #tpu.memory_space<hbm>>
    tpu.wait_dma2 semaphore(%arg20 : memref<!tpu.dma_semaphore, #tpu.memory_space<semaphore_mem>>) src(%dma_wait3A_397 : memref<8x128xf32, #tpu.memory_space<hbm>>) dst(%dma_wait3A_393 : memref<8x128xf32, #tpu.memory_space<vmem>>)
    %dma_wait3A_398 = arith.constant 0 : i32
    %dma_wait3A_399 = arith.constant 0 : i32
    %dma_wait3A_400 = arith.constant 0 : i32
    %dma_wait3A_401 = arith.constant 16 : i32
    %dma_wait3A_402 = arith.constant 0 : i32
    %dma_wait3A_403 = tpu.memref_slice %arg12[%dma_wait3A_401, %dma_wait3A_402] : memref<32x128xf32, #tpu.memory_space<vmem>> -> memref<8x128xf32, #tpu.memory_space<vmem>>
    %dma_wait3A_404 = arith.constant 0 : i32
    %dma_wait3A_405 = arith.constant 0 : i32
    %dma_wait3A_406 = tpu.memref_slice %arg4[%dma_wait3A_398, %dma_wait3A_399, %dma_wait3A_400, %dma_wait3A_404, %dma_wait3A_405] : memref<50x4x128x8x128xf32, #tpu.memory_space<hbm>> -> memref<1x1x1x8x128xf32, #tpu.memory_space<hbm>>
    %dma_wait3A_407 = tpu.memref_squeeze %dma_wait3A_406 : memref<1x1x1x8x128xf32, #tpu.memory_space<hbm>> -> memref<8x128xf32, #tpu.memory_space<hbm>>
    %dma_wait3A_408 = arith.constant 16 : i32
    %dma_wait3A_409 = arith.constant 0 : i32
    %dma_wait3A_410 = tpu.memref_slice %arg12[%dma_wait3A_408, %dma_wait3A_409] : memref<32x128xf32, #tpu.memory_space<vmem>> -> memref<8x128xf32, #tpu.memory_space<vmem>>
    %dma_wait3A_411 = arith.constant 0 : i32
    %dma_wait3A_412 = arith.constant 0 : i32
    %dma_wait3A_413 = tpu.memref_slice %arg4[%dma_wait3A_398, %dma_wait3A_399, %dma_wait3A_400, %dma_wait3A_411, %dma_wait3A_412] : memref<50x4x128x8x128xf32, #tpu.memory_space<hbm>> -> memref<1x1x1x8x128xf32, #tpu.memory_space<hbm>>
    %dma_wait3A_414 = tpu.memref_squeeze %dma_wait3A_413 : memref<1x1x1x8x128xf32, #tpu.memory_space<hbm>> -> memref<8x128xf32, #tpu.memory_space<hbm>>
    tpu.wait_dma2 semaphore(%arg20 : memref<!tpu.dma_semaphore, #tpu.memory_space<semaphore_mem>>) src(%dma_wait3A_414 : memref<8x128xf32, #tpu.memory_space<hbm>>) dst(%dma_wait3A_410 : memref<8x128xf32, #tpu.memory_space<vmem>>)
    %dma_wait3A_415 = arith.constant 0 : i32
    %dma_wait3A_416 = arith.constant 0 : i32
    %dma_wait3A_417 = arith.constant 0 : i32
    %dma_wait3A_418 = arith.constant 24 : i32
    %dma_wait3A_419 = arith.constant 0 : i32
    %dma_wait3A_420 = tpu.memref_slice %arg12[%dma_wait3A_418, %dma_wait3A_419] : memref<32x128xf32, #tpu.memory_space<vmem>> -> memref<8x128xf32, #tpu.memory_space<vmem>>
    %dma_wait3A_421 = arith.constant 0 : i32
    %dma_wait3A_422 = arith.constant 0 : i32
    %dma_wait3A_423 = tpu.memref_slice %arg4[%dma_wait3A_415, %dma_wait3A_416, %dma_wait3A_417, %dma_wait3A_421, %dma_wait3A_422] : memref<50x4x128x8x128xf32, #tpu.memory_space<hbm>> -> memref<1x1x1x8x128xf32, #tpu.memory_space<hbm>>
    %dma_wait3A_424 = tpu.memref_squeeze %dma_wait3A_423 : memref<1x1x1x8x128xf32, #tpu.memory_space<hbm>> -> memref<8x128xf32, #tpu.memory_space<hbm>>
    %dma_wait3A_425 = arith.constant 24 : i32
    %dma_wait3A_426 = arith.constant 0 : i32
    %dma_wait3A_427 = tpu.memref_slice %arg12[%dma_wait3A_425, %dma_wait3A_426] : memref<32x128xf32, #tpu.memory_space<vmem>> -> memref<8x128xf32, #tpu.memory_space<vmem>>
    %dma_wait3A_428 = arith.constant 0 : i32
    %dma_wait3A_429 = arith.constant 0 : i32
    %dma_wait3A_430 = tpu.memref_slice %arg4[%dma_wait3A_415, %dma_wait3A_416, %dma_wait3A_417, %dma_wait3A_428, %dma_wait3A_429] : memref<50x4x128x8x128xf32, #tpu.memory_space<hbm>> -> memref<1x1x1x8x128xf32, #tpu.memory_space<hbm>>
    %dma_wait3A_431 = tpu.memref_squeeze %dma_wait3A_430 : memref<1x1x1x8x128xf32, #tpu.memory_space<hbm>> -> memref<8x128xf32, #tpu.memory_space<hbm>>
    tpu.wait_dma2 semaphore(%arg20 : memref<!tpu.dma_semaphore, #tpu.memory_space<semaphore_mem>>) src(%dma_wait3A_431 : memref<8x128xf32, #tpu.memory_space<hbm>>) dst(%dma_wait3A_427 : memref<8x128xf32, #tpu.memory_space<vmem>>)
    %scan3A_432 = arith.constant 0 : i32
    %scan3A_433 = arith.constant 0 : i32
    %scan3A_434 = arith.constant 32 : i32
    %scan3A_435 = arith.addi %scan3A_433, %scan3A_434 : i32
    %scan3A_436 = arith.constant 1 : i32
    scf.for %scan3A_926 = %scan3A_433 to %scan3A_435 step %scan3A_436  : i32 {
      %broadcast_in_dim3A = vector.broadcast %scan3A_926 : i32 to vector<16xi32>
      %gather3A = tpu.vector_load_idx %arg8[%add3A_5, %broadcast_in_dim3A] : memref<128x32xf32, #tpu.memory_space<vmem>>[vector<16xi32>, vector<16xi32>], vector<16xf32>,
      %swap3A = arith.index_cast %scan3A_926 : i32 to index
      %swap3A_927 = arith.constant 0 : index
      %swap3A_928 = tpu.vector_load %arg12[%swap3A, %swap3A_927] {strides = array<i32>} : memref<32x128xf32, #tpu.memory_space<vmem>>, vector<16xf32>,
      tpu.vector_store %arg12[%swap3A, %swap3A_927], %gather3A {strides = array<i32>} : memref<32x128xf32, #tpu.memory_space<vmem>>, vector<16xf32>,
      %gather3A_929 = tpu.vector_load_idx %arg8[%add3A_8, %broadcast_in_dim3A] : memref<128x32xf32, #tpu.memory_space<vmem>>[vector<16xi32>, vector<16xi32>], vector<16xf32>,
      %swap3A_930 = arith.index_cast %scan3A_926 : i32 to index
      %swap3A_931 = arith.constant 16 : index
      %swap3A_932 = tpu.vector_load %arg12[%swap3A_930, %swap3A_931] {strides = array<i32>} : memref<32x128xf32, #tpu.memory_space<vmem>>, vector<16xf32>,
      tpu.vector_store %arg12[%swap3A_930, %swap3A_931], %gather3A_929 {strides = array<i32>} : memref<32x128xf32, #tpu.memory_space<vmem>>, vector<16xf32>,
      %gather3A_933 = tpu.vector_load_idx %arg8[%add3A_11, %broadcast_in_dim3A] : memref<128x32xf32, #tpu.memory_space<vmem>>[vector<16xi32>, vector<16xi32>], vector<16xf32>,
      %swap3A_934 = arith.index_cast %scan3A_926 : i32 to index
      %swap3A_935 = arith.constant 32 : index
      %swap3A_936 = tpu.vector_load %arg12[%swap3A_934, %swap3A_935] {strides = array<i32>} : memref<32x128xf32, #tpu.memory_space<vmem>>, vector<16xf32>,
      tpu.vector_store %arg12[%swap3A_934, %swap3A_935], %gather3A_933 {strides = array<i32>} : memref<32x128xf32, #tpu.memory_space<vmem>>, vector<16xf32>,
      %gather3A_937 = tpu.vector_load_idx %arg8[%add3A_14, %broadcast_in_dim3A] : memref<128x32xf32, #tpu.memory_space<vmem>>[vector<16xi32>, vector<16xi32>], vector<16xf32>,
      %swap3A_938 = arith.index_cast %scan3A_926 : i32 to index
      %swap3A_939 = arith.constant 48 : index
      %swap3A_940 = tpu.vector_load %arg12[%swap3A_938, %swap3A_939] {strides = array<i32>} : memref<32x128xf32, #tpu.memory_space<vmem>>, vector<16xf32>,
      tpu.vector_store %arg12[%swap3A_938, %swap3A_939], %gather3A_937 {strides = array<i32>} : memref<32x128xf32, #tpu.memory_space<vmem>>, vector<16xf32>,
      %gather3A_941 = tpu.vector_load_idx %arg8[%add3A_17, %broadcast_in_dim3A] : memref<128x32xf32, #tpu.memory_space<vmem>>[vector<16xi32>, vector<16xi32>], vector<16xf32>,
      %swap3A_942 = arith.index_cast %scan3A_926 : i32 to index
      %swap3A_943 = arith.constant 64 : index
      %swap3A_944 = tpu.vector_load %arg12[%swap3A_942, %swap3A_943] {strides = array<i32>} : memref<32x128xf32, #tpu.memory_space<vmem>>, vector<16xf32>,
      tpu.vector_store %arg12[%swap3A_942, %swap3A_943], %gather3A_941 {strides = array<i32>} : memref<32x128xf32, #tpu.memory_space<vmem>>, vector<16xf32>,
      %gather3A_945 = tpu.vector_load_idx %arg8[%add3A_20, %broadcast_in_dim3A] : memref<128x32xf32, #tpu.memory_space<vmem>>[vector<16xi32>, vector<16xi32>], vector<16xf32>,
      %swap3A_946 = arith.index_cast %scan3A_926 : i32 to index
      %swap3A_947 = arith.constant 80 : index
      %swap3A_948 = tpu.vector_load %arg12[%swap3A_946, %swap3A_947] {strides = array<i32>} : memref<32x128xf32, #tpu.memory_space<vmem>>, vector<16xf32>,
      tpu.vector_store %arg12[%swap3A_946, %swap3A_947], %gather3A_945 {strides = array<i32>} : memref<32x128xf32, #tpu.memory_space<vmem>>, vector<16xf32>,
      %gather3A_949 = tpu.vector_load_idx %arg8[%add3A_23, %broadcast_in_dim3A] : memref<128x32xf32, #tpu.memory_space<vmem>>[vector<16xi32>, vector<16xi32>], vector<16xf32>,
      %swap3A_950 = arith.index_cast %scan3A_926 : i32 to index
      %swap3A_951 = arith.constant 96 : index
      %swap3A_952 = tpu.vector_load %arg12[%swap3A_950, %swap3A_951] {strides = array<i32>} : memref<32x128xf32, #tpu.memory_space<vmem>>, vector<16xf32>,
      tpu.vector_store %arg12[%swap3A_950, %swap3A_951], %gather3A_949 {strides = array<i32>} : memref<32x128xf32, #tpu.memory_space<vmem>>, vector<16xf32>,
      %gather3A_953 = tpu.vector_load_idx %arg8[%add3A_26, %broadcast_in_dim3A] : memref<128x32xf32, #tpu.memory_space<vmem>>[vector<16xi32>, vector<16xi32>], vector<16xf32>,
      %swap3A_954 = arith.index_cast %scan3A_926 : i32 to index
      %swap3A_955 = arith.constant 112 : index
      %swap3A_956 = tpu.vector_load %arg12[%swap3A_954, %swap3A_955] {strides = array<i32>} : memref<32x128xf32, #tpu.memory_space<vmem>>, vector<16xf32>,
      tpu.vector_store %arg12[%swap3A_954, %swap3A_955], %gather3A_953 {strides = array<i32>} : memref<32x128xf32, #tpu.memory_space<vmem>>, vector<16xf32>,
    }
    %scan3A_437 = arith.constant 32 : i32
    %mul3A_438 = arith.constant 4 : i32
    %mul3A_439 = arith.muli %add3A, %mul3A_438 : i32
    %add3A_440 = arith.constant 3 : i32
    %add3A_441 = arith.addi %mul3A_439, %add3A_440 : i32
    %dma_start3A_442 = arith.constant 48 : i32
    %dma_start3A_443 = arith.constant 0 : i32
    %dma_start3A_444 = arith.constant 0 : i32
    %dma_start3A_445 = arith.constant 0 : i32
    %dma_start3A_446 = tpu.memref_slice %arg12[%dma_start3A_444, %dma_start3A_445] : memref<32x128xf32, #tpu.memory_space<vmem>> -> memref<8x128xf32, #tpu.memory_space<vmem>>
    %dma_start3A_447 = arith.constant 0 : i32
    %dma_start3A_448 = arith.constant 0 : i32
    %dma_start3A_449 = tpu.memref_slice %arg4[%dma_start3A_442, %dma_start3A_443, %add3A_441, %dma_start3A_447, %dma_start3A_448] : memref<50x4x128x8x128xf32, #tpu.memory_space<hbm>> -> memref<1x1x1x8x128xf32, #tpu.memory_space<hbm>>
    %dma_start3A_450 = tpu.memref_squeeze %dma_start3A_449 : memref<1x1x1x8x128xf32, #tpu.memory_space<hbm>> -> memref<8x128xf32, #tpu.memory_space<hbm>>
    %dma_start3A_451 = arith.constant 0 : i32
    %dma_start3A_452 = arith.constant 0 : i32
    %dma_start3A_453 = tpu.memref_slice %arg4[%dma_start3A_442, %dma_start3A_443, %add3A_441, %dma_start3A_451, %dma_start3A_452] : memref<50x4x128x8x128xf32, #tpu.memory_space<hbm>> -> memref<1x1x1x8x128xf32, #tpu.memory_space<hbm>>
    %dma_start3A_454 = tpu.memref_squeeze %dma_start3A_453 : memref<1x1x1x8x128xf32, #tpu.memory_space<hbm>> -> memref<8x128xf32, #tpu.memory_space<hbm>>
    %dma_start3A_455 = arith.constant 0 : i32
    %dma_start3A_456 = arith.constant 0 : i32
    %dma_start3A_457 = tpu.memref_slice %arg12[%dma_start3A_455, %dma_start3A_456] : memref<32x128xf32, #tpu.memory_space<vmem>> -> memref<8x128xf32, #tpu.memory_space<vmem>>
    tpu.enqueue_dma source(%dma_start3A_457 : memref<8x128xf32, #tpu.memory_space<vmem>>) target(%dma_start3A_454 : memref<8x128xf32, #tpu.memory_space<hbm>>) target_semaphore(%arg20 : memref<!tpu.dma_semaphore, #tpu.memory_space<semaphore_mem>>)
    %dma_start3A_458 = arith.constant 48 : i32
    %dma_start3A_459 = arith.constant 1 : i32
    %dma_start3A_460 = arith.constant 8 : i32
    %dma_start3A_461 = arith.constant 0 : i32
    %dma_start3A_462 = tpu.memref_slice %arg12[%dma_start3A_460, %dma_start3A_461] : memref<32x128xf32, #tpu.memory_space<vmem>> -> memref<8x128xf32, #tpu.memory_space<vmem>>
    %dma_start3A_463 = arith.constant 0 : i32
    %dma_start3A_464 = arith.constant 0 : i32
    %dma_start3A_465 = tpu.memref_slice %arg4[%dma_start3A_458, %dma_start3A_459, %add3A_441, %dma_start3A_463, %dma_start3A_464] : memref<50x4x128x8x128xf32, #tpu.memory_space<hbm>> -> memref<1x1x1x8x128xf32, #tpu.memory_space<hbm>>
    %dma_start3A_466 = tpu.memref_squeeze %dma_start3A_465 : memref<1x1x1x8x128xf32, #tpu.memory_space<hbm>> -> memref<8x128xf32, #tpu.memory_space<hbm>>
    %dma_start3A_467 = arith.constant 0 : i32
    %dma_start3A_468 = arith.constant 0 : i32
    %dma_start3A_469 = tpu.memref_slice %arg4[%dma_start3A_458, %dma_start3A_459, %add3A_441, %dma_start3A_467, %dma_start3A_468] : memref<50x4x128x8x128xf32, #tpu.memory_space<hbm>> -> memref<1x1x1x8x128xf32, #tpu.memory_space<hbm>>
    %dma_start3A_470 = tpu.memref_squeeze %dma_start3A_469 : memref<1x1x1x8x128xf32, #tpu.memory_space<hbm>> -> memref<8x128xf32, #tpu.memory_space<hbm>>
    %dma_start3A_471 = arith.constant 8 : i32
    %dma_start3A_472 = arith.constant 0 : i32
    %dma_start3A_473 = tpu.memref_slice %arg12[%dma_start3A_471, %dma_start3A_472] : memref<32x128xf32, #tpu.memory_space<vmem>> -> memref<8x128xf32, #tpu.memory_space<vmem>>
    tpu.enqueue_dma source(%dma_start3A_473 : memref<8x128xf32, #tpu.memory_space<vmem>>) target(%dma_start3A_470 : memref<8x128xf32, #tpu.memory_space<hbm>>) target_semaphore(%arg20 : memref<!tpu.dma_semaphore, #tpu.memory_space<semaphore_mem>>)
    %dma_start3A_474 = arith.constant 48 : i32
    %dma_start3A_475 = arith.constant 2 : i32
    %dma_start3A_476 = arith.constant 16 : i32
    %dma_start3A_477 = arith.constant 0 : i32
    %dma_start3A_478 = tpu.memref_slice %arg12[%dma_start3A_476, %dma_start3A_477] : memref<32x128xf32, #tpu.memory_space<vmem>> -> memref<8x128xf32, #tpu.memory_space<vmem>>
    %dma_start3A_479 = arith.constant 0 : i32
    %dma_start3A_480 = arith.constant 0 : i32
    %dma_start3A_481 = tpu.memref_slice %arg4[%dma_start3A_474, %dma_start3A_475, %add3A_441, %dma_start3A_479, %dma_start3A_480] : memref<50x4x128x8x128xf32, #tpu.memory_space<hbm>> -> memref<1x1x1x8x128xf32, #tpu.memory_space<hbm>>
    %dma_start3A_482 = tpu.memref_squeeze %dma_start3A_481 : memref<1x1x1x8x128xf32, #tpu.memory_space<hbm>> -> memref<8x128xf32, #tpu.memory_space<hbm>>
    %dma_start3A_483 = arith.constant 0 : i32
    %dma_start3A_484 = arith.constant 0 : i32
    %dma_start3A_485 = tpu.memref_slice %arg4[%dma_start3A_474, %dma_start3A_475, %add3A_441, %dma_start3A_483, %dma_start3A_484] : memref<50x4x128x8x128xf32, #tpu.memory_space<hbm>> -> memref<1x1x1x8x128xf32, #tpu.memory_space<hbm>>
    %dma_start3A_486 = tpu.memref_squeeze %dma_start3A_485 : memref<1x1x1x8x128xf32, #tpu.memory_space<hbm>> -> memref<8x128xf32, #tpu.memory_space<hbm>>
    %dma_start3A_487 = arith.constant 16 : i32
    %dma_start3A_488 = arith.constant 0 : i32
    %dma_start3A_489 = tpu.memref_slice %arg12[%dma_start3A_487, %dma_start3A_488] : memref<32x128xf32, #tpu.memory_space<vmem>> -> memref<8x128xf32, #tpu.memory_space<vmem>>
    tpu.enqueue_dma source(%dma_start3A_489 : memref<8x128xf32, #tpu.memory_space<vmem>>) target(%dma_start3A_486 : memref<8x128xf32, #tpu.memory_space<hbm>>) target_semaphore(%arg20 : memref<!tpu.dma_semaphore, #tpu.memory_space<semaphore_mem>>)
    %dma_start3A_490 = arith.constant 48 : i32
    %dma_start3A_491 = arith.constant 3 : i32
    %dma_start3A_492 = arith.constant 24 : i32
    %dma_start3A_493 = arith.constant 0 : i32
    %dma_start3A_494 = tpu.memref_slice %arg12[%dma_start3A_492, %dma_start3A_493] : memref<32x128xf32, #tpu.memory_space<vmem>> -> memref<8x128xf32, #tpu.memory_space<vmem>>
    %dma_start3A_495 = arith.constant 0 : i32
    %dma_start3A_496 = arith.constant 0 : i32
    %dma_start3A_497 = tpu.memref_slice %arg4[%dma_start3A_490, %dma_start3A_491, %add3A_441, %dma_start3A_495, %dma_start3A_496] : memref<50x4x128x8x128xf32, #tpu.memory_space<hbm>> -> memref<1x1x1x8x128xf32, #tpu.memory_space<hbm>>
    %dma_start3A_498 = tpu.memref_squeeze %dma_start3A_497 : memref<1x1x1x8x128xf32, #tpu.memory_space<hbm>> -> memref<8x128xf32, #tpu.memory_space<hbm>>
    %dma_start3A_499 = arith.constant 0 : i32
    %dma_start3A_500 = arith.constant 0 : i32
    %dma_start3A_501 = tpu.memref_slice %arg4[%dma_start3A_490, %dma_start3A_491, %add3A_441, %dma_start3A_499, %dma_start3A_500] : memref<50x4x128x8x128xf32, #tpu.memory_space<hbm>> -> memref<1x1x1x8x128xf32, #tpu.memory_space<hbm>>
    %dma_start3A_502 = tpu.memref_squeeze %dma_start3A_501 : memref<1x1x1x8x128xf32, #tpu.memory_space<hbm>> -> memref<8x128xf32, #tpu.memory_space<hbm>>
    %dma_start3A_503 = arith.constant 24 : i32
    %dma_start3A_504 = arith.constant 0 : i32
    %dma_start3A_505 = tpu.memref_slice %arg12[%dma_start3A_503, %dma_start3A_504] : memref<32x128xf32, #tpu.memory_space<vmem>> -> memref<8x128xf32, #tpu.memory_space<vmem>>
    tpu.enqueue_dma source(%dma_start3A_505 : memref<8x128xf32, #tpu.memory_space<vmem>>) target(%dma_start3A_502 : memref<8x128xf32, #tpu.memory_space<hbm>>) target_semaphore(%arg20 : memref<!tpu.dma_semaphore, #tpu.memory_space<semaphore_mem>>)
    %dma_wait3A_506 = arith.constant 0 : i32
    %dma_wait3A_507 = arith.constant 0 : i32
    %dma_wait3A_508 = tpu.memref_slice %arg2[%dma_wait3A_506, %dma_wait3A_507] : memref<1000000x32xf32, #tpu.memory_space<hbm>> -> memref<128x32xf32, #tpu.memory_space<hbm>>
    %dma_wait3A_509 = arith.constant 0 : i32
    %dma_wait3A_510 = arith.constant 0 : i32
    %dma_wait3A_511 = tpu.memref_slice %arg2[%dma_wait3A_509, %dma_wait3A_510] : memref<1000000x32xf32, #tpu.memory_space<hbm>> -> memref<128x32xf32, #tpu.memory_space<hbm>>
    tpu.wait_dma2 semaphore(%arg17 : memref<!tpu.dma_semaphore, #tpu.memory_space<semaphore_mem>>) src(%dma_wait3A_511 : memref<128x32xf32, #tpu.memory_space<hbm>>) dst(%arg9 : memref<128x32xf32, #tpu.memory_space<vmem>>)
    %dma_wait3A_512 = arith.constant 0 : i32
    %dma_wait3A_513 = arith.constant 0 : i32
    %dma_wait3A_514 = arith.constant 0 : i32
    %dma_wait3A_515 = arith.constant 0 : i32
    %dma_wait3A_516 = arith.constant 0 : i32
    %dma_wait3A_517 = tpu.memref_slice %arg13[%dma_wait3A_515, %dma_wait3A_516] : memref<32x128xf32, #tpu.memory_space<vmem>> -> memref<8x128xf32, #tpu.memory_space<vmem>>
    %dma_wait3A_518 = arith.constant 0 : i32
    %dma_wait3A_519 = arith.constant 0 : i32
    %dma_wait3A_520 = tpu.memref_slice %arg4[%dma_wait3A_512, %dma_wait3A_513, %dma_wait3A_514, %dma_wait3A_518, %dma_wait3A_519] : memref<50x4x128x8x128xf32, #tpu.memory_space<hbm>> -> memref<1x1x1x8x128xf32, #tpu.memory_space<hbm>>
    %dma_wait3A_521 = tpu.memref_squeeze %dma_wait3A_520 : memref<1x1x1x8x128xf32, #tpu.memory_space<hbm>> -> memref<8x128xf32, #tpu.memory_space<hbm>>
    %dma_wait3A_522 = arith.constant 0 : i32
    %dma_wait3A_523 = arith.constant 0 : i32
    %dma_wait3A_524 = tpu.memref_slice %arg13[%dma_wait3A_522, %dma_wait3A_523] : memref<32x128xf32, #tpu.memory_space<vmem>> -> memref<8x128xf32, #tpu.memory_space<vmem>>
    %dma_wait3A_525 = arith.constant 0 : i32
    %dma_wait3A_526 = arith.constant 0 : i32
    %dma_wait3A_527 = tpu.memref_slice %arg4[%dma_wait3A_512, %dma_wait3A_513, %dma_wait3A_514, %dma_wait3A_525, %dma_wait3A_526] : memref<50x4x128x8x128xf32, #tpu.memory_space<hbm>> -> memref<1x1x1x8x128xf32, #tpu.memory_space<hbm>>
    %dma_wait3A_528 = tpu.memref_squeeze %dma_wait3A_527 : memref<1x1x1x8x128xf32, #tpu.memory_space<hbm>> -> memref<8x128xf32, #tpu.memory_space<hbm>>
    tpu.wait_dma2 semaphore(%arg21 : memref<!tpu.dma_semaphore, #tpu.memory_space<semaphore_mem>>) src(%dma_wait3A_528 : memref<8x128xf32, #tpu.memory_space<hbm>>) dst(%dma_wait3A_524 : memref<8x128xf32, #tpu.memory_space<vmem>>)
    %dma_wait3A_529 = arith.constant 0 : i32
    %dma_wait3A_530 = arith.constant 0 : i32
    %dma_wait3A_531 = arith.constant 0 : i32
    %dma_wait3A_532 = arith.constant 8 : i32
    %dma_wait3A_533 = arith.constant 0 : i32
    %dma_wait3A_534 = tpu.memref_slice %arg13[%dma_wait3A_532, %dma_wait3A_533] : memref<32x128xf32, #tpu.memory_space<vmem>> -> memref<8x128xf32, #tpu.memory_space<vmem>>
    %dma_wait3A_535 = arith.constant 0 : i32
    %dma_wait3A_536 = arith.constant 0 : i32
    %dma_wait3A_537 = tpu.memref_slice %arg4[%dma_wait3A_529, %dma_wait3A_530, %dma_wait3A_531, %dma_wait3A_535, %dma_wait3A_536] : memref<50x4x128x8x128xf32, #tpu.memory_space<hbm>> -> memref<1x1x1x8x128xf32, #tpu.memory_space<hbm>>
    %dma_wait3A_538 = tpu.memref_squeeze %dma_wait3A_537 : memref<1x1x1x8x128xf32, #tpu.memory_space<hbm>> -> memref<8x128xf32, #tpu.memory_space<hbm>>
    %dma_wait3A_539 = arith.constant 8 : i32
    %dma_wait3A_540 = arith.constant 0 : i32
    %dma_wait3A_541 = tpu.memref_slice %arg13[%dma_wait3A_539, %dma_wait3A_540] : memref<32x128xf32, #tpu.memory_space<vmem>> -> memref<8x128xf32, #tpu.memory_space<vmem>>
    %dma_wait3A_542 = arith.constant 0 : i32
    %dma_wait3A_543 = arith.constant 0 : i32
    %dma_wait3A_544 = tpu.memref_slice %arg4[%dma_wait3A_529, %dma_wait3A_530, %dma_wait3A_531, %dma_wait3A_542, %dma_wait3A_543] : memref<50x4x128x8x128xf32, #tpu.memory_space<hbm>> -> memref<1x1x1x8x128xf32, #tpu.memory_space<hbm>>
    %dma_wait3A_545 = tpu.memref_squeeze %dma_wait3A_544 : memref<1x1x1x8x128xf32, #tpu.memory_space<hbm>> -> memref<8x128xf32, #tpu.memory_space<hbm>>
    tpu.wait_dma2 semaphore(%arg21 : memref<!tpu.dma_semaphore, #tpu.memory_space<semaphore_mem>>) src(%dma_wait3A_545 : memref<8x128xf32, #tpu.memory_space<hbm>>) dst(%dma_wait3A_541 : memref<8x128xf32, #tpu.memory_space<vmem>>)
    %dma_wait3A_546 = arith.constant 0 : i32
    %dma_wait3A_547 = arith.constant 0 : i32
    %dma_wait3A_548 = arith.constant 0 : i32
    %dma_wait3A_549 = arith.constant 16 : i32
    %dma_wait3A_550 = arith.constant 0 : i32
    %dma_wait3A_551 = tpu.memref_slice %arg13[%dma_wait3A_549, %dma_wait3A_550] : memref<32x128xf32, #tpu.memory_space<vmem>> -> memref<8x128xf32, #tpu.memory_space<vmem>>
    %dma_wait3A_552 = arith.constant 0 : i32
    %dma_wait3A_553 = arith.constant 0 : i32
    %dma_wait3A_554 = tpu.memref_slice %arg4[%dma_wait3A_546, %dma_wait3A_547, %dma_wait3A_548, %dma_wait3A_552, %dma_wait3A_553] : memref<50x4x128x8x128xf32, #tpu.memory_space<hbm>> -> memref<1x1x1x8x128xf32, #tpu.memory_space<hbm>>
    %dma_wait3A_555 = tpu.memref_squeeze %dma_wait3A_554 : memref<1x1x1x8x128xf32, #tpu.memory_space<hbm>> -> memref<8x128xf32, #tpu.memory_space<hbm>>
    %dma_wait3A_556 = arith.constant 16 : i32
    %dma_wait3A_557 = arith.constant 0 : i32
    %dma_wait3A_558 = tpu.memref_slice %arg13[%dma_wait3A_556, %dma_wait3A_557] : memref<32x128xf32, #tpu.memory_space<vmem>> -> memref<8x128xf32, #tpu.memory_space<vmem>>
    %dma_wait3A_559 = arith.constant 0 : i32
    %dma_wait3A_560 = arith.constant 0 : i32
    %dma_wait3A_561 = tpu.memref_slice %arg4[%dma_wait3A_546, %dma_wait3A_547, %dma_wait3A_548, %dma_wait3A_559, %dma_wait3A_560] : memref<50x4x128x8x128xf32, #tpu.memory_space<hbm>> -> memref<1x1x1x8x128xf32, #tpu.memory_space<hbm>>
    %dma_wait3A_562 = tpu.memref_squeeze %dma_wait3A_561 : memref<1x1x1x8x128xf32, #tpu.memory_space<hbm>> -> memref<8x128xf32, #tpu.memory_space<hbm>>
    tpu.wait_dma2 semaphore(%arg21 : memref<!tpu.dma_semaphore, #tpu.memory_space<semaphore_mem>>) src(%dma_wait3A_562 : memref<8x128xf32, #tpu.memory_space<hbm>>) dst(%dma_wait3A_558 : memref<8x128xf32, #tpu.memory_space<vmem>>)
    %dma_wait3A_563 = arith.constant 0 : i32
    %dma_wait3A_564 = arith.constant 0 : i32
    %dma_wait3A_565 = arith.constant 0 : i32
    %dma_wait3A_566 = arith.constant 24 : i32
    %dma_wait3A_567 = arith.constant 0 : i32
    %dma_wait3A_568 = tpu.memref_slice %arg13[%dma_wait3A_566, %dma_wait3A_567] : memref<32x128xf32, #tpu.memory_space<vmem>> -> memref<8x128xf32, #tpu.memory_space<vmem>>
    %dma_wait3A_569 = arith.constant 0 : i32
    %dma_wait3A_570 = arith.constant 0 : i32
    %dma_wait3A_571 = tpu.memref_slice %arg4[%dma_wait3A_563, %dma_wait3A_564, %dma_wait3A_565, %dma_wait3A_569, %dma_wait3A_570] : memref<50x4x128x8x128xf32, #tpu.memory_space<hbm>> -> memref<1x1x1x8x128xf32, #tpu.memory_space<hbm>>
    %dma_wait3A_572 = tpu.memref_squeeze %dma_wait3A_571 : memref<1x1x1x8x128xf32, #tpu.memory_space<hbm>> -> memref<8x128xf32, #tpu.memory_space<hbm>>
    %dma_wait3A_573 = arith.constant 24 : i32
    %dma_wait3A_574 = arith.constant 0 : i32
    %dma_wait3A_575 = tpu.memref_slice %arg13[%dma_wait3A_573, %dma_wait3A_574] : memref<32x128xf32, #tpu.memory_space<vmem>> -> memref<8x128xf32, #tpu.memory_space<vmem>>
    %dma_wait3A_576 = arith.constant 0 : i32
    %dma_wait3A_577 = arith.constant 0 : i32
    %dma_wait3A_578 = tpu.memref_slice %arg4[%dma_wait3A_563, %dma_wait3A_564, %dma_wait3A_565, %dma_wait3A_576, %dma_wait3A_577] : memref<50x4x128x8x128xf32, #tpu.memory_space<hbm>> -> memref<1x1x1x8x128xf32, #tpu.memory_space<hbm>>
    %dma_wait3A_579 = tpu.memref_squeeze %dma_wait3A_578 : memref<1x1x1x8x128xf32, #tpu.memory_space<hbm>> -> memref<8x128xf32, #tpu.memory_space<hbm>>
    tpu.wait_dma2 semaphore(%arg21 : memref<!tpu.dma_semaphore, #tpu.memory_space<semaphore_mem>>) src(%dma_wait3A_579 : memref<8x128xf32, #tpu.memory_space<hbm>>) dst(%dma_wait3A_575 : memref<8x128xf32, #tpu.memory_space<vmem>>)
    %scan3A_580 = arith.constant 0 : i32
    %scan3A_581 = arith.constant 0 : i32
    %scan3A_582 = arith.constant 32 : i32
    %scan3A_583 = arith.addi %scan3A_581, %scan3A_582 : i32
    %scan3A_584 = arith.constant 1 : i32
    scf.for %scan3A_926 = %scan3A_581 to %scan3A_583 step %scan3A_584  : i32 {
      %broadcast_in_dim3A = vector.broadcast %scan3A_926 : i32 to vector<16xi32>
      %gather3A = tpu.vector_load_idx %arg9[%add3A_5, %broadcast_in_dim3A] : memref<128x32xf32, #tpu.memory_space<vmem>>[vector<16xi32>, vector<16xi32>], vector<16xf32>,
      %swap3A = arith.index_cast %scan3A_926 : i32 to index
      %swap3A_927 = arith.constant 0 : index
      %swap3A_928 = tpu.vector_load %arg13[%swap3A, %swap3A_927] {strides = array<i32>} : memref<32x128xf32, #tpu.memory_space<vmem>>, vector<16xf32>,
      tpu.vector_store %arg13[%swap3A, %swap3A_927], %gather3A {strides = array<i32>} : memref<32x128xf32, #tpu.memory_space<vmem>>, vector<16xf32>,
      %gather3A_929 = tpu.vector_load_idx %arg9[%add3A_8, %broadcast_in_dim3A] : memref<128x32xf32, #tpu.memory_space<vmem>>[vector<16xi32>, vector<16xi32>], vector<16xf32>,
      %swap3A_930 = arith.index_cast %scan3A_926 : i32 to index
      %swap3A_931 = arith.constant 16 : index
      %swap3A_932 = tpu.vector_load %arg13[%swap3A_930, %swap3A_931] {strides = array<i32>} : memref<32x128xf32, #tpu.memory_space<vmem>>, vector<16xf32>,
      tpu.vector_store %arg13[%swap3A_930, %swap3A_931], %gather3A_929 {strides = array<i32>} : memref<32x128xf32, #tpu.memory_space<vmem>>, vector<16xf32>,
      %gather3A_933 = tpu.vector_load_idx %arg9[%add3A_11, %broadcast_in_dim3A] : memref<128x32xf32, #tpu.memory_space<vmem>>[vector<16xi32>, vector<16xi32>], vector<16xf32>,
      %swap3A_934 = arith.index_cast %scan3A_926 : i32 to index
      %swap3A_935 = arith.constant 32 : index
      %swap3A_936 = tpu.vector_load %arg13[%swap3A_934, %swap3A_935] {strides = array<i32>} : memref<32x128xf32, #tpu.memory_space<vmem>>, vector<16xf32>,
      tpu.vector_store %arg13[%swap3A_934, %swap3A_935], %gather3A_933 {strides = array<i32>} : memref<32x128xf32, #tpu.memory_space<vmem>>, vector<16xf32>,
      %gather3A_937 = tpu.vector_load_idx %arg9[%add3A_14, %broadcast_in_dim3A] : memref<128x32xf32, #tpu.memory_space<vmem>>[vector<16xi32>, vector<16xi32>], vector<16xf32>,
      %swap3A_938 = arith.index_cast %scan3A_926 : i32 to index
      %swap3A_939 = arith.constant 48 : index
      %swap3A_940 = tpu.vector_load %arg13[%swap3A_938, %swap3A_939] {strides = array<i32>} : memref<32x128xf32, #tpu.memory_space<vmem>>, vector<16xf32>,
      tpu.vector_store %arg13[%swap3A_938, %swap3A_939], %gather3A_937 {strides = array<i32>} : memref<32x128xf32, #tpu.memory_space<vmem>>, vector<16xf32>,
      %gather3A_941 = tpu.vector_load_idx %arg9[%add3A_17, %broadcast_in_dim3A] : memref<128x32xf32, #tpu.memory_space<vmem>>[vector<16xi32>, vector<16xi32>], vector<16xf32>,
      %swap3A_942 = arith.index_cast %scan3A_926 : i32 to index
      %swap3A_943 = arith.constant 64 : index
      %swap3A_944 = tpu.vector_load %arg13[%swap3A_942, %swap3A_943] {strides = array<i32>} : memref<32x128xf32, #tpu.memory_space<vmem>>, vector<16xf32>,
      tpu.vector_store %arg13[%swap3A_942, %swap3A_943], %gather3A_941 {strides = array<i32>} : memref<32x128xf32, #tpu.memory_space<vmem>>, vector<16xf32>,
      %gather3A_945 = tpu.vector_load_idx %arg9[%add3A_20, %broadcast_in_dim3A] : memref<128x32xf32, #tpu.memory_space<vmem>>[vector<16xi32>, vector<16xi32>], vector<16xf32>,
      %swap3A_946 = arith.index_cast %scan3A_926 : i32 to index
      %swap3A_947 = arith.constant 80 : index
      %swap3A_948 = tpu.vector_load %arg13[%swap3A_946, %swap3A_947] {strides = array<i32>} : memref<32x128xf32, #tpu.memory_space<vmem>>, vector<16xf32>,
      tpu.vector_store %arg13[%swap3A_946, %swap3A_947], %gather3A_945 {strides = array<i32>} : memref<32x128xf32, #tpu.memory_space<vmem>>, vector<16xf32>,
      %gather3A_949 = tpu.vector_load_idx %arg9[%add3A_23, %broadcast_in_dim3A] : memref<128x32xf32, #tpu.memory_space<vmem>>[vector<16xi32>, vector<16xi32>], vector<16xf32>,
      %swap3A_950 = arith.index_cast %scan3A_926 : i32 to index
      %swap3A_951 = arith.constant 96 : index
      %swap3A_952 = tpu.vector_load %arg13[%swap3A_950, %swap3A_951] {strides = array<i32>} : memref<32x128xf32, #tpu.memory_space<vmem>>, vector<16xf32>,
      tpu.vector_store %arg13[%swap3A_950, %swap3A_951], %gather3A_949 {strides = array<i32>} : memref<32x128xf32, #tpu.memory_space<vmem>>, vector<16xf32>,
      %gather3A_953 = tpu.vector_load_idx %arg9[%add3A_26, %broadcast_in_dim3A] : memref<128x32xf32, #tpu.memory_space<vmem>>[vector<16xi32>, vector<16xi32>], vector<16xf32>,
      %swap3A_954 = arith.index_cast %scan3A_926 : i32 to index
      %swap3A_955 = arith.constant 112 : index
      %swap3A_956 = tpu.vector_load %arg13[%swap3A_954, %swap3A_955] {strides = array<i32>} : memref<32x128xf32, #tpu.memory_space<vmem>>, vector<16xf32>,
      tpu.vector_store %arg13[%swap3A_954, %swap3A_955], %gather3A_953 {strides = array<i32>} : memref<32x128xf32, #tpu.memory_space<vmem>>, vector<16xf32>,
    }
    %scan3A_585 = arith.constant 32 : i32
    %mul3A_586 = arith.constant 4 : i32
    %mul3A_587 = arith.muli %add3A, %mul3A_586 : i32
    %add3A_588 = arith.constant 3 : i32
    %add3A_589 = arith.addi %mul3A_587, %add3A_588 : i32
    %dma_start3A_590 = arith.constant 49 : i32
    %dma_start3A_591 = arith.constant 0 : i32
    %dma_start3A_592 = arith.constant 0 : i32
    %dma_start3A_593 = arith.constant 0 : i32
    %dma_start3A_594 = tpu.memref_slice %arg13[%dma_start3A_592, %dma_start3A_593] : memref<32x128xf32, #tpu.memory_space<vmem>> -> memref<8x128xf32, #tpu.memory_space<vmem>>
    %dma_start3A_595 = arith.constant 0 : i32
    %dma_start3A_596 = arith.constant 0 : i32
    %dma_start3A_597 = tpu.memref_slice %arg4[%dma_start3A_590, %dma_start3A_591, %add3A_589, %dma_start3A_595, %dma_start3A_596] : memref<50x4x128x8x128xf32, #tpu.memory_space<hbm>> -> memref<1x1x1x8x128xf32, #tpu.memory_space<hbm>>
    %dma_start3A_598 = tpu.memref_squeeze %dma_start3A_597 : memref<1x1x1x8x128xf32, #tpu.memory_space<hbm>> -> memref<8x128xf32, #tpu.memory_space<hbm>>
    %dma_start3A_599 = arith.constant 0 : i32
    %dma_start3A_600 = arith.constant 0 : i32
    %dma_start3A_601 = tpu.memref_slice %arg4[%dma_start3A_590, %dma_start3A_591, %add3A_589, %dma_start3A_599, %dma_start3A_600] : memref<50x4x128x8x128xf32, #tpu.memory_space<hbm>> -> memref<1x1x1x8x128xf32, #tpu.memory_space<hbm>>
    %dma_start3A_602 = tpu.memref_squeeze %dma_start3A_601 : memref<1x1x1x8x128xf32, #tpu.memory_space<hbm>> -> memref<8x128xf32, #tpu.memory_space<hbm>>
    %dma_start3A_603 = arith.constant 0 : i32
    %dma_start3A_604 = arith.constant 0 : i32
    %dma_start3A_605 = tpu.memref_slice %arg13[%dma_start3A_603, %dma_start3A_604] : memref<32x128xf32, #tpu.memory_space<vmem>> -> memref<8x128xf32, #tpu.memory_space<vmem>>
    tpu.enqueue_dma source(%dma_start3A_605 : memref<8x128xf32, #tpu.memory_space<vmem>>) target(%dma_start3A_602 : memref<8x128xf32, #tpu.memory_space<hbm>>) target_semaphore(%arg21 : memref<!tpu.dma_semaphore, #tpu.memory_space<semaphore_mem>>)
    %dma_start3A_606 = arith.constant 49 : i32
    %dma_start3A_607 = arith.constant 1 : i32
    %dma_start3A_608 = arith.constant 8 : i32
    %dma_start3A_609 = arith.constant 0 : i32
    %dma_start3A_610 = tpu.memref_slice %arg13[%dma_start3A_608, %dma_start3A_609] : memref<32x128xf32, #tpu.memory_space<vmem>> -> memref<8x128xf32, #tpu.memory_space<vmem>>
    %dma_start3A_611 = arith.constant 0 : i32
    %dma_start3A_612 = arith.constant 0 : i32
    %dma_start3A_613 = tpu.memref_slice %arg4[%dma_start3A_606, %dma_start3A_607, %add3A_589, %dma_start3A_611, %dma_start3A_612] : memref<50x4x128x8x128xf32, #tpu.memory_space<hbm>> -> memref<1x1x1x8x128xf32, #tpu.memory_space<hbm>>
    %dma_start3A_614 = tpu.memref_squeeze %dma_start3A_613 : memref<1x1x1x8x128xf32, #tpu.memory_space<hbm>> -> memref<8x128xf32, #tpu.memory_space<hbm>>
    %dma_start3A_615 = arith.constant 0 : i32
    %dma_start3A_616 = arith.constant 0 : i32
    %dma_start3A_617 = tpu.memref_slice %arg4[%dma_start3A_606, %dma_start3A_607, %add3A_589, %dma_start3A_615, %dma_start3A_616] : memref<50x4x128x8x128xf32, #tpu.memory_space<hbm>> -> memref<1x1x1x8x128xf32, #tpu.memory_space<hbm>>
    %dma_start3A_618 = tpu.memref_squeeze %dma_start3A_617 : memref<1x1x1x8x128xf32, #tpu.memory_space<hbm>> -> memref<8x128xf32, #tpu.memory_space<hbm>>
    %dma_start3A_619 = arith.constant 8 : i32
    %dma_start3A_620 = arith.constant 0 : i32
    %dma_start3A_621 = tpu.memref_slice %arg13[%dma_start3A_619, %dma_start3A_620] : memref<32x128xf32, #tpu.memory_space<vmem>> -> memref<8x128xf32, #tpu.memory_space<vmem>>
    tpu.enqueue_dma source(%dma_start3A_621 : memref<8x128xf32, #tpu.memory_space<vmem>>) target(%dma_start3A_618 : memref<8x128xf32, #tpu.memory_space<hbm>>) target_semaphore(%arg21 : memref<!tpu.dma_semaphore, #tpu.memory_space<semaphore_mem>>)
    %dma_start3A_622 = arith.constant 49 : i32
    %dma_start3A_623 = arith.constant 2 : i32
    %dma_start3A_624 = arith.constant 16 : i32
    %dma_start3A_625 = arith.constant 0 : i32
    %dma_start3A_626 = tpu.memref_slice %arg13[%dma_start3A_624, %dma_start3A_625] : memref<32x128xf32, #tpu.memory_space<vmem>> -> memref<8x128xf32, #tpu.memory_space<vmem>>
    %dma_start3A_627 = arith.constant 0 : i32
    %dma_start3A_628 = arith.constant 0 : i32
    %dma_start3A_629 = tpu.memref_slice %arg4[%dma_start3A_622, %dma_start3A_623, %add3A_589, %dma_start3A_627, %dma_start3A_628] : memref<50x4x128x8x128xf32, #tpu.memory_space<hbm>> -> memref<1x1x1x8x128xf32, #tpu.memory_space<hbm>>
    %dma_start3A_630 = tpu.memref_squeeze %dma_start3A_629 : memref<1x1x1x8x128xf32, #tpu.memory_space<hbm>> -> memref<8x128xf32, #tpu.memory_space<hbm>>
    %dma_start3A_631 = arith.constant 0 : i32
    %dma_start3A_632 = arith.constant 0 : i32
    %dma_start3A_633 = tpu.memref_slice %arg4[%dma_start3A_622, %dma_start3A_623, %add3A_589, %dma_start3A_631, %dma_start3A_632] : memref<50x4x128x8x128xf32, #tpu.memory_space<hbm>> -> memref<1x1x1x8x128xf32, #tpu.memory_space<hbm>>
    %dma_start3A_634 = tpu.memref_squeeze %dma_start3A_633 : memref<1x1x1x8x128xf32, #tpu.memory_space<hbm>> -> memref<8x128xf32, #tpu.memory_space<hbm>>
    %dma_start3A_635 = arith.constant 16 : i32
    %dma_start3A_636 = arith.constant 0 : i32
    %dma_start3A_637 = tpu.memref_slice %arg13[%dma_start3A_635, %dma_start3A_636] : memref<32x128xf32, #tpu.memory_space<vmem>> -> memref<8x128xf32, #tpu.memory_space<vmem>>
    tpu.enqueue_dma source(%dma_start3A_637 : memref<8x128xf32, #tpu.memory_space<vmem>>) target(%dma_start3A_634 : memref<8x128xf32, #tpu.memory_space<hbm>>) target_semaphore(%arg21 : memref<!tpu.dma_semaphore, #tpu.memory_space<semaphore_mem>>)
    %dma_start3A_638 = arith.constant 49 : i32
    %dma_start3A_639 = arith.constant 3 : i32
    %dma_start3A_640 = arith.constant 24 : i32
    %dma_start3A_641 = arith.constant 0 : i32
    %dma_start3A_642 = tpu.memref_slice %arg13[%dma_start3A_640, %dma_start3A_641] : memref<32x128xf32, #tpu.memory_space<vmem>> -> memref<8x128xf32, #tpu.memory_space<vmem>>
    %dma_start3A_643 = arith.constant 0 : i32
    %dma_start3A_644 = arith.constant 0 : i32
    %dma_start3A_645 = tpu.memref_slice %arg4[%dma_start3A_638, %dma_start3A_639, %add3A_589, %dma_start3A_643, %dma_start3A_644] : memref<50x4x128x8x128xf32, #tpu.memory_space<hbm>> -> memref<1x1x1x8x128xf32, #tpu.memory_space<hbm>>
    %dma_start3A_646 = tpu.memref_squeeze %dma_start3A_645 : memref<1x1x1x8x128xf32, #tpu.memory_space<hbm>> -> memref<8x128xf32, #tpu.memory_space<hbm>>
    %dma_start3A_647 = arith.constant 0 : i32
    %dma_start3A_648 = arith.constant 0 : i32
    %dma_start3A_649 = tpu.memref_slice %arg4[%dma_start3A_638, %dma_start3A_639, %add3A_589, %dma_start3A_647, %dma_start3A_648] : memref<50x4x128x8x128xf32, #tpu.memory_space<hbm>> -> memref<1x1x1x8x128xf32, #tpu.memory_space<hbm>>
    %dma_start3A_650 = tpu.memref_squeeze %dma_start3A_649 : memref<1x1x1x8x128xf32, #tpu.memory_space<hbm>> -> memref<8x128xf32, #tpu.memory_space<hbm>>
    %dma_start3A_651 = arith.constant 24 : i32
    %dma_start3A_652 = arith.constant 0 : i32
    %dma_start3A_653 = tpu.memref_slice %arg13[%dma_start3A_651, %dma_start3A_652] : memref<32x128xf32, #tpu.memory_space<vmem>> -> memref<8x128xf32, #tpu.memory_space<vmem>>
    tpu.enqueue_dma source(%dma_start3A_653 : memref<8x128xf32, #tpu.memory_space<vmem>>) target(%dma_start3A_650 : memref<8x128xf32, #tpu.memory_space<hbm>>) target_semaphore(%arg21 : memref<!tpu.dma_semaphore, #tpu.memory_space<semaphore_mem>>)
    %dma_wait3A_654 = arith.constant 0 : i32
    %dma_wait3A_655 = arith.constant 0 : i32
    %dma_wait3A_656 = arith.constant 0 : i32
    %dma_wait3A_657 = arith.constant 0 : i32
    %dma_wait3A_658 = arith.constant 0 : i32
    %dma_wait3A_659 = tpu.memref_slice %arg10[%dma_wait3A_657, %dma_wait3A_658] : memref<32x128xf32, #tpu.memory_space<vmem>> -> memref<8x128xf32, #tpu.memory_space<vmem>>
    %dma_wait3A_660 = arith.constant 0 : i32
    %dma_wait3A_661 = arith.constant 0 : i32
    %dma_wait3A_662 = tpu.memref_slice %arg4[%dma_wait3A_654, %dma_wait3A_655, %dma_wait3A_656, %dma_wait3A_660, %dma_wait3A_661] : memref<50x4x128x8x128xf32, #tpu.memory_space<hbm>> -> memref<1x1x1x8x128xf32, #tpu.memory_space<hbm>>
    %dma_wait3A_663 = tpu.memref_squeeze %dma_wait3A_662 : memref<1x1x1x8x128xf32, #tpu.memory_space<hbm>> -> memref<8x128xf32, #tpu.memory_space<hbm>>
    %dma_wait3A_664 = arith.constant 0 : i32
    %dma_wait3A_665 = arith.constant 0 : i32
    %dma_wait3A_666 = tpu.memref_slice %arg10[%dma_wait3A_664, %dma_wait3A_665] : memref<32x128xf32, #tpu.memory_space<vmem>> -> memref<8x128xf32, #tpu.memory_space<vmem>>
    %dma_wait3A_667 = arith.constant 0 : i32
    %dma_wait3A_668 = arith.constant 0 : i32
    %dma_wait3A_669 = tpu.memref_slice %arg4[%dma_wait3A_654, %dma_wait3A_655, %dma_wait3A_656, %dma_wait3A_667, %dma_wait3A_668] : memref<50x4x128x8x128xf32, #tpu.memory_space<hbm>> -> memref<1x1x1x8x128xf32, #tpu.memory_space<hbm>>
    %dma_wait3A_670 = tpu.memref_squeeze %dma_wait3A_669 : memref<1x1x1x8x128xf32, #tpu.memory_space<hbm>> -> memref<8x128xf32, #tpu.memory_space<hbm>>
    tpu.wait_dma2 semaphore(%arg18 : memref<!tpu.dma_semaphore, #tpu.memory_space<semaphore_mem>>) src(%dma_wait3A_670 : memref<8x128xf32, #tpu.memory_space<hbm>>) dst(%dma_wait3A_666 : memref<8x128xf32, #tpu.memory_space<vmem>>)
    %dma_wait3A_671 = arith.constant 0 : i32
    %dma_wait3A_672 = arith.constant 0 : i32
    %dma_wait3A_673 = arith.constant 0 : i32
    %dma_wait3A_674 = arith.constant 8 : i32
    %dma_wait3A_675 = arith.constant 0 : i32
    %dma_wait3A_676 = tpu.memref_slice %arg10[%dma_wait3A_674, %dma_wait3A_675] : memref<32x128xf32, #tpu.memory_space<vmem>> -> memref<8x128xf32, #tpu.memory_space<vmem>>
    %dma_wait3A_677 = arith.constant 0 : i32
    %dma_wait3A_678 = arith.constant 0 : i32
    %dma_wait3A_679 = tpu.memref_slice %arg4[%dma_wait3A_671, %dma_wait3A_672, %dma_wait3A_673, %dma_wait3A_677, %dma_wait3A_678] : memref<50x4x128x8x128xf32, #tpu.memory_space<hbm>> -> memref<1x1x1x8x128xf32, #tpu.memory_space<hbm>>
    %dma_wait3A_680 = tpu.memref_squeeze %dma_wait3A_679 : memref<1x1x1x8x128xf32, #tpu.memory_space<hbm>> -> memref<8x128xf32, #tpu.memory_space<hbm>>
    %dma_wait3A_681 = arith.constant 8 : i32
    %dma_wait3A_682 = arith.constant 0 : i32
    %dma_wait3A_683 = tpu.memref_slice %arg10[%dma_wait3A_681, %dma_wait3A_682] : memref<32x128xf32, #tpu.memory_space<vmem>> -> memref<8x128xf32, #tpu.memory_space<vmem>>
    %dma_wait3A_684 = arith.constant 0 : i32
    %dma_wait3A_685 = arith.constant 0 : i32
    %dma_wait3A_686 = tpu.memref_slice %arg4[%dma_wait3A_671, %dma_wait3A_672, %dma_wait3A_673, %dma_wait3A_684, %dma_wait3A_685] : memref<50x4x128x8x128xf32, #tpu.memory_space<hbm>> -> memref<1x1x1x8x128xf32, #tpu.memory_space<hbm>>
    %dma_wait3A_687 = tpu.memref_squeeze %dma_wait3A_686 : memref<1x1x1x8x128xf32, #tpu.memory_space<hbm>> -> memref<8x128xf32, #tpu.memory_space<hbm>>
    tpu.wait_dma2 semaphore(%arg18 : memref<!tpu.dma_semaphore, #tpu.memory_space<semaphore_mem>>) src(%dma_wait3A_687 : memref<8x128xf32, #tpu.memory_space<hbm>>) dst(%dma_wait3A_683 : memref<8x128xf32, #tpu.memory_space<vmem>>)
    %dma_wait3A_688 = arith.constant 0 : i32
    %dma_wait3A_689 = arith.constant 0 : i32
    %dma_wait3A_690 = arith.constant 0 : i32
    %dma_wait3A_691 = arith.constant 16 : i32
    %dma_wait3A_692 = arith.constant 0 : i32
    %dma_wait3A_693 = tpu.memref_slice %arg10[%dma_wait3A_691, %dma_wait3A_692] : memref<32x128xf32, #tpu.memory_space<vmem>> -> memref<8x128xf32, #tpu.memory_space<vmem>>
    %dma_wait3A_694 = arith.constant 0 : i32
    %dma_wait3A_695 = arith.constant 0 : i32
    %dma_wait3A_696 = tpu.memref_slice %arg4[%dma_wait3A_688, %dma_wait3A_689, %dma_wait3A_690, %dma_wait3A_694, %dma_wait3A_695] : memref<50x4x128x8x128xf32, #tpu.memory_space<hbm>> -> memref<1x1x1x8x128xf32, #tpu.memory_space<hbm>>
    %dma_wait3A_697 = tpu.memref_squeeze %dma_wait3A_696 : memref<1x1x1x8x128xf32, #tpu.memory_space<hbm>> -> memref<8x128xf32, #tpu.memory_space<hbm>>
    %dma_wait3A_698 = arith.constant 16 : i32
    %dma_wait3A_699 = arith.constant 0 : i32
    %dma_wait3A_700 = tpu.memref_slice %arg10[%dma_wait3A_698, %dma_wait3A_699] : memref<32x128xf32, #tpu.memory_space<vmem>> -> memref<8x128xf32, #tpu.memory_space<vmem>>
    %dma_wait3A_701 = arith.constant 0 : i32
    %dma_wait3A_702 = arith.constant 0 : i32
    %dma_wait3A_703 = tpu.memref_slice %arg4[%dma_wait3A_688, %dma_wait3A_689, %dma_wait3A_690, %dma_wait3A_701, %dma_wait3A_702] : memref<50x4x128x8x128xf32, #tpu.memory_space<hbm>> -> memref<1x1x1x8x128xf32, #tpu.memory_space<hbm>>
    %dma_wait3A_704 = tpu.memref_squeeze %dma_wait3A_703 : memref<1x1x1x8x128xf32, #tpu.memory_space<hbm>> -> memref<8x128xf32, #tpu.memory_space<hbm>>
    tpu.wait_dma2 semaphore(%arg18 : memref<!tpu.dma_semaphore, #tpu.memory_space<semaphore_mem>>) src(%dma_wait3A_704 : memref<8x128xf32, #tpu.memory_space<hbm>>) dst(%dma_wait3A_700 : memref<8x128xf32, #tpu.memory_space<vmem>>)
    %dma_wait3A_705 = arith.constant 0 : i32
    %dma_wait3A_706 = arith.constant 0 : i32
    %dma_wait3A_707 = arith.constant 0 : i32
    %dma_wait3A_708 = arith.constant 24 : i32
    %dma_wait3A_709 = arith.constant 0 : i32
    %dma_wait3A_710 = tpu.memref_slice %arg10[%dma_wait3A_708, %dma_wait3A_709] : memref<32x128xf32, #tpu.memory_space<vmem>> -> memref<8x128xf32, #tpu.memory_space<vmem>>
    %dma_wait3A_711 = arith.constant 0 : i32
    %dma_wait3A_712 = arith.constant 0 : i32
    %dma_wait3A_713 = tpu.memref_slice %arg4[%dma_wait3A_705, %dma_wait3A_706, %dma_wait3A_707, %dma_wait3A_711, %dma_wait3A_712] : memref<50x4x128x8x128xf32, #tpu.memory_space<hbm>> -> memref<1x1x1x8x128xf32, #tpu.memory_space<hbm>>
    %dma_wait3A_714 = tpu.memref_squeeze %dma_wait3A_713 : memref<1x1x1x8x128xf32, #tpu.memory_space<hbm>> -> memref<8x128xf32, #tpu.memory_space<hbm>>
    %dma_wait3A_715 = arith.constant 24 : i32
    %dma_wait3A_716 = arith.constant 0 : i32
    %dma_wait3A_717 = tpu.memref_slice %arg10[%dma_wait3A_715, %dma_wait3A_716] : memref<32x128xf32, #tpu.memory_space<vmem>> -> memref<8x128xf32, #tpu.memory_space<vmem>>
    %dma_wait3A_718 = arith.constant 0 : i32
    %dma_wait3A_719 = arith.constant 0 : i32
    %dma_wait3A_720 = tpu.memref_slice %arg4[%dma_wait3A_705, %dma_wait3A_706, %dma_wait3A_707, %dma_wait3A_718, %dma_wait3A_719] : memref<50x4x128x8x128xf32, #tpu.memory_space<hbm>> -> memref<1x1x1x8x128xf32, #tpu.memory_space<hbm>>
    %dma_wait3A_721 = tpu.memref_squeeze %dma_wait3A_720 : memref<1x1x1x8x128xf32, #tpu.memory_space<hbm>> -> memref<8x128xf32, #tpu.memory_space<hbm>>
    tpu.wait_dma2 semaphore(%arg18 : memref<!tpu.dma_semaphore, #tpu.memory_space<semaphore_mem>>) src(%dma_wait3A_721 : memref<8x128xf32, #tpu.memory_space<hbm>>) dst(%dma_wait3A_717 : memref<8x128xf32, #tpu.memory_space<vmem>>)
    %dma_wait3A_722 = arith.constant 0 : i32
    %dma_wait3A_723 = arith.constant 0 : i32
    %dma_wait3A_724 = arith.constant 0 : i32
    %dma_wait3A_725 = arith.constant 0 : i32
    %dma_wait3A_726 = arith.constant 0 : i32
    %dma_wait3A_727 = tpu.memref_slice %arg11[%dma_wait3A_725, %dma_wait3A_726] : memref<32x128xf32, #tpu.memory_space<vmem>> -> memref<8x128xf32, #tpu.memory_space<vmem>>
    %dma_wait3A_728 = arith.constant 0 : i32
    %dma_wait3A_729 = arith.constant 0 : i32
    %dma_wait3A_730 = tpu.memref_slice %arg4[%dma_wait3A_722, %dma_wait3A_723, %dma_wait3A_724, %dma_wait3A_728, %dma_wait3A_729] : memref<50x4x128x8x128xf32, #tpu.memory_space<hbm>> -> memref<1x1x1x8x128xf32, #tpu.memory_space<hbm>>
    %dma_wait3A_731 = tpu.memref_squeeze %dma_wait3A_730 : memref<1x1x1x8x128xf32, #tpu.memory_space<hbm>> -> memref<8x128xf32, #tpu.memory_space<hbm>>
    %dma_wait3A_732 = arith.constant 0 : i32
    %dma_wait3A_733 = arith.constant 0 : i32
    %dma_wait3A_734 = tpu.memref_slice %arg11[%dma_wait3A_732, %dma_wait3A_733] : memref<32x128xf32, #tpu.memory_space<vmem>> -> memref<8x128xf32, #tpu.memory_space<vmem>>
    %dma_wait3A_735 = arith.constant 0 : i32
    %dma_wait3A_736 = arith.constant 0 : i32
    %dma_wait3A_737 = tpu.memref_slice %arg4[%dma_wait3A_722, %dma_wait3A_723, %dma_wait3A_724, %dma_wait3A_735, %dma_wait3A_736] : memref<50x4x128x8x128xf32, #tpu.memory_space<hbm>> -> memref<1x1x1x8x128xf32, #tpu.memory_space<hbm>>
    %dma_wait3A_738 = tpu.memref_squeeze %dma_wait3A_737 : memref<1x1x1x8x128xf32, #tpu.memory_space<hbm>> -> memref<8x128xf32, #tpu.memory_space<hbm>>
    tpu.wait_dma2 semaphore(%arg19 : memref<!tpu.dma_semaphore, #tpu.memory_space<semaphore_mem>>) src(%dma_wait3A_738 : memref<8x128xf32, #tpu.memory_space<hbm>>) dst(%dma_wait3A_734 : memref<8x128xf32, #tpu.memory_space<vmem>>)
    %dma_wait3A_739 = arith.constant 0 : i32
    %dma_wait3A_740 = arith.constant 0 : i32
    %dma_wait3A_741 = arith.constant 0 : i32
    %dma_wait3A_742 = arith.constant 8 : i32
    %dma_wait3A_743 = arith.constant 0 : i32
    %dma_wait3A_744 = tpu.memref_slice %arg11[%dma_wait3A_742, %dma_wait3A_743] : memref<32x128xf32, #tpu.memory_space<vmem>> -> memref<8x128xf32, #tpu.memory_space<vmem>>
    %dma_wait3A_745 = arith.constant 0 : i32
    %dma_wait3A_746 = arith.constant 0 : i32
    %dma_wait3A_747 = tpu.memref_slice %arg4[%dma_wait3A_739, %dma_wait3A_740, %dma_wait3A_741, %dma_wait3A_745, %dma_wait3A_746] : memref<50x4x128x8x128xf32, #tpu.memory_space<hbm>> -> memref<1x1x1x8x128xf32, #tpu.memory_space<hbm>>
    %dma_wait3A_748 = tpu.memref_squeeze %dma_wait3A_747 : memref<1x1x1x8x128xf32, #tpu.memory_space<hbm>> -> memref<8x128xf32, #tpu.memory_space<hbm>>
    %dma_wait3A_749 = arith.constant 8 : i32
    %dma_wait3A_750 = arith.constant 0 : i32
    %dma_wait3A_751 = tpu.memref_slice %arg11[%dma_wait3A_749, %dma_wait3A_750] : memref<32x128xf32, #tpu.memory_space<vmem>> -> memref<8x128xf32, #tpu.memory_space<vmem>>
    %dma_wait3A_752 = arith.constant 0 : i32
    %dma_wait3A_753 = arith.constant 0 : i32
    %dma_wait3A_754 = tpu.memref_slice %arg4[%dma_wait3A_739, %dma_wait3A_740, %dma_wait3A_741, %dma_wait3A_752, %dma_wait3A_753] : memref<50x4x128x8x128xf32, #tpu.memory_space<hbm>> -> memref<1x1x1x8x128xf32, #tpu.memory_space<hbm>>
    %dma_wait3A_755 = tpu.memref_squeeze %dma_wait3A_754 : memref<1x1x1x8x128xf32, #tpu.memory_space<hbm>> -> memref<8x128xf32, #tpu.memory_space<hbm>>
    tpu.wait_dma2 semaphore(%arg19 : memref<!tpu.dma_semaphore, #tpu.memory_space<semaphore_mem>>) src(%dma_wait3A_755 : memref<8x128xf32, #tpu.memory_space<hbm>>) dst(%dma_wait3A_751 : memref<8x128xf32, #tpu.memory_space<vmem>>)
    %dma_wait3A_756 = arith.constant 0 : i32
    %dma_wait3A_757 = arith.constant 0 : i32
    %dma_wait3A_758 = arith.constant 0 : i32
    %dma_wait3A_759 = arith.constant 16 : i32
    %dma_wait3A_760 = arith.constant 0 : i32
    %dma_wait3A_761 = tpu.memref_slice %arg11[%dma_wait3A_759, %dma_wait3A_760] : memref<32x128xf32, #tpu.memory_space<vmem>> -> memref<8x128xf32, #tpu.memory_space<vmem>>
    %dma_wait3A_762 = arith.constant 0 : i32
    %dma_wait3A_763 = arith.constant 0 : i32
    %dma_wait3A_764 = tpu.memref_slice %arg4[%dma_wait3A_756, %dma_wait3A_757, %dma_wait3A_758, %dma_wait3A_762, %dma_wait3A_763] : memref<50x4x128x8x128xf32, #tpu.memory_space<hbm>> -> memref<1x1x1x8x128xf32, #tpu.memory_space<hbm>>
    %dma_wait3A_765 = tpu.memref_squeeze %dma_wait3A_764 : memref<1x1x1x8x128xf32, #tpu.memory_space<hbm>> -> memref<8x128xf32, #tpu.memory_space<hbm>>
    %dma_wait3A_766 = arith.constant 16 : i32
    %dma_wait3A_767 = arith.constant 0 : i32
    %dma_wait3A_768 = tpu.memref_slice %arg11[%dma_wait3A_766, %dma_wait3A_767] : memref<32x128xf32, #tpu.memory_space<vmem>> -> memref<8x128xf32, #tpu.memory_space<vmem>>
    %dma_wait3A_769 = arith.constant 0 : i32
    %dma_wait3A_770 = arith.constant 0 : i32
    %dma_wait3A_771 = tpu.memref_slice %arg4[%dma_wait3A_756, %dma_wait3A_757, %dma_wait3A_758, %dma_wait3A_769, %dma_wait3A_770] : memref<50x4x128x8x128xf32, #tpu.memory_space<hbm>> -> memref<1x1x1x8x128xf32, #tpu.memory_space<hbm>>
    %dma_wait3A_772 = tpu.memref_squeeze %dma_wait3A_771 : memref<1x1x1x8x128xf32, #tpu.memory_space<hbm>> -> memref<8x128xf32, #tpu.memory_space<hbm>>
    tpu.wait_dma2 semaphore(%arg19 : memref<!tpu.dma_semaphore, #tpu.memory_space<semaphore_mem>>) src(%dma_wait3A_772 : memref<8x128xf32, #tpu.memory_space<hbm>>) dst(%dma_wait3A_768 : memref<8x128xf32, #tpu.memory_space<vmem>>)
    %dma_wait3A_773 = arith.constant 0 : i32
    %dma_wait3A_774 = arith.constant 0 : i32
    %dma_wait3A_775 = arith.constant 0 : i32
    %dma_wait3A_776 = arith.constant 24 : i32
    %dma_wait3A_777 = arith.constant 0 : i32
    %dma_wait3A_778 = tpu.memref_slice %arg11[%dma_wait3A_776, %dma_wait3A_777] : memref<32x128xf32, #tpu.memory_space<vmem>> -> memref<8x128xf32, #tpu.memory_space<vmem>>
    %dma_wait3A_779 = arith.constant 0 : i32
    %dma_wait3A_780 = arith.constant 0 : i32
    %dma_wait3A_781 = tpu.memref_slice %arg4[%dma_wait3A_773, %dma_wait3A_774, %dma_wait3A_775, %dma_wait3A_779, %dma_wait3A_780] : memref<50x4x128x8x128xf32, #tpu.memory_space<hbm>> -> memref<1x1x1x8x128xf32, #tpu.memory_space<hbm>>
    %dma_wait3A_782 = tpu.memref_squeeze %dma_wait3A_781 : memref<1x1x1x8x128xf32, #tpu.memory_space<hbm>> -> memref<8x128xf32, #tpu.memory_space<hbm>>
    %dma_wait3A_783 = arith.constant 24 : i32
    %dma_wait3A_784 = arith.constant 0 : i32
    %dma_wait3A_785 = tpu.memref_slice %arg11[%dma_wait3A_783, %dma_wait3A_784] : memref<32x128xf32, #tpu.memory_space<vmem>> -> memref<8x128xf32, #tpu.memory_space<vmem>>
    %dma_wait3A_786 = arith.constant 0 : i32
    %dma_wait3A_787 = arith.constant 0 : i32
    %dma_wait3A_788 = tpu.memref_slice %arg4[%dma_wait3A_773, %dma_wait3A_774, %dma_wait3A_775, %dma_wait3A_786, %dma_wait3A_787] : memref<50x4x128x8x128xf32, #tpu.memory_space<hbm>> -> memref<1x1x1x8x128xf32, #tpu.memory_space<hbm>>
    %dma_wait3A_789 = tpu.memref_squeeze %dma_wait3A_788 : memref<1x1x1x8x128xf32, #tpu.memory_space<hbm>> -> memref<8x128xf32, #tpu.memory_space<hbm>>
    tpu.wait_dma2 semaphore(%arg19 : memref<!tpu.dma_semaphore, #tpu.memory_space<semaphore_mem>>) src(%dma_wait3A_789 : memref<8x128xf32, #tpu.memory_space<hbm>>) dst(%dma_wait3A_785 : memref<8x128xf32, #tpu.memory_space<vmem>>)
    %dma_wait3A_790 = arith.constant 0 : i32
    %dma_wait3A_791 = arith.constant 0 : i32
    %dma_wait3A_792 = arith.constant 0 : i32
    %dma_wait3A_793 = arith.constant 0 : i32
    %dma_wait3A_794 = arith.constant 0 : i32
    %dma_wait3A_795 = tpu.memref_slice %arg12[%dma_wait3A_793, %dma_wait3A_794] : memref<32x128xf32, #tpu.memory_space<vmem>> -> memref<8x128xf32, #tpu.memory_space<vmem>>
    %dma_wait3A_796 = arith.constant 0 : i32
    %dma_wait3A_797 = arith.constant 0 : i32
    %dma_wait3A_798 = tpu.memref_slice %arg4[%dma_wait3A_790, %dma_wait3A_791, %dma_wait3A_792, %dma_wait3A_796, %dma_wait3A_797] : memref<50x4x128x8x128xf32, #tpu.memory_space<hbm>> -> memref<1x1x1x8x128xf32, #tpu.memory_space<hbm>>
    %dma_wait3A_799 = tpu.memref_squeeze %dma_wait3A_798 : memref<1x1x1x8x128xf32, #tpu.memory_space<hbm>> -> memref<8x128xf32, #tpu.memory_space<hbm>>
    %dma_wait3A_800 = arith.constant 0 : i32
    %dma_wait3A_801 = arith.constant 0 : i32
    %dma_wait3A_802 = tpu.memref_slice %arg12[%dma_wait3A_800, %dma_wait3A_801] : memref<32x128xf32, #tpu.memory_space<vmem>> -> memref<8x128xf32, #tpu.memory_space<vmem>>
    %dma_wait3A_803 = arith.constant 0 : i32
    %dma_wait3A_804 = arith.constant 0 : i32
    %dma_wait3A_805 = tpu.memref_slice %arg4[%dma_wait3A_790, %dma_wait3A_791, %dma_wait3A_792, %dma_wait3A_803, %dma_wait3A_804] : memref<50x4x128x8x128xf32, #tpu.memory_space<hbm>> -> memref<1x1x1x8x128xf32, #tpu.memory_space<hbm>>
    %dma_wait3A_806 = tpu.memref_squeeze %dma_wait3A_805 : memref<1x1x1x8x128xf32, #tpu.memory_space<hbm>> -> memref<8x128xf32, #tpu.memory_space<hbm>>
    tpu.wait_dma2 semaphore(%arg20 : memref<!tpu.dma_semaphore, #tpu.memory_space<semaphore_mem>>) src(%dma_wait3A_806 : memref<8x128xf32, #tpu.memory_space<hbm>>) dst(%dma_wait3A_802 : memref<8x128xf32, #tpu.memory_space<vmem>>)
    %dma_wait3A_807 = arith.constant 0 : i32
    %dma_wait3A_808 = arith.constant 0 : i32
    %dma_wait3A_809 = arith.constant 0 : i32
    %dma_wait3A_810 = arith.constant 8 : i32
    %dma_wait3A_811 = arith.constant 0 : i32
    %dma_wait3A_812 = tpu.memref_slice %arg12[%dma_wait3A_810, %dma_wait3A_811] : memref<32x128xf32, #tpu.memory_space<vmem>> -> memref<8x128xf32, #tpu.memory_space<vmem>>
    %dma_wait3A_813 = arith.constant 0 : i32
    %dma_wait3A_814 = arith.constant 0 : i32
    %dma_wait3A_815 = tpu.memref_slice %arg4[%dma_wait3A_807, %dma_wait3A_808, %dma_wait3A_809, %dma_wait3A_813, %dma_wait3A_814] : memref<50x4x128x8x128xf32, #tpu.memory_space<hbm>> -> memref<1x1x1x8x128xf32, #tpu.memory_space<hbm>>
    %dma_wait3A_816 = tpu.memref_squeeze %dma_wait3A_815 : memref<1x1x1x8x128xf32, #tpu.memory_space<hbm>> -> memref<8x128xf32, #tpu.memory_space<hbm>>
    %dma_wait3A_817 = arith.constant 8 : i32
    %dma_wait3A_818 = arith.constant 0 : i32
    %dma_wait3A_819 = tpu.memref_slice %arg12[%dma_wait3A_817, %dma_wait3A_818] : memref<32x128xf32, #tpu.memory_space<vmem>> -> memref<8x128xf32, #tpu.memory_space<vmem>>
    %dma_wait3A_820 = arith.constant 0 : i32
    %dma_wait3A_821 = arith.constant 0 : i32
    %dma_wait3A_822 = tpu.memref_slice %arg4[%dma_wait3A_807, %dma_wait3A_808, %dma_wait3A_809, %dma_wait3A_820, %dma_wait3A_821] : memref<50x4x128x8x128xf32, #tpu.memory_space<hbm>> -> memref<1x1x1x8x128xf32, #tpu.memory_space<hbm>>
    %dma_wait3A_823 = tpu.memref_squeeze %dma_wait3A_822 : memref<1x1x1x8x128xf32, #tpu.memory_space<hbm>> -> memref<8x128xf32, #tpu.memory_space<hbm>>
    tpu.wait_dma2 semaphore(%arg20 : memref<!tpu.dma_semaphore, #tpu.memory_space<semaphore_mem>>) src(%dma_wait3A_823 : memref<8x128xf32, #tpu.memory_space<hbm>>) dst(%dma_wait3A_819 : memref<8x128xf32, #tpu.memory_space<vmem>>)
    %dma_wait3A_824 = arith.constant 0 : i32
    %dma_wait3A_825 = arith.constant 0 : i32
    %dma_wait3A_826 = arith.constant 0 : i32
    %dma_wait3A_827 = arith.constant 16 : i32
    %dma_wait3A_828 = arith.constant 0 : i32
    %dma_wait3A_829 = tpu.memref_slice %arg12[%dma_wait3A_827, %dma_wait3A_828] : memref<32x128xf32, #tpu.memory_space<vmem>> -> memref<8x128xf32, #tpu.memory_space<vmem>>
    %dma_wait3A_830 = arith.constant 0 : i32
    %dma_wait3A_831 = arith.constant 0 : i32
    %dma_wait3A_832 = tpu.memref_slice %arg4[%dma_wait3A_824, %dma_wait3A_825, %dma_wait3A_826, %dma_wait3A_830, %dma_wait3A_831] : memref<50x4x128x8x128xf32, #tpu.memory_space<hbm>> -> memref<1x1x1x8x128xf32, #tpu.memory_space<hbm>>
    %dma_wait3A_833 = tpu.memref_squeeze %dma_wait3A_832 : memref<1x1x1x8x128xf32, #tpu.memory_space<hbm>> -> memref<8x128xf32, #tpu.memory_space<hbm>>
    %dma_wait3A_834 = arith.constant 16 : i32
    %dma_wait3A_835 = arith.constant 0 : i32
    %dma_wait3A_836 = tpu.memref_slice %arg12[%dma_wait3A_834, %dma_wait3A_835] : memref<32x128xf32, #tpu.memory_space<vmem>> -> memref<8x128xf32, #tpu.memory_space<vmem>>
    %dma_wait3A_837 = arith.constant 0 : i32
    %dma_wait3A_838 = arith.constant 0 : i32
    %dma_wait3A_839 = tpu.memref_slice %arg4[%dma_wait3A_824, %dma_wait3A_825, %dma_wait3A_826, %dma_wait3A_837, %dma_wait3A_838] : memref<50x4x128x8x128xf32, #tpu.memory_space<hbm>> -> memref<1x1x1x8x128xf32, #tpu.memory_space<hbm>>
    %dma_wait3A_840 = tpu.memref_squeeze %dma_wait3A_839 : memref<1x1x1x8x128xf32, #tpu.memory_space<hbm>> -> memref<8x128xf32, #tpu.memory_space<hbm>>
    tpu.wait_dma2 semaphore(%arg20 : memref<!tpu.dma_semaphore, #tpu.memory_space<semaphore_mem>>) src(%dma_wait3A_840 : memref<8x128xf32, #tpu.memory_space<hbm>>) dst(%dma_wait3A_836 : memref<8x128xf32, #tpu.memory_space<vmem>>)
    %dma_wait3A_841 = arith.constant 0 : i32
    %dma_wait3A_842 = arith.constant 0 : i32
    %dma_wait3A_843 = arith.constant 0 : i32
    %dma_wait3A_844 = arith.constant 24 : i32
    %dma_wait3A_845 = arith.constant 0 : i32
    %dma_wait3A_846 = tpu.memref_slice %arg12[%dma_wait3A_844, %dma_wait3A_845] : memref<32x128xf32, #tpu.memory_space<vmem>> -> memref<8x128xf32, #tpu.memory_space<vmem>>
    %dma_wait3A_847 = arith.constant 0 : i32
    %dma_wait3A_848 = arith.constant 0 : i32
    %dma_wait3A_849 = tpu.memref_slice %arg4[%dma_wait3A_841, %dma_wait3A_842, %dma_wait3A_843, %dma_wait3A_847, %dma_wait3A_848] : memref<50x4x128x8x128xf32, #tpu.memory_space<hbm>> -> memref<1x1x1x8x128xf32, #tpu.memory_space<hbm>>
    %dma_wait3A_850 = tpu.memref_squeeze %dma_wait3A_849 : memref<1x1x1x8x128xf32, #tpu.memory_space<hbm>> -> memref<8x128xf32, #tpu.memory_space<hbm>>
    %dma_wait3A_851 = arith.constant 24 : i32
    %dma_wait3A_852 = arith.constant 0 : i32
    %dma_wait3A_853 = tpu.memref_slice %arg12[%dma_wait3A_851, %dma_wait3A_852] : memref<32x128xf32, #tpu.memory_space<vmem>> -> memref<8x128xf32, #tpu.memory_space<vmem>>
    %dma_wait3A_854 = arith.constant 0 : i32
    %dma_wait3A_855 = arith.constant 0 : i32
    %dma_wait3A_856 = tpu.memref_slice %arg4[%dma_wait3A_841, %dma_wait3A_842, %dma_wait3A_843, %dma_wait3A_854, %dma_wait3A_855] : memref<50x4x128x8x128xf32, #tpu.memory_space<hbm>> -> memref<1x1x1x8x128xf32, #tpu.memory_space<hbm>>
    %dma_wait3A_857 = tpu.memref_squeeze %dma_wait3A_856 : memref<1x1x1x8x128xf32, #tpu.memory_space<hbm>> -> memref<8x128xf32, #tpu.memory_space<hbm>>
    tpu.wait_dma2 semaphore(%arg20 : memref<!tpu.dma_semaphore, #tpu.memory_space<semaphore_mem>>) src(%dma_wait3A_857 : memref<8x128xf32, #tpu.memory_space<hbm>>) dst(%dma_wait3A_853 : memref<8x128xf32, #tpu.memory_space<vmem>>)
    %dma_wait3A_858 = arith.constant 0 : i32
    %dma_wait3A_859 = arith.constant 0 : i32
    %dma_wait3A_860 = arith.constant 0 : i32
    %dma_wait3A_861 = arith.constant 0 : i32
    %dma_wait3A_862 = arith.constant 0 : i32
    %dma_wait3A_863 = tpu.memref_slice %arg13[%dma_wait3A_861, %dma_wait3A_862] : memref<32x128xf32, #tpu.memory_space<vmem>> -> memref<8x128xf32, #tpu.memory_space<vmem>>
    %dma_wait3A_864 = arith.constant 0 : i32
    %dma_wait3A_865 = arith.constant 0 : i32
    %dma_wait3A_866 = tpu.memref_slice %arg4[%dma_wait3A_858, %dma_wait3A_859, %dma_wait3A_860, %dma_wait3A_864, %dma_wait3A_865] : memref<50x4x128x8x128xf32, #tpu.memory_space<hbm>> -> memref<1x1x1x8x128xf32, #tpu.memory_space<hbm>>
    %dma_wait3A_867 = tpu.memref_squeeze %dma_wait3A_866 : memref<1x1x1x8x128xf32, #tpu.memory_space<hbm>> -> memref<8x128xf32, #tpu.memory_space<hbm>>
    %dma_wait3A_868 = arith.constant 0 : i32
    %dma_wait3A_869 = arith.constant 0 : i32
    %dma_wait3A_870 = tpu.memref_slice %arg13[%dma_wait3A_868, %dma_wait3A_869] : memref<32x128xf32, #tpu.memory_space<vmem>> -> memref<8x128xf32, #tpu.memory_space<vmem>>
    %dma_wait3A_871 = arith.constant 0 : i32
    %dma_wait3A_872 = arith.constant 0 : i32
    %dma_wait3A_873 = tpu.memref_slice %arg4[%dma_wait3A_858, %dma_wait3A_859, %dma_wait3A_860, %dma_wait3A_871, %dma_wait3A_872] : memref<50x4x128x8x128xf32, #tpu.memory_space<hbm>> -> memref<1x1x1x8x128xf32, #tpu.memory_space<hbm>>
    %dma_wait3A_874 = tpu.memref_squeeze %dma_wait3A_873 : memref<1x1x1x8x128xf32, #tpu.memory_space<hbm>> -> memref<8x128xf32, #tpu.memory_space<hbm>>
    tpu.wait_dma2 semaphore(%arg21 : memref<!tpu.dma_semaphore, #tpu.memory_space<semaphore_mem>>) src(%dma_wait3A_874 : memref<8x128xf32, #tpu.memory_space<hbm>>) dst(%dma_wait3A_870 : memref<8x128xf32, #tpu.memory_space<vmem>>)
    %dma_wait3A_875 = arith.constant 0 : i32
    %dma_wait3A_876 = arith.constant 0 : i32
    %dma_wait3A_877 = arith.constant 0 : i32
    %dma_wait3A_878 = arith.constant 8 : i32
    %dma_wait3A_879 = arith.constant 0 : i32
    %dma_wait3A_880 = tpu.memref_slice %arg13[%dma_wait3A_878, %dma_wait3A_879] : memref<32x128xf32, #tpu.memory_space<vmem>> -> memref<8x128xf32, #tpu.memory_space<vmem>>
    %dma_wait3A_881 = arith.constant 0 : i32
    %dma_wait3A_882 = arith.constant 0 : i32
    %dma_wait3A_883 = tpu.memref_slice %arg4[%dma_wait3A_875, %dma_wait3A_876, %dma_wait3A_877, %dma_wait3A_881, %dma_wait3A_882] : memref<50x4x128x8x128xf32, #tpu.memory_space<hbm>> -> memref<1x1x1x8x128xf32, #tpu.memory_space<hbm>>
    %dma_wait3A_884 = tpu.memref_squeeze %dma_wait3A_883 : memref<1x1x1x8x128xf32, #tpu.memory_space<hbm>> -> memref<8x128xf32, #tpu.memory_space<hbm>>
    %dma_wait3A_885 = arith.constant 8 : i32
    %dma_wait3A_886 = arith.constant 0 : i32
    %dma_wait3A_887 = tpu.memref_slice %arg13[%dma_wait3A_885, %dma_wait3A_886] : memref<32x128xf32, #tpu.memory_space<vmem>> -> memref<8x128xf32, #tpu.memory_space<vmem>>
    %dma_wait3A_888 = arith.constant 0 : i32
    %dma_wait3A_889 = arith.constant 0 : i32
    %dma_wait3A_890 = tpu.memref_slice %arg4[%dma_wait3A_875, %dma_wait3A_876, %dma_wait3A_877, %dma_wait3A_888, %dma_wait3A_889] : memref<50x4x128x8x128xf32, #tpu.memory_space<hbm>> -> memref<1x1x1x8x128xf32, #tpu.memory_space<hbm>>
    %dma_wait3A_891 = tpu.memref_squeeze %dma_wait3A_890 : memref<1x1x1x8x128xf32, #tpu.memory_space<hbm>> -> memref<8x128xf32, #tpu.memory_space<hbm>>
    tpu.wait_dma2 semaphore(%arg21 : memref<!tpu.dma_semaphore, #tpu.memory_space<semaphore_mem>>) src(%dma_wait3A_891 : memref<8x128xf32, #tpu.memory_space<hbm>>) dst(%dma_wait3A_887 : memref<8x128xf32, #tpu.memory_space<vmem>>)
    %dma_wait3A_892 = arith.constant 0 : i32
    %dma_wait3A_893 = arith.constant 0 : i32
    %dma_wait3A_894 = arith.constant 0 : i32
    %dma_wait3A_895 = arith.constant 16 : i32
    %dma_wait3A_896 = arith.constant 0 : i32
    %dma_wait3A_897 = tpu.memref_slice %arg13[%dma_wait3A_895, %dma_wait3A_896] : memref<32x128xf32, #tpu.memory_space<vmem>> -> memref<8x128xf32, #tpu.memory_space<vmem>>
    %dma_wait3A_898 = arith.constant 0 : i32
    %dma_wait3A_899 = arith.constant 0 : i32
    %dma_wait3A_900 = tpu.memref_slice %arg4[%dma_wait3A_892, %dma_wait3A_893, %dma_wait3A_894, %dma_wait3A_898, %dma_wait3A_899] : memref<50x4x128x8x128xf32, #tpu.memory_space<hbm>> -> memref<1x1x1x8x128xf32, #tpu.memory_space<hbm>>
    %dma_wait3A_901 = tpu.memref_squeeze %dma_wait3A_900 : memref<1x1x1x8x128xf32, #tpu.memory_space<hbm>> -> memref<8x128xf32, #tpu.memory_space<hbm>>
    %dma_wait3A_902 = arith.constant 16 : i32
    %dma_wait3A_903 = arith.constant 0 : i32
    %dma_wait3A_904 = tpu.memref_slice %arg13[%dma_wait3A_902, %dma_wait3A_903] : memref<32x128xf32, #tpu.memory_space<vmem>> -> memref<8x128xf32, #tpu.memory_space<vmem>>
    %dma_wait3A_905 = arith.constant 0 : i32
    %dma_wait3A_906 = arith.constant 0 : i32
    %dma_wait3A_907 = tpu.memref_slice %arg4[%dma_wait3A_892, %dma_wait3A_893, %dma_wait3A_894, %dma_wait3A_905, %dma_wait3A_906] : memref<50x4x128x8x128xf32, #tpu.memory_space<hbm>> -> memref<1x1x1x8x128xf32, #tpu.memory_space<hbm>>
    %dma_wait3A_908 = tpu.memref_squeeze %dma_wait3A_907 : memref<1x1x1x8x128xf32, #tpu.memory_space<hbm>> -> memref<8x128xf32, #tpu.memory_space<hbm>>
    tpu.wait_dma2 semaphore(%arg21 : memref<!tpu.dma_semaphore, #tpu.memory_space<semaphore_mem>>) src(%dma_wait3A_908 : memref<8x128xf32, #tpu.memory_space<hbm>>) dst(%dma_wait3A_904 : memref<8x128xf32, #tpu.memory_space<vmem>>)
    %dma_wait3A_909 = arith.constant 0 : i32
    %dma_wait3A_910 = arith.constant 0 : i32
    %dma_wait3A_911 = arith.constant 0 : i32
    %dma_wait3A_912 = arith.constant 24 : i32
    %dma_wait3A_913 = arith.constant 0 : i32
    %dma_wait3A_914 = tpu.memref_slice %arg13[%dma_wait3A_912, %dma_wait3A_913] : memref<32x128xf32, #tpu.memory_space<vmem>> -> memref<8x128xf32, #tpu.memory_space<vmem>>
    %dma_wait3A_915 = arith.constant 0 : i32
    %dma_wait3A_916 = arith.constant 0 : i32
    %dma_wait3A_917 = tpu.memref_slice %arg4[%dma_wait3A_909, %dma_wait3A_910, %dma_wait3A_911, %dma_wait3A_915, %dma_wait3A_916] : memref<50x4x128x8x128xf32, #tpu.memory_space<hbm>> -> memref<1x1x1x8x128xf32, #tpu.memory_space<hbm>>
    %dma_wait3A_918 = tpu.memref_squeeze %dma_wait3A_917 : memref<1x1x1x8x128xf32, #tpu.memory_space<hbm>> -> memref<8x128xf32, #tpu.memory_space<hbm>>
    %dma_wait3A_919 = arith.constant 24 : i32
    %dma_wait3A_920 = arith.constant 0 : i32
    %dma_wait3A_921 = tpu.memref_slice %arg13[%dma_wait3A_919, %dma_wait3A_920] : memref<32x128xf32, #tpu.memory_space<vmem>> -> memref<8x128xf32, #tpu.memory_space<vmem>>
    %dma_wait3A_922 = arith.constant 0 : i32
    %dma_wait3A_923 = arith.constant 0 : i32
    %dma_wait3A_924 = tpu.memref_slice %arg4[%dma_wait3A_909, %dma_wait3A_910, %dma_wait3A_911, %dma_wait3A_922, %dma_wait3A_923] : memref<50x4x128x8x128xf32, #tpu.memory_space<hbm>> -> memref<1x1x1x8x128xf32, #tpu.memory_space<hbm>>
    %dma_wait3A_925 = tpu.memref_squeeze %dma_wait3A_924 : memref<1x1x1x8x128xf32, #tpu.memory_space<hbm>> -> memref<8x128xf32, #tpu.memory_space<hbm>>
    tpu.wait_dma2 semaphore(%arg21 : memref<!tpu.dma_semaphore, #tpu.memory_space<semaphore_mem>>) src(%dma_wait3A_925 : memref<8x128xf32, #tpu.memory_space<hbm>>) dst(%dma_wait3A_921 : memref<8x128xf32, #tpu.memory_space<vmem>>)
    return
  }
}

</mosaic_0001>

<sc_bundles>
// kernel: kernel.3.cloned.1.call-start
scs
__scs_entry_jumppad:
0x0: {  	(pc) =	sbr.rel $0x88, $3  }
0x1: {  	(tag) =	ssettag $0x0;
	lr =	simm.s32 $0x1  }
0x2: {  	[smem:$0x3F9F] =	sst lr;
	_ =	strace $0xD0000000  }
0x3: {  	_ = 	snop  }
0x4: {  	_ = 	snop  }
0x5: {  	_ = 	snop  }
0x6: {  	_ = 	snop  }
0x7: {  	_ = 	snop  }
__scs_overlays_trampoline_lowered:
0x8: {  	[smem:$0x3FAE] =	sst s0  }
0x9: {  	[smem:$0x3FAF] =	sst s1  }
0xa: {  	[smem:$0x3FB0] =	sst s2  }
0xb: {  	[smem:$0x3FB1] =	sst s3  }
0xc: {  	[smem:$0x3FB2] =	sst s4  }
0xd: {  	[smem:$0x3FB3] =	sst s5  }
0xe: {  	[smem:$0x3FB4] =	sst s6  }
0xf: {  	[smem:$0x3FB5] =	sst s7  }
0x10: {  	[smem:$0x3FB6] =	sst s8  }
0x11: {  	[smem:$0x3FB7] =	sst s9;
	s0 =	simm.s32 @!p0 $0x0  }
0x12: {  	s1 =	sld [smem:$0x3F9D];
	s0 =	simm.s32 @p0 $0x1  }
0x13: {  	[smem:$0x3FB8] =	sst s0;
	s0 =	simm.s32 @!p1 $0x0  }
0x14: {  	s2 =	sld [smem:$0x3F9C];
	s0 =	simm.s32 @p1 $0x1  }
0x15: {  	[smem:$0x3FB9] =	sst s0;
	s0 =	simm.s32 @!p2 $0x0  }
0x16: {  	s3 =	sld [smem:$0x3FDB];
	s0 =	simm.s32 @p2 $0x1  }
0x17: {  	s4 =	simm.s32 $0x1BF5;
	[smem:$0x3FBB] =	sst s0  }
0x18: {  	s0 =	sld [smem:$0x3F9E];
	_ =	swait.ge [sflag:s4], $0x0  }
0x19: {  	s7 =	sld [smem:$0x3F9F]  }
0x1a: {  	s8 =	sadd.s32 $0xFFFFE003, lr  }
0x1b: {  	s9 =	sadd.s32 $0xFFFFFEF7, lr;
	s5 =	simm.s32 $0xFFFFFFFF;
	p2 =	slt.u32 s8, $0xFFFFF086  }
0x1c: {  	p1 =	slt.u32 s9, $0xF7A;
	s5 =	simm.s32 @!p2 $0x0  }
0x1d: {  	s5 =	simm.s32 @p1 $0x1;
	p0 =	seq.s32 s7, s2  }
0x1e: {  	s7 =	smul.u32 @!p0 $0xF7A, s2;
	p2 =	seq.s32 @!p0 s5, $0x0  }
0x1f: {  	s9 =	smul.u32 $0xF7A, s1;
	s8 =	simm.s32 @!p0 $0x1BF5;
	p2 =	por !p2, p0  }
0x20: {  	[sflag:s8] =	ssyncset.s32 @!p0 $0xFFFFF086;
	s6 =	sadd.s32 @!p0 s3, s7;
	s7 =	simm.s32 @!p0 $0x108  }
0x21: {  	s3 =	sadd.s32 s3, s9;
	s6 =	sadd.s32 @!p0 $0x88, s6;
	s7 =	simm.s32 @p2 $0x1082  }
0x22: {  	[simem:s7], [sflag:s8] =	dma.local @!p0 [hbm:s6], $0xF7A  }
0x23: {  	s9 =	sor.u32 $0xD0000000, s2;
	s6 =	simm.s32 $0x108;
	_ =	swait.ge @!p0 [sflag:s8], $0x0  }
0x24: {  	s3 =	sadd.s32 $0x88, s3;
	s6 =	simm.s32 @!p1 $0x1082;
	[sflag:s4] =	ssyncset.s32 $0xFFFFF086  }
0x25: {  	[simem:s6], [sflag:s4] =	dma.local [hbm:s3], $0xF7A  }
0x26: {  	[smem:$0x3F9F] =	sst s1;
	(tag) =	ssettag s2;
	_ =	strace s9  }
0x27: {  	s1 =	sld [smem:$0x3FAF]  }
0x28: {  	s2 =	sld [smem:$0x3FB0]  }
0x29: {  	s4 =	sld [smem:$0x3FB2]  }
0x2a: {  	p0 =	seq.s32 s5, $0x0;
	s5 =	sld [smem:$0x3FB3]  }
0x2b: {  	s6 =	sld [smem:$0x3FB4]  }
0x2c: {  	s7 =	sld [smem:$0x3FB5]  }
0x2d: {  	s3 =	simm.s32 $0x108;
	s8 =	sld [smem:$0x3FB6]  }
0x2e: {  	s3 =	simm.s32 @!p0 $0x1082;
	s9 =	sld [smem:$0x3FB7]  }
0x2f: {  	lr =	sadd.s32 s0, s3;
	s0 =	sld [smem:$0x3FAE]  }
0x30: {  	s3 =	sld [smem:$0x3FB1]  }
0x31: {  	[smem:$0x3FBA] =	sst s10  }
0x32: {  	s10 =	sld [smem:$0x3FB8];
	_ =	sdelay $0x3  }
0x33: {  	p0 =	seq.s32 s10, $0x1;
	s10 =	sld [smem:$0x3FBA];
	_ =	sdelay $0x3  }
0x34: {  	[smem:$0x3FBA] =	sst s10  }
0x35: {  	s10 =	sld [smem:$0x3FB9];
	_ =	sdelay $0x3  }
0x36: {  	p1 =	seq.s32 s10, $0x1;
	s10 =	sld [smem:$0x3FBA];
	_ =	sdelay $0x3  }
0x37: {  	[smem:$0x3FBA] =	sst s10  }
0x38: {  	s10 =	sld [smem:$0x3FBB]  }
0x39: {  	_ = 	snop;
	(pc) =	sbr.ind lr, $3  }
0x3a: {  	_ = 	snop  }
0x3b: {  	_ = 	snop  }
0x3c: {  	p2 =	seq.s32 s10, $0x1;
	s10 =	sld [smem:$0x3FBA]  }
0x3d: {  	_ =	shalt  }
0x3e: {  	_ =	shalt  }
0x3f: {  	_ =	shalt  }
0x40: {  	_ =	shalt  }
0x41: {  	_ =	shalt  }
0x42: {  	_ =	shalt  }
0x43: {  	_ =	shalt  }
0x44: {  	_ =	shalt  }
0x45: {  	_ =	shalt  }
0x46: {  	_ =	shalt  }
0x47: {  	_ =	shalt  }
0x48: {  	_ =	shalt  }
0x49: {  	_ =	shalt  }
0x4a: {  	_ =	shalt  }
0x4b: {  	_ =	shalt  }
0x4c: {  	_ =	shalt  }
0x4d: {  	_ =	shalt  }
0x4e: {  	_ =	shalt  }
0x4f: {  	_ =	shalt  }
0x50: {  	_ =	shalt  }
0x51: {  	_ =	shalt  }
0x52: {  	_ =	shalt  }
0x53: {  	_ =	shalt  }
0x54: {  	_ =	shalt  }
0x55: {  	_ =	shalt  }
0x56: {  	_ =	shalt  }
0x57: {  	_ =	shalt  }
0x58: {  	_ =	shalt  }
0x59: {  	_ =	shalt  }
0x5a: {  	_ =	shalt  }
0x5b: {  	_ =	shalt  }
0x5c: {  	_ =	shalt  }
0x5d: {  	_ =	shalt  }
0x5e: {  	_ =	shalt  }
0x5f: {  	_ =	shalt  }
0x60: {  	_ =	shalt  }
0x61: {  	_ =	shalt  }
0x62: {  	_ =	shalt  }
0x63: {  	_ =	shalt  }
0x64: {  	_ =	shalt  }
0x65: {  	_ =	shalt  }
0x66: {  	_ =	shalt  }
0x67: {  	_ =	shalt  }
0x68: {  	_ =	shalt  }
0x69: {  	_ =	shalt  }
0x6a: {  	_ =	shalt  }
0x6b: {  	_ =	shalt  }
0x6c: {  	_ =	shalt  }
0x6d: {  	_ =	shalt  }
0x6e: {  	_ =	shalt  }
0x6f: {  	_ =	shalt  }
0x70: {  	_ =	shalt  }
0x71: {  	_ =	shalt  }
0x72: {  	_ =	shalt  }
0x73: {  	_ =	shalt  }
0x74: {  	_ =	shalt  }
0x75: {  	_ =	shalt  }
0x76: {  	_ =	shalt  }
0x77: {  	_ =	shalt  }
0x78: {  	_ =	shalt  }
0x79: {  	_ =	shalt  }
0x7a: {  	_ =	shalt  }
0x7b: {  	_ =	shalt  }
0x7c: {  	_ =	shalt  }
0x7d: {  	_ =	shalt  }
0x7e: {  	_ =	shalt  }
0x7f: {  	_ =	shalt  }
0x80: {  	_ =	shalt  }
0x81: {  	_ =	shalt  }
0x82: {  	_ =	shalt  }
0x83: {  	_ =	shalt  }
0x84: {  	_ =	shalt  }
0x85: {  	_ =	shalt  }
0x86: {  	_ =	shalt  }
0x87: {  	_ =	shalt  }
.Lfunc_end0:
.L_simem_size_0:
called_computation_lowered:
.L_overlay_start_0:
0x88: {  	s2 =	sld [smem:$0x3FD9]  }
0x89: {  	s3 =	sld [smem:$0x3FFE];
	_ =	sdelay $0x1  }
0x8a: {  	s1 =	srdreg.scid  }
0x8b: {  	s0 =	sand.u32 $0x1, s1  }
0x8c: {  	s17 =	sshll.u32 s0, $0xA;
	s2 =	sadd.s32 s3, s2  }
0x8d: {  	s2 =	sadd.s32 s2, s17  }
0x8e: {  	[smem:$0x3FC6] =	sst s2  }
0x8f: {  	_ = 	snop  }
0x90: {  	s2 =	sld [smem:$0x3FD0];
	(tm) =	ssettm $0x1  }
0x91: {  	s18 =	sld [smem:$0x3FFB];
	_ =	sdelay $0x3  }
0x92: {  	_ =	strace s18  }
0x93: {  	s3 =	sld [smem:$0x3FFC];
	_ =	sdelay $0x3  }
0x94: {  	_ =	strace s3  }
0x95: {  	s3 =	sld [smem:$0x3FFD];
	_ =	sdelay $0x3  }
0x96: {  	_ =	strace s3  }
0x97: {  	_ =	strace $0x8FFFFFFF  }
0x98: {  	s19 =	sld [smem:$0x3FDB];
	_ =	sdelay $0x1  }
0x99: {  	s4 =	simm.s32 $_scs_section_size  }
0x9a: {  	s5 =	simm.s32 $_size__tile_overlayer_lowered;
	s6 =	simm.s32 $_tile_overlayer_lowered  }
0x9b: {  	s22 =	simm.s32 $0x1BFF;
	s21 =	sshll.u32 s6, $0x1;
	s3 =	sadd.s32 s4, s19  }
0x9c: {  	s7 =	simm.s32 $0x0;
	s20 =	sshll.u32 s5, $0x1;
	s5 =	sadd.s32 s21, s3  }
0x9d: {  	[timem:s7], [sflag:s22] =	dma.local [hbm:s5], s20  }
0x9e: {  	_ =	swait.ge [sflag:s22], s20  }
0x9f: {  	s4 =	ssub.s32 $0x0, s20;
	[sflag:s22] =	ssyncset.done $0x0  }
0xa0: {  	[sflag:s22] =	ssyncadd.s32 s4;
	_ =	sdelay $0x1  }
0xa1: {  	s23 =	simm.s32 $0x1B8B  }
0xa2: {  	_ =	swait.ge [sflag:s23], $0x1  }
0xa3: {  	[sflag:s23] =	ssyncset.done $0x0  }
0xa4: {  	s25 =	simm.s32 $0x1B8E;
	s24 =	sld [smem:$0x3FFE];
	[sflag:s23] =	ssyncadd.s32 $0xFFFFFFFF  }
0xa5: {  	s26 =	simm.s32 $execute0_lowered;
	[smem:$0x3FD2] =	sst s25  }
0xa6: {  	s5 =	sshll.u32 s26, $0x1;
	_ =	strace $0x80000046;
	[dreg:$0x1] =	wrdreg $0xFFFFFFFF  }
0xa7: {  	s28 =	simm.s32 $_size_execute0_lowered;
	s3 =	sadd.s32 s3, s5;
	[dreg:$0x0] =	wrdreg $0x0  }
0xa8: {  	s5 =	sshll.u32 s28, $0x1;
	[dreg:$0x2] =	wrdreg s3  }
0xa9: {  	[dreg:$0x3] =	wrdreg s5  }
0xaa: {  	[dreg:$0x4] =	wrdreg $0xC0  }
0xab: {  	_ =	task [dreg:s7], $0x5FFFF  }
0xac: {  	[dreg:$0x1] =	wrdreg $0xFFFFFFFF  }
0xad: {  	[dreg:$0x0] =	wrdreg $0x60  }
0xae: {  	[dreg:$0x2] =	wrdreg s24  }
0xaf: {  	[dreg:$0x3] =	wrdreg s2  }
0xb0: {  	[dreg:$0x4] =	wrdreg $0x9  }
0xb1: {  	_ =	task.clear_ibuf [dreg:s7], $0x5FFFF;
	_ =	strace $0x90000046  }
0xb2: {  	s29 =	simm.s32 $0x9;
	_ =	strace $0x80000048  }
0xb3: {  	_ =	swait.ge [sflag:s29], $0x1  }
0xb4: {  	[sflag:s29] =	ssyncadd.s32 $0xFFFFFFFF  }
0xb5: {  	_ =	strace $0x90000048  }
0xb6: {  	_ =	sfence  }
0xb7: {  	s30 =	sld [smem:$0x0];
	_ =	sdelay $0x2  }
0xb8: {  	s31 =	sshll.u32 s1, $0xD;
	s1 =	sshrl.u32 s1, $0x2  }
0xb9: {  	s3 =	sand.u32 $0x4000, s31;
	s1 =	sadd.s32 s1, s30  }
0xba: {  	s0 =	sor.u32 s3, s0;
	s1 =	sshll.u32 s1, $0x11  }
0xbb: {  	s0 =	sor.u32 s1, s0  }
0xbc: {  	s0 =	sadd.s32 $0x8F2B, s0  }
0xbd: {  	[sflag:s0] =	ssyncadd.remote.s32 $0x1  }
0xbe: {  	_ =	sfence.sel $0xFFFF  }
0xbf: {  	[dreg:$0x0] =	wrdreg $0xFFFFFFFF;
	(pc) =	sbr.abs _section_cstart, $3  }
0xc0: {  	[dreg:$0x1] =	wrdreg $0xFFFFFFFF  }
0xc1: {  	_ =	task.clear_ibuf [dreg:s7], $0x2FFFF;
	_ =	strace $0x9FFFFFFF  }
0xc2: {  	(tm) =	ssettm $0x7FFFFFFF  }
0xc3: {  	_ =	shalt  }
tec
execute0_lowered:
.L_overlay_start_1:
0x0: {  	(tag) =	ssettag $0x1  }
0x1: {  	s0 =	srdreg.scid  }
0x2: {  	s2 =	stileid.u32;
	s1 =	rddreg [dreg:$0x0];
	s0 =	sand.u32 $0x1, s0  }
0x3: {  	s3 =	sshll.u32 s2, $0x3;
	s4 =	sshll.u32 s0, $0x2;
	s0 =	ssub.s32 $0x2, s0  }
0x4: {  	s2 =	rddreg [dreg:$0x1];
	s3 =	sor.u32 s4, s3;
	s24 =	sshrl.u32 s0, $0x1  }
0x5: {  	s4 =	simm.s32 $0x0;
	s7 =	sshll.u32 s3, $0x7;
	s0 =	ssub.s32 s0, s24  }
0x6: {  	[smem:$0x7FF] =	sst s4;
	s13 =	sadd.s32 s7, s2;
	s0 =	smax.u32 s0, $0x1  }
0x7: {  	_ =	strace $0x80000047;
	s14 =	sadd.s32 $0x2E0180, s13;
	[dreg:$0x14] =	wrdreg s0  }
0x8: {  	s15 =	sadd.s32 $0x2E4180, s13;
	[dreg:$0x4] =	wrdreg s14  }
0x9: {  	s16 =	sadd.s32 $0x2E8180, s13;
	[dreg:$0x5] =	wrdreg s15  }
0xa: {  	s17 =	sadd.s32 $0x2EC180, s13;
	[dreg:$0x6] =	wrdreg s16  }
0xb: {  	s18 =	sadd.s32 $0x2F0180, s13;
	[dreg:$0x7] =	wrdreg s17  }
0xc: {  	s19 =	sadd.s32 $0x2F4180, s13;
	[dreg:$0x8] =	wrdreg s18  }
0xd: {  	s20 =	sadd.s32 $0x2F8180, s13;
	[dreg:$0x9] =	wrdreg s19  }
0xe: {  	s28 =	simm.s32 $0x7400;
	s21 =	sadd.s32 $0x2FC180, s13;
	[dreg:$0xa] =	wrdreg s20  }
0xf: {  	s30 =	simm.s32 $0x8400;
	s22 =	sadd.s32 $0x300180, s13;
	[dreg:$0xb] =	wrdreg s21  }
0x10: {  	s8 =	simm.s32 $0x2;
	s23 =	sadd.s32 $0x304180, s13;
	[dreg:$0xc] =	wrdreg s22  }
0x11: {  	s10 =	simm.s32 $0xB800;
	s7 =	sadd.s32 $0x308180, s13;
	[dreg:$0xd] =	wrdreg s23  }
0x12: {  	s5 =	smul.u32 $0x320, s3;
	s25 =	sadd.s32 $0x30C180, s13;
	[dreg:$0xe] =	wrdreg s7  }
0x13: {  	s11 =	simm.s32 $0xBC00;
	s26 =	sadd.s32 $0x310180, s13;
	[dreg:$0xf] =	wrdreg s25  }
0x14: {  	s6 =	sadd.s32 s5, s1;
	s29 =	sadd.s32 $0x314180, s13;
	[dreg:$0x10] =	wrdreg s26  }
0x15: {  	s5 =	sadd.s32 $0xF42A00, s1;
	s31 =	sadd.s32 $0x318180, s13;
	[dreg:$0x11] =	wrdreg s29  }
0x16: {  	s1 =	sadd.s32 $0x31C180, s13;
	s0 =	simm.s32 $0x1;
	[dreg:$0x12] =	wrdreg s31  }
0x17: {  	v0 =	vlaneseq.u32;
	s13 =	simm.s32 $0x3;
	s12 =	sadd.s32 $0x600, s6;
	[dreg:$0x13] =	wrdreg s1  }
0x18: {  	v0 =	vmul.u32 $0x20, v0;
	s25 =	simm.s32 $0x80;
	s26 =	simm.s32 $0x6400;
	s1 =	simm.s32 $0x9400  }
0x19: {  	s14 =	simm.s32 $0xC400;
	s15 =	simm.s32 $0xC800;
	s16 =	simm.s32 $0xCC00  }
0x1a: {  	v1 =	vor.u32 $0x200, v0;
	s17 =	simm.s32 $0xD000;
	s18 =	simm.s32 $0x4;
	s19 =	simm.s32 $0xD400  }
0x1b: {  	v2 =	vor.u32 $0x400, v0;
	v3 =	vor.u32 $0x600, v0;
	v4 =	vor.u32 $0x800, v0;
	s20 =	simm.s32 $0xD800;
	s21 =	simm.s32 $0xDC00;
	s22 =	simm.s32 $0xE000  }
0x1c: {  	v5 =	vor.u32 $0xA00, v0;
	v6 =	vor.u32 $0xC00, v0;
	v7 =	vor.u32 $0xE00, v0;
	s7 =	simm.s32 $0x0;
	[dreg:$0x3] =	wrdreg s12;
	s12 =	simm.s32 $0xC000  }
.LBB2_1:
0x1d: {  	[dreg:$0x15] =	wrdreg s7  }
0x1e: {  	s6 =	rddreg [dreg:$0x3];
	s24 =	simm.s32 $0x9  }
0x1f: {  	[tilespmem:s4], [sflag:$0x9] =	stream.linear.gather [hbm4b:s6+s4], $0x6400, $0x38;
	[tilespmem:$0xE400] =	vst v63  }
0x20: {  	_ =	swait.ge [sflag:s24], $0x6400  }
0x21: {  	[sflag:s24] =	ssyncset.done $0x0  }
0x22: {  	[sflag:s24] =	ssyncadd.s32 $0xFFFF9C00  }
0x23: {  	[tilespmem:s26], [sflag:$0x1] =	stream.indirect.gather [hbm4b:s5+s25], $0x20, s4, s25, $0xb8;
	[tilespmem:$0xE400] =	vst v63  }
0x24: {  	_ = 	snop  }
0x25: {  	[tilespmem:s28], [sflag:$0x2] =	stream.indirect.gather [hbm4b:s5+s25], $0x20, s25, s25, $0xb8;
	[tilespmem:$0xE400] =	vst v63  }
0x26: {  	s29 =	simm.s32 $0x100  }
0x27: {  	[tilespmem:s30], [sflag:$0x3] =	stream.indirect.gather [hbm4b:s5+s25], $0x20, s29, s25, $0xb8;
	[tilespmem:$0xE400] =	vst v63  }
0x28: {  	s31 =	simm.s32 $0x180;
	s23 =	simm.s32 $0x0  }
0x29: {  	[tilespmem:s1], [sflag:$0x4] =	stream.indirect.gather [hbm4b:s5+s25], $0x20, s31, s25, $0xb8;
	[tilespmem:$0xE400] =	vst v63  }
.LBB2_2:
0x2a: {  	_ =	swait.ge [sflag:s0], $0x1000  }
0x2b: {  	p0 =	seq.s32 s23, $0x0;
	[sflag:s0] =	ssyncset.done $0x0  }
0x2c: {  	s6 =	simm.s32 @!p0 $0x5;
	[sflag:s0] =	ssyncadd.s32 $0xFFFFF000  }
0x2d: {  	_ =	swait.ge @!p0 [sflag:s6], $0x400  }
0x2e: {  	[sflag:s6] =	ssyncset.done @!p0 $0x0  }
0x2f: {  	s7 =	simm.s32 $0x0;
	[sflag:s6] =	ssyncadd.s32 @!p0 $0xFFFFFC00  }
0x30: {  	v8 =	vmov s7;
	_ =	swait.ge @!p0 [sflag:s6], $0x400  }
0x31: {  	v8 =	vand.u32 $0x1F, v8;
	[sflag:s6] =	ssyncset.done @!p0 $0x0  }
0x32: {  	v8 =	vbroadcast v8, $0x0;
	[sflag:s6] =	ssyncadd.s32 @!p0 $0xFFFFFC00  }
0x33: {  	_ =	swait.ge @!p0 [sflag:s6], $0x400  }
0x34: {  	v9 =	vor.u32 v0, v8;
	[sflag:s6] =	ssyncset.done @!p0 $0x0  }
0x35: {  	[sflag:s6] =	ssyncadd.s32 @!p0 $0xFFFFFC00  }
0x36: {  	_ =	swait.ge @!p0 [sflag:s6], $0x400  }
0x37: {  	[sflag:s6] =	ssyncset.done @!p0 $0x0  }
0x38: {  	[sflag:s6] =	ssyncadd.s32 @!p0 $0xFFFFFC00  }
0x39: {  	v9 =	vld.idx.msk [tilespmem:v9+s26+$0x0], $0xffff  }
0x3a: {  	v10 =	vor.u32 v1, v8;
	_ =	sdelay $0x2  }
0x3b: {  	s29 =	simm.s32 $0xA440  }
0x3c: {  	[tilespmem:s29+$0xFFFFFFC0] =	vst v9  }
0x3d: {  	v9 =	vld.idx.msk [tilespmem:v10+s26+$0x0], $0xffff  }
0x3e: {  	v10 =	vor.u32 v2, v8;
	_ =	sdelay $0x3  }
0x3f: {  	[tilespmem:s29+$0xFFFFFFD0] =	vst v9  }
0x40: {  	v9 =	vld.idx.msk [tilespmem:v10+s26+$0x0], $0xffff  }
0x41: {  	v10 =	vor.u32 v3, v8;
	_ =	sdelay $0x3  }
0x42: {  	[tilespmem:s29+$0xFFFFFFE0] =	vst v9  }
0x43: {  	v9 =	vld.idx.msk [tilespmem:v10+s26+$0x0], $0xffff  }
0x44: {  	v10 =	vor.u32 v4, v8;
	_ =	sdelay $0x3  }
0x45: {  	[tilespmem:s29+$0xFFFFFFF0] =	vst v9  }
0x46: {  	v9 =	vld.idx.msk [tilespmem:v10+s26+$0x0], $0xffff  }
0x47: {  	v10 =	vor.u32 v5, v8;
	_ =	sdelay $0x3  }
0x48: {  	[tilespmem:s29+$0x0] =	vst v9  }
0x49: {  	v9 =	vld.idx.msk [tilespmem:v10+s26+$0x0], $0xffff  }
0x4a: {  	v10 =	vor.u32 v6, v8;
	_ =	sdelay $0x3  }
0x4b: {  	[tilespmem:s29+$0x10] =	vst v9  }
0x4c: {  	v9 =	vld.idx.msk [tilespmem:v10+s26+$0x0], $0xffff  }
0x4d: {  	v8 =	vor.u32 v7, v8;
	_ =	sdelay $0x1  }
0x4e: {  	s31 =	simm.s32 $0x1  }
0x4f: {  	s24 =	sshll.u32 s23, $0x2;
	s6 =	simm.s32 $0x2;
	v10 =	vmov s31  }
.LBB2_3:
0x50: {  	p1 =	sne.s32 s6, $0x1F;
	v10 =	vand.u32 $0x1F, v10;
	[tilespmem:s29+$0x20] =	vst v9  }
0x51: {  	v10 =	vbroadcast v10, $0x0;
	v8 =	vld.idx.msk [tilespmem:v8+s26+$0x0], $0xffff;
	_ =	sdelay $0x1  }
0x52: {  	v9 =	vor.u32 v0, v10;
	_ =	sdelay $0x3  }
0x53: {  	[tilespmem:s29+$0x30] =	vst v8  }
0x54: {  	v8 =	vld.idx.msk [tilespmem:v9+s26+$0x0], $0xffff;
	_ =	sdelay $0x1  }
0x55: {  	v9 =	vor.u32 v1, v10;
	_ =	sdelay $0x2  }
0x56: {  	s29 =	sadd.s32 $0x80, s29  }
0x57: {  	[tilespmem:s29+$0xFFFFFFC0] =	vst v8  }
0x58: {  	v8 =	vld.idx.msk [tilespmem:v9+s26+$0x0], $0xffff;
	_ =	sdelay $0x1  }
0x59: {  	v9 =	vor.u32 v2, v10;
	_ =	sdelay $0x3  }
0x5a: {  	[tilespmem:s29+$0xFFFFFFD0] =	vst v8  }
0x5b: {  	v8 =	vld.idx.msk [tilespmem:v9+s26+$0x0], $0xffff;
	_ =	sdelay $0x1  }
0x5c: {  	v9 =	vor.u32 v3, v10;
	_ =	sdelay $0x3  }
0x5d: {  	[tilespmem:s29+$0xFFFFFFE0] =	vst v8  }
0x5e: {  	v8 =	vld.idx.msk [tilespmem:v9+s26+$0x0], $0xffff;
	_ =	sdelay $0x1  }
0x5f: {  	v9 =	vor.u32 v4, v10;
	_ =	sdelay $0x3  }
0x60: {  	[tilespmem:s29+$0xFFFFFFF0] =	vst v8  }
0x61: {  	v8 =	vld.idx.msk [tilespmem:v9+s26+$0x0], $0xffff;
	_ =	sdelay $0x1  }
0x62: {  	v9 =	vor.u32 v5, v10;
	_ =	sdelay $0x3  }
0x63: {  	[tilespmem:s29+$0x0] =	vst v8  }
0x64: {  	v8 =	vld.idx.msk [tilespmem:v9+s26+$0x0], $0xffff;
	_ =	sdelay $0x1  }
0x65: {  	v9 =	vor.u32 v6, v10;
	_ =	sdelay $0x3  }
0x66: {  	[tilespmem:s29+$0x10] =	vst v8  }
0x67: {  	v9 =	vld.idx.msk [tilespmem:v9+s26+$0x0], $0xffff  }
.Ltmp0:
0x68: {  	(pc) =	sbr.rel @p1 .LBB2_3-.Ltmp0, $2  }
0x69: {  	v8 =	vor.u32 v7, v10;
	_ =	sdelay $0x2  }
0x6a: {  	v10 =	vmov s6;
	s6 =	sadd.s32 $0x1, s6  }
0x6b: {  	_ =	sdelay $0x1  }
0x6c: {  	v10 =	vand.u32 $0x1F, v10  }
0x6d: {  	[tilespmem:s29+$0x20] =	vst v9;
	v9 =	vbroadcast v10, $0x0  }
0x6e: {  	v8 =	vld.idx.msk [tilespmem:v8+s26+$0x0], $0xffff  }
0x6f: {  	v10 =	vor.u32 v0, v9;
	_ =	sdelay $0x3  }
0x70: {  	[tilespmem:s29+$0x30] =	vst v8  }
0x71: {  	v8 =	vld.idx.msk [tilespmem:v10+s26+$0x0], $0xffff  }
0x72: {  	v10 =	vor.u32 v1, v9;
	_ =	sdelay $0x2  }
0x73: {  	s6 =	sadd.s32 $0x80, s29  }
0x74: {  	[tilespmem:s6+$0xFFFFFFC0] =	vst v8  }
0x75: {  	v8 =	vld.idx.msk [tilespmem:v10+s26+$0x0], $0xffff  }
0x76: {  	v10 =	vor.u32 v2, v9;
	_ =	sdelay $0x3  }
0x77: {  	[tilespmem:s6+$0xFFFFFFD0] =	vst v8  }
0x78: {  	v8 =	vld.idx.msk [tilespmem:v10+s26+$0x0], $0xffff  }
0x79: {  	v10 =	vor.u32 v3, v9;
	_ =	sdelay $0x3  }
0x7a: {  	[tilespmem:s6+$0xFFFFFFE0] =	vst v8  }
0x7b: {  	v8 =	vld.idx.msk [tilespmem:v10+s26+$0x0], $0xffff  }
0x7c: {  	v10 =	vor.u32 v4, v9;
	_ =	sdelay $0x3  }
0x7d: {  	[tilespmem:s6+$0xFFFFFFF0] =	vst v8  }
0x7e: {  	v8 =	vld.idx.msk [tilespmem:v10+s26+$0x0], $0xffff  }
0x7f: {  	v10 =	vor.u32 v5, v9;
	_ =	sdelay $0x3  }
0x80: {  	[tilespmem:s6+$0x0] =	vst v8  }
0x81: {  	v8 =	vld.idx.msk [tilespmem:v10+s26+$0x0], $0xffff  }
0x82: {  	v10 =	vor.u32 v6, v9;
	_ =	sdelay $0x3  }
0x83: {  	[tilespmem:s6+$0x10] =	vst v8  }
0x84: {  	v8 =	vld.idx.msk [tilespmem:v10+s26+$0x0], $0xffff  }
0x85: {  	v9 =	vor.u32 v7, v9  }
0x86: {  	s7 =	smulhi.u32 $0x51EB851F, s24;
	_ =	sdelay $0x1  }
0x87: {  	s7 =	sshrl.u32 s7, $0x4  }
0x88: {  	s29 =	smul.u32 $0x32, s7;
	[tilespmem:s6+$0x20] =	vst v8  }
0x89: {  	v8 =	vld.idx.msk [tilespmem:v9+s26+$0x0], $0xffff  }
0x8a: {  	s7 =	sadd.s32 s3, s7;
	s29 =	ssub.s32 s24, s29  }
0x8b: {  	s31 =	sshll.u32 s29, $0x13;
	s29 =	sshll.u32 s7, $0xA  }
0x8c: {  	s7 =	sadd.s32 s31, s29  }
0x8d: {  	s7 =	sshrl.u32 s7, $0x3  }
0x8e: {  	s31 =	simm.s32 $0xA400;
	[tilespmem:s6+$0x30] =	vst v8;
	s6 =	sadd.s32 s2, s7  }
0x8f: {  	[hbm4b:s6+s4] =	stream.linear.scatter [tilespmem:s31], [sflag:$0x5], $0x400, $0x38;
	[tilespmem:$0xE400] =	vst v63  }
0x90: {  	s9 =	simm.s32 $0xA800;
	s7 =	sor.u32 $0x8000, s7;
	s31 =	sadd.s32 $0x4000, s6  }
0x91: {  	[hbm4b:s31+s4] =	stream.linear.scatter [tilespmem:s9], [sflag:$0x5], $0x400, $0x38;
	[tilespmem:$0xE400] =	vst v63  }
0x92: {  	s7 =	sadd.s32 s2, s7;
	s9 =	simm.s32 $0xAC00  }
0x93: {  	[hbm4b:s7+s4] =	stream.linear.scatter [tilespmem:s9], [sflag:$0x5], $0x400, $0x38;
	[tilespmem:$0xE400] =	vst v63  }
0x94: {  	s7 =	sadd.s32 $0x4, s24  }
0x95: {  	s6 =	sadd.s32 $0xC000, s6;
	s9 =	simm.s32 $0xB000;
	s31 =	smulhi.u32 $0x51EB851F, s7  }
0x96: {  	[hbm4b:s6+s4] =	stream.linear.scatter [tilespmem:s9], [sflag:$0x5], $0x400, $0x38;
	[tilespmem:$0xE400] =	vst v63  }
0x97: {  	s9 =	sshrl.u32 s31, $0x4  }
0x98: {  	s31 =	smul.u32 $0x32, s9  }
0x99: {  	s6 =	smul.u32 $0x6400, s9  }
0x9a: {  	s7 =	ssub.s32 s7, s31  }
0x9b: {  	s6 =	sshra.s32 s6, $0x2;
	s7 =	sshll.u32 s7, $0x7  }
0x9c: {  	s6 =	sadd.s32 s7, s6  }
0x9d: {  	[tilespmem:s26], [sflag:$0x1] =	stream.indirect.gather [hbm4b:s5+s25], $0x20, s6, s25, $0xb8;
	[tilespmem:$0xE400] =	vst v63  }
0x9e: {  	_ =	swait.ge [sflag:s8], $0x1000  }
0x9f: {  	[sflag:s8] =	ssyncset.done $0x0  }
0xa0: {  	s6 =	simm.s32 @!p0 $0x6;
	[sflag:s8] =	ssyncadd.s32 $0xFFFFF000  }
0xa1: {  	_ =	swait.ge @!p0 [sflag:s6], $0x400  }
0xa2: {  	[sflag:s6] =	ssyncset.done @!p0 $0x0  }
0xa3: {  	s9 =	simm.s32 $0x0;
	[sflag:s6] =	ssyncadd.s32 @!p0 $0xFFFFFC00  }
0xa4: {  	v8 =	vmov s9;
	_ =	swait.ge @!p0 [sflag:s6], $0x400  }
0xa5: {  	v8 =	vand.u32 $0x1F, v8;
	[sflag:s6] =	ssyncset.done @!p0 $0x0  }
0xa6: {  	v8 =	vbroadcast v8, $0x0;
	[sflag:s6] =	ssyncadd.s32 @!p0 $0xFFFFFC00  }
0xa7: {  	_ =	swait.ge @!p0 [sflag:s6], $0x400  }
0xa8: {  	v9 =	vor.u32 v0, v8;
	[sflag:s6] =	ssyncset.done @!p0 $0x0  }
0xa9: {  	[sflag:s6] =	ssyncadd.s32 @!p0 $0xFFFFFC00  }
0xaa: {  	_ =	swait.ge @!p0 [sflag:s6], $0x400  }
0xab: {  	[sflag:s6] =	ssyncset.done @!p0 $0x0  }
0xac: {  	[sflag:s6] =	ssyncadd.s32 @!p0 $0xFFFFFC00  }
0xad: {  	v9 =	vld.idx.msk [tilespmem:v9+s28+$0x0], $0xffff  }
0xae: {  	v10 =	vor.u32 v1, v8;
	_ =	sdelay $0x2  }
0xaf: {  	s6 =	simm.s32 $0xB440  }
0xb0: {  	[tilespmem:s6+$0xFFFFFFC0] =	vst v9  }
0xb1: {  	v9 =	vld.idx.msk [tilespmem:v10+s28+$0x0], $0xffff  }
0xb2: {  	v10 =	vor.u32 v2, v8;
	_ =	sdelay $0x3  }
0xb3: {  	[tilespmem:s6+$0xFFFFFFD0] =	vst v9  }
0xb4: {  	v9 =	vld.idx.msk [tilespmem:v10+s28+$0x0], $0xffff  }
0xb5: {  	v10 =	vor.u32 v3, v8;
	_ =	sdelay $0x3  }
0xb6: {  	[tilespmem:s6+$0xFFFFFFE0] =	vst v9  }
0xb7: {  	v9 =	vld.idx.msk [tilespmem:v10+s28+$0x0], $0xffff  }
0xb8: {  	v10 =	vor.u32 v4, v8;
	_ =	sdelay $0x3  }
0xb9: {  	[tilespmem:s6+$0xFFFFFFF0] =	vst v9  }
0xba: {  	v9 =	vld.idx.msk [tilespmem:v10+s28+$0x0], $0xffff  }
0xbb: {  	v10 =	vor.u32 v5, v8;
	_ =	sdelay $0x3  }
0xbc: {  	[tilespmem:s6+$0x0] =	vst v9  }
0xbd: {  	v9 =	vld.idx.msk [tilespmem:v10+s28+$0x0], $0xffff  }
0xbe: {  	v10 =	vor.u32 v6, v8;
	_ =	sdelay $0x3  }
0xbf: {  	[tilespmem:s6+$0x10] =	vst v9  }
0xc0: {  	v9 =	vld.idx.msk [tilespmem:v10+s28+$0x0], $0xffff  }
0xc1: {  	v8 =	vor.u32 v7, v8;
	_ =	sdelay $0x1  }
0xc2: {  	s9 =	simm.s32 $0x1  }
0xc3: {  	s31 =	sor.u32 $0x1, s24;
	s7 =	simm.s32 $0x2;
	v10 =	vmov s9  }
.LBB2_5:
0xc4: {  	p1 =	sne.s32 s7, $0x1F;
	v10 =	vand.u32 $0x1F, v10;
	[tilespmem:s6+$0x20] =	vst v9  }
0xc5: {  	v10 =	vbroadcast v10, $0x0;
	v8 =	vld.idx.msk [tilespmem:v8+s28+$0x0], $0xffff;
	_ =	sdelay $0x1  }
0xc6: {  	v9 =	vor.u32 v0, v10;
	_ =	sdelay $0x3  }
0xc7: {  	[tilespmem:s6+$0x30] =	vst v8  }
0xc8: {  	v8 =	vld.idx.msk [tilespmem:v9+s28+$0x0], $0xffff;
	_ =	sdelay $0x1  }
0xc9: {  	v9 =	vor.u32 v1, v10;
	_ =	sdelay $0x2  }
0xca: {  	s6 =	sadd.s32 $0x80, s6  }
0xcb: {  	[tilespmem:s6+$0xFFFFFFC0] =	vst v8  }
0xcc: {  	v8 =	vld.idx.msk [tilespmem:v9+s28+$0x0], $0xffff;
	_ =	sdelay $0x1  }
0xcd: {  	v9 =	vor.u32 v2, v10;
	_ =	sdelay $0x3  }
0xce: {  	[tilespmem:s6+$0xFFFFFFD0] =	vst v8  }
0xcf: {  	v8 =	vld.idx.msk [tilespmem:v9+s28+$0x0], $0xffff;
	_ =	sdelay $0x1  }
0xd0: {  	v9 =	vor.u32 v3, v10;
	_ =	sdelay $0x3  }
0xd1: {  	[tilespmem:s6+$0xFFFFFFE0] =	vst v8  }
0xd2: {  	v8 =	vld.idx.msk [tilespmem:v9+s28+$0x0], $0xffff;
	_ =	sdelay $0x1  }
0xd3: {  	v9 =	vor.u32 v4, v10;
	_ =	sdelay $0x3  }
0xd4: {  	[tilespmem:s6+$0xFFFFFFF0] =	vst v8  }
0xd5: {  	v8 =	vld.idx.msk [tilespmem:v9+s28+$0x0], $0xffff;
	_ =	sdelay $0x1  }
0xd6: {  	v9 =	vor.u32 v5, v10;
	_ =	sdelay $0x3  }
0xd7: {  	[tilespmem:s6+$0x0] =	vst v8  }
0xd8: {  	v8 =	vld.idx.msk [tilespmem:v9+s28+$0x0], $0xffff;
	_ =	sdelay $0x1  }
0xd9: {  	v9 =	vor.u32 v6, v10;
	_ =	sdelay $0x3  }
0xda: {  	[tilespmem:s6+$0x10] =	vst v8  }
0xdb: {  	v9 =	vld.idx.msk [tilespmem:v9+s28+$0x0], $0xffff  }
.Ltmp1:
0xdc: {  	(pc) =	sbr.rel @p1 .LBB2_5-.Ltmp1, $2  }
0xdd: {  	v8 =	vor.u32 v7, v10;
	_ =	sdelay $0x2  }
0xde: {  	v10 =	vmov s7;
	s7 =	sadd.s32 $0x1, s7  }
0xdf: {  	_ =	sdelay $0x1  }
0xe0: {  	v10 =	vand.u32 $0x1F, v10  }
0xe1: {  	[tilespmem:s6+$0x20] =	vst v9;
	v9 =	vbroadcast v10, $0x0  }
0xe2: {  	v8 =	vld.idx.msk [tilespmem:v8+s28+$0x0], $0xffff  }
0xe3: {  	v10 =	vor.u32 v0, v9;
	_ =	sdelay $0x3  }
0xe4: {  	[tilespmem:s6+$0x30] =	vst v8  }
0xe5: {  	v8 =	vld.idx.msk [tilespmem:v10+s28+$0x0], $0xffff  }
0xe6: {  	v10 =	vor.u32 v1, v9;
	_ =	sdelay $0x2  }
0xe7: {  	s9 =	sadd.s32 $0x80, s6  }
0xe8: {  	[tilespmem:s9+$0xFFFFFFC0] =	vst v8  }
0xe9: {  	v8 =	vld.idx.msk [tilespmem:v10+s28+$0x0], $0xffff  }
0xea: {  	v10 =	vor.u32 v2, v9;
	_ =	sdelay $0x3  }
0xeb: {  	[tilespmem:s9+$0xFFFFFFD0] =	vst v8  }
0xec: {  	v8 =	vld.idx.msk [tilespmem:v10+s28+$0x0], $0xffff  }
0xed: {  	v10 =	vor.u32 v3, v9;
	_ =	sdelay $0x3  }
0xee: {  	[tilespmem:s9+$0xFFFFFFE0] =	vst v8  }
0xef: {  	v8 =	vld.idx.msk [tilespmem:v10+s28+$0x0], $0xffff  }
0xf0: {  	v10 =	vor.u32 v4, v9;
	_ =	sdelay $0x3  }
0xf1: {  	[tilespmem:s9+$0xFFFFFFF0] =	vst v8  }
0xf2: {  	v8 =	vld.idx.msk [tilespmem:v10+s28+$0x0], $0xffff  }
0xf3: {  	v10 =	vor.u32 v5, v9;
	_ =	sdelay $0x3  }
0xf4: {  	[tilespmem:s9+$0x0] =	vst v8  }
0xf5: {  	v8 =	vld.idx.msk [tilespmem:v10+s28+$0x0], $0xffff  }
0xf6: {  	v10 =	vor.u32 v6, v9;
	_ =	sdelay $0x3  }
0xf7: {  	[tilespmem:s9+$0x10] =	vst v8  }
0xf8: {  	v8 =	vld.idx.msk [tilespmem:v10+s28+$0x0], $0xffff  }
0xf9: {  	v9 =	vor.u32 v7, v9  }
0xfa: {  	s7 =	smulhi.u32 $0x51EB851F, s31;
	_ =	sdelay $0x1  }
0xfb: {  	s7 =	sshrl.u32 s7, $0x4  }
0xfc: {  	s7 =	smul.u32 $0x32, s7;
	[tilespmem:s9+$0x20] =	vst v8  }
0xfd: {  	v8 =	vld.idx.msk [tilespmem:v9+s28+$0x0], $0xffff  }
0xfe: {  	s7 =	ssub.s32 s31, s7  }
0xff: {  	s7 =	sshll.u32 s7, $0x13  }
0x100: {  	s7 =	sadd.s32 s29, s7  }
0x101: {  	s7 =	sshrl.u32 s7, $0x3  }
0x102: {  	s31 =	sadd.s32 s2, s7;
	[tilespmem:s9+$0x30] =	vst v8;
	s9 =	simm.s32 $0xB400  }
0x103: {  	[hbm4b:s31+s4] =	stream.linear.scatter [tilespmem:s9], [sflag:$0x6], $0x400, $0x38;
	[tilespmem:$0xE400] =	vst v63  }
0x104: {  	s7 =	sor.u32 $0x8000, s7;
	s29 =	sadd.s32 $0x4000, s31;
	s9 =	sadd.s32 $0x5, s24  }
0x105: {  	[hbm4b:s29+s4] =	stream.linear.scatter [tilespmem:s10], [sflag:$0x6], $0x400, $0x38;
	[tilespmem:$0xE400] =	vst v63  }
0x106: {  	s7 =	sadd.s32 s2, s7;
	s29 =	smulhi.u32 $0x51EB851F, s9  }
0x107: {  	[hbm4b:s7+s4] =	stream.linear.scatter [tilespmem:s11], [sflag:$0x6], $0x400, $0x38;
	[tilespmem:$0xE400] =	vst v63  }
0x108: {  	s6 =	sadd.s32 $0xC000, s31;
	s31 =	sshrl.u32 s29, $0x4  }
0x109: {  	s29 =	smul.u32 $0x32, s31  }
0x10a: {  	[hbm4b:s6+s4] =	stream.linear.scatter [tilespmem:s12], [sflag:$0x6], $0x400, $0x38;
	[tilespmem:$0xE400] =	vst v63  }
0x10b: {  	s6 =	smul.u32 $0x6400, s31  }
0x10c: {  	s7 =	ssub.s32 s9, s29  }
0x10d: {  	s6 =	sshra.s32 s6, $0x2;
	s7 =	sshll.u32 s7, $0x7  }
0x10e: {  	s6 =	sadd.s32 s7, s6  }
0x10f: {  	[tilespmem:s28], [sflag:$0x2] =	stream.indirect.gather [hbm4b:s5+s25], $0x20, s6, s25, $0xb8;
	[tilespmem:$0xE400] =	vst v63  }
0x110: {  	_ =	swait.ge [sflag:s13], $0x1000  }
0x111: {  	[sflag:s13] =	ssyncset.done $0x0  }
0x112: {  	s6 =	simm.s32 @!p0 $0x7;
	[sflag:s13] =	ssyncadd.s32 $0xFFFFF000  }
0x113: {  	_ =	swait.ge @!p0 [sflag:s6], $0x400  }
0x114: {  	[sflag:s6] =	ssyncset.done @!p0 $0x0  }
0x115: {  	s9 =	simm.s32 $0x0;
	[sflag:s6] =	ssyncadd.s32 @!p0 $0xFFFFFC00  }
0x116: {  	v8 =	vmov s9;
	_ =	swait.ge @!p0 [sflag:s6], $0x400  }
0x117: {  	v8 =	vand.u32 $0x1F, v8;
	[sflag:s6] =	ssyncset.done @!p0 $0x0  }
0x118: {  	v8 =	vbroadcast v8, $0x0;
	[sflag:s6] =	ssyncadd.s32 @!p0 $0xFFFFFC00  }
0x119: {  	_ =	swait.ge @!p0 [sflag:s6], $0x400  }
0x11a: {  	v9 =	vor.u32 v0, v8;
	[sflag:s6] =	ssyncset.done @!p0 $0x0  }
0x11b: {  	[sflag:s6] =	ssyncadd.s32 @!p0 $0xFFFFFC00  }
0x11c: {  	_ =	swait.ge @!p0 [sflag:s6], $0x400  }
0x11d: {  	[sflag:s6] =	ssyncset.done @!p0 $0x0  }
0x11e: {  	[sflag:s6] =	ssyncadd.s32 @!p0 $0xFFFFFC00  }
0x11f: {  	v9 =	vld.idx.msk [tilespmem:v9+s30+$0x0], $0xffff  }
0x120: {  	v10 =	vor.u32 v1, v8;
	_ =	sdelay $0x2  }
0x121: {  	s6 =	simm.s32 $0xC440  }
0x122: {  	[tilespmem:s6+$0xFFFFFFC0] =	vst v9  }
0x123: {  	v9 =	vld.idx.msk [tilespmem:v10+s30+$0x0], $0xffff  }
0x124: {  	v10 =	vor.u32 v2, v8;
	_ =	sdelay $0x3  }
0x125: {  	[tilespmem:s6+$0xFFFFFFD0] =	vst v9  }
0x126: {  	v9 =	vld.idx.msk [tilespmem:v10+s30+$0x0], $0xffff  }
0x127: {  	v10 =	vor.u32 v3, v8;
	_ =	sdelay $0x3  }
0x128: {  	[tilespmem:s6+$0xFFFFFFE0] =	vst v9  }
0x129: {  	v9 =	vld.idx.msk [tilespmem:v10+s30+$0x0], $0xffff  }
0x12a: {  	v10 =	vor.u32 v4, v8;
	_ =	sdelay $0x3  }
0x12b: {  	[tilespmem:s6+$0xFFFFFFF0] =	vst v9  }
0x12c: {  	v9 =	vld.idx.msk [tilespmem:v10+s30+$0x0], $0xffff  }
0x12d: {  	v10 =	vor.u32 v5, v8;
	_ =	sdelay $0x3  }
0x12e: {  	[tilespmem:s6+$0x0] =	vst v9  }
0x12f: {  	v9 =	vld.idx.msk [tilespmem:v10+s30+$0x0], $0xffff  }
0x130: {  	v10 =	vor.u32 v6, v8;
	_ =	sdelay $0x3  }
0x131: {  	[tilespmem:s6+$0x10] =	vst v9  }
0x132: {  	v9 =	vld.idx.msk [tilespmem:v10+s30+$0x0], $0xffff  }
0x133: {  	v8 =	vor.u32 v7, v8;
	_ =	sdelay $0x1  }
0x134: {  	s31 =	simm.s32 $0x1  }
0x135: {  	s29 =	sor.u32 $0x2, s24;
	s7 =	simm.s32 $0x2;
	v10 =	vmov s31  }
.LBB2_7:
0x136: {  	p1 =	sne.s32 s7, $0x1F;
	v10 =	vand.u32 $0x1F, v10;
	[tilespmem:s6+$0x20] =	vst v9  }
0x137: {  	v10 =	vbroadcast v10, $0x0;
	v8 =	vld.idx.msk [tilespmem:v8+s30+$0x0], $0xffff;
	_ =	sdelay $0x1  }
0x138: {  	v9 =	vor.u32 v0, v10;
	_ =	sdelay $0x3  }
0x139: {  	[tilespmem:s6+$0x30] =	vst v8  }
0x13a: {  	v8 =	vld.idx.msk [tilespmem:v9+s30+$0x0], $0xffff;
	_ =	sdelay $0x1  }
0x13b: {  	v9 =	vor.u32 v1, v10;
	_ =	sdelay $0x2  }
0x13c: {  	s6 =	sadd.s32 $0x80, s6  }
0x13d: {  	[tilespmem:s6+$0xFFFFFFC0] =	vst v8  }
0x13e: {  	v8 =	vld.idx.msk [tilespmem:v9+s30+$0x0], $0xffff;
	_ =	sdelay $0x1  }
0x13f: {  	v9 =	vor.u32 v2, v10;
	_ =	sdelay $0x3  }
0x140: {  	[tilespmem:s6+$0xFFFFFFD0] =	vst v8  }
0x141: {  	v8 =	vld.idx.msk [tilespmem:v9+s30+$0x0], $0xffff;
	_ =	sdelay $0x1  }
0x142: {  	v9 =	vor.u32 v3, v10;
	_ =	sdelay $0x3  }
0x143: {  	[tilespmem:s6+$0xFFFFFFE0] =	vst v8  }
0x144: {  	v8 =	vld.idx.msk [tilespmem:v9+s30+$0x0], $0xffff;
	_ =	sdelay $0x1  }
0x145: {  	v9 =	vor.u32 v4, v10;
	_ =	sdelay $0x3  }
0x146: {  	[tilespmem:s6+$0xFFFFFFF0] =	vst v8  }
0x147: {  	v8 =	vld.idx.msk [tilespmem:v9+s30+$0x0], $0xffff;
	_ =	sdelay $0x1  }
0x148: {  	v9 =	vor.u32 v5, v10;
	_ =	sdelay $0x3  }
0x149: {  	[tilespmem:s6+$0x0] =	vst v8  }
0x14a: {  	v8 =	vld.idx.msk [tilespmem:v9+s30+$0x0], $0xffff;
	_ =	sdelay $0x1  }
0x14b: {  	v9 =	vor.u32 v6, v10;
	_ =	sdelay $0x3  }
0x14c: {  	[tilespmem:s6+$0x10] =	vst v8  }
0x14d: {  	v9 =	vld.idx.msk [tilespmem:v9+s30+$0x0], $0xffff  }
.Ltmp2:
0x14e: {  	(pc) =	sbr.rel @p1 .LBB2_7-.Ltmp2, $2  }
0x14f: {  	v8 =	vor.u32 v7, v10;
	_ =	sdelay $0x2  }
0x150: {  	v10 =	vmov s7;
	s7 =	sadd.s32 $0x1, s7  }
0x151: {  	_ =	sdelay $0x1  }
0x152: {  	v10 =	vand.u32 $0x1F, v10  }
0x153: {  	[tilespmem:s6+$0x20] =	vst v9;
	v9 =	vbroadcast v10, $0x0  }
0x154: {  	v8 =	vld.idx.msk [tilespmem:v8+s30+$0x0], $0xffff  }
0x155: {  	v10 =	vor.u32 v0, v9;
	_ =	sdelay $0x3  }
0x156: {  	[tilespmem:s6+$0x30] =	vst v8  }
0x157: {  	v8 =	vld.idx.msk [tilespmem:v10+s30+$0x0], $0xffff  }
0x158: {  	v10 =	vor.u32 v1, v9;
	_ =	sdelay $0x2  }
0x159: {  	s9 =	sadd.s32 $0x80, s6  }
0x15a: {  	[tilespmem:s9+$0xFFFFFFC0] =	vst v8  }
0x15b: {  	v8 =	vld.idx.msk [tilespmem:v10+s30+$0x0], $0xffff  }
0x15c: {  	v10 =	vor.u32 v2, v9;
	_ =	sdelay $0x3  }
0x15d: {  	[tilespmem:s9+$0xFFFFFFD0] =	vst v8  }
0x15e: {  	v8 =	vld.idx.msk [tilespmem:v10+s30+$0x0], $0xffff  }
0x15f: {  	v10 =	vor.u32 v3, v9;
	_ =	sdelay $0x3  }
0x160: {  	[tilespmem:s9+$0xFFFFFFE0] =	vst v8  }
0x161: {  	v8 =	vld.idx.msk [tilespmem:v10+s30+$0x0], $0xffff  }
0x162: {  	v10 =	vor.u32 v4, v9;
	_ =	sdelay $0x3  }
0x163: {  	[tilespmem:s9+$0xFFFFFFF0] =	vst v8  }
0x164: {  	v8 =	vld.idx.msk [tilespmem:v10+s30+$0x0], $0xffff  }
0x165: {  	v10 =	vor.u32 v5, v9;
	_ =	sdelay $0x3  }
0x166: {  	[tilespmem:s9+$0x0] =	vst v8  }
0x167: {  	v8 =	vld.idx.msk [tilespmem:v10+s30+$0x0], $0xffff  }
0x168: {  	v10 =	vor.u32 v6, v9;
	_ =	sdelay $0x3  }
0x169: {  	[tilespmem:s9+$0x10] =	vst v8  }
0x16a: {  	v8 =	vld.idx.msk [tilespmem:v10+s30+$0x0], $0xffff  }
0x16b: {  	v9 =	vor.u32 v7, v9  }
0x16c: {  	s7 =	smulhi.u32 $0x51EB851F, s29;
	_ =	sdelay $0x1  }
0x16d: {  	s7 =	sshrl.u32 s7, $0x4  }
0x16e: {  	s31 =	smul.u32 $0x32, s7;
	[tilespmem:s9+$0x20] =	vst v8  }
0x16f: {  	v8 =	vld.idx.msk [tilespmem:v9+s30+$0x0], $0xffff  }
0x170: {  	s7 =	sadd.s32 s3, s7;
	s29 =	ssub.s32 s29, s31  }
0x171: {  	s7 =	sshll.u32 s7, $0xA;
	s29 =	sshll.u32 s29, $0x13  }
0x172: {  	s7 =	sadd.s32 s29, s7  }
0x173: {  	s7 =	sshrl.u32 s7, $0x3  }
0x174: {  	s6 =	sadd.s32 s2, s7;
	[tilespmem:s9+$0x30] =	vst v8  }
0x175: {  	[hbm4b:s6+s4] =	stream.linear.scatter [tilespmem:s14], [sflag:$0x7], $0x400, $0x38;
	[tilespmem:$0xE400] =	vst v63  }
0x176: {  	s7 =	sadd.s32 $0x4000, s6;
	s9 =	sadd.s32 $0x6, s24  }
0x177: {  	[hbm4b:s7+s4] =	stream.linear.scatter [tilespmem:s15], [sflag:$0x7], $0x400, $0x38;
	[tilespmem:$0xE400] =	vst v63  }
0x178: {  	s31 =	sadd.s32 $0x8000, s6;
	s29 =	smulhi.u32 $0x51EB851F, s9  }
0x179: {  	[hbm4b:s31+s4] =	stream.linear.scatter [tilespmem:s16], [sflag:$0x7], $0x400, $0x38;
	[tilespmem:$0xE400] =	vst v63  }
0x17a: {  	s31 =	sshrl.u32 s29, $0x4  }
0x17b: {  	s6 =	sadd.s32 $0xC000, s6;
	s29 =	smul.u32 $0x32, s31  }
0x17c: {  	[hbm4b:s6+s4] =	stream.linear.scatter [tilespmem:s17], [sflag:$0x7], $0x400, $0x38;
	[tilespmem:$0xE400] =	vst v63  }
0x17d: {  	s6 =	smul.u32 $0x6400, s31  }
0x17e: {  	s7 =	ssub.s32 s9, s29  }
0x17f: {  	s6 =	sshra.s32 s6, $0x2;
	s7 =	sshll.u32 s7, $0x7  }
0x180: {  	s6 =	sadd.s32 s7, s6  }
0x181: {  	[tilespmem:s30], [sflag:$0x3] =	stream.indirect.gather [hbm4b:s5+s25], $0x20, s6, s25, $0xb8;
	[tilespmem:$0xE400] =	vst v63  }
0x182: {  	_ =	swait.ge [sflag:s18], $0x1000  }
0x183: {  	[sflag:s18] =	ssyncset.done $0x0  }
0x184: {  	s6 =	simm.s32 @!p0 $0x8;
	[sflag:s18] =	ssyncadd.s32 $0xFFFFF000  }
0x185: {  	_ =	swait.ge @!p0 [sflag:s6], $0x400  }
0x186: {  	[sflag:s6] =	ssyncset.done @!p0 $0x0  }
0x187: {  	s9 =	simm.s32 $0x0;
	[sflag:s6] =	ssyncadd.s32 @!p0 $0xFFFFFC00  }
0x188: {  	v8 =	vmov s9;
	_ =	swait.ge @!p0 [sflag:s6], $0x400  }
0x189: {  	v8 =	vand.u32 $0x1F, v8;
	[sflag:s6] =	ssyncset.done @!p0 $0x0  }
0x18a: {  	v8 =	vbroadcast v8, $0x0;
	[sflag:s6] =	ssyncadd.s32 @!p0 $0xFFFFFC00  }
0x18b: {  	_ =	swait.ge @!p0 [sflag:s6], $0x400  }
0x18c: {  	v9 =	vor.u32 v0, v8;
	[sflag:s6] =	ssyncset.done @!p0 $0x0  }
0x18d: {  	[sflag:s6] =	ssyncadd.s32 @!p0 $0xFFFFFC00  }
0x18e: {  	_ =	swait.ge @!p0 [sflag:s6], $0x400  }
0x18f: {  	[sflag:s6] =	ssyncset.done @!p0 $0x0  }
0x190: {  	[sflag:s6] =	ssyncadd.s32 @!p0 $0xFFFFFC00  }
0x191: {  	v9 =	vld.idx.msk [tilespmem:v9+s1+$0x0], $0xffff  }
0x192: {  	v10 =	vor.u32 v1, v8;
	_ =	sdelay $0x2  }
0x193: {  	s6 =	simm.s32 $0xD440  }
0x194: {  	[tilespmem:s6+$0xFFFFFFC0] =	vst v9  }
0x195: {  	v9 =	vld.idx.msk [tilespmem:v10+s1+$0x0], $0xffff  }
0x196: {  	v10 =	vor.u32 v2, v8;
	_ =	sdelay $0x3  }
0x197: {  	[tilespmem:s6+$0xFFFFFFD0] =	vst v9  }
0x198: {  	v9 =	vld.idx.msk [tilespmem:v10+s1+$0x0], $0xffff  }
0x199: {  	v10 =	vor.u32 v3, v8;
	_ =	sdelay $0x3  }
0x19a: {  	[tilespmem:s6+$0xFFFFFFE0] =	vst v9  }
0x19b: {  	v9 =	vld.idx.msk [tilespmem:v10+s1+$0x0], $0xffff  }
0x19c: {  	v10 =	vor.u32 v4, v8;
	_ =	sdelay $0x3  }
0x19d: {  	[tilespmem:s6+$0xFFFFFFF0] =	vst v9  }
0x19e: {  	v9 =	vld.idx.msk [tilespmem:v10+s1+$0x0], $0xffff  }
0x19f: {  	v10 =	vor.u32 v5, v8;
	_ =	sdelay $0x3  }
0x1a0: {  	[tilespmem:s6+$0x0] =	vst v9  }
0x1a1: {  	v9 =	vld.idx.msk [tilespmem:v10+s1+$0x0], $0xffff  }
0x1a2: {  	v10 =	vor.u32 v6, v8;
	_ =	sdelay $0x3  }
0x1a3: {  	[tilespmem:s6+$0x10] =	vst v9  }
0x1a4: {  	v9 =	vld.idx.msk [tilespmem:v10+s1+$0x0], $0xffff  }
0x1a5: {  	v8 =	vor.u32 v7, v8;
	_ =	sdelay $0x1  }
0x1a6: {  	s31 =	simm.s32 $0x1  }
0x1a7: {  	s29 =	sor.u32 $0x3, s24;
	s7 =	simm.s32 $0x2;
	v10 =	vmov s31  }
.LBB2_9:
0x1a8: {  	p0 =	sne.s32 s7, $0x1F;
	v10 =	vand.u32 $0x1F, v10;
	[tilespmem:s6+$0x20] =	vst v9  }
0x1a9: {  	v10 =	vbroadcast v10, $0x0;
	v8 =	vld.idx.msk [tilespmem:v8+s1+$0x0], $0xffff;
	_ =	sdelay $0x1  }
0x1aa: {  	v9 =	vor.u32 v0, v10;
	_ =	sdelay $0x3  }
0x1ab: {  	[tilespmem:s6+$0x30] =	vst v8  }
0x1ac: {  	v8 =	vld.idx.msk [tilespmem:v9+s1+$0x0], $0xffff;
	_ =	sdelay $0x1  }
0x1ad: {  	v9 =	vor.u32 v1, v10;
	_ =	sdelay $0x2  }
0x1ae: {  	s6 =	sadd.s32 $0x80, s6  }
0x1af: {  	[tilespmem:s6+$0xFFFFFFC0] =	vst v8  }
0x1b0: {  	v8 =	vld.idx.msk [tilespmem:v9+s1+$0x0], $0xffff;
	_ =	sdelay $0x1  }
0x1b1: {  	v9 =	vor.u32 v2, v10;
	_ =	sdelay $0x3  }
0x1b2: {  	[tilespmem:s6+$0xFFFFFFD0] =	vst v8  }
0x1b3: {  	v8 =	vld.idx.msk [tilespmem:v9+s1+$0x0], $0xffff;
	_ =	sdelay $0x1  }
0x1b4: {  	v9 =	vor.u32 v3, v10;
	_ =	sdelay $0x3  }
0x1b5: {  	[tilespmem:s6+$0xFFFFFFE0] =	vst v8  }
0x1b6: {  	v8 =	vld.idx.msk [tilespmem:v9+s1+$0x0], $0xffff;
	_ =	sdelay $0x1  }
0x1b7: {  	v9 =	vor.u32 v4, v10;
	_ =	sdelay $0x3  }
0x1b8: {  	[tilespmem:s6+$0xFFFFFFF0] =	vst v8  }
0x1b9: {  	v8 =	vld.idx.msk [tilespmem:v9+s1+$0x0], $0xffff;
	_ =	sdelay $0x1  }
0x1ba: {  	v9 =	vor.u32 v5, v10;
	_ =	sdelay $0x3  }
0x1bb: {  	[tilespmem:s6+$0x0] =	vst v8  }
0x1bc: {  	v8 =	vld.idx.msk [tilespmem:v9+s1+$0x0], $0xffff;
	_ =	sdelay $0x1  }
0x1bd: {  	v9 =	vor.u32 v6, v10;
	_ =	sdelay $0x3  }
0x1be: {  	[tilespmem:s6+$0x10] =	vst v8  }
0x1bf: {  	v9 =	vld.idx.msk [tilespmem:v9+s1+$0x0], $0xffff  }
.Ltmp3:
0x1c0: {  	(pc) =	sbr.rel @p0 .LBB2_9-.Ltmp3, $2  }
0x1c1: {  	v8 =	vor.u32 v7, v10;
	_ =	sdelay $0x2  }
0x1c2: {  	v10 =	vmov s7;
	s7 =	sadd.s32 $0x1, s7  }
0x1c3: {  	_ =	sdelay $0x1  }
0x1c4: {  	v10 =	vand.u32 $0x1F, v10  }
0x1c5: {  	[tilespmem:s6+$0x20] =	vst v9;
	v57 =	vbroadcast v10, $0x0  }
0x1c6: {  	v8 =	vld.idx.msk [tilespmem:v8+s1+$0x0], $0xffff  }
0x1c7: {  	v10 =	vor.u32 v0, v57;
	_ =	sdelay $0x3  }
0x1c8: {  	[tilespmem:s6+$0x30] =	vst v8  }
0x1c9: {  	v8 =	vld.idx.msk [tilespmem:v10+s1+$0x0], $0xffff  }
0x1ca: {  	v58 =	vor.u32 v1, v57;
	_ =	sdelay $0x2  }
0x1cb: {  	s6 =	sadd.s32 $0x80, s6  }
0x1cc: {  	[tilespmem:s6+$0xFFFFFFC0] =	vst v8  }
0x1cd: {  	v8 =	vld.idx.msk [tilespmem:v58+s1+$0x0], $0xffff  }
0x1ce: {  	v59 =	vor.u32 v2, v57;
	_ =	sdelay $0x3  }
0x1cf: {  	[tilespmem:s6+$0xFFFFFFD0] =	vst v8  }
0x1d0: {  	v8 =	vld.idx.msk [tilespmem:v59+s1+$0x0], $0xffff  }
0x1d1: {  	v60 =	vor.u32 v3, v57;
	_ =	sdelay $0x3  }
0x1d2: {  	[tilespmem:s6+$0xFFFFFFE0] =	vst v8  }
0x1d3: {  	v8 =	vld.idx.msk [tilespmem:v60+s1+$0x0], $0xffff  }
0x1d4: {  	v61 =	vor.u32 v4, v57;
	_ =	sdelay $0x3  }
0x1d5: {  	[tilespmem:s6+$0xFFFFFFF0] =	vst v8  }
0x1d6: {  	v8 =	vld.idx.msk [tilespmem:v61+s1+$0x0], $0xffff  }
0x1d7: {  	v62 =	vor.u32 v5, v57;
	_ =	sdelay $0x3  }
0x1d8: {  	[tilespmem:s6+$0x0] =	vst v8  }
0x1d9: {  	v8 =	vld.idx.msk [tilespmem:v62+s1+$0x0], $0xffff  }
0x1da: {  	v63 =	vor.u32 v6, v57;
	_ =	sdelay $0x3  }
0x1db: {  	[tilespmem:s6+$0x10] =	vst v8  }
0x1dc: {  	v8 =	vld.idx.msk [tilespmem:v63+s1+$0x0], $0xffff  }
0x1dd: {  	v9 =	vor.u32 v7, v57  }
0x1de: {  	s7 =	smulhi.u32 $0x51EB851F, s29;
	_ =	sdelay $0x1  }
0x1df: {  	s7 =	sshrl.u32 s7, $0x4  }
0x1e0: {  	s31 =	smul.u32 $0x32, s7;
	[tilespmem:s6+$0x20] =	vst v8  }
0x1e1: {  	v8 =	vld.idx.msk [tilespmem:v9+s1+$0x0], $0xffff  }
0x1e2: {  	s7 =	sadd.s32 s3, s7;
	s9 =	ssub.s32 s29, s31  }
0x1e3: {  	s7 =	sshll.u32 s7, $0xA;
	s29 =	sshll.u32 s9, $0x13  }
0x1e4: {  	s7 =	sadd.s32 s29, s7  }
0x1e5: {  	s7 =	sshrl.u32 s7, $0x3  }
0x1e6: {  	s29 =	sadd.s32 $0x7, s24;
	s31 =	sadd.s32 s2, s7;
	[tilespmem:s6+$0x30] =	vst v8  }
0x1e7: {  	[hbm4b:s31+s4] =	stream.linear.scatter [tilespmem:s19], [sflag:$0x8], $0x400, $0x38;
	[tilespmem:$0xE400] =	vst v63  }
0x1e8: {  	s24 =	smulhi.u32 $0x51EB851F, s29;
	s7 =	sadd.s32 $0x4000, s31  }
0x1e9: {  	[hbm4b:s7+s4] =	stream.linear.scatter [tilespmem:s20], [sflag:$0x8], $0x400, $0x38;
	[tilespmem:$0xE400] =	vst v63  }
0x1ea: {  	s9 =	sadd.s32 $0x8000, s31;
	s6 =	sadd.s32 $0xC000, s31;
	s31 =	sshrl.u32 s24, $0x4  }
0x1eb: {  	[hbm4b:s9+s4] =	stream.linear.scatter [tilespmem:s21], [sflag:$0x8], $0x400, $0x38;
	[tilespmem:$0xE400] =	vst v63  }
0x1ec: {  	s23 =	sadd.s32 $0x1, s23;
	s24 =	smul.u32 $0x32, s31  }
0x1ed: {  	[hbm4b:s6+s4] =	stream.linear.scatter [tilespmem:s22], [sflag:$0x8], $0x400, $0x38;
	[tilespmem:$0xE400] =	vst v63  }
0x1ee: {  	p0 =	sne.s32 s23, $0x31;
	s6 =	smul.u32 $0x6400, s31  }
.Ltmp4:
0x1ef: {  	_ = 	snop;
	(pc) =	sbr.rel @p0 .LBB2_2-.Ltmp4, $4  }
0x1f0: {  	s7 =	ssub.s32 s29, s24  }
0x1f1: {  	s7 =	sshll.u32 s7, $0x7;
	s6 =	sshra.s32 s6, $0x2  }
0x1f2: {  	s6 =	sadd.s32 s7, s6  }
0x1f3: {  	[tilespmem:s1], [sflag:$0x4] =	stream.indirect.gather [hbm4b:s5+s25], $0x20, s6, s25, $0xb8;
	[tilespmem:$0xE400] =	vst v63  }
0x1f4: {  	_ =	swait.ge [sflag:s0], $0x1000  }
0x1f5: {  	[sflag:s0] =	ssyncset.done $0x0  }
0x1f6: {  	s24 =	simm.s32 $0x5;
	[sflag:s0] =	ssyncadd.s32 $0xFFFFF000  }
0x1f7: {  	_ =	swait.ge [sflag:s24], $0x400  }
0x1f8: {  	[sflag:s24] =	ssyncset.done $0x0  }
0x1f9: {  	s6 =	simm.s32 $0x0;
	[sflag:s24] =	ssyncadd.s32 $0xFFFFFC00  }
0x1fa: {  	v8 =	vmov s6;
	_ =	swait.ge [sflag:s24], $0x400  }
0x1fb: {  	v8 =	vand.u32 $0x1F, v8;
	[sflag:s24] =	ssyncset.done $0x0  }
0x1fc: {  	v8 =	vbroadcast v8, $0x0;
	[sflag:s24] =	ssyncadd.s32 $0xFFFFFC00  }
0x1fd: {  	_ =	swait.ge [sflag:s24], $0x400  }
0x1fe: {  	v9 =	vor.u32 v0, v8;
	[sflag:s24] =	ssyncset.done $0x0  }
0x1ff: {  	[sflag:s24] =	ssyncadd.s32 $0xFFFFFC00  }
0x200: {  	_ =	swait.ge [sflag:s24], $0x400  }
0x201: {  	[sflag:s24] =	ssyncset.done $0x0  }
0x202: {  	[sflag:s24] =	ssyncadd.s32 $0xFFFFFC00  }
0x203: {  	v9 =	vld.idx.msk [tilespmem:v9+s26+$0x0], $0xffff  }
0x204: {  	v10 =	vor.u32 v1, v8;
	_ =	sdelay $0x2  }
0x205: {  	s6 =	simm.s32 $0xA440  }
0x206: {  	[tilespmem:s6+$0xFFFFFFC0] =	vst v9  }
0x207: {  	v9 =	vld.idx.msk [tilespmem:v10+s26+$0x0], $0xffff  }
0x208: {  	v10 =	vor.u32 v2, v8;
	_ =	sdelay $0x3  }
0x209: {  	[tilespmem:s6+$0xFFFFFFD0] =	vst v9  }
0x20a: {  	v9 =	vld.idx.msk [tilespmem:v10+s26+$0x0], $0xffff  }
0x20b: {  	v10 =	vor.u32 v3, v8;
	_ =	sdelay $0x3  }
0x20c: {  	[tilespmem:s6+$0xFFFFFFE0] =	vst v9  }
0x20d: {  	v9 =	vld.idx.msk [tilespmem:v10+s26+$0x0], $0xffff  }
0x20e: {  	v10 =	vor.u32 v4, v8;
	_ =	sdelay $0x3  }
0x20f: {  	[tilespmem:s6+$0xFFFFFFF0] =	vst v9  }
0x210: {  	v9 =	vld.idx.msk [tilespmem:v10+s26+$0x0], $0xffff  }
0x211: {  	v10 =	vor.u32 v5, v8;
	_ =	sdelay $0x3  }
0x212: {  	[tilespmem:s6+$0x0] =	vst v9  }
0x213: {  	v9 =	vld.idx.msk [tilespmem:v10+s26+$0x0], $0xffff  }
0x214: {  	v10 =	vor.u32 v6, v8;
	_ =	sdelay $0x3  }
0x215: {  	[tilespmem:s6+$0x10] =	vst v9  }
0x216: {  	v9 =	vld.idx.msk [tilespmem:v10+s26+$0x0], $0xffff  }
0x217: {  	v8 =	vor.u32 v7, v8;
	_ =	sdelay $0x1  }
0x218: {  	s7 =	simm.s32 $0x1  }
0x219: {  	v10 =	vmov s7;
	s7 =	simm.s32 $0x2  }
.LBB2_12:
0x21a: {  	p0 =	sne.s32 s7, $0x1F;
	v10 =	vand.u32 $0x1F, v10;
	[tilespmem:s6+$0x20] =	vst v9  }
0x21b: {  	v10 =	vbroadcast v10, $0x0;
	v8 =	vld.idx.msk [tilespmem:v8+s26+$0x0], $0xffff;
	_ =	sdelay $0x1  }
0x21c: {  	v9 =	vor.u32 v0, v10;
	_ =	sdelay $0x3  }
0x21d: {  	[tilespmem:s6+$0x30] =	vst v8  }
0x21e: {  	v8 =	vld.idx.msk [tilespmem:v9+s26+$0x0], $0xffff;
	_ =	sdelay $0x1  }
0x21f: {  	v9 =	vor.u32 v1, v10;
	_ =	sdelay $0x2  }
0x220: {  	s6 =	sadd.s32 $0x80, s6  }
0x221: {  	[tilespmem:s6+$0xFFFFFFC0] =	vst v8  }
0x222: {  	v8 =	vld.idx.msk [tilespmem:v9+s26+$0x0], $0xffff;
	_ =	sdelay $0x1  }
0x223: {  	v9 =	vor.u32 v2, v10;
	_ =	sdelay $0x3  }
0x224: {  	[tilespmem:s6+$0xFFFFFFD0] =	vst v8  }
0x225: {  	v8 =	vld.idx.msk [tilespmem:v9+s26+$0x0], $0xffff;
	_ =	sdelay $0x1  }
0x226: {  	v9 =	vor.u32 v3, v10;
	_ =	sdelay $0x3  }
0x227: {  	[tilespmem:s6+$0xFFFFFFE0] =	vst v8  }
0x228: {  	v8 =	vld.idx.msk [tilespmem:v9+s26+$0x0], $0xffff;
	_ =	sdelay $0x1  }
0x229: {  	v9 =	vor.u32 v4, v10;
	_ =	sdelay $0x3  }
0x22a: {  	[tilespmem:s6+$0xFFFFFFF0] =	vst v8  }
0x22b: {  	v8 =	vld.idx.msk [tilespmem:v9+s26+$0x0], $0xffff;
	_ =	sdelay $0x1  }
0x22c: {  	v9 =	vor.u32 v5, v10;
	_ =	sdelay $0x3  }
0x22d: {  	[tilespmem:s6+$0x0] =	vst v8  }
0x22e: {  	v8 =	vld.idx.msk [tilespmem:v9+s26+$0x0], $0xffff;
	_ =	sdelay $0x1  }
0x22f: {  	v9 =	vor.u32 v6, v10;
	_ =	sdelay $0x3  }
0x230: {  	[tilespmem:s6+$0x10] =	vst v8  }
0x231: {  	v9 =	vld.idx.msk [tilespmem:v9+s26+$0x0], $0xffff  }
.Ltmp5:
0x232: {  	(pc) =	sbr.rel @p0 .LBB2_12-.Ltmp5, $2  }
0x233: {  	v8 =	vor.u32 v7, v10;
	_ =	sdelay $0x2  }
0x234: {  	v10 =	vmov s7;
	s7 =	sadd.s32 $0x1, s7  }
0x235: {  	_ =	sdelay $0x1  }
0x236: {  	v10 =	vand.u32 $0x1F, v10  }
0x237: {  	[tilespmem:s6+$0x20] =	vst v9;
	v9 =	vbroadcast v10, $0x0  }
0x238: {  	v8 =	vld.idx.msk [tilespmem:v8+s26+$0x0], $0xffff  }
0x239: {  	v10 =	vor.u32 v0, v9;
	_ =	sdelay $0x3  }
0x23a: {  	[tilespmem:s6+$0x30] =	vst v8  }
0x23b: {  	v8 =	vld.idx.msk [tilespmem:v10+s26+$0x0], $0xffff  }
0x23c: {  	v10 =	vor.u32 v1, v9;
	_ =	sdelay $0x2  }
0x23d: {  	s9 =	sadd.s32 $0x80, s6  }
0x23e: {  	[tilespmem:s9+$0xFFFFFFC0] =	vst v8  }
0x23f: {  	v8 =	vld.idx.msk [tilespmem:v10+s26+$0x0], $0xffff  }
0x240: {  	v10 =	vor.u32 v2, v9;
	_ =	sdelay $0x3  }
0x241: {  	[tilespmem:s9+$0xFFFFFFD0] =	vst v8  }
0x242: {  	v8 =	vld.idx.msk [tilespmem:v10+s26+$0x0], $0xffff  }
0x243: {  	v10 =	vor.u32 v3, v9;
	_ =	sdelay $0x3  }
0x244: {  	[tilespmem:s9+$0xFFFFFFE0] =	vst v8  }
0x245: {  	v8 =	vld.idx.msk [tilespmem:v10+s26+$0x0], $0xffff  }
0x246: {  	v10 =	vor.u32 v4, v9;
	_ =	sdelay $0x3  }
0x247: {  	[tilespmem:s9+$0xFFFFFFF0] =	vst v8  }
0x248: {  	v8 =	vld.idx.msk [tilespmem:v10+s26+$0x0], $0xffff  }
0x249: {  	v10 =	vor.u32 v5, v9;
	_ =	sdelay $0x3  }
0x24a: {  	[tilespmem:s9+$0x0] =	vst v8  }
0x24b: {  	v8 =	vld.idx.msk [tilespmem:v10+s26+$0x0], $0xffff  }
0x24c: {  	v10 =	vor.u32 v6, v9;
	_ =	sdelay $0x3  }
0x24d: {  	[tilespmem:s9+$0x10] =	vst v8  }
0x24e: {  	v8 =	vld.idx.msk [tilespmem:v10+s26+$0x0], $0xffff  }
0x24f: {  	v9 =	vor.u32 v7, v9;
	_ =	sdelay $0x3  }
0x250: {  	[tilespmem:s9+$0x20] =	vst v8  }
0x251: {  	v8 =	vld.idx.msk [tilespmem:v9+s26+$0x0], $0xffff;
	_ =	sdelay $0x4  }
0x252: {  	s7 =	rddreg [dreg:$0x4];
	s23 =	simm.s32 $0xA400;
	s6 =	simm.s32 $0x0;
	[tilespmem:s9+$0x30] =	vst v8  }
0x253: {  	[hbm4b:s7+s6] =	stream.linear.scatter [tilespmem:s23], [sflag:$0x5], $0x400, $0x38;
	[tilespmem:$0xE400] =	vst v63  }
0x254: {  	s9 =	simm.s32 $0xA800;
	s23 =	rddreg [dreg:$0x5]  }
0x255: {  	[hbm4b:s23+s6] =	stream.linear.scatter [tilespmem:s9], [sflag:$0x5], $0x400, $0x38;
	[tilespmem:$0xE400] =	vst v63  }
0x256: {  	s9 =	rddreg [dreg:$0x6];
	s23 =	simm.s32 $0xAC00  }
0x257: {  	[hbm4b:s9+s6] =	stream.linear.scatter [tilespmem:s23], [sflag:$0x5], $0x400, $0x38;
	[tilespmem:$0xE400] =	vst v63  }
0x258: {  	s9 =	rddreg [dreg:$0x7];
	s23 =	simm.s32 $0xB000  }
0x259: {  	[hbm4b:s9+s6] =	stream.linear.scatter [tilespmem:s23], [sflag:$0x5], $0x400, $0x38;
	[tilespmem:$0xE400] =	vst v63  }
0x25a: {  	_ =	swait.ge [sflag:s8], $0x1000  }
0x25b: {  	[sflag:s8] =	ssyncset.done $0x0  }
0x25c: {  	s23 =	simm.s32 $0x6;
	[sflag:s8] =	ssyncadd.s32 $0xFFFFF000  }
0x25d: {  	_ =	swait.ge [sflag:s23], $0x400  }
0x25e: {  	[sflag:s23] =	ssyncset.done $0x0  }
0x25f: {  	[sflag:s23] =	ssyncadd.s32 $0xFFFFFC00  }
0x260: {  	v8 =	vmov s6;
	_ =	swait.ge [sflag:s23], $0x400  }
0x261: {  	v8 =	vand.u32 $0x1F, v8;
	[sflag:s23] =	ssyncset.done $0x0  }
0x262: {  	v8 =	vbroadcast v8, $0x0;
	[sflag:s23] =	ssyncadd.s32 $0xFFFFFC00  }
0x263: {  	_ =	swait.ge [sflag:s23], $0x400  }
0x264: {  	v9 =	vor.u32 v0, v8;
	[sflag:s23] =	ssyncset.done $0x0  }
0x265: {  	[sflag:s23] =	ssyncadd.s32 $0xFFFFFC00  }
0x266: {  	_ =	swait.ge [sflag:s23], $0x400  }
0x267: {  	[sflag:s23] =	ssyncset.done $0x0  }
0x268: {  	[sflag:s23] =	ssyncadd.s32 $0xFFFFFC00  }
0x269: {  	v9 =	vld.idx.msk [tilespmem:v9+s28+$0x0], $0xffff  }
0x26a: {  	v10 =	vor.u32 v1, v8;
	_ =	sdelay $0x2  }
0x26b: {  	s6 =	simm.s32 $0xB440  }
0x26c: {  	[tilespmem:s6+$0xFFFFFFC0] =	vst v9  }
0x26d: {  	v9 =	vld.idx.msk [tilespmem:v10+s28+$0x0], $0xffff  }
0x26e: {  	v10 =	vor.u32 v2, v8;
	_ =	sdelay $0x3  }
0x26f: {  	[tilespmem:s6+$0xFFFFFFD0] =	vst v9  }
0x270: {  	v9 =	vld.idx.msk [tilespmem:v10+s28+$0x0], $0xffff  }
0x271: {  	v10 =	vor.u32 v3, v8;
	_ =	sdelay $0x3  }
0x272: {  	[tilespmem:s6+$0xFFFFFFE0] =	vst v9  }
0x273: {  	v9 =	vld.idx.msk [tilespmem:v10+s28+$0x0], $0xffff  }
0x274: {  	v10 =	vor.u32 v4, v8;
	_ =	sdelay $0x3  }
0x275: {  	[tilespmem:s6+$0xFFFFFFF0] =	vst v9  }
0x276: {  	v9 =	vld.idx.msk [tilespmem:v10+s28+$0x0], $0xffff  }
0x277: {  	v10 =	vor.u32 v5, v8;
	_ =	sdelay $0x3  }
0x278: {  	[tilespmem:s6+$0x0] =	vst v9  }
0x279: {  	v9 =	vld.idx.msk [tilespmem:v10+s28+$0x0], $0xffff  }
0x27a: {  	v10 =	vor.u32 v6, v8;
	_ =	sdelay $0x3  }
0x27b: {  	[tilespmem:s6+$0x10] =	vst v9  }
0x27c: {  	v9 =	vld.idx.msk [tilespmem:v10+s28+$0x0], $0xffff  }
0x27d: {  	v8 =	vor.u32 v7, v8;
	_ =	sdelay $0x1  }
0x27e: {  	s9 =	simm.s32 $0x1  }
0x27f: {  	s29 =	simm.s32 $0x7;
	s31 =	simm.s32 $0x8;
	s7 =	simm.s32 $0x2;
	v10 =	vmov s9  }
.LBB2_14:
0x280: {  	p0 =	sne.s32 s7, $0x1F;
	v10 =	vand.u32 $0x1F, v10;
	[tilespmem:s6+$0x20] =	vst v9  }
0x281: {  	v10 =	vbroadcast v10, $0x0;
	v8 =	vld.idx.msk [tilespmem:v8+s28+$0x0], $0xffff;
	_ =	sdelay $0x1  }
0x282: {  	v9 =	vor.u32 v0, v10;
	_ =	sdelay $0x3  }
0x283: {  	[tilespmem:s6+$0x30] =	vst v8  }
0x284: {  	v8 =	vld.idx.msk [tilespmem:v9+s28+$0x0], $0xffff;
	_ =	sdelay $0x1  }
0x285: {  	v9 =	vor.u32 v1, v10;
	_ =	sdelay $0x2  }
0x286: {  	s6 =	sadd.s32 $0x80, s6  }
0x287: {  	[tilespmem:s6+$0xFFFFFFC0] =	vst v8  }
0x288: {  	v8 =	vld.idx.msk [tilespmem:v9+s28+$0x0], $0xffff;
	_ =	sdelay $0x1  }
0x289: {  	v9 =	vor.u32 v2, v10;
	_ =	sdelay $0x3  }
0x28a: {  	[tilespmem:s6+$0xFFFFFFD0] =	vst v8  }
0x28b: {  	v8 =	vld.idx.msk [tilespmem:v9+s28+$0x0], $0xffff;
	_ =	sdelay $0x1  }
0x28c: {  	v9 =	vor.u32 v3, v10;
	_ =	sdelay $0x3  }
0x28d: {  	[tilespmem:s6+$0xFFFFFFE0] =	vst v8  }
0x28e: {  	v8 =	vld.idx.msk [tilespmem:v9+s28+$0x0], $0xffff;
	_ =	sdelay $0x1  }
0x28f: {  	v9 =	vor.u32 v4, v10;
	_ =	sdelay $0x3  }
0x290: {  	[tilespmem:s6+$0xFFFFFFF0] =	vst v8  }
0x291: {  	v8 =	vld.idx.msk [tilespmem:v9+s28+$0x0], $0xffff;
	_ =	sdelay $0x1  }
0x292: {  	v9 =	vor.u32 v5, v10;
	_ =	sdelay $0x3  }
0x293: {  	[tilespmem:s6+$0x0] =	vst v8  }
0x294: {  	v8 =	vld.idx.msk [tilespmem:v9+s28+$0x0], $0xffff;
	_ =	sdelay $0x1  }
0x295: {  	v9 =	vor.u32 v6, v10;
	_ =	sdelay $0x3  }
0x296: {  	[tilespmem:s6+$0x10] =	vst v8  }
0x297: {  	v9 =	vld.idx.msk [tilespmem:v9+s28+$0x0], $0xffff  }
.Ltmp6:
0x298: {  	(pc) =	sbr.rel @p0 .LBB2_14-.Ltmp6, $2  }
0x299: {  	v8 =	vor.u32 v7, v10;
	_ =	sdelay $0x2  }
0x29a: {  	v10 =	vmov s7;
	s7 =	sadd.s32 $0x1, s7  }
0x29b: {  	_ =	sdelay $0x1  }
0x29c: {  	v10 =	vand.u32 $0x1F, v10  }
0x29d: {  	[tilespmem:s6+$0x20] =	vst v9;
	v9 =	vbroadcast v10, $0x0  }
0x29e: {  	v8 =	vld.idx.msk [tilespmem:v8+s28+$0x0], $0xffff  }
0x29f: {  	v10 =	vor.u32 v0, v9;
	_ =	sdelay $0x3  }
0x2a0: {  	[tilespmem:s6+$0x30] =	vst v8  }
0x2a1: {  	v8 =	vld.idx.msk [tilespmem:v10+s28+$0x0], $0xffff  }
0x2a2: {  	v10 =	vor.u32 v1, v9;
	_ =	sdelay $0x2  }
0x2a3: {  	s7 =	sadd.s32 $0x80, s6  }
0x2a4: {  	[tilespmem:s7+$0xFFFFFFC0] =	vst v8  }
0x2a5: {  	v8 =	vld.idx.msk [tilespmem:v10+s28+$0x0], $0xffff  }
0x2a6: {  	v10 =	vor.u32 v2, v9;
	_ =	sdelay $0x3  }
0x2a7: {  	[tilespmem:s7+$0xFFFFFFD0] =	vst v8  }
0x2a8: {  	v8 =	vld.idx.msk [tilespmem:v10+s28+$0x0], $0xffff  }
0x2a9: {  	v10 =	vor.u32 v3, v9;
	_ =	sdelay $0x3  }
0x2aa: {  	[tilespmem:s7+$0xFFFFFFE0] =	vst v8  }
0x2ab: {  	v8 =	vld.idx.msk [tilespmem:v10+s28+$0x0], $0xffff  }
0x2ac: {  	v10 =	vor.u32 v4, v9;
	_ =	sdelay $0x3  }
0x2ad: {  	[tilespmem:s7+$0xFFFFFFF0] =	vst v8  }
0x2ae: {  	v8 =	vld.idx.msk [tilespmem:v10+s28+$0x0], $0xffff  }
0x2af: {  	v10 =	vor.u32 v5, v9;
	_ =	sdelay $0x3  }
0x2b0: {  	[tilespmem:s7+$0x0] =	vst v8  }
0x2b1: {  	v8 =	vld.idx.msk [tilespmem:v10+s28+$0x0], $0xffff  }
0x2b2: {  	v10 =	vor.u32 v6, v9;
	_ =	sdelay $0x3  }
0x2b3: {  	[tilespmem:s7+$0x10] =	vst v8  }
0x2b4: {  	v8 =	vld.idx.msk [tilespmem:v10+s28+$0x0], $0xffff  }
0x2b5: {  	v9 =	vor.u32 v7, v9;
	_ =	sdelay $0x3  }
0x2b6: {  	[tilespmem:s7+$0x20] =	vst v8  }
0x2b7: {  	v8 =	vld.idx.msk [tilespmem:v9+s28+$0x0], $0xffff;
	_ =	sdelay $0x4  }
0x2b8: {  	s9 =	simm.s32 $0xB400;
	s6 =	simm.s32 $0x0;
	[tilespmem:s7+$0x30] =	vst v8;
	s7 =	rddreg [dreg:$0x8]  }
0x2b9: {  	[hbm4b:s7+s6] =	stream.linear.scatter [tilespmem:s9], [sflag:$0x6], $0x400, $0x38;
	[tilespmem:$0xE400] =	vst v63  }
0x2ba: {  	s9 =	rddreg [dreg:$0x9]  }
0x2bb: {  	[hbm4b:s9+s6] =	stream.linear.scatter [tilespmem:s10], [sflag:$0x6], $0x400, $0x38;
	[tilespmem:$0xE400] =	vst v63  }
0x2bc: {  	s9 =	rddreg [dreg:$0xa]  }
0x2bd: {  	[hbm4b:s9+s6] =	stream.linear.scatter [tilespmem:s11], [sflag:$0x6], $0x400, $0x38;
	[tilespmem:$0xE400] =	vst v63  }
0x2be: {  	s9 =	rddreg [dreg:$0xb]  }
0x2bf: {  	[hbm4b:s9+s6] =	stream.linear.scatter [tilespmem:s12], [sflag:$0x6], $0x400, $0x38;
	[tilespmem:$0xE400] =	vst v63  }
0x2c0: {  	_ =	swait.ge [sflag:s13], $0x1000  }
0x2c1: {  	[sflag:s13] =	ssyncset.done $0x0  }
0x2c2: {  	[sflag:s13] =	ssyncadd.s32 $0xFFFFF000  }
0x2c3: {  	_ =	swait.ge [sflag:s29], $0x400  }
0x2c4: {  	[sflag:s29] =	ssyncset.done $0x0  }
0x2c5: {  	[sflag:s29] =	ssyncadd.s32 $0xFFFFFC00  }
0x2c6: {  	v8 =	vmov s6;
	_ =	swait.ge [sflag:s29], $0x400  }
0x2c7: {  	v8 =	vand.u32 $0x1F, v8;
	[sflag:s29] =	ssyncset.done $0x0  }
0x2c8: {  	v8 =	vbroadcast v8, $0x0;
	[sflag:s29] =	ssyncadd.s32 $0xFFFFFC00  }
0x2c9: {  	_ =	swait.ge [sflag:s29], $0x400  }
0x2ca: {  	v9 =	vor.u32 v0, v8;
	[sflag:s29] =	ssyncset.done $0x0  }
0x2cb: {  	[sflag:s29] =	ssyncadd.s32 $0xFFFFFC00  }
0x2cc: {  	_ =	swait.ge [sflag:s29], $0x400  }
0x2cd: {  	[sflag:s29] =	ssyncset.done $0x0  }
0x2ce: {  	[sflag:s29] =	ssyncadd.s32 $0xFFFFFC00  }
0x2cf: {  	v9 =	vld.idx.msk [tilespmem:v9+s30+$0x0], $0xffff  }
0x2d0: {  	v10 =	vor.u32 v1, v8;
	_ =	sdelay $0x2  }
0x2d1: {  	s6 =	simm.s32 $0xC440  }
0x2d2: {  	[tilespmem:s6+$0xFFFFFFC0] =	vst v9  }
0x2d3: {  	v9 =	vld.idx.msk [tilespmem:v10+s30+$0x0], $0xffff  }
0x2d4: {  	v10 =	vor.u32 v2, v8;
	_ =	sdelay $0x3  }
0x2d5: {  	[tilespmem:s6+$0xFFFFFFD0] =	vst v9  }
0x2d6: {  	v9 =	vld.idx.msk [tilespmem:v10+s30+$0x0], $0xffff  }
0x2d7: {  	v10 =	vor.u32 v3, v8;
	_ =	sdelay $0x3  }
0x2d8: {  	[tilespmem:s6+$0xFFFFFFE0] =	vst v9  }
0x2d9: {  	v9 =	vld.idx.msk [tilespmem:v10+s30+$0x0], $0xffff  }
0x2da: {  	v10 =	vor.u32 v4, v8;
	_ =	sdelay $0x3  }
0x2db: {  	[tilespmem:s6+$0xFFFFFFF0] =	vst v9  }
0x2dc: {  	v9 =	vld.idx.msk [tilespmem:v10+s30+$0x0], $0xffff  }
0x2dd: {  	v10 =	vor.u32 v5, v8;
	_ =	sdelay $0x3  }
0x2de: {  	[tilespmem:s6+$0x0] =	vst v9  }
0x2df: {  	v9 =	vld.idx.msk [tilespmem:v10+s30+$0x0], $0xffff  }
0x2e0: {  	v10 =	vor.u32 v6, v8;
	_ =	sdelay $0x3  }
0x2e1: {  	[tilespmem:s6+$0x10] =	vst v9  }
0x2e2: {  	v9 =	vld.idx.msk [tilespmem:v10+s30+$0x0], $0xffff  }
0x2e3: {  	v8 =	vor.u32 v7, v8;
	_ =	sdelay $0x1  }
0x2e4: {  	s9 =	simm.s32 $0x1  }
0x2e5: {  	s7 =	simm.s32 $0x2;
	v10 =	vmov s9  }
.LBB2_16:
0x2e6: {  	p0 =	sne.s32 s7, $0x1F;
	v10 =	vand.u32 $0x1F, v10;
	[tilespmem:s6+$0x20] =	vst v9  }
0x2e7: {  	v10 =	vbroadcast v10, $0x0;
	v8 =	vld.idx.msk [tilespmem:v8+s30+$0x0], $0xffff;
	_ =	sdelay $0x1  }
0x2e8: {  	v9 =	vor.u32 v0, v10;
	_ =	sdelay $0x3  }
0x2e9: {  	[tilespmem:s6+$0x30] =	vst v8  }
0x2ea: {  	v8 =	vld.idx.msk [tilespmem:v9+s30+$0x0], $0xffff;
	_ =	sdelay $0x1  }
0x2eb: {  	v9 =	vor.u32 v1, v10;
	_ =	sdelay $0x2  }
0x2ec: {  	s6 =	sadd.s32 $0x80, s6  }
0x2ed: {  	[tilespmem:s6+$0xFFFFFFC0] =	vst v8  }
0x2ee: {  	v8 =	vld.idx.msk [tilespmem:v9+s30+$0x0], $0xffff;
	_ =	sdelay $0x1  }
0x2ef: {  	v9 =	vor.u32 v2, v10;
	_ =	sdelay $0x3  }
0x2f0: {  	[tilespmem:s6+$0xFFFFFFD0] =	vst v8  }
0x2f1: {  	v8 =	vld.idx.msk [tilespmem:v9+s30+$0x0], $0xffff;
	_ =	sdelay $0x1  }
0x2f2: {  	v9 =	vor.u32 v3, v10;
	_ =	sdelay $0x3  }
0x2f3: {  	[tilespmem:s6+$0xFFFFFFE0] =	vst v8  }
0x2f4: {  	v8 =	vld.idx.msk [tilespmem:v9+s30+$0x0], $0xffff;
	_ =	sdelay $0x1  }
0x2f5: {  	v9 =	vor.u32 v4, v10;
	_ =	sdelay $0x3  }
0x2f6: {  	[tilespmem:s6+$0xFFFFFFF0] =	vst v8  }
0x2f7: {  	v8 =	vld.idx.msk [tilespmem:v9+s30+$0x0], $0xffff;
	_ =	sdelay $0x1  }
0x2f8: {  	v9 =	vor.u32 v5, v10;
	_ =	sdelay $0x3  }
0x2f9: {  	[tilespmem:s6+$0x0] =	vst v8  }
0x2fa: {  	v8 =	vld.idx.msk [tilespmem:v9+s30+$0x0], $0xffff;
	_ =	sdelay $0x1  }
0x2fb: {  	v9 =	vor.u32 v6, v10;
	_ =	sdelay $0x3  }
0x2fc: {  	[tilespmem:s6+$0x10] =	vst v8  }
0x2fd: {  	v9 =	vld.idx.msk [tilespmem:v9+s30+$0x0], $0xffff  }
.Ltmp7:
0x2fe: {  	(pc) =	sbr.rel @p0 .LBB2_16-.Ltmp7, $2  }
0x2ff: {  	v8 =	vor.u32 v7, v10;
	_ =	sdelay $0x2  }
0x300: {  	v10 =	vmov s7;
	s7 =	sadd.s32 $0x1, s7  }
0x301: {  	_ =	sdelay $0x1  }
0x302: {  	v10 =	vand.u32 $0x1F, v10  }
0x303: {  	[tilespmem:s6+$0x20] =	vst v9;
	v9 =	vbroadcast v10, $0x0  }
0x304: {  	v8 =	vld.idx.msk [tilespmem:v8+s30+$0x0], $0xffff  }
0x305: {  	v10 =	vor.u32 v0, v9;
	_ =	sdelay $0x3  }
0x306: {  	[tilespmem:s6+$0x30] =	vst v8  }
0x307: {  	v8 =	vld.idx.msk [tilespmem:v10+s30+$0x0], $0xffff  }
0x308: {  	v10 =	vor.u32 v1, v9;
	_ =	sdelay $0x2  }
0x309: {  	s7 =	sadd.s32 $0x80, s6  }
0x30a: {  	[tilespmem:s7+$0xFFFFFFC0] =	vst v8  }
0x30b: {  	v8 =	vld.idx.msk [tilespmem:v10+s30+$0x0], $0xffff  }
0x30c: {  	v10 =	vor.u32 v2, v9;
	_ =	sdelay $0x3  }
0x30d: {  	[tilespmem:s7+$0xFFFFFFD0] =	vst v8  }
0x30e: {  	v8 =	vld.idx.msk [tilespmem:v10+s30+$0x0], $0xffff  }
0x30f: {  	v10 =	vor.u32 v3, v9;
	_ =	sdelay $0x3  }
0x310: {  	[tilespmem:s7+$0xFFFFFFE0] =	vst v8  }
0x311: {  	v8 =	vld.idx.msk [tilespmem:v10+s30+$0x0], $0xffff  }
0x312: {  	v10 =	vor.u32 v4, v9;
	_ =	sdelay $0x3  }
0x313: {  	[tilespmem:s7+$0xFFFFFFF0] =	vst v8  }
0x314: {  	v8 =	vld.idx.msk [tilespmem:v10+s30+$0x0], $0xffff  }
0x315: {  	v10 =	vor.u32 v5, v9;
	_ =	sdelay $0x3  }
0x316: {  	[tilespmem:s7+$0x0] =	vst v8  }
0x317: {  	v8 =	vld.idx.msk [tilespmem:v10+s30+$0x0], $0xffff  }
0x318: {  	v10 =	vor.u32 v6, v9;
	_ =	sdelay $0x3  }
0x319: {  	[tilespmem:s7+$0x10] =	vst v8  }
0x31a: {  	v8 =	vld.idx.msk [tilespmem:v10+s30+$0x0], $0xffff  }
0x31b: {  	v9 =	vor.u32 v7, v9;
	_ =	sdelay $0x3  }
0x31c: {  	[tilespmem:s7+$0x20] =	vst v8  }
0x31d: {  	v8 =	vld.idx.msk [tilespmem:v9+s30+$0x0], $0xffff;
	_ =	sdelay $0x4  }
0x31e: {  	s6 =	simm.s32 $0x0;
	[tilespmem:s7+$0x30] =	vst v8;
	s7 =	rddreg [dreg:$0xc]  }
0x31f: {  	[hbm4b:s7+s6] =	stream.linear.scatter [tilespmem:s14], [sflag:$0x7], $0x400, $0x38;
	[tilespmem:$0xE400] =	vst v63  }
0x320: {  	s9 =	rddreg [dreg:$0xd]  }
0x321: {  	[hbm4b:s9+s6] =	stream.linear.scatter [tilespmem:s15], [sflag:$0x7], $0x400, $0x38;
	[tilespmem:$0xE400] =	vst v63  }
0x322: {  	s9 =	rddreg [dreg:$0xe]  }
0x323: {  	[hbm4b:s9+s6] =	stream.linear.scatter [tilespmem:s16], [sflag:$0x7], $0x400, $0x38;
	[tilespmem:$0xE400] =	vst v63  }
0x324: {  	s9 =	rddreg [dreg:$0xf]  }
0x325: {  	[hbm4b:s9+s6] =	stream.linear.scatter [tilespmem:s17], [sflag:$0x7], $0x400, $0x38;
	[tilespmem:$0xE400] =	vst v63  }
0x326: {  	_ =	swait.ge [sflag:s18], $0x1000  }
0x327: {  	[sflag:s18] =	ssyncset.done $0x0  }
0x328: {  	[sflag:s18] =	ssyncadd.s32 $0xFFFFF000  }
0x329: {  	_ =	swait.ge [sflag:s31], $0x400  }
0x32a: {  	[sflag:s31] =	ssyncset.done $0x0  }
0x32b: {  	[sflag:s31] =	ssyncadd.s32 $0xFFFFFC00  }
0x32c: {  	v8 =	vmov s6;
	_ =	swait.ge [sflag:s31], $0x400  }
0x32d: {  	v8 =	vand.u32 $0x1F, v8;
	[sflag:s31] =	ssyncset.done $0x0  }
0x32e: {  	v8 =	vbroadcast v8, $0x0;
	[sflag:s31] =	ssyncadd.s32 $0xFFFFFC00  }
0x32f: {  	_ =	swait.ge [sflag:s31], $0x400  }
0x330: {  	v9 =	vor.u32 v0, v8;
	[sflag:s31] =	ssyncset.done $0x0  }
0x331: {  	[sflag:s31] =	ssyncadd.s32 $0xFFFFFC00  }
0x332: {  	_ =	swait.ge [sflag:s31], $0x400  }
0x333: {  	[sflag:s31] =	ssyncset.done $0x0  }
0x334: {  	[sflag:s31] =	ssyncadd.s32 $0xFFFFFC00  }
0x335: {  	v9 =	vld.idx.msk [tilespmem:v9+s1+$0x0], $0xffff  }
0x336: {  	v10 =	vor.u32 v1, v8;
	_ =	sdelay $0x2  }
0x337: {  	s6 =	simm.s32 $0xD440  }
0x338: {  	[tilespmem:s6+$0xFFFFFFC0] =	vst v9  }
0x339: {  	v9 =	vld.idx.msk [tilespmem:v10+s1+$0x0], $0xffff  }
0x33a: {  	v10 =	vor.u32 v2, v8;
	_ =	sdelay $0x3  }
0x33b: {  	[tilespmem:s6+$0xFFFFFFD0] =	vst v9  }
0x33c: {  	v9 =	vld.idx.msk [tilespmem:v10+s1+$0x0], $0xffff  }
0x33d: {  	v10 =	vor.u32 v3, v8;
	_ =	sdelay $0x3  }
0x33e: {  	[tilespmem:s6+$0xFFFFFFE0] =	vst v9  }
0x33f: {  	v9 =	vld.idx.msk [tilespmem:v10+s1+$0x0], $0xffff  }
0x340: {  	v10 =	vor.u32 v4, v8;
	_ =	sdelay $0x3  }
0x341: {  	[tilespmem:s6+$0xFFFFFFF0] =	vst v9  }
0x342: {  	v9 =	vld.idx.msk [tilespmem:v10+s1+$0x0], $0xffff  }
0x343: {  	v10 =	vor.u32 v5, v8;
	_ =	sdelay $0x3  }
0x344: {  	[tilespmem:s6+$0x0] =	vst v9  }
0x345: {  	v9 =	vld.idx.msk [tilespmem:v10+s1+$0x0], $0xffff  }
0x346: {  	v10 =	vor.u32 v6, v8;
	_ =	sdelay $0x3  }
0x347: {  	[tilespmem:s6+$0x10] =	vst v9  }
0x348: {  	v9 =	vld.idx.msk [tilespmem:v10+s1+$0x0], $0xffff  }
0x349: {  	v8 =	vor.u32 v7, v8;
	_ =	sdelay $0x1  }
0x34a: {  	s9 =	simm.s32 $0x1  }
0x34b: {  	s7 =	simm.s32 $0x2;
	v10 =	vmov s9  }
.LBB2_18:
0x34c: {  	p0 =	sne.s32 s7, $0x1F;
	v10 =	vand.u32 $0x1F, v10;
	[tilespmem:s6+$0x20] =	vst v9  }
0x34d: {  	v10 =	vbroadcast v10, $0x0;
	v8 =	vld.idx.msk [tilespmem:v8+s1+$0x0], $0xffff;
	_ =	sdelay $0x1  }
0x34e: {  	v9 =	vor.u32 v0, v10;
	_ =	sdelay $0x3  }
0x34f: {  	[tilespmem:s6+$0x30] =	vst v8  }
0x350: {  	v8 =	vld.idx.msk [tilespmem:v9+s1+$0x0], $0xffff;
	_ =	sdelay $0x1  }
0x351: {  	v9 =	vor.u32 v1, v10;
	_ =	sdelay $0x2  }
0x352: {  	s6 =	sadd.s32 $0x80, s6  }
0x353: {  	[tilespmem:s6+$0xFFFFFFC0] =	vst v8  }
0x354: {  	v8 =	vld.idx.msk [tilespmem:v9+s1+$0x0], $0xffff;
	_ =	sdelay $0x1  }
0x355: {  	v9 =	vor.u32 v2, v10;
	_ =	sdelay $0x3  }
0x356: {  	[tilespmem:s6+$0xFFFFFFD0] =	vst v8  }
0x357: {  	v8 =	vld.idx.msk [tilespmem:v9+s1+$0x0], $0xffff;
	_ =	sdelay $0x1  }
0x358: {  	v9 =	vor.u32 v3, v10;
	_ =	sdelay $0x3  }
0x359: {  	[tilespmem:s6+$0xFFFFFFE0] =	vst v8  }
0x35a: {  	v8 =	vld.idx.msk [tilespmem:v9+s1+$0x0], $0xffff;
	_ =	sdelay $0x1  }
0x35b: {  	v9 =	vor.u32 v4, v10;
	_ =	sdelay $0x3  }
0x35c: {  	[tilespmem:s6+$0xFFFFFFF0] =	vst v8  }
0x35d: {  	v8 =	vld.idx.msk [tilespmem:v9+s1+$0x0], $0xffff;
	_ =	sdelay $0x1  }
0x35e: {  	v9 =	vor.u32 v5, v10;
	_ =	sdelay $0x3  }
0x35f: {  	[tilespmem:s6+$0x0] =	vst v8  }
0x360: {  	v8 =	vld.idx.msk [tilespmem:v9+s1+$0x0], $0xffff;
	_ =	sdelay $0x1  }
0x361: {  	v9 =	vor.u32 v6, v10;
	_ =	sdelay $0x3  }
0x362: {  	[tilespmem:s6+$0x10] =	vst v8  }
0x363: {  	v9 =	vld.idx.msk [tilespmem:v9+s1+$0x0], $0xffff  }
.Ltmp8:
0x364: {  	(pc) =	sbr.rel @p0 .LBB2_18-.Ltmp8, $2  }
0x365: {  	v8 =	vor.u32 v7, v10;
	_ =	sdelay $0x2  }
0x366: {  	v10 =	vmov s7;
	s7 =	sadd.s32 $0x1, s7  }
0x367: {  	_ =	sdelay $0x1  }
0x368: {  	v10 =	vand.u32 $0x1F, v10  }
0x369: {  	[tilespmem:s6+$0x20] =	vst v9;
	v57 =	vbroadcast v10, $0x0  }
0x36a: {  	v8 =	vld.idx.msk [tilespmem:v8+s1+$0x0], $0xffff  }
0x36b: {  	v10 =	vor.u32 v0, v57;
	_ =	sdelay $0x3  }
0x36c: {  	[tilespmem:s6+$0x30] =	vst v8  }
0x36d: {  	v8 =	vld.idx.msk [tilespmem:v10+s1+$0x0], $0xffff  }
0x36e: {  	v58 =	vor.u32 v1, v57;
	_ =	sdelay $0x2  }
0x36f: {  	s9 =	sadd.s32 $0x80, s6  }
0x370: {  	[tilespmem:s9+$0xFFFFFFC0] =	vst v8  }
0x371: {  	v8 =	vld.idx.msk [tilespmem:v58+s1+$0x0], $0xffff  }
0x372: {  	v59 =	vor.u32 v2, v57;
	_ =	sdelay $0x3  }
0x373: {  	[tilespmem:s9+$0xFFFFFFD0] =	vst v8  }
0x374: {  	v8 =	vld.idx.msk [tilespmem:v59+s1+$0x0], $0xffff  }
0x375: {  	v60 =	vor.u32 v3, v57;
	_ =	sdelay $0x3  }
0x376: {  	[tilespmem:s9+$0xFFFFFFE0] =	vst v8  }
0x377: {  	v8 =	vld.idx.msk [tilespmem:v60+s1+$0x0], $0xffff  }
0x378: {  	v61 =	vor.u32 v4, v57;
	_ =	sdelay $0x3  }
0x379: {  	[tilespmem:s9+$0xFFFFFFF0] =	vst v8  }
0x37a: {  	v8 =	vld.idx.msk [tilespmem:v61+s1+$0x0], $0xffff  }
0x37b: {  	v62 =	vor.u32 v5, v57;
	_ =	sdelay $0x3  }
0x37c: {  	[tilespmem:s9+$0x0] =	vst v8  }
0x37d: {  	v8 =	vld.idx.msk [tilespmem:v62+s1+$0x0], $0xffff  }
0x37e: {  	v63 =	vor.u32 v6, v57;
	_ =	sdelay $0x3  }
0x37f: {  	[tilespmem:s9+$0x10] =	vst v8  }
0x380: {  	v8 =	vld.idx.msk [tilespmem:v63+s1+$0x0], $0xffff  }
0x381: {  	v9 =	vor.u32 v7, v57;
	_ =	sdelay $0x3  }
0x382: {  	[tilespmem:s9+$0x20] =	vst v8  }
0x383: {  	v8 =	vld.idx.msk [tilespmem:v9+s1+$0x0], $0xffff;
	_ =	sdelay $0x4  }
0x384: {  	s7 =	rddreg [dreg:$0x10];
	[tilespmem:s9+$0x30] =	vst v8  }
0x385: {  	[hbm4b:s7+s4] =	stream.linear.scatter [tilespmem:s19], [sflag:$0x8], $0x400, $0x38;
	[tilespmem:$0xE400] =	vst v63  }
0x386: {  	s9 =	rddreg [dreg:$0x11]  }
0x387: {  	[hbm4b:s9+s4] =	stream.linear.scatter [tilespmem:s20], [sflag:$0x8], $0x400, $0x38;
	[tilespmem:$0xE400] =	vst v63  }
0x388: {  	s7 =	rddreg [dreg:$0x12]  }
0x389: {  	[hbm4b:s7+s4] =	stream.linear.scatter [tilespmem:s21], [sflag:$0x8], $0x400, $0x38;
	[tilespmem:$0xE400] =	vst v63  }
0x38a: {  	s9 =	rddreg [dreg:$0x13]  }
0x38b: {  	[hbm4b:s9+s4] =	stream.linear.scatter [tilespmem:s22], [sflag:$0x8], $0x400, $0x38;
	[tilespmem:$0xE400] =	vst v63  }
0x38c: {  	_ =	swait.ge [sflag:s24], $0x400  }
0x38d: {  	[sflag:s24] =	ssyncset.done $0x0  }
0x38e: {  	[sflag:s24] =	ssyncadd.s32 $0xFFFFFC00  }
0x38f: {  	_ =	swait.ge [sflag:s24], $0x400  }
0x390: {  	[sflag:s24] =	ssyncset.done $0x0  }
0x391: {  	[sflag:s24] =	ssyncadd.s32 $0xFFFFFC00  }
0x392: {  	_ =	swait.ge [sflag:s24], $0x400  }
0x393: {  	[sflag:s24] =	ssyncset.done $0x0  }
0x394: {  	[sflag:s24] =	ssyncadd.s32 $0xFFFFFC00  }
0x395: {  	_ =	swait.ge [sflag:s24], $0x400  }
0x396: {  	[sflag:s24] =	ssyncset.done $0x0  }
0x397: {  	[sflag:s24] =	ssyncadd.s32 $0xFFFFFC00  }
0x398: {  	_ =	swait.ge [sflag:s23], $0x400  }
0x399: {  	[sflag:s23] =	ssyncset.done $0x0  }
0x39a: {  	[sflag:s23] =	ssyncadd.s32 $0xFFFFFC00  }
0x39b: {  	_ =	swait.ge [sflag:s23], $0x400  }
0x39c: {  	[sflag:s23] =	ssyncset.done $0x0  }
0x39d: {  	[sflag:s23] =	ssyncadd.s32 $0xFFFFFC00  }
0x39e: {  	_ =	swait.ge [sflag:s23], $0x400  }
0x39f: {  	[sflag:s23] =	ssyncset.done $0x0  }
0x3a0: {  	[sflag:s23] =	ssyncadd.s32 $0xFFFFFC00  }
0x3a1: {  	_ =	swait.ge [sflag:s23], $0x400  }
0x3a2: {  	[sflag:s23] =	ssyncset.done $0x0  }
0x3a3: {  	[sflag:s23] =	ssyncadd.s32 $0xFFFFFC00  }
0x3a4: {  	_ =	swait.ge [sflag:s29], $0x400  }
0x3a5: {  	[sflag:s29] =	ssyncset.done $0x0  }
0x3a6: {  	[sflag:s29] =	ssyncadd.s32 $0xFFFFFC00  }
0x3a7: {  	_ =	swait.ge [sflag:s29], $0x400  }
0x3a8: {  	[sflag:s29] =	ssyncset.done $0x0  }
0x3a9: {  	[sflag:s29] =	ssyncadd.s32 $0xFFFFFC00  }
0x3aa: {  	_ =	swait.ge [sflag:s29], $0x400  }
0x3ab: {  	[sflag:s29] =	ssyncset.done $0x0  }
0x3ac: {  	[sflag:s29] =	ssyncadd.s32 $0xFFFFFC00  }
0x3ad: {  	_ =	swait.ge [sflag:s29], $0x400  }
0x3ae: {  	[sflag:s29] =	ssyncset.done $0x0  }
0x3af: {  	[sflag:s29] =	ssyncadd.s32 $0xFFFFFC00  }
0x3b0: {  	_ =	swait.ge [sflag:s31], $0x400  }
0x3b1: {  	[sflag:s31] =	ssyncset.done $0x0  }
0x3b2: {  	[sflag:s31] =	ssyncadd.s32 $0xFFFFFC00  }
0x3b3: {  	_ =	swait.ge [sflag:s31], $0x400  }
0x3b4: {  	[sflag:s31] =	ssyncset.done $0x0  }
0x3b5: {  	[sflag:s31] =	ssyncadd.s32 $0xFFFFFC00  }
0x3b6: {  	_ =	swait.ge [sflag:s31], $0x400  }
0x3b7: {  	[sflag:s31] =	ssyncset.done $0x0  }
0x3b8: {  	[sflag:s31] =	ssyncadd.s32 $0xFFFFFC00  }
0x3b9: {  	_ =	swait.ge [sflag:s31], $0x400  }
0x3ba: {  	s7 =	rddreg [dreg:$0x15]  }
0x3bb: {  	s29 =	rddreg [dreg:$0x14];
	s7 =	sadd.s32 $0x1, s7  }
0x3bc: {  	p0 =	sne.s32 s7, s29  }
.Ltmp9:
0x3bd: {  	_ = 	snop;
	(pc) =	sbr.rel @p0 .LBB2_1-.Ltmp9, $3  }
0x3be: {  	_ =	sdelay $0x1  }
0x3bf: {  	[sflag:s31] =	ssyncset.done $0x0  }
0x3c0: {  	[sflag:s31] =	ssyncadd.s32 $0xFFFFFC00  }
0x3c1: {  	_ =	sfence.sel $0x180000  }
0x3c2: {  	[bflag:$0x0] =	sbarrier.arrive $0xFFFF  }
0x3c3: {  	_ =	strace $0x90000047  }
0x3c4: {  	s0 =	stileid.u32;
	[bflag:$0x2] =	sbarrier.arrive $0xFFFF  }
0x3c5: {  	p0 =	sne.s32 s0, $0x0;
	s0 =	rddreg [dreg:$0x2]  }
0x3c6: {  	s0 =	sadd.s32 @!p0 $0x100000, s0  }
0x3c7: {  	[sflag:s0] =	ssyncadd.tile.s32 @!p0 $0x1;
	_ =	shalt  }
.Lfunc_end2:
_tile_overlayer_lowered:
.L_overlay_start_2:
0x3c8: {  	(tag) =	ssettag $0x2  }
0x3c9: {  	s0 =	rddreg [dreg:$0x0];
	s2 =	stileid.u32  }
0x3ca: {  	s1 =	rddreg [dreg:$0x1];
	p0 =	sne.s32 s2, $0x0  }
0x3cb: {  	s3 =	rddreg [dreg:$0x2];
	[bflag:$0x3] =	sbarrier.arrive $0xFFFF;
	s2 =	simm.s32 @!p0 $0x1C09  }
0x3cc: {  	[timem:s3], [sflag:s2] =	dma.local @!p0 [hbm:s0], s1  }
0x3cd: {  	s0 =	simm.s32 @!p0 $0x9  }
0x3ce: {  	_ =	swait.ge @!p0 [sflag:s0], s1  }
0x3cf: {  	s1 =	ssub.s32 @!p0 $0x0, s1;
	[sflag:s0] =	ssyncset.done @!p0 $0x0  }
0x3d0: {  	[sflag:s0] =	ssyncadd.s32 @!p0 s1  }
0x3d1: {  	[bflag:$0x3] =	sbarrier.arrive $0xFFFF  }
0x3d2: {  	_ =	shalt  }

</sc_bundles>
